<compile_context>
chip_gen: v7x
topology: tpu7x:2x2x1
jax: 0.10.2.dev20260603
libtpu: 0.0.44.dev20260713+nightly
codegen_flags: <defaults>
</compile_context>

<pallas_src>
import jax
import jax.numpy as jnp
from jax import lax
from jax.experimental import pallas as pl
from jax.experimental.pallas import tpu as pltpu
from jax.experimental.pallas import tpu_sc as plsc

N = 10000
E = 320000
D = 128

NC = 2
NS = 16
NW = NC * NS
CH = 64
NCH = 160
NP = 2
NCHP = NCH // NP
NR = 4
EPT = NCH * CH
E_PAD = NW * EPT
N_PAD = 10240
ROWS_PT = N_PAD // NS

_MESH = plsc.VectorSubcoreMesh(core_axis_name="c", subcore_axis_name="s")


def _sc_deg_body(pkw_hbm, zeros1_hbm, deg_hbm, pk_v, dst_all, ones_v,
                 deg_sp, sem):
    cid = lax.axis_index("c")
    sid = lax.axis_index("s")
    wid = cid * NS + sid
    for i in range(CH // 16):
        ones_v[pl.ds(i * 16, 16)] = jnp.full((16,), 1.0, jnp.float32)
    pltpu.sync_copy(zeros1_hbm.at[pl.ds(sid * ROWS_PT, ROWS_PT)],
                    deg_sp.at[pl.ds(sid * ROWS_PT, ROWS_PT)])
    pltpu.sync_copy(pkw_hbm.at[wid], pk_v)

    def unpack(r, carry):
        for j in range(CH // 16):
            v = pk_v[r, pl.ds(j * 16, 16)]
            dst_all[r, pl.ds(j * 16, 16)] = jnp.bitwise_and(v, 0xFFFF)
        return carry

    lax.fori_loop(0, NCH, unpack, 0)
    plsc.subcore_barrier()

    def fire(k, carry):
        pltpu.async_copy(ones_v, deg_sp.at[dst_all.at[k]], sem, add=True)
        return carry

    lax.fori_loop(0, NCH, fire, 0)

    def drain(k, carry):
        pltpu.make_async_copy(ones_v, deg_sp.at[dst_all.at[k]], sem).wait()
        return carry

    lax.fori_loop(0, NCH, drain, 0)
    plsc.subcore_barrier()
    pltpu.sync_copy(deg_sp.at[pl.ds(sid * ROWS_PT, ROWS_PT)],
                    deg_hbm.at[cid, pl.ds(sid * ROWS_PT, ROWS_PT)])


_sc_deg = pl.kernel(
    _sc_deg_body,
    out_type=jax.ShapeDtypeStruct((NC, N_PAD), jnp.float32),
    mesh=_MESH,
    scratch_types=[
        pltpu.VMEM((NCH, CH), jnp.int32),
        pltpu.VMEM((NCH, CH), jnp.int32),
        pltpu.VMEM((CH,), jnp.float32),
        pltpu.VMEM_SHARED((N_PAD,), jnp.float32),
        pltpu.SemaphoreType.DMA,
    ],
)


def _sc_agg_body(pkw_hbm, xs_hbm, zeros2_hbm, z_hbm,
                 pk_v, srcb, dstb, rows, z_sp, s0, s1, s2, s3):
    sems = [s0, s1, s2, s3]
    cid = lax.axis_index("c")
    sid = lax.axis_index("s")
    wid = cid * NS + sid
    pltpu.sync_copy(zeros2_hbm.at[pl.ds(sid * ROWS_PT, ROWS_PT)],
                    z_sp.at[pl.ds(sid * ROWS_PT, ROWS_PT)])
    plsc.subcore_barrier()

    def unpack(c, b):
        for j in range(CH // 16):
            v = pk_v[c, pl.ds(j * 16, 16)]
            srcb[b, pl.ds(j * 16, 16)] = jnp.right_shift(v, 16)
            dstb[b, pl.ds(j * 16, 16)] = jnp.bitwise_and(v, 0xFFFF)

    def start_gather(b):
        pltpu.async_copy(xs_hbm.at[srcb.at[b]], rows.at[b], sems[b])

    def wait_gather(b):
        pltpu.make_async_copy(xs_hbm.at[srcb.at[b]], rows.at[b],
                              sems[b]).wait()

    def scatter(b):
        pltpu.sync_copy(rows.at[b], z_sp.at[dstb.at[b]], add=True)

    def step(c, b, nxt):
        wait_gather(b)
        if nxt is not None:
            pb = (b + NR - 1) % NR
            unpack(nxt, pb)
            start_gather(pb)
        scatter(b)

    for p in range(NP):
        pltpu.sync_copy(pkw_hbm.at[wid, pl.ds(p * NCHP, NCHP)], pk_v)
        for c0 in range(NR - 1):
            unpack(c0, c0)
            start_gather(c0)

        def group(g, carry):
            for b in range(NR):
                c = NR * g + b
                step(c, b, c + NR - 1)
            return carry

        lax.fori_loop(0, NCHP // NR - 1, group, 0)
        for b in range(NR):
            c = NCHP - NR + b
            step(c, b, c + NR - 1 if c + NR - 1 < NCHP else None)
    plsc.subcore_barrier()
    pltpu.sync_copy(z_sp.at[pl.ds(sid * ROWS_PT, ROWS_PT)],
                    z_hbm.at[cid, pl.ds(sid * ROWS_PT, ROWS_PT)])


_sc_agg = pl.kernel(
    _sc_agg_body,
    out_type=jax.ShapeDtypeStruct((NC, N_PAD, D), jnp.float32),
    mesh=_MESH,
    scratch_types=[
        pltpu.VMEM((NCHP, CH), jnp.int32),
        pltpu.VMEM((NR, CH), jnp.int32),
        pltpu.VMEM((NR, CH), jnp.int32),
        pltpu.VMEM((NR, CH, D), jnp.float32),
        pltpu.VMEM_SHARED((N_PAD, D), jnp.float32),
        pltpu.SemaphoreType.DMA,
        pltpu.SemaphoreType.DMA,
        pltpu.SemaphoreType.DMA,
        pltpu.SemaphoreType.DMA,
    ],
)


def _tc_xs_body(x_ref, degp_ref, xs_ref):
    deg = degp_ref[0, :N] + degp_ref[1, :N] + 1.0
    dinv = lax.rsqrt(deg)
    xs_ref[...] = x_ref[...] * dinv[:, None]


_tc_xs = pl.pallas_call(
    _tc_xs_body,
    out_shape=jax.ShapeDtypeStruct((N, D), jnp.float32),
)


def _tc_out_body(x_ref, zp_ref, degp_ref, w1_ref, b1_ref, w2_ref, b2_ref,
                 o_ref):
    deg = degp_ref[0, :N] + degp_ref[1, :N] + 1.0
    dinv = lax.rsqrt(deg)[:, None]
    z = (zp_ref[0, :N] + zp_ref[1, :N]) * dinv + x_ref[...] * (dinv * dinv)
    h1 = jnp.dot(z, w1_ref[...], preferred_element_type=jnp.float32)
    h1 = jnp.maximum(h1 + b1_ref[...], 0.0)
    h2 = jnp.dot(z, w2_ref[...], preferred_element_type=jnp.float32)
    o_ref[...] = h1 + h2 + b2_ref[...]


_tc_out = pl.pallas_call(
    _tc_out_body,
    out_shape=jax.ShapeDtypeStruct((N, D), jnp.float32),
)


def kernel(x, edge_index, W1, b1, W2, b2):
    ei = edge_index.astype(jnp.int32)
    pad = E_PAD - E
    src = jnp.concatenate([ei[0], jnp.zeros((pad,), jnp.int32)])
    dst = jnp.concatenate([ei[1], jnp.full((pad,), N, jnp.int32)])
    pkw = jnp.bitwise_or(jnp.left_shift(src, 16), dst).reshape(NW, NCH, CH)
    zeros1 = jnp.zeros((N_PAD,), jnp.float32)
    zeros2 = jnp.zeros((N_PAD, D), jnp.float32)
    degp = _sc_deg(pkw, zeros1)
    xs = _tc_xs(x, degp)
    zp = _sc_agg(pkw, xs, zeros2)
    return _tc_out(x, zp, degp, W1, b1, W2, b2)

# --- scband reference (transcript-rebuilt; emitter-appended) ---
"""Pipeline reference for scband-diffusion-graph-conv-16604343566383 (READ-ONLY COPY).

The authoritative reference and input builder live on the scoring server;
editing this copy changes nothing except your own understanding.
"""

import jax, jax.numpy as jnp
import numpy as np

N = 10000
E = 320000
D_IN = 128
D_OUT = 128


def gcn_conv(x, edge_index, W, b):
    # GCNConv: x' = D^{-1/2} (A + I) D^{-1/2} (X W) + b
    src = edge_index[0]
    dst = edge_index[1]
    loop = jnp.arange(N, dtype=src.dtype)
    src = jnp.concatenate([src, loop])
    dst = jnp.concatenate([dst, loop])
    xw = x @ W
    deg = jnp.zeros((N,), dtype=x.dtype).at[dst].add(1.0)
    dinv = jax.lax.rsqrt(jnp.maximum(deg, 1.0))
    norm = dinv[src] * dinv[dst]
    msg = xw[src] * norm[:, None]
    out = jnp.zeros((N, D_OUT), dtype=x.dtype).at[dst].add(msg)
    return out + b


def setup_inputs(seed: int = 0):
    key = jax.random.key(seed)
    k1, k2, k3, k4, k5, k6 = jax.random.split(key, 6)
    x = jax.random.normal(k1, (N, D_IN), dtype=jnp.float32)
    edge_index = jax.random.randint(k2, (2, E), 0, N).astype(jnp.int64)
    W1 = jax.random.normal(k3, (D_IN, D_OUT), dtype=jnp.float32) * 0.05
    b1 = jnp.zeros((D_OUT,), dtype=jnp.float32)
    W2 = jax.random.normal(k4, (D_IN, D_OUT), dtype=jnp.float32) * 0.05
    b2 = jnp.zeros((D_OUT,), dtype=jnp.float32)
    return {"x": x, "edge_index": edge_index, "W1": W1, "b1": b1, "W2": W2, "b2": b2}


def reference(x, edge_index, W1, b1, W2, b2):
    out = gcn_conv(x, edge_index, W1, b1)
    out = jax.nn.relu(out)  # dropout is identity in eval mode
    out = out + gcn_conv(x, edge_index, W2, b2)
    return out

if __name__ == "__main__":
    import jax
    _d = setup_inputs()
    print(jax.jit(kernel)(*tuple(_d.values())))

</pallas_src>

<mosaic_0001>
#map = affine_map<(d0, d1) -> (0, 0, 0)>
#map1 = affine_map<(d0, d1) -> (0, 0)>
module attributes {stable_mosaic.version = 14 : i64} {
  func.func @_sc_agg_body(%arg0: i32, %arg1: i32, %arg2: memref<32x160x64xi32, #tpu.memory_space<hbm>>, %arg3: memref<10000x128xf32, #tpu.memory_space<hbm>>, %arg4: memref<10240x128xf32, #tpu.memory_space<hbm>>, %arg5: memref<2x10240x128xf32, #tpu.memory_space<hbm>>, %arg6: memref<80x64xi32, #tpu.memory_space<vmem>>, %arg7: memref<4x64xi32, #tpu.memory_space<vmem>>, %arg8: memref<4x64xi32, #tpu.memory_space<vmem>>, %arg9: memref<4x64x128xf32, #tpu.memory_space<vmem>>, %arg10: memref<10240x128xf32, #tpu.memory_space<vmem_shared>>, %arg11: memref<!tpu.dma_semaphore, #tpu.memory_space<semaphore_mem>>, %arg12: memref<!tpu.dma_semaphore, #tpu.memory_space<semaphore_mem>>, %arg13: memref<!tpu.dma_semaphore, #tpu.memory_space<semaphore_mem>>, %arg14: memref<!tpu.dma_semaphore, #tpu.memory_space<semaphore_mem>>) attributes {dimension_semantics = [#tpu.dimension_semantics<core_parallel>, #tpu.dimension_semantics<subcore_parallel>], iteration_bounds = array<i64: 2, 16>, scalar_prefetch = 0 : i64, scratch_operands = 9 : i64, tpu.core_type = #tpu.core_type<sc_vector_subcore>, window_params = [{transform_indices = #map}, {transform_indices = #map1}, {transform_indices = #map1}, {transform_indices = #map}]} {
    %mul3A = arith.constant 16 : i32
    %mul3A_0 = arith.muli %arg0, %mul3A : i32
    %add3A = arith.addi %mul3A_0, %arg1 : i32
    %mul3A_1 = arith.constant 640 : i32
    %mul3A_2 = arith.muli %arg1, %mul3A_1 : i32
    %mul3A_3 = arith.constant 640 : i32
    %mul3A_4 = arith.muli %arg1, %mul3A_3 : i32
    "tpu.region"() ({
      %run_scoped3A_958 = tpu.sem_alloc : memref<!tpu.dma_semaphore, #tpu.memory_space<semaphore_mem>>
      %dma_start3A_959 = arith.constant 0 : i32
      %dma_start3A_960 = tpu.memref_slice %arg10[%mul3A_4, %dma_start3A_959] : memref<10240x128xf32, #tpu.memory_space<vmem_shared>> -> memref<640x128xf32, #tpu.memory_space<vmem_shared>>
      %dma_start3A_961 = arith.constant 0 : i32
      %dma_start3A_962 = tpu.memref_slice %arg4[%mul3A_2, %dma_start3A_961] : memref<10240x128xf32, #tpu.memory_space<hbm>> -> memref<640x128xf32, #tpu.memory_space<hbm>>
      tpu.enqueue_dma source(%dma_start3A_962 : memref<640x128xf32, #tpu.memory_space<hbm>>) target(%dma_start3A_960 : memref<640x128xf32, #tpu.memory_space<vmem_shared>>) target_semaphore(%run_scoped3A_958 : memref<!tpu.dma_semaphore, #tpu.memory_space<semaphore_mem>>)
      %dma_wait3A_963 = arith.constant 0 : i32
      %dma_wait3A_964 = tpu.memref_slice %arg10[%mul3A_4, %dma_wait3A_963] : memref<10240x128xf32, #tpu.memory_space<vmem_shared>> -> memref<640x128xf32, #tpu.memory_space<vmem_shared>>
      %dma_wait3A_965 = arith.constant 0 : i32
      %dma_wait3A_966 = tpu.memref_slice %arg4[%mul3A_2, %dma_wait3A_965] : memref<10240x128xf32, #tpu.memory_space<hbm>> -> memref<640x128xf32, #tpu.memory_space<hbm>>
      tpu.wait_dma2 semaphore(%run_scoped3A_958 : memref<!tpu.dma_semaphore, #tpu.memory_space<semaphore_mem>>) src(%dma_wait3A_966 : memref<640x128xf32, #tpu.memory_space<hbm>>) dst(%dma_wait3A_964 : memref<640x128xf32, #tpu.memory_space<vmem_shared>>)
      tpu.yield
    }) : () -> ()
    %barrier3A = arith.constant 0 : index
    tpu.barrier barrier_id(%barrier3A)
    "tpu.region"() ({
      %run_scoped3A_958 = tpu.sem_alloc : memref<!tpu.dma_semaphore, #tpu.memory_space<semaphore_mem>>
      %dma_start3A_959 = arith.constant 0 : i32
      %dma_start3A_960 = arith.constant 0 : i32
      %dma_start3A_961 = tpu.memref_slice %arg2[%add3A, %dma_start3A_959, %dma_start3A_960] : memref<32x160x64xi32, #tpu.memory_space<hbm>> -> memref<1x80x64xi32, #tpu.memory_space<hbm>>
      %dma_start3A_962 = tpu.memref_squeeze %dma_start3A_961 : memref<1x80x64xi32, #tpu.memory_space<hbm>> -> memref<80x64xi32, #tpu.memory_space<hbm>>
      %dma_start3A_963 = arith.constant 0 : i32
      %dma_start3A_964 = arith.constant 0 : i32
      %dma_start3A_965 = tpu.memref_slice %arg2[%add3A, %dma_start3A_963, %dma_start3A_964] : memref<32x160x64xi32, #tpu.memory_space<hbm>> -> memref<1x80x64xi32, #tpu.memory_space<hbm>>
      %dma_start3A_966 = tpu.memref_squeeze %dma_start3A_965 : memref<1x80x64xi32, #tpu.memory_space<hbm>> -> memref<80x64xi32, #tpu.memory_space<hbm>>
      tpu.enqueue_dma source(%dma_start3A_966 : memref<80x64xi32, #tpu.memory_space<hbm>>) target(%arg6 : memref<80x64xi32, #tpu.memory_space<vmem>>) target_semaphore(%run_scoped3A_958 : memref<!tpu.dma_semaphore, #tpu.memory_space<semaphore_mem>>)
      %dma_wait3A_967 = arith.constant 0 : i32
      %dma_wait3A_968 = arith.constant 0 : i32
      %dma_wait3A_969 = tpu.memref_slice %arg2[%add3A, %dma_wait3A_967, %dma_wait3A_968] : memref<32x160x64xi32, #tpu.memory_space<hbm>> -> memref<1x80x64xi32, #tpu.memory_space<hbm>>
      %dma_wait3A_970 = tpu.memref_squeeze %dma_wait3A_969 : memref<1x80x64xi32, #tpu.memory_space<hbm>> -> memref<80x64xi32, #tpu.memory_space<hbm>>
      %dma_wait3A_971 = arith.constant 0 : i32
      %dma_wait3A_972 = arith.constant 0 : i32
      %dma_wait3A_973 = tpu.memref_slice %arg2[%add3A, %dma_wait3A_971, %dma_wait3A_972] : memref<32x160x64xi32, #tpu.memory_space<hbm>> -> memref<1x80x64xi32, #tpu.memory_space<hbm>>
      %dma_wait3A_974 = tpu.memref_squeeze %dma_wait3A_973 : memref<1x80x64xi32, #tpu.memory_space<hbm>> -> memref<80x64xi32, #tpu.memory_space<hbm>>
      tpu.wait_dma2 semaphore(%run_scoped3A_958 : memref<!tpu.dma_semaphore, #tpu.memory_space<semaphore_mem>>) src(%dma_wait3A_974 : memref<80x64xi32, #tpu.memory_space<hbm>>) dst(%arg6 : memref<80x64xi32, #tpu.memory_space<vmem>>)
      tpu.yield
    }) : () -> ()
    %get3A = arith.constant 0 : i32
    %get3A_5 = arith.index_cast %get3A : i32 to index
    %get3A_6 = arith.constant 0 : index
    %get3A_7 = tpu.vector_load %arg6[%get3A_5, %get3A_6] {strides = array<i32>} : memref<80x64xi32, #tpu.memory_space<vmem>>, vector<1x16xi32>,
    %get3A_8 = vector.shape_cast %get3A_7 : vector<1x16xi32> to vector<16xi32>
    %shift_right_arithmetic3A = arith.constant 16 : i32
    %shift_right_arithmetic3A_9 = vector.broadcast %shift_right_arithmetic3A : i32 to vector<16xi32>
    %shift_right_arithmetic3A_10 = arith.shrsi %get3A_8, %shift_right_arithmetic3A_9 : vector<16xi32>
    %swap3A = arith.constant 0 : i32
    %swap3A_11 = arith.index_cast %swap3A : i32 to index
    %swap3A_12 = arith.constant 0 : index
    %swap3A_13 = tpu.vector_load %arg7[%swap3A_11, %swap3A_12] {strides = array<i32>} : memref<4x64xi32, #tpu.memory_space<vmem>>, vector<1x16xi32>,
    %swap3A_14 = vector.shape_cast %swap3A_13 : vector<1x16xi32> to vector<16xi32>
    %swap3A_15 = vector.shape_cast %shift_right_arithmetic3A_10 : vector<16xi32> to vector<1x16xi32>
    tpu.vector_store %arg7[%swap3A_11, %swap3A_12], %swap3A_15 {strides = array<i32>} : memref<4x64xi32, #tpu.memory_space<vmem>>, vector<1x16xi32>,
    %and3A = arith.constant 65535 : i32
    %and3A_16 = vector.broadcast %and3A : i32 to vector<16xi32>
    %and3A_17 = arith.andi %get3A_8, %and3A_16 : vector<16xi32>
    %swap3A_18 = arith.constant 0 : i32
    %swap3A_19 = arith.index_cast %swap3A_18 : i32 to index
    %swap3A_20 = arith.constant 0 : index
    %swap3A_21 = tpu.vector_load %arg8[%swap3A_19, %swap3A_20] {strides = array<i32>} : memref<4x64xi32, #tpu.memory_space<vmem>>, vector<1x16xi32>,
    %swap3A_22 = vector.shape_cast %swap3A_21 : vector<1x16xi32> to vector<16xi32>
    %swap3A_23 = vector.shape_cast %and3A_17 : vector<16xi32> to vector<1x16xi32>
    tpu.vector_store %arg8[%swap3A_19, %swap3A_20], %swap3A_23 {strides = array<i32>} : memref<4x64xi32, #tpu.memory_space<vmem>>, vector<1x16xi32>,
    %get3A_24 = arith.constant 0 : i32
    %get3A_25 = arith.index_cast %get3A_24 : i32 to index
    %get3A_26 = arith.constant 16 : index
    %get3A_27 = tpu.vector_load %arg6[%get3A_25, %get3A_26] {strides = array<i32>} : memref<80x64xi32, #tpu.memory_space<vmem>>, vector<1x16xi32>,
    %get3A_28 = vector.shape_cast %get3A_27 : vector<1x16xi32> to vector<16xi32>
    %shift_right_arithmetic3A_29 = arith.constant 16 : i32
    %shift_right_arithmetic3A_30 = vector.broadcast %shift_right_arithmetic3A_29 : i32 to vector<16xi32>
    %shift_right_arithmetic3A_31 = arith.shrsi %get3A_28, %shift_right_arithmetic3A_30 : vector<16xi32>
    %swap3A_32 = arith.constant 0 : i32
    %swap3A_33 = arith.index_cast %swap3A_32 : i32 to index
    %swap3A_34 = arith.constant 16 : index
    %swap3A_35 = tpu.vector_load %arg7[%swap3A_33, %swap3A_34] {strides = array<i32>} : memref<4x64xi32, #tpu.memory_space<vmem>>, vector<1x16xi32>,
    %swap3A_36 = vector.shape_cast %swap3A_35 : vector<1x16xi32> to vector<16xi32>
    %swap3A_37 = vector.shape_cast %shift_right_arithmetic3A_31 : vector<16xi32> to vector<1x16xi32>
    tpu.vector_store %arg7[%swap3A_33, %swap3A_34], %swap3A_37 {strides = array<i32>} : memref<4x64xi32, #tpu.memory_space<vmem>>, vector<1x16xi32>,
    %and3A_38 = arith.constant 65535 : i32
    %and3A_39 = vector.broadcast %and3A_38 : i32 to vector<16xi32>
    %and3A_40 = arith.andi %get3A_28, %and3A_39 : vector<16xi32>
    %swap3A_41 = arith.constant 0 : i32
    %swap3A_42 = arith.index_cast %swap3A_41 : i32 to index
    %swap3A_43 = arith.constant 16 : index
    %swap3A_44 = tpu.vector_load %arg8[%swap3A_42, %swap3A_43] {strides = array<i32>} : memref<4x64xi32, #tpu.memory_space<vmem>>, vector<1x16xi32>,
    %swap3A_45 = vector.shape_cast %swap3A_44 : vector<1x16xi32> to vector<16xi32>
    %swap3A_46 = vector.shape_cast %and3A_40 : vector<16xi32> to vector<1x16xi32>
    tpu.vector_store %arg8[%swap3A_42, %swap3A_43], %swap3A_46 {strides = array<i32>} : memref<4x64xi32, #tpu.memory_space<vmem>>, vector<1x16xi32>,
    %get3A_47 = arith.constant 0 : i32
    %get3A_48 = arith.index_cast %get3A_47 : i32 to index
    %get3A_49 = arith.constant 32 : index
    %get3A_50 = tpu.vector_load %arg6[%get3A_48, %get3A_49] {strides = array<i32>} : memref<80x64xi32, #tpu.memory_space<vmem>>, vector<1x16xi32>,
    %get3A_51 = vector.shape_cast %get3A_50 : vector<1x16xi32> to vector<16xi32>
    %shift_right_arithmetic3A_52 = arith.constant 16 : i32
    %shift_right_arithmetic3A_53 = vector.broadcast %shift_right_arithmetic3A_52 : i32 to vector<16xi32>
    %shift_right_arithmetic3A_54 = arith.shrsi %get3A_51, %shift_right_arithmetic3A_53 : vector<16xi32>
    %swap3A_55 = arith.constant 0 : i32
    %swap3A_56 = arith.index_cast %swap3A_55 : i32 to index
    %swap3A_57 = arith.constant 32 : index
    %swap3A_58 = tpu.vector_load %arg7[%swap3A_56, %swap3A_57] {strides = array<i32>} : memref<4x64xi32, #tpu.memory_space<vmem>>, vector<1x16xi32>,
    %swap3A_59 = vector.shape_cast %swap3A_58 : vector<1x16xi32> to vector<16xi32>
    %swap3A_60 = vector.shape_cast %shift_right_arithmetic3A_54 : vector<16xi32> to vector<1x16xi32>
    tpu.vector_store %arg7[%swap3A_56, %swap3A_57], %swap3A_60 {strides = array<i32>} : memref<4x64xi32, #tpu.memory_space<vmem>>, vector<1x16xi32>,
    %and3A_61 = arith.constant 65535 : i32
    %and3A_62 = vector.broadcast %and3A_61 : i32 to vector<16xi32>
    %and3A_63 = arith.andi %get3A_51, %and3A_62 : vector<16xi32>
    %swap3A_64 = arith.constant 0 : i32
    %swap3A_65 = arith.index_cast %swap3A_64 : i32 to index
    %swap3A_66 = arith.constant 32 : index
    %swap3A_67 = tpu.vector_load %arg8[%swap3A_65, %swap3A_66] {strides = array<i32>} : memref<4x64xi32, #tpu.memory_space<vmem>>, vector<1x16xi32>,
    %swap3A_68 = vector.shape_cast %swap3A_67 : vector<1x16xi32> to vector<16xi32>
    %swap3A_69 = vector.shape_cast %and3A_63 : vector<16xi32> to vector<1x16xi32>
    tpu.vector_store %arg8[%swap3A_65, %swap3A_66], %swap3A_69 {strides = array<i32>} : memref<4x64xi32, #tpu.memory_space<vmem>>, vector<1x16xi32>,
    %get3A_70 = arith.constant 0 : i32
    %get3A_71 = arith.index_cast %get3A_70 : i32 to index
    %get3A_72 = arith.constant 48 : index
    %get3A_73 = tpu.vector_load %arg6[%get3A_71, %get3A_72] {strides = array<i32>} : memref<80x64xi32, #tpu.memory_space<vmem>>, vector<1x16xi32>,
    %get3A_74 = vector.shape_cast %get3A_73 : vector<1x16xi32> to vector<16xi32>
    %shift_right_arithmetic3A_75 = arith.constant 16 : i32
    %shift_right_arithmetic3A_76 = vector.broadcast %shift_right_arithmetic3A_75 : i32 to vector<16xi32>
    %shift_right_arithmetic3A_77 = arith.shrsi %get3A_74, %shift_right_arithmetic3A_76 : vector<16xi32>
    %swap3A_78 = arith.constant 0 : i32
    %swap3A_79 = arith.index_cast %swap3A_78 : i32 to index
    %swap3A_80 = arith.constant 48 : index
    %swap3A_81 = tpu.vector_load %arg7[%swap3A_79, %swap3A_80] {strides = array<i32>} : memref<4x64xi32, #tpu.memory_space<vmem>>, vector<1x16xi32>,
    %swap3A_82 = vector.shape_cast %swap3A_81 : vector<1x16xi32> to vector<16xi32>
    %swap3A_83 = vector.shape_cast %shift_right_arithmetic3A_77 : vector<16xi32> to vector<1x16xi32>
    tpu.vector_store %arg7[%swap3A_79, %swap3A_80], %swap3A_83 {strides = array<i32>} : memref<4x64xi32, #tpu.memory_space<vmem>>, vector<1x16xi32>,
    %and3A_84 = arith.constant 65535 : i32
    %and3A_85 = vector.broadcast %and3A_84 : i32 to vector<16xi32>
    %and3A_86 = arith.andi %get3A_74, %and3A_85 : vector<16xi32>
    %swap3A_87 = arith.constant 0 : i32
    %swap3A_88 = arith.index_cast %swap3A_87 : i32 to index
    %swap3A_89 = arith.constant 48 : index
    %swap3A_90 = tpu.vector_load %arg8[%swap3A_88, %swap3A_89] {strides = array<i32>} : memref<4x64xi32, #tpu.memory_space<vmem>>, vector<1x16xi32>,
    %swap3A_91 = vector.shape_cast %swap3A_90 : vector<1x16xi32> to vector<16xi32>
    %swap3A_92 = vector.shape_cast %and3A_86 : vector<16xi32> to vector<1x16xi32>
    tpu.vector_store %arg8[%swap3A_88, %swap3A_89], %swap3A_92 {strides = array<i32>} : memref<4x64xi32, #tpu.memory_space<vmem>>, vector<1x16xi32>,
    %dma_start3A = arith.constant 0 : i32
    %dma_start3A_93 = arith.constant 0 : i32
    %dma_start3A_94 = arith.constant 0 : i32
    %dma_start3A_95 = arith.constant 0 : i32
    %dma_start3A_96 = tpu.memref_slice %arg9[%dma_start3A_93, %dma_start3A_94, %dma_start3A_95] : memref<4x64x128xf32, #tpu.memory_space<vmem>> -> memref<1x64x128xf32, #tpu.memory_space<vmem>>
    %dma_start3A_97 = tpu.memref_squeeze %dma_start3A_96 : memref<1x64x128xf32, #tpu.memory_space<vmem>> -> memref<64x128xf32, #tpu.memory_space<vmem>>
    %dma_start3A_98 = arith.constant 0 : i32
    %dma_start3A_99 = tpu.memref_slice %arg7[%dma_start3A, %dma_start3A_98] : memref<4x64xi32, #tpu.memory_space<vmem>> -> memref<1x64xi32, #tpu.memory_space<vmem>>
    %dma_start3A_100 = tpu.memref_squeeze %dma_start3A_99 : memref<1x64xi32, #tpu.memory_space<vmem>> -> memref<64xi32, #tpu.memory_space<vmem>>
    %dma_start3A_101 = arith.constant 0 : i32
    %dma_start3A_102 = arith.constant 0 : i32
    %dma_start3A_103 = tpu.memref_slice %arg3[%dma_start3A_101, %dma_start3A_102] : memref<10000x128xf32, #tpu.memory_space<hbm>> -> memref<10000x128xf32, #tpu.memory_space<hbm>>
    tpu.enqueue_indirect_dma source(%dma_start3A_103 : memref<10000x128xf32, #tpu.memory_space<hbm>>) target(%dma_start3A_97 : memref<64x128xf32, #tpu.memory_space<vmem>>) offsets(%dma_start3A_100 : memref<64xi32, #tpu.memory_space<vmem>>) semaphore(%arg11 : memref<!tpu.dma_semaphore, #tpu.memory_space<semaphore_mem>>)
    %get3A_104 = arith.constant 1 : i32
    %get3A_105 = arith.index_cast %get3A_104 : i32 to index
    %get3A_106 = arith.constant 0 : index
    %get3A_107 = tpu.vector_load %arg6[%get3A_105, %get3A_106] {strides = array<i32>} : memref<80x64xi32, #tpu.memory_space<vmem>>, vector<1x16xi32>,
    %get3A_108 = vector.shape_cast %get3A_107 : vector<1x16xi32> to vector<16xi32>
    %shift_right_arithmetic3A_109 = arith.constant 16 : i32
    %shift_right_arithmetic3A_110 = vector.broadcast %shift_right_arithmetic3A_109 : i32 to vector<16xi32>
    %shift_right_arithmetic3A_111 = arith.shrsi %get3A_108, %shift_right_arithmetic3A_110 : vector<16xi32>
    %swap3A_112 = arith.constant 1 : i32
    %swap3A_113 = arith.index_cast %swap3A_112 : i32 to index
    %swap3A_114 = arith.constant 0 : index
    %swap3A_115 = tpu.vector_load %arg7[%swap3A_113, %swap3A_114] {strides = array<i32>} : memref<4x64xi32, #tpu.memory_space<vmem>>, vector<1x16xi32>,
    %swap3A_116 = vector.shape_cast %swap3A_115 : vector<1x16xi32> to vector<16xi32>
    %swap3A_117 = vector.shape_cast %shift_right_arithmetic3A_111 : vector<16xi32> to vector<1x16xi32>
    tpu.vector_store %arg7[%swap3A_113, %swap3A_114], %swap3A_117 {strides = array<i32>} : memref<4x64xi32, #tpu.memory_space<vmem>>, vector<1x16xi32>,
    %and3A_118 = arith.constant 65535 : i32
    %and3A_119 = vector.broadcast %and3A_118 : i32 to vector<16xi32>
    %and3A_120 = arith.andi %get3A_108, %and3A_119 : vector<16xi32>
    %swap3A_121 = arith.constant 1 : i32
    %swap3A_122 = arith.index_cast %swap3A_121 : i32 to index
    %swap3A_123 = arith.constant 0 : index
    %swap3A_124 = tpu.vector_load %arg8[%swap3A_122, %swap3A_123] {strides = array<i32>} : memref<4x64xi32, #tpu.memory_space<vmem>>, vector<1x16xi32>,
    %swap3A_125 = vector.shape_cast %swap3A_124 : vector<1x16xi32> to vector<16xi32>
    %swap3A_126 = vector.shape_cast %and3A_120 : vector<16xi32> to vector<1x16xi32>
    tpu.vector_store %arg8[%swap3A_122, %swap3A_123], %swap3A_126 {strides = array<i32>} : memref<4x64xi32, #tpu.memory_space<vmem>>, vector<1x16xi32>,
    %get3A_127 = arith.constant 1 : i32
    %get3A_128 = arith.index_cast %get3A_127 : i32 to index
    %get3A_129 = arith.constant 16 : index
    %get3A_130 = tpu.vector_load %arg6[%get3A_128, %get3A_129] {strides = array<i32>} : memref<80x64xi32, #tpu.memory_space<vmem>>, vector<1x16xi32>,
    %get3A_131 = vector.shape_cast %get3A_130 : vector<1x16xi32> to vector<16xi32>
    %shift_right_arithmetic3A_132 = arith.constant 16 : i32
    %shift_right_arithmetic3A_133 = vector.broadcast %shift_right_arithmetic3A_132 : i32 to vector<16xi32>
    %shift_right_arithmetic3A_134 = arith.shrsi %get3A_131, %shift_right_arithmetic3A_133 : vector<16xi32>
    %swap3A_135 = arith.constant 1 : i32
    %swap3A_136 = arith.index_cast %swap3A_135 : i32 to index
    %swap3A_137 = arith.constant 16 : index
    %swap3A_138 = tpu.vector_load %arg7[%swap3A_136, %swap3A_137] {strides = array<i32>} : memref<4x64xi32, #tpu.memory_space<vmem>>, vector<1x16xi32>,
    %swap3A_139 = vector.shape_cast %swap3A_138 : vector<1x16xi32> to vector<16xi32>
    %swap3A_140 = vector.shape_cast %shift_right_arithmetic3A_134 : vector<16xi32> to vector<1x16xi32>
    tpu.vector_store %arg7[%swap3A_136, %swap3A_137], %swap3A_140 {strides = array<i32>} : memref<4x64xi32, #tpu.memory_space<vmem>>, vector<1x16xi32>,
    %and3A_141 = arith.constant 65535 : i32
    %and3A_142 = vector.broadcast %and3A_141 : i32 to vector<16xi32>
    %and3A_143 = arith.andi %get3A_131, %and3A_142 : vector<16xi32>
    %swap3A_144 = arith.constant 1 : i32
    %swap3A_145 = arith.index_cast %swap3A_144 : i32 to index
    %swap3A_146 = arith.constant 16 : index
    %swap3A_147 = tpu.vector_load %arg8[%swap3A_145, %swap3A_146] {strides = array<i32>} : memref<4x64xi32, #tpu.memory_space<vmem>>, vector<1x16xi32>,
    %swap3A_148 = vector.shape_cast %swap3A_147 : vector<1x16xi32> to vector<16xi32>
    %swap3A_149 = vector.shape_cast %and3A_143 : vector<16xi32> to vector<1x16xi32>
    tpu.vector_store %arg8[%swap3A_145, %swap3A_146], %swap3A_149 {strides = array<i32>} : memref<4x64xi32, #tpu.memory_space<vmem>>, vector<1x16xi32>,
    %get3A_150 = arith.constant 1 : i32
    %get3A_151 = arith.index_cast %get3A_150 : i32 to index
    %get3A_152 = arith.constant 32 : index
    %get3A_153 = tpu.vector_load %arg6[%get3A_151, %get3A_152] {strides = array<i32>} : memref<80x64xi32, #tpu.memory_space<vmem>>, vector<1x16xi32>,
    %get3A_154 = vector.shape_cast %get3A_153 : vector<1x16xi32> to vector<16xi32>
    %shift_right_arithmetic3A_155 = arith.constant 16 : i32
    %shift_right_arithmetic3A_156 = vector.broadcast %shift_right_arithmetic3A_155 : i32 to vector<16xi32>
    %shift_right_arithmetic3A_157 = arith.shrsi %get3A_154, %shift_right_arithmetic3A_156 : vector<16xi32>
    %swap3A_158 = arith.constant 1 : i32
    %swap3A_159 = arith.index_cast %swap3A_158 : i32 to index
    %swap3A_160 = arith.constant 32 : index
    %swap3A_161 = tpu.vector_load %arg7[%swap3A_159, %swap3A_160] {strides = array<i32>} : memref<4x64xi32, #tpu.memory_space<vmem>>, vector<1x16xi32>,
    %swap3A_162 = vector.shape_cast %swap3A_161 : vector<1x16xi32> to vector<16xi32>
    %swap3A_163 = vector.shape_cast %shift_right_arithmetic3A_157 : vector<16xi32> to vector<1x16xi32>
    tpu.vector_store %arg7[%swap3A_159, %swap3A_160], %swap3A_163 {strides = array<i32>} : memref<4x64xi32, #tpu.memory_space<vmem>>, vector<1x16xi32>,
    %and3A_164 = arith.constant 65535 : i32
    %and3A_165 = vector.broadcast %and3A_164 : i32 to vector<16xi32>
    %and3A_166 = arith.andi %get3A_154, %and3A_165 : vector<16xi32>
    %swap3A_167 = arith.constant 1 : i32
    %swap3A_168 = arith.index_cast %swap3A_167 : i32 to index
    %swap3A_169 = arith.constant 32 : index
    %swap3A_170 = tpu.vector_load %arg8[%swap3A_168, %swap3A_169] {strides = array<i32>} : memref<4x64xi32, #tpu.memory_space<vmem>>, vector<1x16xi32>,
    %swap3A_171 = vector.shape_cast %swap3A_170 : vector<1x16xi32> to vector<16xi32>
    %swap3A_172 = vector.shape_cast %and3A_166 : vector<16xi32> to vector<1x16xi32>
    tpu.vector_store %arg8[%swap3A_168, %swap3A_169], %swap3A_172 {strides = array<i32>} : memref<4x64xi32, #tpu.memory_space<vmem>>, vector<1x16xi32>,
    %get3A_173 = arith.constant 1 : i32
    %get3A_174 = arith.index_cast %get3A_173 : i32 to index
    %get3A_175 = arith.constant 48 : index
    %get3A_176 = tpu.vector_load %arg6[%get3A_174, %get3A_175] {strides = array<i32>} : memref<80x64xi32, #tpu.memory_space<vmem>>, vector<1x16xi32>,
    %get3A_177 = vector.shape_cast %get3A_176 : vector<1x16xi32> to vector<16xi32>
    %shift_right_arithmetic3A_178 = arith.constant 16 : i32
    %shift_right_arithmetic3A_179 = vector.broadcast %shift_right_arithmetic3A_178 : i32 to vector<16xi32>
    %shift_right_arithmetic3A_180 = arith.shrsi %get3A_177, %shift_right_arithmetic3A_179 : vector<16xi32>
    %swap3A_181 = arith.constant 1 : i32
    %swap3A_182 = arith.index_cast %swap3A_181 : i32 to index
    %swap3A_183 = arith.constant 48 : index
    %swap3A_184 = tpu.vector_load %arg7[%swap3A_182, %swap3A_183] {strides = array<i32>} : memref<4x64xi32, #tpu.memory_space<vmem>>, vector<1x16xi32>,
    %swap3A_185 = vector.shape_cast %swap3A_184 : vector<1x16xi32> to vector<16xi32>
    %swap3A_186 = vector.shape_cast %shift_right_arithmetic3A_180 : vector<16xi32> to vector<1x16xi32>
    tpu.vector_store %arg7[%swap3A_182, %swap3A_183], %swap3A_186 {strides = array<i32>} : memref<4x64xi32, #tpu.memory_space<vmem>>, vector<1x16xi32>,
    %and3A_187 = arith.constant 65535 : i32
    %and3A_188 = vector.broadcast %and3A_187 : i32 to vector<16xi32>
    %and3A_189 = arith.andi %get3A_177, %and3A_188 : vector<16xi32>
    %swap3A_190 = arith.constant 1 : i32
    %swap3A_191 = arith.index_cast %swap3A_190 : i32 to index
    %swap3A_192 = arith.constant 48 : index
    %swap3A_193 = tpu.vector_load %arg8[%swap3A_191, %swap3A_192] {strides = array<i32>} : memref<4x64xi32, #tpu.memory_space<vmem>>, vector<1x16xi32>,
    %swap3A_194 = vector.shape_cast %swap3A_193 : vector<1x16xi32> to vector<16xi32>
    %swap3A_195 = vector.shape_cast %and3A_189 : vector<16xi32> to vector<1x16xi32>
    tpu.vector_store %arg8[%swap3A_191, %swap3A_192], %swap3A_195 {strides = array<i32>} : memref<4x64xi32, #tpu.memory_space<vmem>>, vector<1x16xi32>,
    %dma_start3A_196 = arith.constant 1 : i32
    %dma_start3A_197 = arith.constant 1 : i32
    %dma_start3A_198 = arith.constant 0 : i32
    %dma_start3A_199 = arith.constant 0 : i32
    %dma_start3A_200 = tpu.memref_slice %arg9[%dma_start3A_197, %dma_start3A_198, %dma_start3A_199] : memref<4x64x128xf32, #tpu.memory_space<vmem>> -> memref<1x64x128xf32, #tpu.memory_space<vmem>>
    %dma_start3A_201 = tpu.memref_squeeze %dma_start3A_200 : memref<1x64x128xf32, #tpu.memory_space<vmem>> -> memref<64x128xf32, #tpu.memory_space<vmem>>
    %dma_start3A_202 = arith.constant 0 : i32
    %dma_start3A_203 = tpu.memref_slice %arg7[%dma_start3A_196, %dma_start3A_202] : memref<4x64xi32, #tpu.memory_space<vmem>> -> memref<1x64xi32, #tpu.memory_space<vmem>>
    %dma_start3A_204 = tpu.memref_squeeze %dma_start3A_203 : memref<1x64xi32, #tpu.memory_space<vmem>> -> memref<64xi32, #tpu.memory_space<vmem>>
    %dma_start3A_205 = arith.constant 0 : i32
    %dma_start3A_206 = arith.constant 0 : i32
    %dma_start3A_207 = tpu.memref_slice %arg3[%dma_start3A_205, %dma_start3A_206] : memref<10000x128xf32, #tpu.memory_space<hbm>> -> memref<10000x128xf32, #tpu.memory_space<hbm>>
    tpu.enqueue_indirect_dma source(%dma_start3A_207 : memref<10000x128xf32, #tpu.memory_space<hbm>>) target(%dma_start3A_201 : memref<64x128xf32, #tpu.memory_space<vmem>>) offsets(%dma_start3A_204 : memref<64xi32, #tpu.memory_space<vmem>>) semaphore(%arg12 : memref<!tpu.dma_semaphore, #tpu.memory_space<semaphore_mem>>)
    %get3A_208 = arith.constant 2 : i32
    %get3A_209 = arith.index_cast %get3A_208 : i32 to index
    %get3A_210 = arith.constant 0 : index
    %get3A_211 = tpu.vector_load %arg6[%get3A_209, %get3A_210] {strides = array<i32>} : memref<80x64xi32, #tpu.memory_space<vmem>>, vector<1x16xi32>,
    %get3A_212 = vector.shape_cast %get3A_211 : vector<1x16xi32> to vector<16xi32>
    %shift_right_arithmetic3A_213 = arith.constant 16 : i32
    %shift_right_arithmetic3A_214 = vector.broadcast %shift_right_arithmetic3A_213 : i32 to vector<16xi32>
    %shift_right_arithmetic3A_215 = arith.shrsi %get3A_212, %shift_right_arithmetic3A_214 : vector<16xi32>
    %swap3A_216 = arith.constant 2 : i32
    %swap3A_217 = arith.index_cast %swap3A_216 : i32 to index
    %swap3A_218 = arith.constant 0 : index
    %swap3A_219 = tpu.vector_load %arg7[%swap3A_217, %swap3A_218] {strides = array<i32>} : memref<4x64xi32, #tpu.memory_space<vmem>>, vector<1x16xi32>,
    %swap3A_220 = vector.shape_cast %swap3A_219 : vector<1x16xi32> to vector<16xi32>
    %swap3A_221 = vector.shape_cast %shift_right_arithmetic3A_215 : vector<16xi32> to vector<1x16xi32>
    tpu.vector_store %arg7[%swap3A_217, %swap3A_218], %swap3A_221 {strides = array<i32>} : memref<4x64xi32, #tpu.memory_space<vmem>>, vector<1x16xi32>,
    %and3A_222 = arith.constant 65535 : i32
    %and3A_223 = vector.broadcast %and3A_222 : i32 to vector<16xi32>
    %and3A_224 = arith.andi %get3A_212, %and3A_223 : vector<16xi32>
    %swap3A_225 = arith.constant 2 : i32
    %swap3A_226 = arith.index_cast %swap3A_225 : i32 to index
    %swap3A_227 = arith.constant 0 : index
    %swap3A_228 = tpu.vector_load %arg8[%swap3A_226, %swap3A_227] {strides = array<i32>} : memref<4x64xi32, #tpu.memory_space<vmem>>, vector<1x16xi32>,
    %swap3A_229 = vector.shape_cast %swap3A_228 : vector<1x16xi32> to vector<16xi32>
    %swap3A_230 = vector.shape_cast %and3A_224 : vector<16xi32> to vector<1x16xi32>
    tpu.vector_store %arg8[%swap3A_226, %swap3A_227], %swap3A_230 {strides = array<i32>} : memref<4x64xi32, #tpu.memory_space<vmem>>, vector<1x16xi32>,
    %get3A_231 = arith.constant 2 : i32
    %get3A_232 = arith.index_cast %get3A_231 : i32 to index
    %get3A_233 = arith.constant 16 : index
    %get3A_234 = tpu.vector_load %arg6[%get3A_232, %get3A_233] {strides = array<i32>} : memref<80x64xi32, #tpu.memory_space<vmem>>, vector<1x16xi32>,
    %get3A_235 = vector.shape_cast %get3A_234 : vector<1x16xi32> to vector<16xi32>
    %shift_right_arithmetic3A_236 = arith.constant 16 : i32
    %shift_right_arithmetic3A_237 = vector.broadcast %shift_right_arithmetic3A_236 : i32 to vector<16xi32>
    %shift_right_arithmetic3A_238 = arith.shrsi %get3A_235, %shift_right_arithmetic3A_237 : vector<16xi32>
    %swap3A_239 = arith.constant 2 : i32
    %swap3A_240 = arith.index_cast %swap3A_239 : i32 to index
    %swap3A_241 = arith.constant 16 : index
    %swap3A_242 = tpu.vector_load %arg7[%swap3A_240, %swap3A_241] {strides = array<i32>} : memref<4x64xi32, #tpu.memory_space<vmem>>, vector<1x16xi32>,
    %swap3A_243 = vector.shape_cast %swap3A_242 : vector<1x16xi32> to vector<16xi32>
    %swap3A_244 = vector.shape_cast %shift_right_arithmetic3A_238 : vector<16xi32> to vector<1x16xi32>
    tpu.vector_store %arg7[%swap3A_240, %swap3A_241], %swap3A_244 {strides = array<i32>} : memref<4x64xi32, #tpu.memory_space<vmem>>, vector<1x16xi32>,
    %and3A_245 = arith.constant 65535 : i32
    %and3A_246 = vector.broadcast %and3A_245 : i32 to vector<16xi32>
    %and3A_247 = arith.andi %get3A_235, %and3A_246 : vector<16xi32>
    %swap3A_248 = arith.constant 2 : i32
    %swap3A_249 = arith.index_cast %swap3A_248 : i32 to index
    %swap3A_250 = arith.constant 16 : index
    %swap3A_251 = tpu.vector_load %arg8[%swap3A_249, %swap3A_250] {strides = array<i32>} : memref<4x64xi32, #tpu.memory_space<vmem>>, vector<1x16xi32>,
    %swap3A_252 = vector.shape_cast %swap3A_251 : vector<1x16xi32> to vector<16xi32>
    %swap3A_253 = vector.shape_cast %and3A_247 : vector<16xi32> to vector<1x16xi32>
    tpu.vector_store %arg8[%swap3A_249, %swap3A_250], %swap3A_253 {strides = array<i32>} : memref<4x64xi32, #tpu.memory_space<vmem>>, vector<1x16xi32>,
    %get3A_254 = arith.constant 2 : i32
    %get3A_255 = arith.index_cast %get3A_254 : i32 to index
    %get3A_256 = arith.constant 32 : index
    %get3A_257 = tpu.vector_load %arg6[%get3A_255, %get3A_256] {strides = array<i32>} : memref<80x64xi32, #tpu.memory_space<vmem>>, vector<1x16xi32>,
    %get3A_258 = vector.shape_cast %get3A_257 : vector<1x16xi32> to vector<16xi32>
    %shift_right_arithmetic3A_259 = arith.constant 16 : i32
    %shift_right_arithmetic3A_260 = vector.broadcast %shift_right_arithmetic3A_259 : i32 to vector<16xi32>
    %shift_right_arithmetic3A_261 = arith.shrsi %get3A_258, %shift_right_arithmetic3A_260 : vector<16xi32>
    %swap3A_262 = arith.constant 2 : i32
    %swap3A_263 = arith.index_cast %swap3A_262 : i32 to index
    %swap3A_264 = arith.constant 32 : index
    %swap3A_265 = tpu.vector_load %arg7[%swap3A_263, %swap3A_264] {strides = array<i32>} : memref<4x64xi32, #tpu.memory_space<vmem>>, vector<1x16xi32>,
    %swap3A_266 = vector.shape_cast %swap3A_265 : vector<1x16xi32> to vector<16xi32>
    %swap3A_267 = vector.shape_cast %shift_right_arithmetic3A_261 : vector<16xi32> to vector<1x16xi32>
    tpu.vector_store %arg7[%swap3A_263, %swap3A_264], %swap3A_267 {strides = array<i32>} : memref<4x64xi32, #tpu.memory_space<vmem>>, vector<1x16xi32>,
    %and3A_268 = arith.constant 65535 : i32
    %and3A_269 = vector.broadcast %and3A_268 : i32 to vector<16xi32>
    %and3A_270 = arith.andi %get3A_258, %and3A_269 : vector<16xi32>
    %swap3A_271 = arith.constant 2 : i32
    %swap3A_272 = arith.index_cast %swap3A_271 : i32 to index
    %swap3A_273 = arith.constant 32 : index
    %swap3A_274 = tpu.vector_load %arg8[%swap3A_272, %swap3A_273] {strides = array<i32>} : memref<4x64xi32, #tpu.memory_space<vmem>>, vector<1x16xi32>,
    %swap3A_275 = vector.shape_cast %swap3A_274 : vector<1x16xi32> to vector<16xi32>
    %swap3A_276 = vector.shape_cast %and3A_270 : vector<16xi32> to vector<1x16xi32>
    tpu.vector_store %arg8[%swap3A_272, %swap3A_273], %swap3A_276 {strides = array<i32>} : memref<4x64xi32, #tpu.memory_space<vmem>>, vector<1x16xi32>,
    %get3A_277 = arith.constant 2 : i32
    %get3A_278 = arith.index_cast %get3A_277 : i32 to index
    %get3A_279 = arith.constant 48 : index
    %get3A_280 = tpu.vector_load %arg6[%get3A_278, %get3A_279] {strides = array<i32>} : memref<80x64xi32, #tpu.memory_space<vmem>>, vector<1x16xi32>,
    %get3A_281 = vector.shape_cast %get3A_280 : vector<1x16xi32> to vector<16xi32>
    %shift_right_arithmetic3A_282 = arith.constant 16 : i32
    %shift_right_arithmetic3A_283 = vector.broadcast %shift_right_arithmetic3A_282 : i32 to vector<16xi32>
    %shift_right_arithmetic3A_284 = arith.shrsi %get3A_281, %shift_right_arithmetic3A_283 : vector<16xi32>
    %swap3A_285 = arith.constant 2 : i32
    %swap3A_286 = arith.index_cast %swap3A_285 : i32 to index
    %swap3A_287 = arith.constant 48 : index
    %swap3A_288 = tpu.vector_load %arg7[%swap3A_286, %swap3A_287] {strides = array<i32>} : memref<4x64xi32, #tpu.memory_space<vmem>>, vector<1x16xi32>,
    %swap3A_289 = vector.shape_cast %swap3A_288 : vector<1x16xi32> to vector<16xi32>
    %swap3A_290 = vector.shape_cast %shift_right_arithmetic3A_284 : vector<16xi32> to vector<1x16xi32>
    tpu.vector_store %arg7[%swap3A_286, %swap3A_287], %swap3A_290 {strides = array<i32>} : memref<4x64xi32, #tpu.memory_space<vmem>>, vector<1x16xi32>,
    %and3A_291 = arith.constant 65535 : i32
    %and3A_292 = vector.broadcast %and3A_291 : i32 to vector<16xi32>
    %and3A_293 = arith.andi %get3A_281, %and3A_292 : vector<16xi32>
    %swap3A_294 = arith.constant 2 : i32
    %swap3A_295 = arith.index_cast %swap3A_294 : i32 to index
    %swap3A_296 = arith.constant 48 : index
    %swap3A_297 = tpu.vector_load %arg8[%swap3A_295, %swap3A_296] {strides = array<i32>} : memref<4x64xi32, #tpu.memory_space<vmem>>, vector<1x16xi32>,
    %swap3A_298 = vector.shape_cast %swap3A_297 : vector<1x16xi32> to vector<16xi32>
    %swap3A_299 = vector.shape_cast %and3A_293 : vector<16xi32> to vector<1x16xi32>
    tpu.vector_store %arg8[%swap3A_295, %swap3A_296], %swap3A_299 {strides = array<i32>} : memref<4x64xi32, #tpu.memory_space<vmem>>, vector<1x16xi32>,
    %dma_start3A_300 = arith.constant 2 : i32
    %dma_start3A_301 = arith.constant 2 : i32
    %dma_start3A_302 = arith.constant 0 : i32
    %dma_start3A_303 = arith.constant 0 : i32
    %dma_start3A_304 = tpu.memref_slice %arg9[%dma_start3A_301, %dma_start3A_302, %dma_start3A_303] : memref<4x64x128xf32, #tpu.memory_space<vmem>> -> memref<1x64x128xf32, #tpu.memory_space<vmem>>
    %dma_start3A_305 = tpu.memref_squeeze %dma_start3A_304 : memref<1x64x128xf32, #tpu.memory_space<vmem>> -> memref<64x128xf32, #tpu.memory_space<vmem>>
    %dma_start3A_306 = arith.constant 0 : i32
    %dma_start3A_307 = tpu.memref_slice %arg7[%dma_start3A_300, %dma_start3A_306] : memref<4x64xi32, #tpu.memory_space<vmem>> -> memref<1x64xi32, #tpu.memory_space<vmem>>
    %dma_start3A_308 = tpu.memref_squeeze %dma_start3A_307 : memref<1x64xi32, #tpu.memory_space<vmem>> -> memref<64xi32, #tpu.memory_space<vmem>>
    %dma_start3A_309 = arith.constant 0 : i32
    %dma_start3A_310 = arith.constant 0 : i32
    %dma_start3A_311 = tpu.memref_slice %arg3[%dma_start3A_309, %dma_start3A_310] : memref<10000x128xf32, #tpu.memory_space<hbm>> -> memref<10000x128xf32, #tpu.memory_space<hbm>>
    tpu.enqueue_indirect_dma source(%dma_start3A_311 : memref<10000x128xf32, #tpu.memory_space<hbm>>) target(%dma_start3A_305 : memref<64x128xf32, #tpu.memory_space<vmem>>) offsets(%dma_start3A_308 : memref<64xi32, #tpu.memory_space<vmem>>) semaphore(%arg13 : memref<!tpu.dma_semaphore, #tpu.memory_space<semaphore_mem>>)
    %scan3A = arith.constant 0 : i32
    %scan3A_312 = arith.constant 0 : i32
    %scan3A_313 = arith.constant 19 : i32
    %scan3A_314 = arith.addi %scan3A_312, %scan3A_313 : i32
    %scan3A_315 = arith.constant 1 : i32
    scf.for %scan3A_958 = %scan3A_312 to %scan3A_314 step %scan3A_315  : i32 {
      %mul3A_959 = arith.constant 4 : i32
      %mul3A_960 = arith.muli %mul3A_959, %scan3A_958 : i32
      %add3A_961 = arith.constant 0 : i32
      %add3A_962 = arith.addi %mul3A_960, %add3A_961 : i32
      %add3A_963 = arith.constant 4 : i32
      %add3A_964 = arith.addi %add3A_962, %add3A_963 : i32
      %sub3A = arith.constant 1 : i32
      %sub3A_965 = arith.subi %add3A_964, %sub3A : i32
      %dma_wait3A_966 = arith.constant 0 : i32
      %dma_wait3A_967 = arith.constant 0 : i32
      %dma_wait3A_968 = arith.constant 0 : i32
      %dma_wait3A_969 = arith.constant 0 : i32
      %dma_wait3A_970 = tpu.memref_slice %arg9[%dma_wait3A_967, %dma_wait3A_968, %dma_wait3A_969] : memref<4x64x128xf32, #tpu.memory_space<vmem>> -> memref<1x64x128xf32, #tpu.memory_space<vmem>>
      %dma_wait3A_971 = tpu.memref_squeeze %dma_wait3A_970 : memref<1x64x128xf32, #tpu.memory_space<vmem>> -> memref<64x128xf32, #tpu.memory_space<vmem>>
      %dma_wait3A_972 = arith.constant 0 : i32
      %dma_wait3A_973 = tpu.memref_slice %arg7[%dma_wait3A_966, %dma_wait3A_972] : memref<4x64xi32, #tpu.memory_space<vmem>> -> memref<1x64xi32, #tpu.memory_space<vmem>>
      %dma_wait3A_974 = tpu.memref_squeeze %dma_wait3A_973 : memref<1x64xi32, #tpu.memory_space<vmem>> -> memref<64xi32, #tpu.memory_space<vmem>>
      %dma_wait3A_975 = arith.constant 0 : i32
      %dma_wait3A_976 = arith.constant 0 : i32
      %dma_wait3A_977 = tpu.memref_slice %arg3[%dma_wait3A_975, %dma_wait3A_976] : memref<10000x128xf32, #tpu.memory_space<hbm>> -> memref<10000x128xf32, #tpu.memory_space<hbm>>
      tpu.wait_indirect_dma semaphore(%arg11 : memref<!tpu.dma_semaphore, #tpu.memory_space<semaphore_mem>>) src(%dma_wait3A_977 : memref<10000x128xf32, #tpu.memory_space<hbm>>) dst(%dma_wait3A_971 : memref<64x128xf32, #tpu.memory_space<vmem>>)
      %get3A_978 = arith.index_cast %sub3A_965 : i32 to index
      %get3A_979 = arith.constant 0 : index
      %get3A_980 = tpu.vector_load %arg6[%get3A_978, %get3A_979] {strides = array<i32>} : memref<80x64xi32, #tpu.memory_space<vmem>>, vector<1x16xi32>,
      %get3A_981 = vector.shape_cast %get3A_980 : vector<1x16xi32> to vector<16xi32>
      %shift_right_arithmetic3A_982 = arith.constant 16 : i32
      %shift_right_arithmetic3A_983 = vector.broadcast %shift_right_arithmetic3A_982 : i32 to vector<16xi32>
      %shift_right_arithmetic3A_984 = arith.shrsi %get3A_981, %shift_right_arithmetic3A_983 : vector<16xi32>
      %swap3A_985 = arith.constant 3 : i32
      %swap3A_986 = arith.index_cast %swap3A_985 : i32 to index
      %swap3A_987 = arith.constant 0 : index
      %swap3A_988 = tpu.vector_load %arg7[%swap3A_986, %swap3A_987] {strides = array<i32>} : memref<4x64xi32, #tpu.memory_space<vmem>>, vector<1x16xi32>,
      %swap3A_989 = vector.shape_cast %swap3A_988 : vector<1x16xi32> to vector<16xi32>
      %swap3A_990 = vector.shape_cast %shift_right_arithmetic3A_984 : vector<16xi32> to vector<1x16xi32>
      tpu.vector_store %arg7[%swap3A_986, %swap3A_987], %swap3A_990 {strides = array<i32>} : memref<4x64xi32, #tpu.memory_space<vmem>>, vector<1x16xi32>,
      %and3A_991 = arith.constant 65535 : i32
      %and3A_992 = vector.broadcast %and3A_991 : i32 to vector<16xi32>
      %and3A_993 = arith.andi %get3A_981, %and3A_992 : vector<16xi32>
      %swap3A_994 = arith.constant 3 : i32
      %swap3A_995 = arith.index_cast %swap3A_994 : i32 to index
      %swap3A_996 = arith.constant 0 : index
      %swap3A_997 = tpu.vector_load %arg8[%swap3A_995, %swap3A_996] {strides = array<i32>} : memref<4x64xi32, #tpu.memory_space<vmem>>, vector<1x16xi32>,
      %swap3A_998 = vector.shape_cast %swap3A_997 : vector<1x16xi32> to vector<16xi32>
      %swap3A_999 = vector.shape_cast %and3A_993 : vector<16xi32> to vector<1x16xi32>
      tpu.vector_store %arg8[%swap3A_995, %swap3A_996], %swap3A_999 {strides = array<i32>} : memref<4x64xi32, #tpu.memory_space<vmem>>, vector<1x16xi32>,
      %get3A_1000 = arith.index_cast %sub3A_965 : i32 to index
      %get3A_1001 = arith.constant 16 : index
      %get3A_1002 = tpu.vector_load %arg6[%get3A_1000, %get3A_1001] {strides = array<i32>} : memref<80x64xi32, #tpu.memory_space<vmem>>, vector<1x16xi32>,
      %get3A_1003 = vector.shape_cast %get3A_1002 : vector<1x16xi32> to vector<16xi32>
      %shift_right_arithmetic3A_1004 = arith.constant 16 : i32
      %shift_right_arithmetic3A_1005 = vector.broadcast %shift_right_arithmetic3A_1004 : i32 to vector<16xi32>
      %shift_right_arithmetic3A_1006 = arith.shrsi %get3A_1003, %shift_right_arithmetic3A_1005 : vector<16xi32>
      %swap3A_1007 = arith.constant 3 : i32
      %swap3A_1008 = arith.index_cast %swap3A_1007 : i32 to index
      %swap3A_1009 = arith.constant 16 : index
      %swap3A_1010 = tpu.vector_load %arg7[%swap3A_1008, %swap3A_1009] {strides = array<i32>} : memref<4x64xi32, #tpu.memory_space<vmem>>, vector<1x16xi32>,
      %swap3A_1011 = vector.shape_cast %swap3A_1010 : vector<1x16xi32> to vector<16xi32>
      %swap3A_1012 = vector.shape_cast %shift_right_arithmetic3A_1006 : vector<16xi32> to vector<1x16xi32>
      tpu.vector_store %arg7[%swap3A_1008, %swap3A_1009], %swap3A_1012 {strides = array<i32>} : memref<4x64xi32, #tpu.memory_space<vmem>>, vector<1x16xi32>,
      %and3A_1013 = arith.constant 65535 : i32
      %and3A_1014 = vector.broadcast %and3A_1013 : i32 to vector<16xi32>
      %and3A_1015 = arith.andi %get3A_1003, %and3A_1014 : vector<16xi32>
      %swap3A_1016 = arith.constant 3 : i32
      %swap3A_1017 = arith.index_cast %swap3A_1016 : i32 to index
      %swap3A_1018 = arith.constant 16 : index
      %swap3A_1019 = tpu.vector_load %arg8[%swap3A_1017, %swap3A_1018] {strides = array<i32>} : memref<4x64xi32, #tpu.memory_space<vmem>>, vector<1x16xi32>,
      %swap3A_1020 = vector.shape_cast %swap3A_1019 : vector<1x16xi32> to vector<16xi32>
      %swap3A_1021 = vector.shape_cast %and3A_1015 : vector<16xi32> to vector<1x16xi32>
      tpu.vector_store %arg8[%swap3A_1017, %swap3A_1018], %swap3A_1021 {strides = array<i32>} : memref<4x64xi32, #tpu.memory_space<vmem>>, vector<1x16xi32>,
      %get3A_1022 = arith.index_cast %sub3A_965 : i32 to index
      %get3A_1023 = arith.constant 32 : index
      %get3A_1024 = tpu.vector_load %arg6[%get3A_1022, %get3A_1023] {strides = array<i32>} : memref<80x64xi32, #tpu.memory_space<vmem>>, vector<1x16xi32>,
      %get3A_1025 = vector.shape_cast %get3A_1024 : vector<1x16xi32> to vector<16xi32>
      %shift_right_arithmetic3A_1026 = arith.constant 16 : i32
      %shift_right_arithmetic3A_1027 = vector.broadcast %shift_right_arithmetic3A_1026 : i32 to vector<16xi32>
      %shift_right_arithmetic3A_1028 = arith.shrsi %get3A_1025, %shift_right_arithmetic3A_1027 : vector<16xi32>
      %swap3A_1029 = arith.constant 3 : i32
      %swap3A_1030 = arith.index_cast %swap3A_1029 : i32 to index
      %swap3A_1031 = arith.constant 32 : index
      %swap3A_1032 = tpu.vector_load %arg7[%swap3A_1030, %swap3A_1031] {strides = array<i32>} : memref<4x64xi32, #tpu.memory_space<vmem>>, vector<1x16xi32>,
      %swap3A_1033 = vector.shape_cast %swap3A_1032 : vector<1x16xi32> to vector<16xi32>
      %swap3A_1034 = vector.shape_cast %shift_right_arithmetic3A_1028 : vector<16xi32> to vector<1x16xi32>
      tpu.vector_store %arg7[%swap3A_1030, %swap3A_1031], %swap3A_1034 {strides = array<i32>} : memref<4x64xi32, #tpu.memory_space<vmem>>, vector<1x16xi32>,
      %and3A_1035 = arith.constant 65535 : i32
      %and3A_1036 = vector.broadcast %and3A_1035 : i32 to vector<16xi32>
      %and3A_1037 = arith.andi %get3A_1025, %and3A_1036 : vector<16xi32>
      %swap3A_1038 = arith.constant 3 : i32
      %swap3A_1039 = arith.index_cast %swap3A_1038 : i32 to index
      %swap3A_1040 = arith.constant 32 : index
      %swap3A_1041 = tpu.vector_load %arg8[%swap3A_1039, %swap3A_1040] {strides = array<i32>} : memref<4x64xi32, #tpu.memory_space<vmem>>, vector<1x16xi32>,
      %swap3A_1042 = vector.shape_cast %swap3A_1041 : vector<1x16xi32> to vector<16xi32>
      %swap3A_1043 = vector.shape_cast %and3A_1037 : vector<16xi32> to vector<1x16xi32>
      tpu.vector_store %arg8[%swap3A_1039, %swap3A_1040], %swap3A_1043 {strides = array<i32>} : memref<4x64xi32, #tpu.memory_space<vmem>>, vector<1x16xi32>,
      %get3A_1044 = arith.index_cast %sub3A_965 : i32 to index
      %get3A_1045 = arith.constant 48 : index
      %get3A_1046 = tpu.vector_load %arg6[%get3A_1044, %get3A_1045] {strides = array<i32>} : memref<80x64xi32, #tpu.memory_space<vmem>>, vector<1x16xi32>,
      %get3A_1047 = vector.shape_cast %get3A_1046 : vector<1x16xi32> to vector<16xi32>
      %shift_right_arithmetic3A_1048 = arith.constant 16 : i32
      %shift_right_arithmetic3A_1049 = vector.broadcast %shift_right_arithmetic3A_1048 : i32 to vector<16xi32>
      %shift_right_arithmetic3A_1050 = arith.shrsi %get3A_1047, %shift_right_arithmetic3A_1049 : vector<16xi32>
      %swap3A_1051 = arith.constant 3 : i32
      %swap3A_1052 = arith.index_cast %swap3A_1051 : i32 to index
      %swap3A_1053 = arith.constant 48 : index
      %swap3A_1054 = tpu.vector_load %arg7[%swap3A_1052, %swap3A_1053] {strides = array<i32>} : memref<4x64xi32, #tpu.memory_space<vmem>>, vector<1x16xi32>,
      %swap3A_1055 = vector.shape_cast %swap3A_1054 : vector<1x16xi32> to vector<16xi32>
      %swap3A_1056 = vector.shape_cast %shift_right_arithmetic3A_1050 : vector<16xi32> to vector<1x16xi32>
      tpu.vector_store %arg7[%swap3A_1052, %swap3A_1053], %swap3A_1056 {strides = array<i32>} : memref<4x64xi32, #tpu.memory_space<vmem>>, vector<1x16xi32>,
      %and3A_1057 = arith.constant 65535 : i32
      %and3A_1058 = vector.broadcast %and3A_1057 : i32 to vector<16xi32>
      %and3A_1059 = arith.andi %get3A_1047, %and3A_1058 : vector<16xi32>
      %swap3A_1060 = arith.constant 3 : i32
      %swap3A_1061 = arith.index_cast %swap3A_1060 : i32 to index
      %swap3A_1062 = arith.constant 48 : index
      %swap3A_1063 = tpu.vector_load %arg8[%swap3A_1061, %swap3A_1062] {strides = array<i32>} : memref<4x64xi32, #tpu.memory_space<vmem>>, vector<1x16xi32>,
      %swap3A_1064 = vector.shape_cast %swap3A_1063 : vector<1x16xi32> to vector<16xi32>
      %swap3A_1065 = vector.shape_cast %and3A_1059 : vector<16xi32> to vector<1x16xi32>
      tpu.vector_store %arg8[%swap3A_1061, %swap3A_1062], %swap3A_1065 {strides = array<i32>} : memref<4x64xi32, #tpu.memory_space<vmem>>, vector<1x16xi32>,
      %dma_start3A_1066 = arith.constant 3 : i32
      %dma_start3A_1067 = arith.constant 3 : i32
      %dma_start3A_1068 = arith.constant 0 : i32
      %dma_start3A_1069 = arith.constant 0 : i32
      %dma_start3A_1070 = tpu.memref_slice %arg9[%dma_start3A_1067, %dma_start3A_1068, %dma_start3A_1069] : memref<4x64x128xf32, #tpu.memory_space<vmem>> -> memref<1x64x128xf32, #tpu.memory_space<vmem>>
      %dma_start3A_1071 = tpu.memref_squeeze %dma_start3A_1070 : memref<1x64x128xf32, #tpu.memory_space<vmem>> -> memref<64x128xf32, #tpu.memory_space<vmem>>
      %dma_start3A_1072 = arith.constant 0 : i32
      %dma_start3A_1073 = tpu.memref_slice %arg7[%dma_start3A_1066, %dma_start3A_1072] : memref<4x64xi32, #tpu.memory_space<vmem>> -> memref<1x64xi32, #tpu.memory_space<vmem>>
      %dma_start3A_1074 = tpu.memref_squeeze %dma_start3A_1073 : memref<1x64xi32, #tpu.memory_space<vmem>> -> memref<64xi32, #tpu.memory_space<vmem>>
      %dma_start3A_1075 = arith.constant 0 : i32
      %dma_start3A_1076 = arith.constant 0 : i32
      %dma_start3A_1077 = tpu.memref_slice %arg3[%dma_start3A_1075, %dma_start3A_1076] : memref<10000x128xf32, #tpu.memory_space<hbm>> -> memref<10000x128xf32, #tpu.memory_space<hbm>>
      tpu.enqueue_indirect_dma source(%dma_start3A_1077 : memref<10000x128xf32, #tpu.memory_space<hbm>>) target(%dma_start3A_1071 : memref<64x128xf32, #tpu.memory_space<vmem>>) offsets(%dma_start3A_1074 : memref<64xi32, #tpu.memory_space<vmem>>) semaphore(%arg14 : memref<!tpu.dma_semaphore, #tpu.memory_space<semaphore_mem>>)
      %run_scoped3A_1078 = arith.constant 0 : i32
      %run_scoped3A_1079 = arith.constant 0 : i32
      "tpu.region"() ({
        %run_scoped3A_1446 = tpu.sem_alloc : memref<!tpu.dma_semaphore, #tpu.memory_space<semaphore_mem>>
        %dma_start3A_1447 = arith.constant 0 : i32
        %dma_start3A_1448 = arith.constant 0 : i32
        %dma_start3A_1449 = tpu.memref_slice %arg9[%run_scoped3A_1078, %dma_start3A_1447, %dma_start3A_1448] : memref<4x64x128xf32, #tpu.memory_space<vmem>> -> memref<1x64x128xf32, #tpu.memory_space<vmem>>
        %dma_start3A_1450 = tpu.memref_squeeze %dma_start3A_1449 : memref<1x64x128xf32, #tpu.memory_space<vmem>> -> memref<64x128xf32, #tpu.memory_space<vmem>>
        %dma_start3A_1451 = arith.constant 0 : i32
        %dma_start3A_1452 = tpu.memref_slice %arg8[%run_scoped3A_1079, %dma_start3A_1451] : memref<4x64xi32, #tpu.memory_space<vmem>> -> memref<1x64xi32, #tpu.memory_space<vmem>>
        %dma_start3A_1453 = tpu.memref_squeeze %dma_start3A_1452 : memref<1x64xi32, #tpu.memory_space<vmem>> -> memref<64xi32, #tpu.memory_space<vmem>>
        %dma_start3A_1454 = arith.constant 0 : i32
        %dma_start3A_1455 = arith.constant 0 : i32
        %dma_start3A_1456 = tpu.memref_slice %arg10[%dma_start3A_1454, %dma_start3A_1455] : memref<10240x128xf32, #tpu.memory_space<vmem_shared>> -> memref<10240x128xf32, #tpu.memory_space<vmem_shared>>
        tpu.enqueue_indirect_dma source(%dma_start3A_1450 : memref<64x128xf32, #tpu.memory_space<vmem>>) target(%dma_start3A_1456 : memref<10240x128xf32, #tpu.memory_space<vmem_shared>>) offsets(%dma_start3A_1453 : memref<64xi32, #tpu.memory_space<vmem>>) semaphore(%run_scoped3A_1446 : memref<!tpu.dma_semaphore, #tpu.memory_space<semaphore_mem>>) {add = true}
        %dma_wait3A_1457 = arith.constant 0 : i32
        %dma_wait3A_1458 = arith.constant 0 : i32
        %dma_wait3A_1459 = tpu.memref_slice %arg9[%run_scoped3A_1078, %dma_wait3A_1457, %dma_wait3A_1458] : memref<4x64x128xf32, #tpu.memory_space<vmem>> -> memref<1x64x128xf32, #tpu.memory_space<vmem>>
        %dma_wait3A_1460 = tpu.memref_squeeze %dma_wait3A_1459 : memref<1x64x128xf32, #tpu.memory_space<vmem>> -> memref<64x128xf32, #tpu.memory_space<vmem>>
        %dma_wait3A_1461 = arith.constant 0 : i32
        %dma_wait3A_1462 = tpu.memref_slice %arg8[%run_scoped3A_1079, %dma_wait3A_1461] : memref<4x64xi32, #tpu.memory_space<vmem>> -> memref<1x64xi32, #tpu.memory_space<vmem>>
        %dma_wait3A_1463 = tpu.memref_squeeze %dma_wait3A_1462 : memref<1x64xi32, #tpu.memory_space<vmem>> -> memref<64xi32, #tpu.memory_space<vmem>>
        %dma_wait3A_1464 = arith.constant 0 : i32
        %dma_wait3A_1465 = arith.constant 0 : i32
        %dma_wait3A_1466 = tpu.memref_slice %arg10[%dma_wait3A_1464, %dma_wait3A_1465] : memref<10240x128xf32, #tpu.memory_space<vmem_shared>> -> memref<10240x128xf32, #tpu.memory_space<vmem_shared>>
        tpu.wait_indirect_dma semaphore(%run_scoped3A_1446 : memref<!tpu.dma_semaphore, #tpu.memory_space<semaphore_mem>>) src(%dma_wait3A_1460 : memref<64x128xf32, #tpu.memory_space<vmem>>) dst(%dma_wait3A_1466 : memref<10240x128xf32, #tpu.memory_space<vmem_shared>>)
        tpu.yield
      }) : () -> ()
      %mul3A_1080 = arith.constant 4 : i32
      %mul3A_1081 = arith.muli %mul3A_1080, %scan3A_958 : i32
      %add3A_1082 = arith.constant 1 : i32
      %add3A_1083 = arith.addi %mul3A_1081, %add3A_1082 : i32
      %add3A_1084 = arith.constant 4 : i32
      %add3A_1085 = arith.addi %add3A_1083, %add3A_1084 : i32
      %sub3A_1086 = arith.constant 1 : i32
      %sub3A_1087 = arith.subi %add3A_1085, %sub3A_1086 : i32
      %dma_wait3A_1088 = arith.constant 1 : i32
      %dma_wait3A_1089 = arith.constant 1 : i32
      %dma_wait3A_1090 = arith.constant 0 : i32
      %dma_wait3A_1091 = arith.constant 0 : i32
      %dma_wait3A_1092 = tpu.memref_slice %arg9[%dma_wait3A_1089, %dma_wait3A_1090, %dma_wait3A_1091] : memref<4x64x128xf32, #tpu.memory_space<vmem>> -> memref<1x64x128xf32, #tpu.memory_space<vmem>>
      %dma_wait3A_1093 = tpu.memref_squeeze %dma_wait3A_1092 : memref<1x64x128xf32, #tpu.memory_space<vmem>> -> memref<64x128xf32, #tpu.memory_space<vmem>>
      %dma_wait3A_1094 = arith.constant 0 : i32
      %dma_wait3A_1095 = tpu.memref_slice %arg7[%dma_wait3A_1088, %dma_wait3A_1094] : memref<4x64xi32, #tpu.memory_space<vmem>> -> memref<1x64xi32, #tpu.memory_space<vmem>>
      %dma_wait3A_1096 = tpu.memref_squeeze %dma_wait3A_1095 : memref<1x64xi32, #tpu.memory_space<vmem>> -> memref<64xi32, #tpu.memory_space<vmem>>
      %dma_wait3A_1097 = arith.constant 0 : i32
      %dma_wait3A_1098 = arith.constant 0 : i32
      %dma_wait3A_1099 = tpu.memref_slice %arg3[%dma_wait3A_1097, %dma_wait3A_1098] : memref<10000x128xf32, #tpu.memory_space<hbm>> -> memref<10000x128xf32, #tpu.memory_space<hbm>>
      tpu.wait_indirect_dma semaphore(%arg12 : memref<!tpu.dma_semaphore, #tpu.memory_space<semaphore_mem>>) src(%dma_wait3A_1099 : memref<10000x128xf32, #tpu.memory_space<hbm>>) dst(%dma_wait3A_1093 : memref<64x128xf32, #tpu.memory_space<vmem>>)
      %get3A_1100 = arith.index_cast %sub3A_1087 : i32 to index
      %get3A_1101 = arith.constant 0 : index
      %get3A_1102 = tpu.vector_load %arg6[%get3A_1100, %get3A_1101] {strides = array<i32>} : memref<80x64xi32, #tpu.memory_space<vmem>>, vector<1x16xi32>,
      %get3A_1103 = vector.shape_cast %get3A_1102 : vector<1x16xi32> to vector<16xi32>
      %shift_right_arithmetic3A_1104 = arith.constant 16 : i32
      %shift_right_arithmetic3A_1105 = vector.broadcast %shift_right_arithmetic3A_1104 : i32 to vector<16xi32>
      %shift_right_arithmetic3A_1106 = arith.shrsi %get3A_1103, %shift_right_arithmetic3A_1105 : vector<16xi32>
      %swap3A_1107 = arith.constant 0 : i32
      %swap3A_1108 = arith.index_cast %swap3A_1107 : i32 to index
      %swap3A_1109 = arith.constant 0 : index
      %swap3A_1110 = tpu.vector_load %arg7[%swap3A_1108, %swap3A_1109] {strides = array<i32>} : memref<4x64xi32, #tpu.memory_space<vmem>>, vector<1x16xi32>,
      %swap3A_1111 = vector.shape_cast %swap3A_1110 : vector<1x16xi32> to vector<16xi32>
      %swap3A_1112 = vector.shape_cast %shift_right_arithmetic3A_1106 : vector<16xi32> to vector<1x16xi32>
      tpu.vector_store %arg7[%swap3A_1108, %swap3A_1109], %swap3A_1112 {strides = array<i32>} : memref<4x64xi32, #tpu.memory_space<vmem>>, vector<1x16xi32>,
      %and3A_1113 = arith.constant 65535 : i32
      %and3A_1114 = vector.broadcast %and3A_1113 : i32 to vector<16xi32>
      %and3A_1115 = arith.andi %get3A_1103, %and3A_1114 : vector<16xi32>
      %swap3A_1116 = arith.constant 0 : i32
      %swap3A_1117 = arith.index_cast %swap3A_1116 : i32 to index
      %swap3A_1118 = arith.constant 0 : index
      %swap3A_1119 = tpu.vector_load %arg8[%swap3A_1117, %swap3A_1118] {strides = array<i32>} : memref<4x64xi32, #tpu.memory_space<vmem>>, vector<1x16xi32>,
      %swap3A_1120 = vector.shape_cast %swap3A_1119 : vector<1x16xi32> to vector<16xi32>
      %swap3A_1121 = vector.shape_cast %and3A_1115 : vector<16xi32> to vector<1x16xi32>
      tpu.vector_store %arg8[%swap3A_1117, %swap3A_1118], %swap3A_1121 {strides = array<i32>} : memref<4x64xi32, #tpu.memory_space<vmem>>, vector<1x16xi32>,
      %get3A_1122 = arith.index_cast %sub3A_1087 : i32 to index
      %get3A_1123 = arith.constant 16 : index
      %get3A_1124 = tpu.vector_load %arg6[%get3A_1122, %get3A_1123] {strides = array<i32>} : memref<80x64xi32, #tpu.memory_space<vmem>>, vector<1x16xi32>,
      %get3A_1125 = vector.shape_cast %get3A_1124 : vector<1x16xi32> to vector<16xi32>
      %shift_right_arithmetic3A_1126 = arith.constant 16 : i32
      %shift_right_arithmetic3A_1127 = vector.broadcast %shift_right_arithmetic3A_1126 : i32 to vector<16xi32>
      %shift_right_arithmetic3A_1128 = arith.shrsi %get3A_1125, %shift_right_arithmetic3A_1127 : vector<16xi32>
      %swap3A_1129 = arith.constant 0 : i32
      %swap3A_1130 = arith.index_cast %swap3A_1129 : i32 to index
      %swap3A_1131 = arith.constant 16 : index
      %swap3A_1132 = tpu.vector_load %arg7[%swap3A_1130, %swap3A_1131] {strides = array<i32>} : memref<4x64xi32, #tpu.memory_space<vmem>>, vector<1x16xi32>,
      %swap3A_1133 = vector.shape_cast %swap3A_1132 : vector<1x16xi32> to vector<16xi32>
      %swap3A_1134 = vector.shape_cast %shift_right_arithmetic3A_1128 : vector<16xi32> to vector<1x16xi32>
      tpu.vector_store %arg7[%swap3A_1130, %swap3A_1131], %swap3A_1134 {strides = array<i32>} : memref<4x64xi32, #tpu.memory_space<vmem>>, vector<1x16xi32>,
      %and3A_1135 = arith.constant 65535 : i32
      %and3A_1136 = vector.broadcast %and3A_1135 : i32 to vector<16xi32>
      %and3A_1137 = arith.andi %get3A_1125, %and3A_1136 : vector<16xi32>
      %swap3A_1138 = arith.constant 0 : i32
      %swap3A_1139 = arith.index_cast %swap3A_1138 : i32 to index
      %swap3A_1140 = arith.constant 16 : index
      %swap3A_1141 = tpu.vector_load %arg8[%swap3A_1139, %swap3A_1140] {strides = array<i32>} : memref<4x64xi32, #tpu.memory_space<vmem>>, vector<1x16xi32>,
      %swap3A_1142 = vector.shape_cast %swap3A_1141 : vector<1x16xi32> to vector<16xi32>
      %swap3A_1143 = vector.shape_cast %and3A_1137 : vector<16xi32> to vector<1x16xi32>
      tpu.vector_store %arg8[%swap3A_1139, %swap3A_1140], %swap3A_1143 {strides = array<i32>} : memref<4x64xi32, #tpu.memory_space<vmem>>, vector<1x16xi32>,
      %get3A_1144 = arith.index_cast %sub3A_1087 : i32 to index
      %get3A_1145 = arith.constant 32 : index
      %get3A_1146 = tpu.vector_load %arg6[%get3A_1144, %get3A_1145] {strides = array<i32>} : memref<80x64xi32, #tpu.memory_space<vmem>>, vector<1x16xi32>,
      %get3A_1147 = vector.shape_cast %get3A_1146 : vector<1x16xi32> to vector<16xi32>
      %shift_right_arithmetic3A_1148 = arith.constant 16 : i32
      %shift_right_arithmetic3A_1149 = vector.broadcast %shift_right_arithmetic3A_1148 : i32 to vector<16xi32>
      %shift_right_arithmetic3A_1150 = arith.shrsi %get3A_1147, %shift_right_arithmetic3A_1149 : vector<16xi32>
      %swap3A_1151 = arith.constant 0 : i32
      %swap3A_1152 = arith.index_cast %swap3A_1151 : i32 to index
      %swap3A_1153 = arith.constant 32 : index
      %swap3A_1154 = tpu.vector_load %arg7[%swap3A_1152, %swap3A_1153] {strides = array<i32>} : memref<4x64xi32, #tpu.memory_space<vmem>>, vector<1x16xi32>,
      %swap3A_1155 = vector.shape_cast %swap3A_1154 : vector<1x16xi32> to vector<16xi32>
      %swap3A_1156 = vector.shape_cast %shift_right_arithmetic3A_1150 : vector<16xi32> to vector<1x16xi32>
      tpu.vector_store %arg7[%swap3A_1152, %swap3A_1153], %swap3A_1156 {strides = array<i32>} : memref<4x64xi32, #tpu.memory_space<vmem>>, vector<1x16xi32>,
      %and3A_1157 = arith.constant 65535 : i32
      %and3A_1158 = vector.broadcast %and3A_1157 : i32 to vector<16xi32>
      %and3A_1159 = arith.andi %get3A_1147, %and3A_1158 : vector<16xi32>
      %swap3A_1160 = arith.constant 0 : i32
      %swap3A_1161 = arith.index_cast %swap3A_1160 : i32 to index
      %swap3A_1162 = arith.constant 32 : index
      %swap3A_1163 = tpu.vector_load %arg8[%swap3A_1161, %swap3A_1162] {strides = array<i32>} : memref<4x64xi32, #tpu.memory_space<vmem>>, vector<1x16xi32>,
      %swap3A_1164 = vector.shape_cast %swap3A_1163 : vector<1x16xi32> to vector<16xi32>
      %swap3A_1165 = vector.shape_cast %and3A_1159 : vector<16xi32> to vector<1x16xi32>
      tpu.vector_store %arg8[%swap3A_1161, %swap3A_1162], %swap3A_1165 {strides = array<i32>} : memref<4x64xi32, #tpu.memory_space<vmem>>, vector<1x16xi32>,
      %get3A_1166 = arith.index_cast %sub3A_1087 : i32 to index
      %get3A_1167 = arith.constant 48 : index
      %get3A_1168 = tpu.vector_load %arg6[%get3A_1166, %get3A_1167] {strides = array<i32>} : memref<80x64xi32, #tpu.memory_space<vmem>>, vector<1x16xi32>,
      %get3A_1169 = vector.shape_cast %get3A_1168 : vector<1x16xi32> to vector<16xi32>
      %shift_right_arithmetic3A_1170 = arith.constant 16 : i32
      %shift_right_arithmetic3A_1171 = vector.broadcast %shift_right_arithmetic3A_1170 : i32 to vector<16xi32>
      %shift_right_arithmetic3A_1172 = arith.shrsi %get3A_1169, %shift_right_arithmetic3A_1171 : vector<16xi32>
      %swap3A_1173 = arith.constant 0 : i32
      %swap3A_1174 = arith.index_cast %swap3A_1173 : i32 to index
      %swap3A_1175 = arith.constant 48 : index
      %swap3A_1176 = tpu.vector_load %arg7[%swap3A_1174, %swap3A_1175] {strides = array<i32>} : memref<4x64xi32, #tpu.memory_space<vmem>>, vector<1x16xi32>,
      %swap3A_1177 = vector.shape_cast %swap3A_1176 : vector<1x16xi32> to vector<16xi32>
      %swap3A_1178 = vector.shape_cast %shift_right_arithmetic3A_1172 : vector<16xi32> to vector<1x16xi32>
      tpu.vector_store %arg7[%swap3A_1174, %swap3A_1175], %swap3A_1178 {strides = array<i32>} : memref<4x64xi32, #tpu.memory_space<vmem>>, vector<1x16xi32>,
      %and3A_1179 = arith.constant 65535 : i32
      %and3A_1180 = vector.broadcast %and3A_1179 : i32 to vector<16xi32>
      %and3A_1181 = arith.andi %get3A_1169, %and3A_1180 : vector<16xi32>
      %swap3A_1182 = arith.constant 0 : i32
      %swap3A_1183 = arith.index_cast %swap3A_1182 : i32 to index
      %swap3A_1184 = arith.constant 48 : index
      %swap3A_1185 = tpu.vector_load %arg8[%swap3A_1183, %swap3A_1184] {strides = array<i32>} : memref<4x64xi32, #tpu.memory_space<vmem>>, vector<1x16xi32>,
      %swap3A_1186 = vector.shape_cast %swap3A_1185 : vector<1x16xi32> to vector<16xi32>
      %swap3A_1187 = vector.shape_cast %and3A_1181 : vector<16xi32> to vector<1x16xi32>
      tpu.vector_store %arg8[%swap3A_1183, %swap3A_1184], %swap3A_1187 {strides = array<i32>} : memref<4x64xi32, #tpu.memory_space<vmem>>, vector<1x16xi32>,
      %dma_start3A_1188 = arith.constant 0 : i32
      %dma_start3A_1189 = arith.constant 0 : i32
      %dma_start3A_1190 = arith.constant 0 : i32
      %dma_start3A_1191 = arith.constant 0 : i32
      %dma_start3A_1192 = tpu.memref_slice %arg9[%dma_start3A_1189, %dma_start3A_1190, %dma_start3A_1191] : memref<4x64x128xf32, #tpu.memory_space<vmem>> -> memref<1x64x128xf32, #tpu.memory_space<vmem>>
      %dma_start3A_1193 = tpu.memref_squeeze %dma_start3A_1192 : memref<1x64x128xf32, #tpu.memory_space<vmem>> -> memref<64x128xf32, #tpu.memory_space<vmem>>
      %dma_start3A_1194 = arith.constant 0 : i32
      %dma_start3A_1195 = tpu.memref_slice %arg7[%dma_start3A_1188, %dma_start3A_1194] : memref<4x64xi32, #tpu.memory_space<vmem>> -> memref<1x64xi32, #tpu.memory_space<vmem>>
      %dma_start3A_1196 = tpu.memref_squeeze %dma_start3A_1195 : memref<1x64xi32, #tpu.memory_space<vmem>> -> memref<64xi32, #tpu.memory_space<vmem>>
      %dma_start3A_1197 = arith.constant 0 : i32
      %dma_start3A_1198 = arith.constant 0 : i32
      %dma_start3A_1199 = tpu.memref_slice %arg3[%dma_start3A_1197, %dma_start3A_1198] : memref<10000x128xf32, #tpu.memory_space<hbm>> -> memref<10000x128xf32, #tpu.memory_space<hbm>>
      tpu.enqueue_indirect_dma source(%dma_start3A_1199 : memref<10000x128xf32, #tpu.memory_space<hbm>>) target(%dma_start3A_1193 : memref<64x128xf32, #tpu.memory_space<vmem>>) offsets(%dma_start3A_1196 : memref<64xi32, #tpu.memory_space<vmem>>) semaphore(%arg11 : memref<!tpu.dma_semaphore, #tpu.memory_space<semaphore_mem>>)
      %run_scoped3A_1200 = arith.constant 1 : i32
      %run_scoped3A_1201 = arith.constant 1 : i32
      "tpu.region"() ({
        %run_scoped3A_1446 = tpu.sem_alloc : memref<!tpu.dma_semaphore, #tpu.memory_space<semaphore_mem>>
        %dma_start3A_1447 = arith.constant 0 : i32
        %dma_start3A_1448 = arith.constant 0 : i32
        %dma_start3A_1449 = tpu.memref_slice %arg9[%run_scoped3A_1200, %dma_start3A_1447, %dma_start3A_1448] : memref<4x64x128xf32, #tpu.memory_space<vmem>> -> memref<1x64x128xf32, #tpu.memory_space<vmem>>
        %dma_start3A_1450 = tpu.memref_squeeze %dma_start3A_1449 : memref<1x64x128xf32, #tpu.memory_space<vmem>> -> memref<64x128xf32, #tpu.memory_space<vmem>>
        %dma_start3A_1451 = arith.constant 0 : i32
        %dma_start3A_1452 = tpu.memref_slice %arg8[%run_scoped3A_1201, %dma_start3A_1451] : memref<4x64xi32, #tpu.memory_space<vmem>> -> memref<1x64xi32, #tpu.memory_space<vmem>>
        %dma_start3A_1453 = tpu.memref_squeeze %dma_start3A_1452 : memref<1x64xi32, #tpu.memory_space<vmem>> -> memref<64xi32, #tpu.memory_space<vmem>>
        %dma_start3A_1454 = arith.constant 0 : i32
        %dma_start3A_1455 = arith.constant 0 : i32
        %dma_start3A_1456 = tpu.memref_slice %arg10[%dma_start3A_1454, %dma_start3A_1455] : memref<10240x128xf32, #tpu.memory_space<vmem_shared>> -> memref<10240x128xf32, #tpu.memory_space<vmem_shared>>
        tpu.enqueue_indirect_dma source(%dma_start3A_1450 : memref<64x128xf32, #tpu.memory_space<vmem>>) target(%dma_start3A_1456 : memref<10240x128xf32, #tpu.memory_space<vmem_shared>>) offsets(%dma_start3A_1453 : memref<64xi32, #tpu.memory_space<vmem>>) semaphore(%run_scoped3A_1446 : memref<!tpu.dma_semaphore, #tpu.memory_space<semaphore_mem>>) {add = true}
        %dma_wait3A_1457 = arith.constant 0 : i32
        %dma_wait3A_1458 = arith.constant 0 : i32
        %dma_wait3A_1459 = tpu.memref_slice %arg9[%run_scoped3A_1200, %dma_wait3A_1457, %dma_wait3A_1458] : memref<4x64x128xf32, #tpu.memory_space<vmem>> -> memref<1x64x128xf32, #tpu.memory_space<vmem>>
        %dma_wait3A_1460 = tpu.memref_squeeze %dma_wait3A_1459 : memref<1x64x128xf32, #tpu.memory_space<vmem>> -> memref<64x128xf32, #tpu.memory_space<vmem>>
        %dma_wait3A_1461 = arith.constant 0 : i32
        %dma_wait3A_1462 = tpu.memref_slice %arg8[%run_scoped3A_1201, %dma_wait3A_1461] : memref<4x64xi32, #tpu.memory_space<vmem>> -> memref<1x64xi32, #tpu.memory_space<vmem>>
        %dma_wait3A_1463 = tpu.memref_squeeze %dma_wait3A_1462 : memref<1x64xi32, #tpu.memory_space<vmem>> -> memref<64xi32, #tpu.memory_space<vmem>>
        %dma_wait3A_1464 = arith.constant 0 : i32
        %dma_wait3A_1465 = arith.constant 0 : i32
        %dma_wait3A_1466 = tpu.memref_slice %arg10[%dma_wait3A_1464, %dma_wait3A_1465] : memref<10240x128xf32, #tpu.memory_space<vmem_shared>> -> memref<10240x128xf32, #tpu.memory_space<vmem_shared>>
        tpu.wait_indirect_dma semaphore(%run_scoped3A_1446 : memref<!tpu.dma_semaphore, #tpu.memory_space<semaphore_mem>>) src(%dma_wait3A_1460 : memref<64x128xf32, #tpu.memory_space<vmem>>) dst(%dma_wait3A_1466 : memref<10240x128xf32, #tpu.memory_space<vmem_shared>>)
        tpu.yield
      }) : () -> ()
      %mul3A_1202 = arith.constant 4 : i32
      %mul3A_1203 = arith.muli %mul3A_1202, %scan3A_958 : i32
      %add3A_1204 = arith.constant 2 : i32
      %add3A_1205 = arith.addi %mul3A_1203, %add3A_1204 : i32
      %add3A_1206 = arith.constant 4 : i32
      %add3A_1207 = arith.addi %add3A_1205, %add3A_1206 : i32
      %sub3A_1208 = arith.constant 1 : i32
      %sub3A_1209 = arith.subi %add3A_1207, %sub3A_1208 : i32
      %dma_wait3A_1210 = arith.constant 2 : i32
      %dma_wait3A_1211 = arith.constant 2 : i32
      %dma_wait3A_1212 = arith.constant 0 : i32
      %dma_wait3A_1213 = arith.constant 0 : i32
      %dma_wait3A_1214 = tpu.memref_slice %arg9[%dma_wait3A_1211, %dma_wait3A_1212, %dma_wait3A_1213] : memref<4x64x128xf32, #tpu.memory_space<vmem>> -> memref<1x64x128xf32, #tpu.memory_space<vmem>>
      %dma_wait3A_1215 = tpu.memref_squeeze %dma_wait3A_1214 : memref<1x64x128xf32, #tpu.memory_space<vmem>> -> memref<64x128xf32, #tpu.memory_space<vmem>>
      %dma_wait3A_1216 = arith.constant 0 : i32
      %dma_wait3A_1217 = tpu.memref_slice %arg7[%dma_wait3A_1210, %dma_wait3A_1216] : memref<4x64xi32, #tpu.memory_space<vmem>> -> memref<1x64xi32, #tpu.memory_space<vmem>>
      %dma_wait3A_1218 = tpu.memref_squeeze %dma_wait3A_1217 : memref<1x64xi32, #tpu.memory_space<vmem>> -> memref<64xi32, #tpu.memory_space<vmem>>
      %dma_wait3A_1219 = arith.constant 0 : i32
      %dma_wait3A_1220 = arith.constant 0 : i32
      %dma_wait3A_1221 = tpu.memref_slice %arg3[%dma_wait3A_1219, %dma_wait3A_1220] : memref<10000x128xf32, #tpu.memory_space<hbm>> -> memref<10000x128xf32, #tpu.memory_space<hbm>>
      tpu.wait_indirect_dma semaphore(%arg13 : memref<!tpu.dma_semaphore, #tpu.memory_space<semaphore_mem>>) src(%dma_wait3A_1221 : memref<10000x128xf32, #tpu.memory_space<hbm>>) dst(%dma_wait3A_1215 : memref<64x128xf32, #tpu.memory_space<vmem>>)
      %get3A_1222 = arith.index_cast %sub3A_1209 : i32 to index
      %get3A_1223 = arith.constant 0 : index
      %get3A_1224 = tpu.vector_load %arg6[%get3A_1222, %get3A_1223] {strides = array<i32>} : memref<80x64xi32, #tpu.memory_space<vmem>>, vector<1x16xi32>,
      %get3A_1225 = vector.shape_cast %get3A_1224 : vector<1x16xi32> to vector<16xi32>
      %shift_right_arithmetic3A_1226 = arith.constant 16 : i32
      %shift_right_arithmetic3A_1227 = vector.broadcast %shift_right_arithmetic3A_1226 : i32 to vector<16xi32>
      %shift_right_arithmetic3A_1228 = arith.shrsi %get3A_1225, %shift_right_arithmetic3A_1227 : vector<16xi32>
      %swap3A_1229 = arith.constant 1 : i32
      %swap3A_1230 = arith.index_cast %swap3A_1229 : i32 to index
      %swap3A_1231 = arith.constant 0 : index
      %swap3A_1232 = tpu.vector_load %arg7[%swap3A_1230, %swap3A_1231] {strides = array<i32>} : memref<4x64xi32, #tpu.memory_space<vmem>>, vector<1x16xi32>,
      %swap3A_1233 = vector.shape_cast %swap3A_1232 : vector<1x16xi32> to vector<16xi32>
      %swap3A_1234 = vector.shape_cast %shift_right_arithmetic3A_1228 : vector<16xi32> to vector<1x16xi32>
      tpu.vector_store %arg7[%swap3A_1230, %swap3A_1231], %swap3A_1234 {strides = array<i32>} : memref<4x64xi32, #tpu.memory_space<vmem>>, vector<1x16xi32>,
      %and3A_1235 = arith.constant 65535 : i32
      %and3A_1236 = vector.broadcast %and3A_1235 : i32 to vector<16xi32>
      %and3A_1237 = arith.andi %get3A_1225, %and3A_1236 : vector<16xi32>
      %swap3A_1238 = arith.constant 1 : i32
      %swap3A_1239 = arith.index_cast %swap3A_1238 : i32 to index
      %swap3A_1240 = arith.constant 0 : index
      %swap3A_1241 = tpu.vector_load %arg8[%swap3A_1239, %swap3A_1240] {strides = array<i32>} : memref<4x64xi32, #tpu.memory_space<vmem>>, vector<1x16xi32>,
      %swap3A_1242 = vector.shape_cast %swap3A_1241 : vector<1x16xi32> to vector<16xi32>
      %swap3A_1243 = vector.shape_cast %and3A_1237 : vector<16xi32> to vector<1x16xi32>
      tpu.vector_store %arg8[%swap3A_1239, %swap3A_1240], %swap3A_1243 {strides = array<i32>} : memref<4x64xi32, #tpu.memory_space<vmem>>, vector<1x16xi32>,
      %get3A_1244 = arith.index_cast %sub3A_1209 : i32 to index
      %get3A_1245 = arith.constant 16 : index
      %get3A_1246 = tpu.vector_load %arg6[%get3A_1244, %get3A_1245] {strides = array<i32>} : memref<80x64xi32, #tpu.memory_space<vmem>>, vector<1x16xi32>,
      %get3A_1247 = vector.shape_cast %get3A_1246 : vector<1x16xi32> to vector<16xi32>
      %shift_right_arithmetic3A_1248 = arith.constant 16 : i32
      %shift_right_arithmetic3A_1249 = vector.broadcast %shift_right_arithmetic3A_1248 : i32 to vector<16xi32>
      %shift_right_arithmetic3A_1250 = arith.shrsi %get3A_1247, %shift_right_arithmetic3A_1249 : vector<16xi32>
      %swap3A_1251 = arith.constant 1 : i32
      %swap3A_1252 = arith.index_cast %swap3A_1251 : i32 to index
      %swap3A_1253 = arith.constant 16 : index
      %swap3A_1254 = tpu.vector_load %arg7[%swap3A_1252, %swap3A_1253] {strides = array<i32>} : memref<4x64xi32, #tpu.memory_space<vmem>>, vector<1x16xi32>,
      %swap3A_1255 = vector.shape_cast %swap3A_1254 : vector<1x16xi32> to vector<16xi32>
      %swap3A_1256 = vector.shape_cast %shift_right_arithmetic3A_1250 : vector<16xi32> to vector<1x16xi32>
      tpu.vector_store %arg7[%swap3A_1252, %swap3A_1253], %swap3A_1256 {strides = array<i32>} : memref<4x64xi32, #tpu.memory_space<vmem>>, vector<1x16xi32>,
      %and3A_1257 = arith.constant 65535 : i32
      %and3A_1258 = vector.broadcast %and3A_1257 : i32 to vector<16xi32>
      %and3A_1259 = arith.andi %get3A_1247, %and3A_1258 : vector<16xi32>
      %swap3A_1260 = arith.constant 1 : i32
      %swap3A_1261 = arith.index_cast %swap3A_1260 : i32 to index
      %swap3A_1262 = arith.constant 16 : index
      %swap3A_1263 = tpu.vector_load %arg8[%swap3A_1261, %swap3A_1262] {strides = array<i32>} : memref<4x64xi32, #tpu.memory_space<vmem>>, vector<1x16xi32>,
      %swap3A_1264 = vector.shape_cast %swap3A_1263 : vector<1x16xi32> to vector<16xi32>
      %swap3A_1265 = vector.shape_cast %and3A_1259 : vector<16xi32> to vector<1x16xi32>
      tpu.vector_store %arg8[%swap3A_1261, %swap3A_1262], %swap3A_1265 {strides = array<i32>} : memref<4x64xi32, #tpu.memory_space<vmem>>, vector<1x16xi32>,
      %get3A_1266 = arith.index_cast %sub3A_1209 : i32 to index
      %get3A_1267 = arith.constant 32 : index
      %get3A_1268 = tpu.vector_load %arg6[%get3A_1266, %get3A_1267] {strides = array<i32>} : memref<80x64xi32, #tpu.memory_space<vmem>>, vector<1x16xi32>,
      %get3A_1269 = vector.shape_cast %get3A_1268 : vector<1x16xi32> to vector<16xi32>
      %shift_right_arithmetic3A_1270 = arith.constant 16 : i32
      %shift_right_arithmetic3A_1271 = vector.broadcast %shift_right_arithmetic3A_1270 : i32 to vector<16xi32>
      %shift_right_arithmetic3A_1272 = arith.shrsi %get3A_1269, %shift_right_arithmetic3A_1271 : vector<16xi32>
      %swap3A_1273 = arith.constant 1 : i32
      %swap3A_1274 = arith.index_cast %swap3A_1273 : i32 to index
      %swap3A_1275 = arith.constant 32 : index
      %swap3A_1276 = tpu.vector_load %arg7[%swap3A_1274, %swap3A_1275] {strides = array<i32>} : memref<4x64xi32, #tpu.memory_space<vmem>>, vector<1x16xi32>,
      %swap3A_1277 = vector.shape_cast %swap3A_1276 : vector<1x16xi32> to vector<16xi32>
      %swap3A_1278 = vector.shape_cast %shift_right_arithmetic3A_1272 : vector<16xi32> to vector<1x16xi32>
      tpu.vector_store %arg7[%swap3A_1274, %swap3A_1275], %swap3A_1278 {strides = array<i32>} : memref<4x64xi32, #tpu.memory_space<vmem>>, vector<1x16xi32>,
      %and3A_1279 = arith.constant 65535 : i32
      %and3A_1280 = vector.broadcast %and3A_1279 : i32 to vector<16xi32>
      %and3A_1281 = arith.andi %get3A_1269, %and3A_1280 : vector<16xi32>
      %swap3A_1282 = arith.constant 1 : i32
      %swap3A_1283 = arith.index_cast %swap3A_1282 : i32 to index
      %swap3A_1284 = arith.constant 32 : index
      %swap3A_1285 = tpu.vector_load %arg8[%swap3A_1283, %swap3A_1284] {strides = array<i32>} : memref<4x64xi32, #tpu.memory_space<vmem>>, vector<1x16xi32>,
      %swap3A_1286 = vector.shape_cast %swap3A_1285 : vector<1x16xi32> to vector<16xi32>
      %swap3A_1287 = vector.shape_cast %and3A_1281 : vector<16xi32> to vector<1x16xi32>
      tpu.vector_store %arg8[%swap3A_1283, %swap3A_1284], %swap3A_1287 {strides = array<i32>} : memref<4x64xi32, #tpu.memory_space<vmem>>, vector<1x16xi32>,
      %get3A_1288 = arith.index_cast %sub3A_1209 : i32 to index
      %get3A_1289 = arith.constant 48 : index
      %get3A_1290 = tpu.vector_load %arg6[%get3A_1288, %get3A_1289] {strides = array<i32>} : memref<80x64xi32, #tpu.memory_space<vmem>>, vector<1x16xi32>,
      %get3A_1291 = vector.shape_cast %get3A_1290 : vector<1x16xi32> to vector<16xi32>
      %shift_right_arithmetic3A_1292 = arith.constant 16 : i32
      %shift_right_arithmetic3A_1293 = vector.broadcast %shift_right_arithmetic3A_1292 : i32 to vector<16xi32>
      %shift_right_arithmetic3A_1294 = arith.shrsi %get3A_1291, %shift_right_arithmetic3A_1293 : vector<16xi32>
      %swap3A_1295 = arith.constant 1 : i32
      %swap3A_1296 = arith.index_cast %swap3A_1295 : i32 to index
      %swap3A_1297 = arith.constant 48 : index
      %swap3A_1298 = tpu.vector_load %arg7[%swap3A_1296, %swap3A_1297] {strides = array<i32>} : memref<4x64xi32, #tpu.memory_space<vmem>>, vector<1x16xi32>,
      %swap3A_1299 = vector.shape_cast %swap3A_1298 : vector<1x16xi32> to vector<16xi32>
      %swap3A_1300 = vector.shape_cast %shift_right_arithmetic3A_1294 : vector<16xi32> to vector<1x16xi32>
      tpu.vector_store %arg7[%swap3A_1296, %swap3A_1297], %swap3A_1300 {strides = array<i32>} : memref<4x64xi32, #tpu.memory_space<vmem>>, vector<1x16xi32>,
      %and3A_1301 = arith.constant 65535 : i32
      %and3A_1302 = vector.broadcast %and3A_1301 : i32 to vector<16xi32>
      %and3A_1303 = arith.andi %get3A_1291, %and3A_1302 : vector<16xi32>
      %swap3A_1304 = arith.constant 1 : i32
      %swap3A_1305 = arith.index_cast %swap3A_1304 : i32 to index
      %swap3A_1306 = arith.constant 48 : index
      %swap3A_1307 = tpu.vector_load %arg8[%swap3A_1305, %swap3A_1306] {strides = array<i32>} : memref<4x64xi32, #tpu.memory_space<vmem>>, vector<1x16xi32>,
      %swap3A_1308 = vector.shape_cast %swap3A_1307 : vector<1x16xi32> to vector<16xi32>
      %swap3A_1309 = vector.shape_cast %and3A_1303 : vector<16xi32> to vector<1x16xi32>
      tpu.vector_store %arg8[%swap3A_1305, %swap3A_1306], %swap3A_1309 {strides = array<i32>} : memref<4x64xi32, #tpu.memory_space<vmem>>, vector<1x16xi32>,
      %dma_start3A_1310 = arith.constant 1 : i32
      %dma_start3A_1311 = arith.constant 1 : i32
      %dma_start3A_1312 = arith.constant 0 : i32
      %dma_start3A_1313 = arith.constant 0 : i32
      %dma_start3A_1314 = tpu.memref_slice %arg9[%dma_start3A_1311, %dma_start3A_1312, %dma_start3A_1313] : memref<4x64x128xf32, #tpu.memory_space<vmem>> -> memref<1x64x128xf32, #tpu.memory_space<vmem>>
      %dma_start3A_1315 = tpu.memref_squeeze %dma_start3A_1314 : memref<1x64x128xf32, #tpu.memory_space<vmem>> -> memref<64x128xf32, #tpu.memory_space<vmem>>
      %dma_start3A_1316 = arith.constant 0 : i32
      %dma_start3A_1317 = tpu.memref_slice %arg7[%dma_start3A_1310, %dma_start3A_1316] : memref<4x64xi32, #tpu.memory_space<vmem>> -> memref<1x64xi32, #tpu.memory_space<vmem>>
      %dma_start3A_1318 = tpu.memref_squeeze %dma_start3A_1317 : memref<1x64xi32, #tpu.memory_space<vmem>> -> memref<64xi32, #tpu.memory_space<vmem>>
      %dma_start3A_1319 = arith.constant 0 : i32
      %dma_start3A_1320 = arith.constant 0 : i32
      %dma_start3A_1321 = tpu.memref_slice %arg3[%dma_start3A_1319, %dma_start3A_1320] : memref<10000x128xf32, #tpu.memory_space<hbm>> -> memref<10000x128xf32, #tpu.memory_space<hbm>>
      tpu.enqueue_indirect_dma source(%dma_start3A_1321 : memref<10000x128xf32, #tpu.memory_space<hbm>>) target(%dma_start3A_1315 : memref<64x128xf32, #tpu.memory_space<vmem>>) offsets(%dma_start3A_1318 : memref<64xi32, #tpu.memory_space<vmem>>) semaphore(%arg12 : memref<!tpu.dma_semaphore, #tpu.memory_space<semaphore_mem>>)
      %run_scoped3A_1322 = arith.constant 2 : i32
      %run_scoped3A_1323 = arith.constant 2 : i32
      "tpu.region"() ({
        %run_scoped3A_1446 = tpu.sem_alloc : memref<!tpu.dma_semaphore, #tpu.memory_space<semaphore_mem>>
        %dma_start3A_1447 = arith.constant 0 : i32
        %dma_start3A_1448 = arith.constant 0 : i32
        %dma_start3A_1449 = tpu.memref_slice %arg9[%run_scoped3A_1322, %dma_start3A_1447, %dma_start3A_1448] : memref<4x64x128xf32, #tpu.memory_space<vmem>> -> memref<1x64x128xf32, #tpu.memory_space<vmem>>
        %dma_start3A_1450 = tpu.memref_squeeze %dma_start3A_1449 : memref<1x64x128xf32, #tpu.memory_space<vmem>> -> memref<64x128xf32, #tpu.memory_space<vmem>>
        %dma_start3A_1451 = arith.constant 0 : i32
        %dma_start3A_1452 = tpu.memref_slice %arg8[%run_scoped3A_1323, %dma_start3A_1451] : memref<4x64xi32, #tpu.memory_space<vmem>> -> memref<1x64xi32, #tpu.memory_space<vmem>>
        %dma_start3A_1453 = tpu.memref_squeeze %dma_start3A_1452 : memref<1x64xi32, #tpu.memory_space<vmem>> -> memref<64xi32, #tpu.memory_space<vmem>>
        %dma_start3A_1454 = arith.constant 0 : i32
        %dma_start3A_1455 = arith.constant 0 : i32
        %dma_start3A_1456 = tpu.memref_slice %arg10[%dma_start3A_1454, %dma_start3A_1455] : memref<10240x128xf32, #tpu.memory_space<vmem_shared>> -> memref<10240x128xf32, #tpu.memory_space<vmem_shared>>
        tpu.enqueue_indirect_dma source(%dma_start3A_1450 : memref<64x128xf32, #tpu.memory_space<vmem>>) target(%dma_start3A_1456 : memref<10240x128xf32, #tpu.memory_space<vmem_shared>>) offsets(%dma_start3A_1453 : memref<64xi32, #tpu.memory_space<vmem>>) semaphore(%run_scoped3A_1446 : memref<!tpu.dma_semaphore, #tpu.memory_space<semaphore_mem>>) {add = true}
        %dma_wait3A_1457 = arith.constant 0 : i32
        %dma_wait3A_1458 = arith.constant 0 : i32
        %dma_wait3A_1459 = tpu.memref_slice %arg9[%run_scoped3A_1322, %dma_wait3A_1457, %dma_wait3A_1458] : memref<4x64x128xf32, #tpu.memory_space<vmem>> -> memref<1x64x128xf32, #tpu.memory_space<vmem>>
        %dma_wait3A_1460 = tpu.memref_squeeze %dma_wait3A_1459 : memref<1x64x128xf32, #tpu.memory_space<vmem>> -> memref<64x128xf32, #tpu.memory_space<vmem>>
        %dma_wait3A_1461 = arith.constant 0 : i32
        %dma_wait3A_1462 = tpu.memref_slice %arg8[%run_scoped3A_1323, %dma_wait3A_1461] : memref<4x64xi32, #tpu.memory_space<vmem>> -> memref<1x64xi32, #tpu.memory_space<vmem>>
        %dma_wait3A_1463 = tpu.memref_squeeze %dma_wait3A_1462 : memref<1x64xi32, #tpu.memory_space<vmem>> -> memref<64xi32, #tpu.memory_space<vmem>>
        %dma_wait3A_1464 = arith.constant 0 : i32
        %dma_wait3A_1465 = arith.constant 0 : i32
        %dma_wait3A_1466 = tpu.memref_slice %arg10[%dma_wait3A_1464, %dma_wait3A_1465] : memref<10240x128xf32, #tpu.memory_space<vmem_shared>> -> memref<10240x128xf32, #tpu.memory_space<vmem_shared>>
        tpu.wait_indirect_dma semaphore(%run_scoped3A_1446 : memref<!tpu.dma_semaphore, #tpu.memory_space<semaphore_mem>>) src(%dma_wait3A_1460 : memref<64x128xf32, #tpu.memory_space<vmem>>) dst(%dma_wait3A_1466 : memref<10240x128xf32, #tpu.memory_space<vmem_shared>>)
        tpu.yield
      }) : () -> ()
      %mul3A_1324 = arith.constant 4 : i32
      %mul3A_1325 = arith.muli %mul3A_1324, %scan3A_958 : i32
      %add3A_1326 = arith.constant 3 : i32
      %add3A_1327 = arith.addi %mul3A_1325, %add3A_1326 : i32
      %add3A_1328 = arith.constant 4 : i32
      %add3A_1329 = arith.addi %add3A_1327, %add3A_1328 : i32
      %sub3A_1330 = arith.constant 1 : i32
      %sub3A_1331 = arith.subi %add3A_1329, %sub3A_1330 : i32
      %dma_wait3A_1332 = arith.constant 3 : i32
      %dma_wait3A_1333 = arith.constant 3 : i32
      %dma_wait3A_1334 = arith.constant 0 : i32
      %dma_wait3A_1335 = arith.constant 0 : i32
      %dma_wait3A_1336 = tpu.memref_slice %arg9[%dma_wait3A_1333, %dma_wait3A_1334, %dma_wait3A_1335] : memref<4x64x128xf32, #tpu.memory_space<vmem>> -> memref<1x64x128xf32, #tpu.memory_space<vmem>>
      %dma_wait3A_1337 = tpu.memref_squeeze %dma_wait3A_1336 : memref<1x64x128xf32, #tpu.memory_space<vmem>> -> memref<64x128xf32, #tpu.memory_space<vmem>>
      %dma_wait3A_1338 = arith.constant 0 : i32
      %dma_wait3A_1339 = tpu.memref_slice %arg7[%dma_wait3A_1332, %dma_wait3A_1338] : memref<4x64xi32, #tpu.memory_space<vmem>> -> memref<1x64xi32, #tpu.memory_space<vmem>>
      %dma_wait3A_1340 = tpu.memref_squeeze %dma_wait3A_1339 : memref<1x64xi32, #tpu.memory_space<vmem>> -> memref<64xi32, #tpu.memory_space<vmem>>
      %dma_wait3A_1341 = arith.constant 0 : i32
      %dma_wait3A_1342 = arith.constant 0 : i32
      %dma_wait3A_1343 = tpu.memref_slice %arg3[%dma_wait3A_1341, %dma_wait3A_1342] : memref<10000x128xf32, #tpu.memory_space<hbm>> -> memref<10000x128xf32, #tpu.memory_space<hbm>>
      tpu.wait_indirect_dma semaphore(%arg14 : memref<!tpu.dma_semaphore, #tpu.memory_space<semaphore_mem>>) src(%dma_wait3A_1343 : memref<10000x128xf32, #tpu.memory_space<hbm>>) dst(%dma_wait3A_1337 : memref<64x128xf32, #tpu.memory_space<vmem>>)
      %get3A_1344 = arith.index_cast %sub3A_1331 : i32 to index
      %get3A_1345 = arith.constant 0 : index
      %get3A_1346 = tpu.vector_load %arg6[%get3A_1344, %get3A_1345] {strides = array<i32>} : memref<80x64xi32, #tpu.memory_space<vmem>>, vector<1x16xi32>,
      %get3A_1347 = vector.shape_cast %get3A_1346 : vector<1x16xi32> to vector<16xi32>
      %shift_right_arithmetic3A_1348 = arith.constant 16 : i32
      %shift_right_arithmetic3A_1349 = vector.broadcast %shift_right_arithmetic3A_1348 : i32 to vector<16xi32>
      %shift_right_arithmetic3A_1350 = arith.shrsi %get3A_1347, %shift_right_arithmetic3A_1349 : vector<16xi32>
      %swap3A_1351 = arith.constant 2 : i32
      %swap3A_1352 = arith.index_cast %swap3A_1351 : i32 to index
      %swap3A_1353 = arith.constant 0 : index
      %swap3A_1354 = tpu.vector_load %arg7[%swap3A_1352, %swap3A_1353] {strides = array<i32>} : memref<4x64xi32, #tpu.memory_space<vmem>>, vector<1x16xi32>,
      %swap3A_1355 = vector.shape_cast %swap3A_1354 : vector<1x16xi32> to vector<16xi32>
      %swap3A_1356 = vector.shape_cast %shift_right_arithmetic3A_1350 : vector<16xi32> to vector<1x16xi32>
      tpu.vector_store %arg7[%swap3A_1352, %swap3A_1353], %swap3A_1356 {strides = array<i32>} : memref<4x64xi32, #tpu.memory_space<vmem>>, vector<1x16xi32>,
      %and3A_1357 = arith.constant 65535 : i32
      %and3A_1358 = vector.broadcast %and3A_1357 : i32 to vector<16xi32>
      %and3A_1359 = arith.andi %get3A_1347, %and3A_1358 : vector<16xi32>
      %swap3A_1360 = arith.constant 2 : i32
      %swap3A_1361 = arith.index_cast %swap3A_1360 : i32 to index
      %swap3A_1362 = arith.constant 0 : index
      %swap3A_1363 = tpu.vector_load %arg8[%swap3A_1361, %swap3A_1362] {strides = array<i32>} : memref<4x64xi32, #tpu.memory_space<vmem>>, vector<1x16xi32>,
      %swap3A_1364 = vector.shape_cast %swap3A_1363 : vector<1x16xi32> to vector<16xi32>
      %swap3A_1365 = vector.shape_cast %and3A_1359 : vector<16xi32> to vector<1x16xi32>
      tpu.vector_store %arg8[%swap3A_1361, %swap3A_1362], %swap3A_1365 {strides = array<i32>} : memref<4x64xi32, #tpu.memory_space<vmem>>, vector<1x16xi32>,
      %get3A_1366 = arith.index_cast %sub3A_1331 : i32 to index
      %get3A_1367 = arith.constant 16 : index
      %get3A_1368 = tpu.vector_load %arg6[%get3A_1366, %get3A_1367] {strides = array<i32>} : memref<80x64xi32, #tpu.memory_space<vmem>>, vector<1x16xi32>,
      %get3A_1369 = vector.shape_cast %get3A_1368 : vector<1x16xi32> to vector<16xi32>
      %shift_right_arithmetic3A_1370 = arith.constant 16 : i32
      %shift_right_arithmetic3A_1371 = vector.broadcast %shift_right_arithmetic3A_1370 : i32 to vector<16xi32>
      %shift_right_arithmetic3A_1372 = arith.shrsi %get3A_1369, %shift_right_arithmetic3A_1371 : vector<16xi32>
      %swap3A_1373 = arith.constant 2 : i32
      %swap3A_1374 = arith.index_cast %swap3A_1373 : i32 to index
      %swap3A_1375 = arith.constant 16 : index
      %swap3A_1376 = tpu.vector_load %arg7[%swap3A_1374, %swap3A_1375] {strides = array<i32>} : memref<4x64xi32, #tpu.memory_space<vmem>>, vector<1x16xi32>,
      %swap3A_1377 = vector.shape_cast %swap3A_1376 : vector<1x16xi32> to vector<16xi32>
      %swap3A_1378 = vector.shape_cast %shift_right_arithmetic3A_1372 : vector<16xi32> to vector<1x16xi32>
      tpu.vector_store %arg7[%swap3A_1374, %swap3A_1375], %swap3A_1378 {strides = array<i32>} : memref<4x64xi32, #tpu.memory_space<vmem>>, vector<1x16xi32>,
      %and3A_1379 = arith.constant 65535 : i32
      %and3A_1380 = vector.broadcast %and3A_1379 : i32 to vector<16xi32>
      %and3A_1381 = arith.andi %get3A_1369, %and3A_1380 : vector<16xi32>
      %swap3A_1382 = arith.constant 2 : i32
      %swap3A_1383 = arith.index_cast %swap3A_1382 : i32 to index
      %swap3A_1384 = arith.constant 16 : index
      %swap3A_1385 = tpu.vector_load %arg8[%swap3A_1383, %swap3A_1384] {strides = array<i32>} : memref<4x64xi32, #tpu.memory_space<vmem>>, vector<1x16xi32>,
      %swap3A_1386 = vector.shape_cast %swap3A_1385 : vector<1x16xi32> to vector<16xi32>
      %swap3A_1387 = vector.shape_cast %and3A_1381 : vector<16xi32> to vector<1x16xi32>
      tpu.vector_store %arg8[%swap3A_1383, %swap3A_1384], %swap3A_1387 {strides = array<i32>} : memref<4x64xi32, #tpu.memory_space<vmem>>, vector<1x16xi32>,
      %get3A_1388 = arith.index_cast %sub3A_1331 : i32 to index
      %get3A_1389 = arith.constant 32 : index
      %get3A_1390 = tpu.vector_load %arg6[%get3A_1388, %get3A_1389] {strides = array<i32>} : memref<80x64xi32, #tpu.memory_space<vmem>>, vector<1x16xi32>,
      %get3A_1391 = vector.shape_cast %get3A_1390 : vector<1x16xi32> to vector<16xi32>
      %shift_right_arithmetic3A_1392 = arith.constant 16 : i32
      %shift_right_arithmetic3A_1393 = vector.broadcast %shift_right_arithmetic3A_1392 : i32 to vector<16xi32>
      %shift_right_arithmetic3A_1394 = arith.shrsi %get3A_1391, %shift_right_arithmetic3A_1393 : vector<16xi32>
      %swap3A_1395 = arith.constant 2 : i32
      %swap3A_1396 = arith.index_cast %swap3A_1395 : i32 to index
      %swap3A_1397 = arith.constant 32 : index
      %swap3A_1398 = tpu.vector_load %arg7[%swap3A_1396, %swap3A_1397] {strides = array<i32>} : memref<4x64xi32, #tpu.memory_space<vmem>>, vector<1x16xi32>,
      %swap3A_1399 = vector.shape_cast %swap3A_1398 : vector<1x16xi32> to vector<16xi32>
      %swap3A_1400 = vector.shape_cast %shift_right_arithmetic3A_1394 : vector<16xi32> to vector<1x16xi32>
      tpu.vector_store %arg7[%swap3A_1396, %swap3A_1397], %swap3A_1400 {strides = array<i32>} : memref<4x64xi32, #tpu.memory_space<vmem>>, vector<1x16xi32>,
      %and3A_1401 = arith.constant 65535 : i32
      %and3A_1402 = vector.broadcast %and3A_1401 : i32 to vector<16xi32>
      %and3A_1403 = arith.andi %get3A_1391, %and3A_1402 : vector<16xi32>
      %swap3A_1404 = arith.constant 2 : i32
      %swap3A_1405 = arith.index_cast %swap3A_1404 : i32 to index
      %swap3A_1406 = arith.constant 32 : index
      %swap3A_1407 = tpu.vector_load %arg8[%swap3A_1405, %swap3A_1406] {strides = array<i32>} : memref<4x64xi32, #tpu.memory_space<vmem>>, vector<1x16xi32>,
      %swap3A_1408 = vector.shape_cast %swap3A_1407 : vector<1x16xi32> to vector<16xi32>
      %swap3A_1409 = vector.shape_cast %and3A_1403 : vector<16xi32> to vector<1x16xi32>
      tpu.vector_store %arg8[%swap3A_1405, %swap3A_1406], %swap3A_1409 {strides = array<i32>} : memref<4x64xi32, #tpu.memory_space<vmem>>, vector<1x16xi32>,
      %get3A_1410 = arith.index_cast %sub3A_1331 : i32 to index
      %get3A_1411 = arith.constant 48 : index
      %get3A_1412 = tpu.vector_load %arg6[%get3A_1410, %get3A_1411] {strides = array<i32>} : memref<80x64xi32, #tpu.memory_space<vmem>>, vector<1x16xi32>,
      %get3A_1413 = vector.shape_cast %get3A_1412 : vector<1x16xi32> to vector<16xi32>
      %shift_right_arithmetic3A_1414 = arith.constant 16 : i32
      %shift_right_arithmetic3A_1415 = vector.broadcast %shift_right_arithmetic3A_1414 : i32 to vector<16xi32>
      %shift_right_arithmetic3A_1416 = arith.shrsi %get3A_1413, %shift_right_arithmetic3A_1415 : vector<16xi32>
      %swap3A_1417 = arith.constant 2 : i32
      %swap3A_1418 = arith.index_cast %swap3A_1417 : i32 to index
      %swap3A_1419 = arith.constant 48 : index
      %swap3A_1420 = tpu.vector_load %arg7[%swap3A_1418, %swap3A_1419] {strides = array<i32>} : memref<4x64xi32, #tpu.memory_space<vmem>>, vector<1x16xi32>,
      %swap3A_1421 = vector.shape_cast %swap3A_1420 : vector<1x16xi32> to vector<16xi32>
      %swap3A_1422 = vector.shape_cast %shift_right_arithmetic3A_1416 : vector<16xi32> to vector<1x16xi32>
      tpu.vector_store %arg7[%swap3A_1418, %swap3A_1419], %swap3A_1422 {strides = array<i32>} : memref<4x64xi32, #tpu.memory_space<vmem>>, vector<1x16xi32>,
      %and3A_1423 = arith.constant 65535 : i32
      %and3A_1424 = vector.broadcast %and3A_1423 : i32 to vector<16xi32>
      %and3A_1425 = arith.andi %get3A_1413, %and3A_1424 : vector<16xi32>
      %swap3A_1426 = arith.constant 2 : i32
      %swap3A_1427 = arith.index_cast %swap3A_1426 : i32 to index
      %swap3A_1428 = arith.constant 48 : index
      %swap3A_1429 = tpu.vector_load %arg8[%swap3A_1427, %swap3A_1428] {strides = array<i32>} : memref<4x64xi32, #tpu.memory_space<vmem>>, vector<1x16xi32>,
      %swap3A_1430 = vector.shape_cast %swap3A_1429 : vector<1x16xi32> to vector<16xi32>
      %swap3A_1431 = vector.shape_cast %and3A_1425 : vector<16xi32> to vector<1x16xi32>
      tpu.vector_store %arg8[%swap3A_1427, %swap3A_1428], %swap3A_1431 {strides = array<i32>} : memref<4x64xi32, #tpu.memory_space<vmem>>, vector<1x16xi32>,
      %dma_start3A_1432 = arith.constant 2 : i32
      %dma_start3A_1433 = arith.constant 2 : i32
      %dma_start3A_1434 = arith.constant 0 : i32
      %dma_start3A_1435 = arith.constant 0 : i32
      %dma_start3A_1436 = tpu.memref_slice %arg9[%dma_start3A_1433, %dma_start3A_1434, %dma_start3A_1435] : memref<4x64x128xf32, #tpu.memory_space<vmem>> -> memref<1x64x128xf32, #tpu.memory_space<vmem>>
      %dma_start3A_1437 = tpu.memref_squeeze %dma_start3A_1436 : memref<1x64x128xf32, #tpu.memory_space<vmem>> -> memref<64x128xf32, #tpu.memory_space<vmem>>
      %dma_start3A_1438 = arith.constant 0 : i32
      %dma_start3A_1439 = tpu.memref_slice %arg7[%dma_start3A_1432, %dma_start3A_1438] : memref<4x64xi32, #tpu.memory_space<vmem>> -> memref<1x64xi32, #tpu.memory_space<vmem>>
      %dma_start3A_1440 = tpu.memref_squeeze %dma_start3A_1439 : memref<1x64xi32, #tpu.memory_space<vmem>> -> memref<64xi32, #tpu.memory_space<vmem>>
      %dma_start3A_1441 = arith.constant 0 : i32
      %dma_start3A_1442 = arith.constant 0 : i32
      %dma_start3A_1443 = tpu.memref_slice %arg3[%dma_start3A_1441, %dma_start3A_1442] : memref<10000x128xf32, #tpu.memory_space<hbm>> -> memref<10000x128xf32, #tpu.memory_space<hbm>>
      tpu.enqueue_indirect_dma source(%dma_start3A_1443 : memref<10000x128xf32, #tpu.memory_space<hbm>>) target(%dma_start3A_1437 : memref<64x128xf32, #tpu.memory_space<vmem>>) offsets(%dma_start3A_1440 : memref<64xi32, #tpu.memory_space<vmem>>) semaphore(%arg13 : memref<!tpu.dma_semaphore, #tpu.memory_space<semaphore_mem>>)
      %run_scoped3A_1444 = arith.constant 3 : i32
      %run_scoped3A_1445 = arith.constant 3 : i32
      "tpu.region"() ({
        %run_scoped3A_1446 = tpu.sem_alloc : memref<!tpu.dma_semaphore, #tpu.memory_space<semaphore_mem>>
        %dma_start3A_1447 = arith.constant 0 : i32
        %dma_start3A_1448 = arith.constant 0 : i32
        %dma_start3A_1449 = tpu.memref_slice %arg9[%run_scoped3A_1444, %dma_start3A_1447, %dma_start3A_1448] : memref<4x64x128xf32, #tpu.memory_space<vmem>> -> memref<1x64x128xf32, #tpu.memory_space<vmem>>
        %dma_start3A_1450 = tpu.memref_squeeze %dma_start3A_1449 : memref<1x64x128xf32, #tpu.memory_space<vmem>> -> memref<64x128xf32, #tpu.memory_space<vmem>>
        %dma_start3A_1451 = arith.constant 0 : i32
        %dma_start3A_1452 = tpu.memref_slice %arg8[%run_scoped3A_1445, %dma_start3A_1451] : memref<4x64xi32, #tpu.memory_space<vmem>> -> memref<1x64xi32, #tpu.memory_space<vmem>>
        %dma_start3A_1453 = tpu.memref_squeeze %dma_start3A_1452 : memref<1x64xi32, #tpu.memory_space<vmem>> -> memref<64xi32, #tpu.memory_space<vmem>>
        %dma_start3A_1454 = arith.constant 0 : i32
        %dma_start3A_1455 = arith.constant 0 : i32
        %dma_start3A_1456 = tpu.memref_slice %arg10[%dma_start3A_1454, %dma_start3A_1455] : memref<10240x128xf32, #tpu.memory_space<vmem_shared>> -> memref<10240x128xf32, #tpu.memory_space<vmem_shared>>
        tpu.enqueue_indirect_dma source(%dma_start3A_1450 : memref<64x128xf32, #tpu.memory_space<vmem>>) target(%dma_start3A_1456 : memref<10240x128xf32, #tpu.memory_space<vmem_shared>>) offsets(%dma_start3A_1453 : memref<64xi32, #tpu.memory_space<vmem>>) semaphore(%run_scoped3A_1446 : memref<!tpu.dma_semaphore, #tpu.memory_space<semaphore_mem>>) {add = true}
        %dma_wait3A_1457 = arith.constant 0 : i32
        %dma_wait3A_1458 = arith.constant 0 : i32
        %dma_wait3A_1459 = tpu.memref_slice %arg9[%run_scoped3A_1444, %dma_wait3A_1457, %dma_wait3A_1458] : memref<4x64x128xf32, #tpu.memory_space<vmem>> -> memref<1x64x128xf32, #tpu.memory_space<vmem>>
        %dma_wait3A_1460 = tpu.memref_squeeze %dma_wait3A_1459 : memref<1x64x128xf32, #tpu.memory_space<vmem>> -> memref<64x128xf32, #tpu.memory_space<vmem>>
        %dma_wait3A_1461 = arith.constant 0 : i32
        %dma_wait3A_1462 = tpu.memref_slice %arg8[%run_scoped3A_1445, %dma_wait3A_1461] : memref<4x64xi32, #tpu.memory_space<vmem>> -> memref<1x64xi32, #tpu.memory_space<vmem>>
        %dma_wait3A_1463 = tpu.memref_squeeze %dma_wait3A_1462 : memref<1x64xi32, #tpu.memory_space<vmem>> -> memref<64xi32, #tpu.memory_space<vmem>>
        %dma_wait3A_1464 = arith.constant 0 : i32
        %dma_wait3A_1465 = arith.constant 0 : i32
        %dma_wait3A_1466 = tpu.memref_slice %arg10[%dma_wait3A_1464, %dma_wait3A_1465] : memref<10240x128xf32, #tpu.memory_space<vmem_shared>> -> memref<10240x128xf32, #tpu.memory_space<vmem_shared>>
        tpu.wait_indirect_dma semaphore(%run_scoped3A_1446 : memref<!tpu.dma_semaphore, #tpu.memory_space<semaphore_mem>>) src(%dma_wait3A_1460 : memref<64x128xf32, #tpu.memory_space<vmem>>) dst(%dma_wait3A_1466 : memref<10240x128xf32, #tpu.memory_space<vmem_shared>>)
        tpu.yield
      }) : () -> ()
    }
    %scan3A_316 = arith.constant 19 : i32
    %dma_wait3A = arith.constant 0 : i32
    %dma_wait3A_317 = arith.constant 0 : i32
    %dma_wait3A_318 = arith.constant 0 : i32
    %dma_wait3A_319 = arith.constant 0 : i32
    %dma_wait3A_320 = tpu.memref_slice %arg9[%dma_wait3A_317, %dma_wait3A_318, %dma_wait3A_319] : memref<4x64x128xf32, #tpu.memory_space<vmem>> -> memref<1x64x128xf32, #tpu.memory_space<vmem>>
    %dma_wait3A_321 = tpu.memref_squeeze %dma_wait3A_320 : memref<1x64x128xf32, #tpu.memory_space<vmem>> -> memref<64x128xf32, #tpu.memory_space<vmem>>
    %dma_wait3A_322 = arith.constant 0 : i32
    %dma_wait3A_323 = tpu.memref_slice %arg7[%dma_wait3A, %dma_wait3A_322] : memref<4x64xi32, #tpu.memory_space<vmem>> -> memref<1x64xi32, #tpu.memory_space<vmem>>
    %dma_wait3A_324 = tpu.memref_squeeze %dma_wait3A_323 : memref<1x64xi32, #tpu.memory_space<vmem>> -> memref<64xi32, #tpu.memory_space<vmem>>
    %dma_wait3A_325 = arith.constant 0 : i32
    %dma_wait3A_326 = arith.constant 0 : i32
    %dma_wait3A_327 = tpu.memref_slice %arg3[%dma_wait3A_325, %dma_wait3A_326] : memref<10000x128xf32, #tpu.memory_space<hbm>> -> memref<10000x128xf32, #tpu.memory_space<hbm>>
    tpu.wait_indirect_dma semaphore(%arg11 : memref<!tpu.dma_semaphore, #tpu.memory_space<semaphore_mem>>) src(%dma_wait3A_327 : memref<10000x128xf32, #tpu.memory_space<hbm>>) dst(%dma_wait3A_321 : memref<64x128xf32, #tpu.memory_space<vmem>>)
    %get3A_328 = arith.constant 79 : i32
    %get3A_329 = arith.index_cast %get3A_328 : i32 to index
    %get3A_330 = arith.constant 0 : index
    %get3A_331 = tpu.vector_load %arg6[%get3A_329, %get3A_330] {strides = array<i32>} : memref<80x64xi32, #tpu.memory_space<vmem>>, vector<1x16xi32>,
    %get3A_332 = vector.shape_cast %get3A_331 : vector<1x16xi32> to vector<16xi32>
    %shift_right_arithmetic3A_333 = arith.constant 16 : i32
    %shift_right_arithmetic3A_334 = vector.broadcast %shift_right_arithmetic3A_333 : i32 to vector<16xi32>
    %shift_right_arithmetic3A_335 = arith.shrsi %get3A_332, %shift_right_arithmetic3A_334 : vector<16xi32>
    %swap3A_336 = arith.constant 3 : i32
    %swap3A_337 = arith.index_cast %swap3A_336 : i32 to index
    %swap3A_338 = arith.constant 0 : index
    %swap3A_339 = tpu.vector_load %arg7[%swap3A_337, %swap3A_338] {strides = array<i32>} : memref<4x64xi32, #tpu.memory_space<vmem>>, vector<1x16xi32>,
    %swap3A_340 = vector.shape_cast %swap3A_339 : vector<1x16xi32> to vector<16xi32>
    %swap3A_341 = vector.shape_cast %shift_right_arithmetic3A_335 : vector<16xi32> to vector<1x16xi32>
    tpu.vector_store %arg7[%swap3A_337, %swap3A_338], %swap3A_341 {strides = array<i32>} : memref<4x64xi32, #tpu.memory_space<vmem>>, vector<1x16xi32>,
    %and3A_342 = arith.constant 65535 : i32
    %and3A_343 = vector.broadcast %and3A_342 : i32 to vector<16xi32>
    %and3A_344 = arith.andi %get3A_332, %and3A_343 : vector<16xi32>
    %swap3A_345 = arith.constant 3 : i32
    %swap3A_346 = arith.index_cast %swap3A_345 : i32 to index
    %swap3A_347 = arith.constant 0 : index
    %swap3A_348 = tpu.vector_load %arg8[%swap3A_346, %swap3A_347] {strides = array<i32>} : memref<4x64xi32, #tpu.memory_space<vmem>>, vector<1x16xi32>,
    %swap3A_349 = vector.shape_cast %swap3A_348 : vector<1x16xi32> to vector<16xi32>
    %swap3A_350 = vector.shape_cast %and3A_344 : vector<16xi32> to vector<1x16xi32>
    tpu.vector_store %arg8[%swap3A_346, %swap3A_347], %swap3A_350 {strides = array<i32>} : memref<4x64xi32, #tpu.memory_space<vmem>>, vector<1x16xi32>,
    %get3A_351 = arith.constant 79 : i32
    %get3A_352 = arith.index_cast %get3A_351 : i32 to index
    %get3A_353 = arith.constant 16 : index
    %get3A_354 = tpu.vector_load %arg6[%get3A_352, %get3A_353] {strides = array<i32>} : memref<80x64xi32, #tpu.memory_space<vmem>>, vector<1x16xi32>,
    %get3A_355 = vector.shape_cast %get3A_354 : vector<1x16xi32> to vector<16xi32>
    %shift_right_arithmetic3A_356 = arith.constant 16 : i32
    %shift_right_arithmetic3A_357 = vector.broadcast %shift_right_arithmetic3A_356 : i32 to vector<16xi32>
    %shift_right_arithmetic3A_358 = arith.shrsi %get3A_355, %shift_right_arithmetic3A_357 : vector<16xi32>
    %swap3A_359 = arith.constant 3 : i32
    %swap3A_360 = arith.index_cast %swap3A_359 : i32 to index
    %swap3A_361 = arith.constant 16 : index
    %swap3A_362 = tpu.vector_load %arg7[%swap3A_360, %swap3A_361] {strides = array<i32>} : memref<4x64xi32, #tpu.memory_space<vmem>>, vector<1x16xi32>,
    %swap3A_363 = vector.shape_cast %swap3A_362 : vector<1x16xi32> to vector<16xi32>
    %swap3A_364 = vector.shape_cast %shift_right_arithmetic3A_358 : vector<16xi32> to vector<1x16xi32>
    tpu.vector_store %arg7[%swap3A_360, %swap3A_361], %swap3A_364 {strides = array<i32>} : memref<4x64xi32, #tpu.memory_space<vmem>>, vector<1x16xi32>,
    %and3A_365 = arith.constant 65535 : i32
    %and3A_366 = vector.broadcast %and3A_365 : i32 to vector<16xi32>
    %and3A_367 = arith.andi %get3A_355, %and3A_366 : vector<16xi32>
    %swap3A_368 = arith.constant 3 : i32
    %swap3A_369 = arith.index_cast %swap3A_368 : i32 to index
    %swap3A_370 = arith.constant 16 : index
    %swap3A_371 = tpu.vector_load %arg8[%swap3A_369, %swap3A_370] {strides = array<i32>} : memref<4x64xi32, #tpu.memory_space<vmem>>, vector<1x16xi32>,
    %swap3A_372 = vector.shape_cast %swap3A_371 : vector<1x16xi32> to vector<16xi32>
    %swap3A_373 = vector.shape_cast %and3A_367 : vector<16xi32> to vector<1x16xi32>
    tpu.vector_store %arg8[%swap3A_369, %swap3A_370], %swap3A_373 {strides = array<i32>} : memref<4x64xi32, #tpu.memory_space<vmem>>, vector<1x16xi32>,
    %get3A_374 = arith.constant 79 : i32
    %get3A_375 = arith.index_cast %get3A_374 : i32 to index
    %get3A_376 = arith.constant 32 : index
    %get3A_377 = tpu.vector_load %arg6[%get3A_375, %get3A_376] {strides = array<i32>} : memref<80x64xi32, #tpu.memory_space<vmem>>, vector<1x16xi32>,
    %get3A_378 = vector.shape_cast %get3A_377 : vector<1x16xi32> to vector<16xi32>
    %shift_right_arithmetic3A_379 = arith.constant 16 : i32
    %shift_right_arithmetic3A_380 = vector.broadcast %shift_right_arithmetic3A_379 : i32 to vector<16xi32>
    %shift_right_arithmetic3A_381 = arith.shrsi %get3A_378, %shift_right_arithmetic3A_380 : vector<16xi32>
    %swap3A_382 = arith.constant 3 : i32
    %swap3A_383 = arith.index_cast %swap3A_382 : i32 to index
    %swap3A_384 = arith.constant 32 : index
    %swap3A_385 = tpu.vector_load %arg7[%swap3A_383, %swap3A_384] {strides = array<i32>} : memref<4x64xi32, #tpu.memory_space<vmem>>, vector<1x16xi32>,
    %swap3A_386 = vector.shape_cast %swap3A_385 : vector<1x16xi32> to vector<16xi32>
    %swap3A_387 = vector.shape_cast %shift_right_arithmetic3A_381 : vector<16xi32> to vector<1x16xi32>
    tpu.vector_store %arg7[%swap3A_383, %swap3A_384], %swap3A_387 {strides = array<i32>} : memref<4x64xi32, #tpu.memory_space<vmem>>, vector<1x16xi32>,
    %and3A_388 = arith.constant 65535 : i32
    %and3A_389 = vector.broadcast %and3A_388 : i32 to vector<16xi32>
    %and3A_390 = arith.andi %get3A_378, %and3A_389 : vector<16xi32>
    %swap3A_391 = arith.constant 3 : i32
    %swap3A_392 = arith.index_cast %swap3A_391 : i32 to index
    %swap3A_393 = arith.constant 32 : index
    %swap3A_394 = tpu.vector_load %arg8[%swap3A_392, %swap3A_393] {strides = array<i32>} : memref<4x64xi32, #tpu.memory_space<vmem>>, vector<1x16xi32>,
    %swap3A_395 = vector.shape_cast %swap3A_394 : vector<1x16xi32> to vector<16xi32>
    %swap3A_396 = vector.shape_cast %and3A_390 : vector<16xi32> to vector<1x16xi32>
    tpu.vector_store %arg8[%swap3A_392, %swap3A_393], %swap3A_396 {strides = array<i32>} : memref<4x64xi32, #tpu.memory_space<vmem>>, vector<1x16xi32>,
    %get3A_397 = arith.constant 79 : i32
    %get3A_398 = arith.index_cast %get3A_397 : i32 to index
    %get3A_399 = arith.constant 48 : index
    %get3A_400 = tpu.vector_load %arg6[%get3A_398, %get3A_399] {strides = array<i32>} : memref<80x64xi32, #tpu.memory_space<vmem>>, vector<1x16xi32>,
    %get3A_401 = vector.shape_cast %get3A_400 : vector<1x16xi32> to vector<16xi32>
    %shift_right_arithmetic3A_402 = arith.constant 16 : i32
    %shift_right_arithmetic3A_403 = vector.broadcast %shift_right_arithmetic3A_402 : i32 to vector<16xi32>
    %shift_right_arithmetic3A_404 = arith.shrsi %get3A_401, %shift_right_arithmetic3A_403 : vector<16xi32>
    %swap3A_405 = arith.constant 3 : i32
    %swap3A_406 = arith.index_cast %swap3A_405 : i32 to index
    %swap3A_407 = arith.constant 48 : index
    %swap3A_408 = tpu.vector_load %arg7[%swap3A_406, %swap3A_407] {strides = array<i32>} : memref<4x64xi32, #tpu.memory_space<vmem>>, vector<1x16xi32>,
    %swap3A_409 = vector.shape_cast %swap3A_408 : vector<1x16xi32> to vector<16xi32>
    %swap3A_410 = vector.shape_cast %shift_right_arithmetic3A_404 : vector<16xi32> to vector<1x16xi32>
    tpu.vector_store %arg7[%swap3A_406, %swap3A_407], %swap3A_410 {strides = array<i32>} : memref<4x64xi32, #tpu.memory_space<vmem>>, vector<1x16xi32>,
    %and3A_411 = arith.constant 65535 : i32
    %and3A_412 = vector.broadcast %and3A_411 : i32 to vector<16xi32>
    %and3A_413 = arith.andi %get3A_401, %and3A_412 : vector<16xi32>
    %swap3A_414 = arith.constant 3 : i32
    %swap3A_415 = arith.index_cast %swap3A_414 : i32 to index
    %swap3A_416 = arith.constant 48 : index
    %swap3A_417 = tpu.vector_load %arg8[%swap3A_415, %swap3A_416] {strides = array<i32>} : memref<4x64xi32, #tpu.memory_space<vmem>>, vector<1x16xi32>,
    %swap3A_418 = vector.shape_cast %swap3A_417 : vector<1x16xi32> to vector<16xi32>
    %swap3A_419 = vector.shape_cast %and3A_413 : vector<16xi32> to vector<1x16xi32>
    tpu.vector_store %arg8[%swap3A_415, %swap3A_416], %swap3A_419 {strides = array<i32>} : memref<4x64xi32, #tpu.memory_space<vmem>>, vector<1x16xi32>,
    %dma_start3A_420 = arith.constant 3 : i32
    %dma_start3A_421 = arith.constant 3 : i32
    %dma_start3A_422 = arith.constant 0 : i32
    %dma_start3A_423 = arith.constant 0 : i32
    %dma_start3A_424 = tpu.memref_slice %arg9[%dma_start3A_421, %dma_start3A_422, %dma_start3A_423] : memref<4x64x128xf32, #tpu.memory_space<vmem>> -> memref<1x64x128xf32, #tpu.memory_space<vmem>>
    %dma_start3A_425 = tpu.memref_squeeze %dma_start3A_424 : memref<1x64x128xf32, #tpu.memory_space<vmem>> -> memref<64x128xf32, #tpu.memory_space<vmem>>
    %dma_start3A_426 = arith.constant 0 : i32
    %dma_start3A_427 = tpu.memref_slice %arg7[%dma_start3A_420, %dma_start3A_426] : memref<4x64xi32, #tpu.memory_space<vmem>> -> memref<1x64xi32, #tpu.memory_space<vmem>>
    %dma_start3A_428 = tpu.memref_squeeze %dma_start3A_427 : memref<1x64xi32, #tpu.memory_space<vmem>> -> memref<64xi32, #tpu.memory_space<vmem>>
    %dma_start3A_429 = arith.constant 0 : i32
    %dma_start3A_430 = arith.constant 0 : i32
    %dma_start3A_431 = tpu.memref_slice %arg3[%dma_start3A_429, %dma_start3A_430] : memref<10000x128xf32, #tpu.memory_space<hbm>> -> memref<10000x128xf32, #tpu.memory_space<hbm>>
    tpu.enqueue_indirect_dma source(%dma_start3A_431 : memref<10000x128xf32, #tpu.memory_space<hbm>>) target(%dma_start3A_425 : memref<64x128xf32, #tpu.memory_space<vmem>>) offsets(%dma_start3A_428 : memref<64xi32, #tpu.memory_space<vmem>>) semaphore(%arg14 : memref<!tpu.dma_semaphore, #tpu.memory_space<semaphore_mem>>)
    %run_scoped3A = arith.constant 0 : i32
    %run_scoped3A_432 = arith.constant 0 : i32
    "tpu.region"() ({
      %run_scoped3A_958 = tpu.sem_alloc : memref<!tpu.dma_semaphore, #tpu.memory_space<semaphore_mem>>
      %dma_start3A_959 = arith.constant 0 : i32
      %dma_start3A_960 = arith.constant 0 : i32
      %dma_start3A_961 = tpu.memref_slice %arg9[%run_scoped3A, %dma_start3A_959, %dma_start3A_960] : memref<4x64x128xf32, #tpu.memory_space<vmem>> -> memref<1x64x128xf32, #tpu.memory_space<vmem>>
      %dma_start3A_962 = tpu.memref_squeeze %dma_start3A_961 : memref<1x64x128xf32, #tpu.memory_space<vmem>> -> memref<64x128xf32, #tpu.memory_space<vmem>>
      %dma_start3A_963 = arith.constant 0 : i32
      %dma_start3A_964 = tpu.memref_slice %arg8[%run_scoped3A_432, %dma_start3A_963] : memref<4x64xi32, #tpu.memory_space<vmem>> -> memref<1x64xi32, #tpu.memory_space<vmem>>
      %dma_start3A_965 = tpu.memref_squeeze %dma_start3A_964 : memref<1x64xi32, #tpu.memory_space<vmem>> -> memref<64xi32, #tpu.memory_space<vmem>>
      %dma_start3A_966 = arith.constant 0 : i32
      %dma_start3A_967 = arith.constant 0 : i32
      %dma_start3A_968 = tpu.memref_slice %arg10[%dma_start3A_966, %dma_start3A_967] : memref<10240x128xf32, #tpu.memory_space<vmem_shared>> -> memref<10240x128xf32, #tpu.memory_space<vmem_shared>>
      tpu.enqueue_indirect_dma source(%dma_start3A_962 : memref<64x128xf32, #tpu.memory_space<vmem>>) target(%dma_start3A_968 : memref<10240x128xf32, #tpu.memory_space<vmem_shared>>) offsets(%dma_start3A_965 : memref<64xi32, #tpu.memory_space<vmem>>) semaphore(%run_scoped3A_958 : memref<!tpu.dma_semaphore, #tpu.memory_space<semaphore_mem>>) {add = true}
      %dma_wait3A_969 = arith.constant 0 : i32
      %dma_wait3A_970 = arith.constant 0 : i32
      %dma_wait3A_971 = tpu.memref_slice %arg9[%run_scoped3A, %dma_wait3A_969, %dma_wait3A_970] : memref<4x64x128xf32, #tpu.memory_space<vmem>> -> memref<1x64x128xf32, #tpu.memory_space<vmem>>
      %dma_wait3A_972 = tpu.memref_squeeze %dma_wait3A_971 : memref<1x64x128xf32, #tpu.memory_space<vmem>> -> memref<64x128xf32, #tpu.memory_space<vmem>>
      %dma_wait3A_973 = arith.constant 0 : i32
      %dma_wait3A_974 = tpu.memref_slice %arg8[%run_scoped3A_432, %dma_wait3A_973] : memref<4x64xi32, #tpu.memory_space<vmem>> -> memref<1x64xi32, #tpu.memory_space<vmem>>
      %dma_wait3A_975 = tpu.memref_squeeze %dma_wait3A_974 : memref<1x64xi32, #tpu.memory_space<vmem>> -> memref<64xi32, #tpu.memory_space<vmem>>
      %dma_wait3A_976 = arith.constant 0 : i32
      %dma_wait3A_977 = arith.constant 0 : i32
      %dma_wait3A_978 = tpu.memref_slice %arg10[%dma_wait3A_976, %dma_wait3A_977] : memref<10240x128xf32, #tpu.memory_space<vmem_shared>> -> memref<10240x128xf32, #tpu.memory_space<vmem_shared>>
      tpu.wait_indirect_dma semaphore(%run_scoped3A_958 : memref<!tpu.dma_semaphore, #tpu.memory_space<semaphore_mem>>) src(%dma_wait3A_972 : memref<64x128xf32, #tpu.memory_space<vmem>>) dst(%dma_wait3A_978 : memref<10240x128xf32, #tpu.memory_space<vmem_shared>>)
      tpu.yield
    }) : () -> ()
    %dma_wait3A_433 = arith.constant 1 : i32
    %dma_wait3A_434 = arith.constant 1 : i32
    %dma_wait3A_435 = arith.constant 0 : i32
    %dma_wait3A_436 = arith.constant 0 : i32
    %dma_wait3A_437 = tpu.memref_slice %arg9[%dma_wait3A_434, %dma_wait3A_435, %dma_wait3A_436] : memref<4x64x128xf32, #tpu.memory_space<vmem>> -> memref<1x64x128xf32, #tpu.memory_space<vmem>>
    %dma_wait3A_438 = tpu.memref_squeeze %dma_wait3A_437 : memref<1x64x128xf32, #tpu.memory_space<vmem>> -> memref<64x128xf32, #tpu.memory_space<vmem>>
    %dma_wait3A_439 = arith.constant 0 : i32
    %dma_wait3A_440 = tpu.memref_slice %arg7[%dma_wait3A_433, %dma_wait3A_439] : memref<4x64xi32, #tpu.memory_space<vmem>> -> memref<1x64xi32, #tpu.memory_space<vmem>>
    %dma_wait3A_441 = tpu.memref_squeeze %dma_wait3A_440 : memref<1x64xi32, #tpu.memory_space<vmem>> -> memref<64xi32, #tpu.memory_space<vmem>>
    %dma_wait3A_442 = arith.constant 0 : i32
    %dma_wait3A_443 = arith.constant 0 : i32
    %dma_wait3A_444 = tpu.memref_slice %arg3[%dma_wait3A_442, %dma_wait3A_443] : memref<10000x128xf32, #tpu.memory_space<hbm>> -> memref<10000x128xf32, #tpu.memory_space<hbm>>
    tpu.wait_indirect_dma semaphore(%arg12 : memref<!tpu.dma_semaphore, #tpu.memory_space<semaphore_mem>>) src(%dma_wait3A_444 : memref<10000x128xf32, #tpu.memory_space<hbm>>) dst(%dma_wait3A_438 : memref<64x128xf32, #tpu.memory_space<vmem>>)
    %run_scoped3A_445 = arith.constant 1 : i32
    %run_scoped3A_446 = arith.constant 1 : i32
    "tpu.region"() ({
      %run_scoped3A_958 = tpu.sem_alloc : memref<!tpu.dma_semaphore, #tpu.memory_space<semaphore_mem>>
      %dma_start3A_959 = arith.constant 0 : i32
      %dma_start3A_960 = arith.constant 0 : i32
      %dma_start3A_961 = tpu.memref_slice %arg9[%run_scoped3A_445, %dma_start3A_959, %dma_start3A_960] : memref<4x64x128xf32, #tpu.memory_space<vmem>> -> memref<1x64x128xf32, #tpu.memory_space<vmem>>
      %dma_start3A_962 = tpu.memref_squeeze %dma_start3A_961 : memref<1x64x128xf32, #tpu.memory_space<vmem>> -> memref<64x128xf32, #tpu.memory_space<vmem>>
      %dma_start3A_963 = arith.constant 0 : i32
      %dma_start3A_964 = tpu.memref_slice %arg8[%run_scoped3A_446, %dma_start3A_963] : memref<4x64xi32, #tpu.memory_space<vmem>> -> memref<1x64xi32, #tpu.memory_space<vmem>>
      %dma_start3A_965 = tpu.memref_squeeze %dma_start3A_964 : memref<1x64xi32, #tpu.memory_space<vmem>> -> memref<64xi32, #tpu.memory_space<vmem>>
      %dma_start3A_966 = arith.constant 0 : i32
      %dma_start3A_967 = arith.constant 0 : i32
      %dma_start3A_968 = tpu.memref_slice %arg10[%dma_start3A_966, %dma_start3A_967] : memref<10240x128xf32, #tpu.memory_space<vmem_shared>> -> memref<10240x128xf32, #tpu.memory_space<vmem_shared>>
      tpu.enqueue_indirect_dma source(%dma_start3A_962 : memref<64x128xf32, #tpu.memory_space<vmem>>) target(%dma_start3A_968 : memref<10240x128xf32, #tpu.memory_space<vmem_shared>>) offsets(%dma_start3A_965 : memref<64xi32, #tpu.memory_space<vmem>>) semaphore(%run_scoped3A_958 : memref<!tpu.dma_semaphore, #tpu.memory_space<semaphore_mem>>) {add = true}
      %dma_wait3A_969 = arith.constant 0 : i32
      %dma_wait3A_970 = arith.constant 0 : i32
      %dma_wait3A_971 = tpu.memref_slice %arg9[%run_scoped3A_445, %dma_wait3A_969, %dma_wait3A_970] : memref<4x64x128xf32, #tpu.memory_space<vmem>> -> memref<1x64x128xf32, #tpu.memory_space<vmem>>
      %dma_wait3A_972 = tpu.memref_squeeze %dma_wait3A_971 : memref<1x64x128xf32, #tpu.memory_space<vmem>> -> memref<64x128xf32, #tpu.memory_space<vmem>>
      %dma_wait3A_973 = arith.constant 0 : i32
      %dma_wait3A_974 = tpu.memref_slice %arg8[%run_scoped3A_446, %dma_wait3A_973] : memref<4x64xi32, #tpu.memory_space<vmem>> -> memref<1x64xi32, #tpu.memory_space<vmem>>
      %dma_wait3A_975 = tpu.memref_squeeze %dma_wait3A_974 : memref<1x64xi32, #tpu.memory_space<vmem>> -> memref<64xi32, #tpu.memory_space<vmem>>
      %dma_wait3A_976 = arith.constant 0 : i32
      %dma_wait3A_977 = arith.constant 0 : i32
      %dma_wait3A_978 = tpu.memref_slice %arg10[%dma_wait3A_976, %dma_wait3A_977] : memref<10240x128xf32, #tpu.memory_space<vmem_shared>> -> memref<10240x128xf32, #tpu.memory_space<vmem_shared>>
      tpu.wait_indirect_dma semaphore(%run_scoped3A_958 : memref<!tpu.dma_semaphore, #tpu.memory_space<semaphore_mem>>) src(%dma_wait3A_972 : memref<64x128xf32, #tpu.memory_space<vmem>>) dst(%dma_wait3A_978 : memref<10240x128xf32, #tpu.memory_space<vmem_shared>>)
      tpu.yield
    }) : () -> ()
    %dma_wait3A_447 = arith.constant 2 : i32
    %dma_wait3A_448 = arith.constant 2 : i32
    %dma_wait3A_449 = arith.constant 0 : i32
    %dma_wait3A_450 = arith.constant 0 : i32
    %dma_wait3A_451 = tpu.memref_slice %arg9[%dma_wait3A_448, %dma_wait3A_449, %dma_wait3A_450] : memref<4x64x128xf32, #tpu.memory_space<vmem>> -> memref<1x64x128xf32, #tpu.memory_space<vmem>>
    %dma_wait3A_452 = tpu.memref_squeeze %dma_wait3A_451 : memref<1x64x128xf32, #tpu.memory_space<vmem>> -> memref<64x128xf32, #tpu.memory_space<vmem>>
    %dma_wait3A_453 = arith.constant 0 : i32
    %dma_wait3A_454 = tpu.memref_slice %arg7[%dma_wait3A_447, %dma_wait3A_453] : memref<4x64xi32, #tpu.memory_space<vmem>> -> memref<1x64xi32, #tpu.memory_space<vmem>>
    %dma_wait3A_455 = tpu.memref_squeeze %dma_wait3A_454 : memref<1x64xi32, #tpu.memory_space<vmem>> -> memref<64xi32, #tpu.memory_space<vmem>>
    %dma_wait3A_456 = arith.constant 0 : i32
    %dma_wait3A_457 = arith.constant 0 : i32
    %dma_wait3A_458 = tpu.memref_slice %arg3[%dma_wait3A_456, %dma_wait3A_457] : memref<10000x128xf32, #tpu.memory_space<hbm>> -> memref<10000x128xf32, #tpu.memory_space<hbm>>
    tpu.wait_indirect_dma semaphore(%arg13 : memref<!tpu.dma_semaphore, #tpu.memory_space<semaphore_mem>>) src(%dma_wait3A_458 : memref<10000x128xf32, #tpu.memory_space<hbm>>) dst(%dma_wait3A_452 : memref<64x128xf32, #tpu.memory_space<vmem>>)
    %run_scoped3A_459 = arith.constant 2 : i32
    %run_scoped3A_460 = arith.constant 2 : i32
    "tpu.region"() ({
      %run_scoped3A_958 = tpu.sem_alloc : memref<!tpu.dma_semaphore, #tpu.memory_space<semaphore_mem>>
      %dma_start3A_959 = arith.constant 0 : i32
      %dma_start3A_960 = arith.constant 0 : i32
      %dma_start3A_961 = tpu.memref_slice %arg9[%run_scoped3A_459, %dma_start3A_959, %dma_start3A_960] : memref<4x64x128xf32, #tpu.memory_space<vmem>> -> memref<1x64x128xf32, #tpu.memory_space<vmem>>
      %dma_start3A_962 = tpu.memref_squeeze %dma_start3A_961 : memref<1x64x128xf32, #tpu.memory_space<vmem>> -> memref<64x128xf32, #tpu.memory_space<vmem>>
      %dma_start3A_963 = arith.constant 0 : i32
      %dma_start3A_964 = tpu.memref_slice %arg8[%run_scoped3A_460, %dma_start3A_963] : memref<4x64xi32, #tpu.memory_space<vmem>> -> memref<1x64xi32, #tpu.memory_space<vmem>>
      %dma_start3A_965 = tpu.memref_squeeze %dma_start3A_964 : memref<1x64xi32, #tpu.memory_space<vmem>> -> memref<64xi32, #tpu.memory_space<vmem>>
      %dma_start3A_966 = arith.constant 0 : i32
      %dma_start3A_967 = arith.constant 0 : i32
      %dma_start3A_968 = tpu.memref_slice %arg10[%dma_start3A_966, %dma_start3A_967] : memref<10240x128xf32, #tpu.memory_space<vmem_shared>> -> memref<10240x128xf32, #tpu.memory_space<vmem_shared>>
      tpu.enqueue_indirect_dma source(%dma_start3A_962 : memref<64x128xf32, #tpu.memory_space<vmem>>) target(%dma_start3A_968 : memref<10240x128xf32, #tpu.memory_space<vmem_shared>>) offsets(%dma_start3A_965 : memref<64xi32, #tpu.memory_space<vmem>>) semaphore(%run_scoped3A_958 : memref<!tpu.dma_semaphore, #tpu.memory_space<semaphore_mem>>) {add = true}
      %dma_wait3A_969 = arith.constant 0 : i32
      %dma_wait3A_970 = arith.constant 0 : i32
      %dma_wait3A_971 = tpu.memref_slice %arg9[%run_scoped3A_459, %dma_wait3A_969, %dma_wait3A_970] : memref<4x64x128xf32, #tpu.memory_space<vmem>> -> memref<1x64x128xf32, #tpu.memory_space<vmem>>
      %dma_wait3A_972 = tpu.memref_squeeze %dma_wait3A_971 : memref<1x64x128xf32, #tpu.memory_space<vmem>> -> memref<64x128xf32, #tpu.memory_space<vmem>>
      %dma_wait3A_973 = arith.constant 0 : i32
      %dma_wait3A_974 = tpu.memref_slice %arg8[%run_scoped3A_460, %dma_wait3A_973] : memref<4x64xi32, #tpu.memory_space<vmem>> -> memref<1x64xi32, #tpu.memory_space<vmem>>
      %dma_wait3A_975 = tpu.memref_squeeze %dma_wait3A_974 : memref<1x64xi32, #tpu.memory_space<vmem>> -> memref<64xi32, #tpu.memory_space<vmem>>
      %dma_wait3A_976 = arith.constant 0 : i32
      %dma_wait3A_977 = arith.constant 0 : i32
      %dma_wait3A_978 = tpu.memref_slice %arg10[%dma_wait3A_976, %dma_wait3A_977] : memref<10240x128xf32, #tpu.memory_space<vmem_shared>> -> memref<10240x128xf32, #tpu.memory_space<vmem_shared>>
      tpu.wait_indirect_dma semaphore(%run_scoped3A_958 : memref<!tpu.dma_semaphore, #tpu.memory_space<semaphore_mem>>) src(%dma_wait3A_972 : memref<64x128xf32, #tpu.memory_space<vmem>>) dst(%dma_wait3A_978 : memref<10240x128xf32, #tpu.memory_space<vmem_shared>>)
      tpu.yield
    }) : () -> ()
    %dma_wait3A_461 = arith.constant 3 : i32
    %dma_wait3A_462 = arith.constant 3 : i32
    %dma_wait3A_463 = arith.constant 0 : i32
    %dma_wait3A_464 = arith.constant 0 : i32
    %dma_wait3A_465 = tpu.memref_slice %arg9[%dma_wait3A_462, %dma_wait3A_463, %dma_wait3A_464] : memref<4x64x128xf32, #tpu.memory_space<vmem>> -> memref<1x64x128xf32, #tpu.memory_space<vmem>>
    %dma_wait3A_466 = tpu.memref_squeeze %dma_wait3A_465 : memref<1x64x128xf32, #tpu.memory_space<vmem>> -> memref<64x128xf32, #tpu.memory_space<vmem>>
    %dma_wait3A_467 = arith.constant 0 : i32
    %dma_wait3A_468 = tpu.memref_slice %arg7[%dma_wait3A_461, %dma_wait3A_467] : memref<4x64xi32, #tpu.memory_space<vmem>> -> memref<1x64xi32, #tpu.memory_space<vmem>>
    %dma_wait3A_469 = tpu.memref_squeeze %dma_wait3A_468 : memref<1x64xi32, #tpu.memory_space<vmem>> -> memref<64xi32, #tpu.memory_space<vmem>>
    %dma_wait3A_470 = arith.constant 0 : i32
    %dma_wait3A_471 = arith.constant 0 : i32
    %dma_wait3A_472 = tpu.memref_slice %arg3[%dma_wait3A_470, %dma_wait3A_471] : memref<10000x128xf32, #tpu.memory_space<hbm>> -> memref<10000x128xf32, #tpu.memory_space<hbm>>
    tpu.wait_indirect_dma semaphore(%arg14 : memref<!tpu.dma_semaphore, #tpu.memory_space<semaphore_mem>>) src(%dma_wait3A_472 : memref<10000x128xf32, #tpu.memory_space<hbm>>) dst(%dma_wait3A_466 : memref<64x128xf32, #tpu.memory_space<vmem>>)
    %run_scoped3A_473 = arith.constant 3 : i32
    %run_scoped3A_474 = arith.constant 3 : i32
    "tpu.region"() ({
      %run_scoped3A_958 = tpu.sem_alloc : memref<!tpu.dma_semaphore, #tpu.memory_space<semaphore_mem>>
      %dma_start3A_959 = arith.constant 0 : i32
      %dma_start3A_960 = arith.constant 0 : i32
      %dma_start3A_961 = tpu.memref_slice %arg9[%run_scoped3A_473, %dma_start3A_959, %dma_start3A_960] : memref<4x64x128xf32, #tpu.memory_space<vmem>> -> memref<1x64x128xf32, #tpu.memory_space<vmem>>
      %dma_start3A_962 = tpu.memref_squeeze %dma_start3A_961 : memref<1x64x128xf32, #tpu.memory_space<vmem>> -> memref<64x128xf32, #tpu.memory_space<vmem>>
      %dma_start3A_963 = arith.constant 0 : i32
      %dma_start3A_964 = tpu.memref_slice %arg8[%run_scoped3A_474, %dma_start3A_963] : memref<4x64xi32, #tpu.memory_space<vmem>> -> memref<1x64xi32, #tpu.memory_space<vmem>>
      %dma_start3A_965 = tpu.memref_squeeze %dma_start3A_964 : memref<1x64xi32, #tpu.memory_space<vmem>> -> memref<64xi32, #tpu.memory_space<vmem>>
      %dma_start3A_966 = arith.constant 0 : i32
      %dma_start3A_967 = arith.constant 0 : i32
      %dma_start3A_968 = tpu.memref_slice %arg10[%dma_start3A_966, %dma_start3A_967] : memref<10240x128xf32, #tpu.memory_space<vmem_shared>> -> memref<10240x128xf32, #tpu.memory_space<vmem_shared>>
      tpu.enqueue_indirect_dma source(%dma_start3A_962 : memref<64x128xf32, #tpu.memory_space<vmem>>) target(%dma_start3A_968 : memref<10240x128xf32, #tpu.memory_space<vmem_shared>>) offsets(%dma_start3A_965 : memref<64xi32, #tpu.memory_space<vmem>>) semaphore(%run_scoped3A_958 : memref<!tpu.dma_semaphore, #tpu.memory_space<semaphore_mem>>) {add = true}
      %dma_wait3A_969 = arith.constant 0 : i32
      %dma_wait3A_970 = arith.constant 0 : i32
      %dma_wait3A_971 = tpu.memref_slice %arg9[%run_scoped3A_473, %dma_wait3A_969, %dma_wait3A_970] : memref<4x64x128xf32, #tpu.memory_space<vmem>> -> memref<1x64x128xf32, #tpu.memory_space<vmem>>
      %dma_wait3A_972 = tpu.memref_squeeze %dma_wait3A_971 : memref<1x64x128xf32, #tpu.memory_space<vmem>> -> memref<64x128xf32, #tpu.memory_space<vmem>>
      %dma_wait3A_973 = arith.constant 0 : i32
      %dma_wait3A_974 = tpu.memref_slice %arg8[%run_scoped3A_474, %dma_wait3A_973] : memref<4x64xi32, #tpu.memory_space<vmem>> -> memref<1x64xi32, #tpu.memory_space<vmem>>
      %dma_wait3A_975 = tpu.memref_squeeze %dma_wait3A_974 : memref<1x64xi32, #tpu.memory_space<vmem>> -> memref<64xi32, #tpu.memory_space<vmem>>
      %dma_wait3A_976 = arith.constant 0 : i32
      %dma_wait3A_977 = arith.constant 0 : i32
      %dma_wait3A_978 = tpu.memref_slice %arg10[%dma_wait3A_976, %dma_wait3A_977] : memref<10240x128xf32, #tpu.memory_space<vmem_shared>> -> memref<10240x128xf32, #tpu.memory_space<vmem_shared>>
      tpu.wait_indirect_dma semaphore(%run_scoped3A_958 : memref<!tpu.dma_semaphore, #tpu.memory_space<semaphore_mem>>) src(%dma_wait3A_972 : memref<64x128xf32, #tpu.memory_space<vmem>>) dst(%dma_wait3A_978 : memref<10240x128xf32, #tpu.memory_space<vmem_shared>>)
      tpu.yield
    }) : () -> ()
    "tpu.region"() ({
      %run_scoped3A_958 = tpu.sem_alloc : memref<!tpu.dma_semaphore, #tpu.memory_space<semaphore_mem>>
      %dma_start3A_959 = arith.constant 80 : i32
      %dma_start3A_960 = arith.constant 0 : i32
      %dma_start3A_961 = tpu.memref_slice %arg2[%add3A, %dma_start3A_959, %dma_start3A_960] : memref<32x160x64xi32, #tpu.memory_space<hbm>> -> memref<1x80x64xi32, #tpu.memory_space<hbm>>
      %dma_start3A_962 = tpu.memref_squeeze %dma_start3A_961 : memref<1x80x64xi32, #tpu.memory_space<hbm>> -> memref<80x64xi32, #tpu.memory_space<hbm>>
      %dma_start3A_963 = arith.constant 80 : i32
      %dma_start3A_964 = arith.constant 0 : i32
      %dma_start3A_965 = tpu.memref_slice %arg2[%add3A, %dma_start3A_963, %dma_start3A_964] : memref<32x160x64xi32, #tpu.memory_space<hbm>> -> memref<1x80x64xi32, #tpu.memory_space<hbm>>
      %dma_start3A_966 = tpu.memref_squeeze %dma_start3A_965 : memref<1x80x64xi32, #tpu.memory_space<hbm>> -> memref<80x64xi32, #tpu.memory_space<hbm>>
      tpu.enqueue_dma source(%dma_start3A_966 : memref<80x64xi32, #tpu.memory_space<hbm>>) target(%arg6 : memref<80x64xi32, #tpu.memory_space<vmem>>) target_semaphore(%run_scoped3A_958 : memref<!tpu.dma_semaphore, #tpu.memory_space<semaphore_mem>>)
      %dma_wait3A_967 = arith.constant 80 : i32
      %dma_wait3A_968 = arith.constant 0 : i32
      %dma_wait3A_969 = tpu.memref_slice %arg2[%add3A, %dma_wait3A_967, %dma_wait3A_968] : memref<32x160x64xi32, #tpu.memory_space<hbm>> -> memref<1x80x64xi32, #tpu.memory_space<hbm>>
      %dma_wait3A_970 = tpu.memref_squeeze %dma_wait3A_969 : memref<1x80x64xi32, #tpu.memory_space<hbm>> -> memref<80x64xi32, #tpu.memory_space<hbm>>
      %dma_wait3A_971 = arith.constant 80 : i32
      %dma_wait3A_972 = arith.constant 0 : i32
      %dma_wait3A_973 = tpu.memref_slice %arg2[%add3A, %dma_wait3A_971, %dma_wait3A_972] : memref<32x160x64xi32, #tpu.memory_space<hbm>> -> memref<1x80x64xi32, #tpu.memory_space<hbm>>
      %dma_wait3A_974 = tpu.memref_squeeze %dma_wait3A_973 : memref<1x80x64xi32, #tpu.memory_space<hbm>> -> memref<80x64xi32, #tpu.memory_space<hbm>>
      tpu.wait_dma2 semaphore(%run_scoped3A_958 : memref<!tpu.dma_semaphore, #tpu.memory_space<semaphore_mem>>) src(%dma_wait3A_974 : memref<80x64xi32, #tpu.memory_space<hbm>>) dst(%arg6 : memref<80x64xi32, #tpu.memory_space<vmem>>)
      tpu.yield
    }) : () -> ()
    %get3A_475 = arith.constant 0 : i32
    %get3A_476 = arith.index_cast %get3A_475 : i32 to index
    %get3A_477 = arith.constant 0 : index
    %get3A_478 = tpu.vector_load %arg6[%get3A_476, %get3A_477] {strides = array<i32>} : memref<80x64xi32, #tpu.memory_space<vmem>>, vector<1x16xi32>,
    %get3A_479 = vector.shape_cast %get3A_478 : vector<1x16xi32> to vector<16xi32>
    %shift_right_arithmetic3A_480 = arith.constant 16 : i32
    %shift_right_arithmetic3A_481 = vector.broadcast %shift_right_arithmetic3A_480 : i32 to vector<16xi32>
    %shift_right_arithmetic3A_482 = arith.shrsi %get3A_479, %shift_right_arithmetic3A_481 : vector<16xi32>
    %swap3A_483 = arith.constant 0 : i32
    %swap3A_484 = arith.index_cast %swap3A_483 : i32 to index
    %swap3A_485 = arith.constant 0 : index
    %swap3A_486 = tpu.vector_load %arg7[%swap3A_484, %swap3A_485] {strides = array<i32>} : memref<4x64xi32, #tpu.memory_space<vmem>>, vector<1x16xi32>,
    %swap3A_487 = vector.shape_cast %swap3A_486 : vector<1x16xi32> to vector<16xi32>
    %swap3A_488 = vector.shape_cast %shift_right_arithmetic3A_482 : vector<16xi32> to vector<1x16xi32>
    tpu.vector_store %arg7[%swap3A_484, %swap3A_485], %swap3A_488 {strides = array<i32>} : memref<4x64xi32, #tpu.memory_space<vmem>>, vector<1x16xi32>,
    %and3A_489 = arith.constant 65535 : i32
    %and3A_490 = vector.broadcast %and3A_489 : i32 to vector<16xi32>
    %and3A_491 = arith.andi %get3A_479, %and3A_490 : vector<16xi32>
    %swap3A_492 = arith.constant 0 : i32
    %swap3A_493 = arith.index_cast %swap3A_492 : i32 to index
    %swap3A_494 = arith.constant 0 : index
    %swap3A_495 = tpu.vector_load %arg8[%swap3A_493, %swap3A_494] {strides = array<i32>} : memref<4x64xi32, #tpu.memory_space<vmem>>, vector<1x16xi32>,
    %swap3A_496 = vector.shape_cast %swap3A_495 : vector<1x16xi32> to vector<16xi32>
    %swap3A_497 = vector.shape_cast %and3A_491 : vector<16xi32> to vector<1x16xi32>
    tpu.vector_store %arg8[%swap3A_493, %swap3A_494], %swap3A_497 {strides = array<i32>} : memref<4x64xi32, #tpu.memory_space<vmem>>, vector<1x16xi32>,
    %get3A_498 = arith.constant 0 : i32
    %get3A_499 = arith.index_cast %get3A_498 : i32 to index
    %get3A_500 = arith.constant 16 : index
    %get3A_501 = tpu.vector_load %arg6[%get3A_499, %get3A_500] {strides = array<i32>} : memref<80x64xi32, #tpu.memory_space<vmem>>, vector<1x16xi32>,
    %get3A_502 = vector.shape_cast %get3A_501 : vector<1x16xi32> to vector<16xi32>
    %shift_right_arithmetic3A_503 = arith.constant 16 : i32
    %shift_right_arithmetic3A_504 = vector.broadcast %shift_right_arithmetic3A_503 : i32 to vector<16xi32>
    %shift_right_arithmetic3A_505 = arith.shrsi %get3A_502, %shift_right_arithmetic3A_504 : vector<16xi32>
    %swap3A_506 = arith.constant 0 : i32
    %swap3A_507 = arith.index_cast %swap3A_506 : i32 to index
    %swap3A_508 = arith.constant 16 : index
    %swap3A_509 = tpu.vector_load %arg7[%swap3A_507, %swap3A_508] {strides = array<i32>} : memref<4x64xi32, #tpu.memory_space<vmem>>, vector<1x16xi32>,
    %swap3A_510 = vector.shape_cast %swap3A_509 : vector<1x16xi32> to vector<16xi32>
    %swap3A_511 = vector.shape_cast %shift_right_arithmetic3A_505 : vector<16xi32> to vector<1x16xi32>
    tpu.vector_store %arg7[%swap3A_507, %swap3A_508], %swap3A_511 {strides = array<i32>} : memref<4x64xi32, #tpu.memory_space<vmem>>, vector<1x16xi32>,
    %and3A_512 = arith.constant 65535 : i32
    %and3A_513 = vector.broadcast %and3A_512 : i32 to vector<16xi32>
    %and3A_514 = arith.andi %get3A_502, %and3A_513 : vector<16xi32>
    %swap3A_515 = arith.constant 0 : i32
    %swap3A_516 = arith.index_cast %swap3A_515 : i32 to index
    %swap3A_517 = arith.constant 16 : index
    %swap3A_518 = tpu.vector_load %arg8[%swap3A_516, %swap3A_517] {strides = array<i32>} : memref<4x64xi32, #tpu.memory_space<vmem>>, vector<1x16xi32>,
    %swap3A_519 = vector.shape_cast %swap3A_518 : vector<1x16xi32> to vector<16xi32>
    %swap3A_520 = vector.shape_cast %and3A_514 : vector<16xi32> to vector<1x16xi32>
    tpu.vector_store %arg8[%swap3A_516, %swap3A_517], %swap3A_520 {strides = array<i32>} : memref<4x64xi32, #tpu.memory_space<vmem>>, vector<1x16xi32>,
    %get3A_521 = arith.constant 0 : i32
    %get3A_522 = arith.index_cast %get3A_521 : i32 to index
    %get3A_523 = arith.constant 32 : index
    %get3A_524 = tpu.vector_load %arg6[%get3A_522, %get3A_523] {strides = array<i32>} : memref<80x64xi32, #tpu.memory_space<vmem>>, vector<1x16xi32>,
    %get3A_525 = vector.shape_cast %get3A_524 : vector<1x16xi32> to vector<16xi32>
    %shift_right_arithmetic3A_526 = arith.constant 16 : i32
    %shift_right_arithmetic3A_527 = vector.broadcast %shift_right_arithmetic3A_526 : i32 to vector<16xi32>
    %shift_right_arithmetic3A_528 = arith.shrsi %get3A_525, %shift_right_arithmetic3A_527 : vector<16xi32>
    %swap3A_529 = arith.constant 0 : i32
    %swap3A_530 = arith.index_cast %swap3A_529 : i32 to index
    %swap3A_531 = arith.constant 32 : index
    %swap3A_532 = tpu.vector_load %arg7[%swap3A_530, %swap3A_531] {strides = array<i32>} : memref<4x64xi32, #tpu.memory_space<vmem>>, vector<1x16xi32>,
    %swap3A_533 = vector.shape_cast %swap3A_532 : vector<1x16xi32> to vector<16xi32>
    %swap3A_534 = vector.shape_cast %shift_right_arithmetic3A_528 : vector<16xi32> to vector<1x16xi32>
    tpu.vector_store %arg7[%swap3A_530, %swap3A_531], %swap3A_534 {strides = array<i32>} : memref<4x64xi32, #tpu.memory_space<vmem>>, vector<1x16xi32>,
    %and3A_535 = arith.constant 65535 : i32
    %and3A_536 = vector.broadcast %and3A_535 : i32 to vector<16xi32>
    %and3A_537 = arith.andi %get3A_525, %and3A_536 : vector<16xi32>
    %swap3A_538 = arith.constant 0 : i32
    %swap3A_539 = arith.index_cast %swap3A_538 : i32 to index
    %swap3A_540 = arith.constant 32 : index
    %swap3A_541 = tpu.vector_load %arg8[%swap3A_539, %swap3A_540] {strides = array<i32>} : memref<4x64xi32, #tpu.memory_space<vmem>>, vector<1x16xi32>,
    %swap3A_542 = vector.shape_cast %swap3A_541 : vector<1x16xi32> to vector<16xi32>
    %swap3A_543 = vector.shape_cast %and3A_537 : vector<16xi32> to vector<1x16xi32>
    tpu.vector_store %arg8[%swap3A_539, %swap3A_540], %swap3A_543 {strides = array<i32>} : memref<4x64xi32, #tpu.memory_space<vmem>>, vector<1x16xi32>,
    %get3A_544 = arith.constant 0 : i32
    %get3A_545 = arith.index_cast %get3A_544 : i32 to index
    %get3A_546 = arith.constant 48 : index
    %get3A_547 = tpu.vector_load %arg6[%get3A_545, %get3A_546] {strides = array<i32>} : memref<80x64xi32, #tpu.memory_space<vmem>>, vector<1x16xi32>,
    %get3A_548 = vector.shape_cast %get3A_547 : vector<1x16xi32> to vector<16xi32>
    %shift_right_arithmetic3A_549 = arith.constant 16 : i32
    %shift_right_arithmetic3A_550 = vector.broadcast %shift_right_arithmetic3A_549 : i32 to vector<16xi32>
    %shift_right_arithmetic3A_551 = arith.shrsi %get3A_548, %shift_right_arithmetic3A_550 : vector<16xi32>
    %swap3A_552 = arith.constant 0 : i32
    %swap3A_553 = arith.index_cast %swap3A_552 : i32 to index
    %swap3A_554 = arith.constant 48 : index
    %swap3A_555 = tpu.vector_load %arg7[%swap3A_553, %swap3A_554] {strides = array<i32>} : memref<4x64xi32, #tpu.memory_space<vmem>>, vector<1x16xi32>,
    %swap3A_556 = vector.shape_cast %swap3A_555 : vector<1x16xi32> to vector<16xi32>
    %swap3A_557 = vector.shape_cast %shift_right_arithmetic3A_551 : vector<16xi32> to vector<1x16xi32>
    tpu.vector_store %arg7[%swap3A_553, %swap3A_554], %swap3A_557 {strides = array<i32>} : memref<4x64xi32, #tpu.memory_space<vmem>>, vector<1x16xi32>,
    %and3A_558 = arith.constant 65535 : i32
    %and3A_559 = vector.broadcast %and3A_558 : i32 to vector<16xi32>
    %and3A_560 = arith.andi %get3A_548, %and3A_559 : vector<16xi32>
    %swap3A_561 = arith.constant 0 : i32
    %swap3A_562 = arith.index_cast %swap3A_561 : i32 to index
    %swap3A_563 = arith.constant 48 : index
    %swap3A_564 = tpu.vector_load %arg8[%swap3A_562, %swap3A_563] {strides = array<i32>} : memref<4x64xi32, #tpu.memory_space<vmem>>, vector<1x16xi32>,
    %swap3A_565 = vector.shape_cast %swap3A_564 : vector<1x16xi32> to vector<16xi32>
    %swap3A_566 = vector.shape_cast %and3A_560 : vector<16xi32> to vector<1x16xi32>
    tpu.vector_store %arg8[%swap3A_562, %swap3A_563], %swap3A_566 {strides = array<i32>} : memref<4x64xi32, #tpu.memory_space<vmem>>, vector<1x16xi32>,
    %dma_start3A_567 = arith.constant 0 : i32
    %dma_start3A_568 = arith.constant 0 : i32
    %dma_start3A_569 = arith.constant 0 : i32
    %dma_start3A_570 = arith.constant 0 : i32
    %dma_start3A_571 = tpu.memref_slice %arg9[%dma_start3A_568, %dma_start3A_569, %dma_start3A_570] : memref<4x64x128xf32, #tpu.memory_space<vmem>> -> memref<1x64x128xf32, #tpu.memory_space<vmem>>
    %dma_start3A_572 = tpu.memref_squeeze %dma_start3A_571 : memref<1x64x128xf32, #tpu.memory_space<vmem>> -> memref<64x128xf32, #tpu.memory_space<vmem>>
    %dma_start3A_573 = arith.constant 0 : i32
    %dma_start3A_574 = tpu.memref_slice %arg7[%dma_start3A_567, %dma_start3A_573] : memref<4x64xi32, #tpu.memory_space<vmem>> -> memref<1x64xi32, #tpu.memory_space<vmem>>
    %dma_start3A_575 = tpu.memref_squeeze %dma_start3A_574 : memref<1x64xi32, #tpu.memory_space<vmem>> -> memref<64xi32, #tpu.memory_space<vmem>>
    %dma_start3A_576 = arith.constant 0 : i32
    %dma_start3A_577 = arith.constant 0 : i32
    %dma_start3A_578 = tpu.memref_slice %arg3[%dma_start3A_576, %dma_start3A_577] : memref<10000x128xf32, #tpu.memory_space<hbm>> -> memref<10000x128xf32, #tpu.memory_space<hbm>>
    tpu.enqueue_indirect_dma source(%dma_start3A_578 : memref<10000x128xf32, #tpu.memory_space<hbm>>) target(%dma_start3A_572 : memref<64x128xf32, #tpu.memory_space<vmem>>) offsets(%dma_start3A_575 : memref<64xi32, #tpu.memory_space<vmem>>) semaphore(%arg11 : memref<!tpu.dma_semaphore, #tpu.memory_space<semaphore_mem>>)
    %get3A_579 = arith.constant 1 : i32
    %get3A_580 = arith.index_cast %get3A_579 : i32 to index
    %get3A_581 = arith.constant 0 : index
    %get3A_582 = tpu.vector_load %arg6[%get3A_580, %get3A_581] {strides = array<i32>} : memref<80x64xi32, #tpu.memory_space<vmem>>, vector<1x16xi32>,
    %get3A_583 = vector.shape_cast %get3A_582 : vector<1x16xi32> to vector<16xi32>
    %shift_right_arithmetic3A_584 = arith.constant 16 : i32
    %shift_right_arithmetic3A_585 = vector.broadcast %shift_right_arithmetic3A_584 : i32 to vector<16xi32>
    %shift_right_arithmetic3A_586 = arith.shrsi %get3A_583, %shift_right_arithmetic3A_585 : vector<16xi32>
    %swap3A_587 = arith.constant 1 : i32
    %swap3A_588 = arith.index_cast %swap3A_587 : i32 to index
    %swap3A_589 = arith.constant 0 : index
    %swap3A_590 = tpu.vector_load %arg7[%swap3A_588, %swap3A_589] {strides = array<i32>} : memref<4x64xi32, #tpu.memory_space<vmem>>, vector<1x16xi32>,
    %swap3A_591 = vector.shape_cast %swap3A_590 : vector<1x16xi32> to vector<16xi32>
    %swap3A_592 = vector.shape_cast %shift_right_arithmetic3A_586 : vector<16xi32> to vector<1x16xi32>
    tpu.vector_store %arg7[%swap3A_588, %swap3A_589], %swap3A_592 {strides = array<i32>} : memref<4x64xi32, #tpu.memory_space<vmem>>, vector<1x16xi32>,
    %and3A_593 = arith.constant 65535 : i32
    %and3A_594 = vector.broadcast %and3A_593 : i32 to vector<16xi32>
    %and3A_595 = arith.andi %get3A_583, %and3A_594 : vector<16xi32>
    %swap3A_596 = arith.constant 1 : i32
    %swap3A_597 = arith.index_cast %swap3A_596 : i32 to index
    %swap3A_598 = arith.constant 0 : index
    %swap3A_599 = tpu.vector_load %arg8[%swap3A_597, %swap3A_598] {strides = array<i32>} : memref<4x64xi32, #tpu.memory_space<vmem>>, vector<1x16xi32>,
    %swap3A_600 = vector.shape_cast %swap3A_599 : vector<1x16xi32> to vector<16xi32>
    %swap3A_601 = vector.shape_cast %and3A_595 : vector<16xi32> to vector<1x16xi32>
    tpu.vector_store %arg8[%swap3A_597, %swap3A_598], %swap3A_601 {strides = array<i32>} : memref<4x64xi32, #tpu.memory_space<vmem>>, vector<1x16xi32>,
    %get3A_602 = arith.constant 1 : i32
    %get3A_603 = arith.index_cast %get3A_602 : i32 to index
    %get3A_604 = arith.constant 16 : index
    %get3A_605 = tpu.vector_load %arg6[%get3A_603, %get3A_604] {strides = array<i32>} : memref<80x64xi32, #tpu.memory_space<vmem>>, vector<1x16xi32>,
    %get3A_606 = vector.shape_cast %get3A_605 : vector<1x16xi32> to vector<16xi32>
    %shift_right_arithmetic3A_607 = arith.constant 16 : i32
    %shift_right_arithmetic3A_608 = vector.broadcast %shift_right_arithmetic3A_607 : i32 to vector<16xi32>
    %shift_right_arithmetic3A_609 = arith.shrsi %get3A_606, %shift_right_arithmetic3A_608 : vector<16xi32>
    %swap3A_610 = arith.constant 1 : i32
    %swap3A_611 = arith.index_cast %swap3A_610 : i32 to index
    %swap3A_612 = arith.constant 16 : index
    %swap3A_613 = tpu.vector_load %arg7[%swap3A_611, %swap3A_612] {strides = array<i32>} : memref<4x64xi32, #tpu.memory_space<vmem>>, vector<1x16xi32>,
    %swap3A_614 = vector.shape_cast %swap3A_613 : vector<1x16xi32> to vector<16xi32>
    %swap3A_615 = vector.shape_cast %shift_right_arithmetic3A_609 : vector<16xi32> to vector<1x16xi32>
    tpu.vector_store %arg7[%swap3A_611, %swap3A_612], %swap3A_615 {strides = array<i32>} : memref<4x64xi32, #tpu.memory_space<vmem>>, vector<1x16xi32>,
    %and3A_616 = arith.constant 65535 : i32
    %and3A_617 = vector.broadcast %and3A_616 : i32 to vector<16xi32>
    %and3A_618 = arith.andi %get3A_606, %and3A_617 : vector<16xi32>
    %swap3A_619 = arith.constant 1 : i32
    %swap3A_620 = arith.index_cast %swap3A_619 : i32 to index
    %swap3A_621 = arith.constant 16 : index
    %swap3A_622 = tpu.vector_load %arg8[%swap3A_620, %swap3A_621] {strides = array<i32>} : memref<4x64xi32, #tpu.memory_space<vmem>>, vector<1x16xi32>,
    %swap3A_623 = vector.shape_cast %swap3A_622 : vector<1x16xi32> to vector<16xi32>
    %swap3A_624 = vector.shape_cast %and3A_618 : vector<16xi32> to vector<1x16xi32>
    tpu.vector_store %arg8[%swap3A_620, %swap3A_621], %swap3A_624 {strides = array<i32>} : memref<4x64xi32, #tpu.memory_space<vmem>>, vector<1x16xi32>,
    %get3A_625 = arith.constant 1 : i32
    %get3A_626 = arith.index_cast %get3A_625 : i32 to index
    %get3A_627 = arith.constant 32 : index
    %get3A_628 = tpu.vector_load %arg6[%get3A_626, %get3A_627] {strides = array<i32>} : memref<80x64xi32, #tpu.memory_space<vmem>>, vector<1x16xi32>,
    %get3A_629 = vector.shape_cast %get3A_628 : vector<1x16xi32> to vector<16xi32>
    %shift_right_arithmetic3A_630 = arith.constant 16 : i32
    %shift_right_arithmetic3A_631 = vector.broadcast %shift_right_arithmetic3A_630 : i32 to vector<16xi32>
    %shift_right_arithmetic3A_632 = arith.shrsi %get3A_629, %shift_right_arithmetic3A_631 : vector<16xi32>
    %swap3A_633 = arith.constant 1 : i32
    %swap3A_634 = arith.index_cast %swap3A_633 : i32 to index
    %swap3A_635 = arith.constant 32 : index
    %swap3A_636 = tpu.vector_load %arg7[%swap3A_634, %swap3A_635] {strides = array<i32>} : memref<4x64xi32, #tpu.memory_space<vmem>>, vector<1x16xi32>,
    %swap3A_637 = vector.shape_cast %swap3A_636 : vector<1x16xi32> to vector<16xi32>
    %swap3A_638 = vector.shape_cast %shift_right_arithmetic3A_632 : vector<16xi32> to vector<1x16xi32>
    tpu.vector_store %arg7[%swap3A_634, %swap3A_635], %swap3A_638 {strides = array<i32>} : memref<4x64xi32, #tpu.memory_space<vmem>>, vector<1x16xi32>,
    %and3A_639 = arith.constant 65535 : i32
    %and3A_640 = vector.broadcast %and3A_639 : i32 to vector<16xi32>
    %and3A_641 = arith.andi %get3A_629, %and3A_640 : vector<16xi32>
    %swap3A_642 = arith.constant 1 : i32
    %swap3A_643 = arith.index_cast %swap3A_642 : i32 to index
    %swap3A_644 = arith.constant 32 : index
    %swap3A_645 = tpu.vector_load %arg8[%swap3A_643, %swap3A_644] {strides = array<i32>} : memref<4x64xi32, #tpu.memory_space<vmem>>, vector<1x16xi32>,
    %swap3A_646 = vector.shape_cast %swap3A_645 : vector<1x16xi32> to vector<16xi32>
    %swap3A_647 = vector.shape_cast %and3A_641 : vector<16xi32> to vector<1x16xi32>
    tpu.vector_store %arg8[%swap3A_643, %swap3A_644], %swap3A_647 {strides = array<i32>} : memref<4x64xi32, #tpu.memory_space<vmem>>, vector<1x16xi32>,
    %get3A_648 = arith.constant 1 : i32
    %get3A_649 = arith.index_cast %get3A_648 : i32 to index
    %get3A_650 = arith.constant 48 : index
    %get3A_651 = tpu.vector_load %arg6[%get3A_649, %get3A_650] {strides = array<i32>} : memref<80x64xi32, #tpu.memory_space<vmem>>, vector<1x16xi32>,
    %get3A_652 = vector.shape_cast %get3A_651 : vector<1x16xi32> to vector<16xi32>
    %shift_right_arithmetic3A_653 = arith.constant 16 : i32
    %shift_right_arithmetic3A_654 = vector.broadcast %shift_right_arithmetic3A_653 : i32 to vector<16xi32>
    %shift_right_arithmetic3A_655 = arith.shrsi %get3A_652, %shift_right_arithmetic3A_654 : vector<16xi32>
    %swap3A_656 = arith.constant 1 : i32
    %swap3A_657 = arith.index_cast %swap3A_656 : i32 to index
    %swap3A_658 = arith.constant 48 : index
    %swap3A_659 = tpu.vector_load %arg7[%swap3A_657, %swap3A_658] {strides = array<i32>} : memref<4x64xi32, #tpu.memory_space<vmem>>, vector<1x16xi32>,
    %swap3A_660 = vector.shape_cast %swap3A_659 : vector<1x16xi32> to vector<16xi32>
    %swap3A_661 = vector.shape_cast %shift_right_arithmetic3A_655 : vector<16xi32> to vector<1x16xi32>
    tpu.vector_store %arg7[%swap3A_657, %swap3A_658], %swap3A_661 {strides = array<i32>} : memref<4x64xi32, #tpu.memory_space<vmem>>, vector<1x16xi32>,
    %and3A_662 = arith.constant 65535 : i32
    %and3A_663 = vector.broadcast %and3A_662 : i32 to vector<16xi32>
    %and3A_664 = arith.andi %get3A_652, %and3A_663 : vector<16xi32>
    %swap3A_665 = arith.constant 1 : i32
    %swap3A_666 = arith.index_cast %swap3A_665 : i32 to index
    %swap3A_667 = arith.constant 48 : index
    %swap3A_668 = tpu.vector_load %arg8[%swap3A_666, %swap3A_667] {strides = array<i32>} : memref<4x64xi32, #tpu.memory_space<vmem>>, vector<1x16xi32>,
    %swap3A_669 = vector.shape_cast %swap3A_668 : vector<1x16xi32> to vector<16xi32>
    %swap3A_670 = vector.shape_cast %and3A_664 : vector<16xi32> to vector<1x16xi32>
    tpu.vector_store %arg8[%swap3A_666, %swap3A_667], %swap3A_670 {strides = array<i32>} : memref<4x64xi32, #tpu.memory_space<vmem>>, vector<1x16xi32>,
    %dma_start3A_671 = arith.constant 1 : i32
    %dma_start3A_672 = arith.constant 1 : i32
    %dma_start3A_673 = arith.constant 0 : i32
    %dma_start3A_674 = arith.constant 0 : i32
    %dma_start3A_675 = tpu.memref_slice %arg9[%dma_start3A_672, %dma_start3A_673, %dma_start3A_674] : memref<4x64x128xf32, #tpu.memory_space<vmem>> -> memref<1x64x128xf32, #tpu.memory_space<vmem>>
    %dma_start3A_676 = tpu.memref_squeeze %dma_start3A_675 : memref<1x64x128xf32, #tpu.memory_space<vmem>> -> memref<64x128xf32, #tpu.memory_space<vmem>>
    %dma_start3A_677 = arith.constant 0 : i32
    %dma_start3A_678 = tpu.memref_slice %arg7[%dma_start3A_671, %dma_start3A_677] : memref<4x64xi32, #tpu.memory_space<vmem>> -> memref<1x64xi32, #tpu.memory_space<vmem>>
    %dma_start3A_679 = tpu.memref_squeeze %dma_start3A_678 : memref<1x64xi32, #tpu.memory_space<vmem>> -> memref<64xi32, #tpu.memory_space<vmem>>
    %dma_start3A_680 = arith.constant 0 : i32
    %dma_start3A_681 = arith.constant 0 : i32
    %dma_start3A_682 = tpu.memref_slice %arg3[%dma_start3A_680, %dma_start3A_681] : memref<10000x128xf32, #tpu.memory_space<hbm>> -> memref<10000x128xf32, #tpu.memory_space<hbm>>
    tpu.enqueue_indirect_dma source(%dma_start3A_682 : memref<10000x128xf32, #tpu.memory_space<hbm>>) target(%dma_start3A_676 : memref<64x128xf32, #tpu.memory_space<vmem>>) offsets(%dma_start3A_679 : memref<64xi32, #tpu.memory_space<vmem>>) semaphore(%arg12 : memref<!tpu.dma_semaphore, #tpu.memory_space<semaphore_mem>>)
    %get3A_683 = arith.constant 2 : i32
    %get3A_684 = arith.index_cast %get3A_683 : i32 to index
    %get3A_685 = arith.constant 0 : index
    %get3A_686 = tpu.vector_load %arg6[%get3A_684, %get3A_685] {strides = array<i32>} : memref<80x64xi32, #tpu.memory_space<vmem>>, vector<1x16xi32>,
    %get3A_687 = vector.shape_cast %get3A_686 : vector<1x16xi32> to vector<16xi32>
    %shift_right_arithmetic3A_688 = arith.constant 16 : i32
    %shift_right_arithmetic3A_689 = vector.broadcast %shift_right_arithmetic3A_688 : i32 to vector<16xi32>
    %shift_right_arithmetic3A_690 = arith.shrsi %get3A_687, %shift_right_arithmetic3A_689 : vector<16xi32>
    %swap3A_691 = arith.constant 2 : i32
    %swap3A_692 = arith.index_cast %swap3A_691 : i32 to index
    %swap3A_693 = arith.constant 0 : index
    %swap3A_694 = tpu.vector_load %arg7[%swap3A_692, %swap3A_693] {strides = array<i32>} : memref<4x64xi32, #tpu.memory_space<vmem>>, vector<1x16xi32>,
    %swap3A_695 = vector.shape_cast %swap3A_694 : vector<1x16xi32> to vector<16xi32>
    %swap3A_696 = vector.shape_cast %shift_right_arithmetic3A_690 : vector<16xi32> to vector<1x16xi32>
    tpu.vector_store %arg7[%swap3A_692, %swap3A_693], %swap3A_696 {strides = array<i32>} : memref<4x64xi32, #tpu.memory_space<vmem>>, vector<1x16xi32>,
    %and3A_697 = arith.constant 65535 : i32
    %and3A_698 = vector.broadcast %and3A_697 : i32 to vector<16xi32>
    %and3A_699 = arith.andi %get3A_687, %and3A_698 : vector<16xi32>
    %swap3A_700 = arith.constant 2 : i32
    %swap3A_701 = arith.index_cast %swap3A_700 : i32 to index
    %swap3A_702 = arith.constant 0 : index
    %swap3A_703 = tpu.vector_load %arg8[%swap3A_701, %swap3A_702] {strides = array<i32>} : memref<4x64xi32, #tpu.memory_space<vmem>>, vector<1x16xi32>,
    %swap3A_704 = vector.shape_cast %swap3A_703 : vector<1x16xi32> to vector<16xi32>
    %swap3A_705 = vector.shape_cast %and3A_699 : vector<16xi32> to vector<1x16xi32>
    tpu.vector_store %arg8[%swap3A_701, %swap3A_702], %swap3A_705 {strides = array<i32>} : memref<4x64xi32, #tpu.memory_space<vmem>>, vector<1x16xi32>,
    %get3A_706 = arith.constant 2 : i32
    %get3A_707 = arith.index_cast %get3A_706 : i32 to index
    %get3A_708 = arith.constant 16 : index
    %get3A_709 = tpu.vector_load %arg6[%get3A_707, %get3A_708] {strides = array<i32>} : memref<80x64xi32, #tpu.memory_space<vmem>>, vector<1x16xi32>,
    %get3A_710 = vector.shape_cast %get3A_709 : vector<1x16xi32> to vector<16xi32>
    %shift_right_arithmetic3A_711 = arith.constant 16 : i32
    %shift_right_arithmetic3A_712 = vector.broadcast %shift_right_arithmetic3A_711 : i32 to vector<16xi32>
    %shift_right_arithmetic3A_713 = arith.shrsi %get3A_710, %shift_right_arithmetic3A_712 : vector<16xi32>
    %swap3A_714 = arith.constant 2 : i32
    %swap3A_715 = arith.index_cast %swap3A_714 : i32 to index
    %swap3A_716 = arith.constant 16 : index
    %swap3A_717 = tpu.vector_load %arg7[%swap3A_715, %swap3A_716] {strides = array<i32>} : memref<4x64xi32, #tpu.memory_space<vmem>>, vector<1x16xi32>,
    %swap3A_718 = vector.shape_cast %swap3A_717 : vector<1x16xi32> to vector<16xi32>
    %swap3A_719 = vector.shape_cast %shift_right_arithmetic3A_713 : vector<16xi32> to vector<1x16xi32>
    tpu.vector_store %arg7[%swap3A_715, %swap3A_716], %swap3A_719 {strides = array<i32>} : memref<4x64xi32, #tpu.memory_space<vmem>>, vector<1x16xi32>,
    %and3A_720 = arith.constant 65535 : i32
    %and3A_721 = vector.broadcast %and3A_720 : i32 to vector<16xi32>
    %and3A_722 = arith.andi %get3A_710, %and3A_721 : vector<16xi32>
    %swap3A_723 = arith.constant 2 : i32
    %swap3A_724 = arith.index_cast %swap3A_723 : i32 to index
    %swap3A_725 = arith.constant 16 : index
    %swap3A_726 = tpu.vector_load %arg8[%swap3A_724, %swap3A_725] {strides = array<i32>} : memref<4x64xi32, #tpu.memory_space<vmem>>, vector<1x16xi32>,
    %swap3A_727 = vector.shape_cast %swap3A_726 : vector<1x16xi32> to vector<16xi32>
    %swap3A_728 = vector.shape_cast %and3A_722 : vector<16xi32> to vector<1x16xi32>
    tpu.vector_store %arg8[%swap3A_724, %swap3A_725], %swap3A_728 {strides = array<i32>} : memref<4x64xi32, #tpu.memory_space<vmem>>, vector<1x16xi32>,
    %get3A_729 = arith.constant 2 : i32
    %get3A_730 = arith.index_cast %get3A_729 : i32 to index
    %get3A_731 = arith.constant 32 : index
    %get3A_732 = tpu.vector_load %arg6[%get3A_730, %get3A_731] {strides = array<i32>} : memref<80x64xi32, #tpu.memory_space<vmem>>, vector<1x16xi32>,
    %get3A_733 = vector.shape_cast %get3A_732 : vector<1x16xi32> to vector<16xi32>
    %shift_right_arithmetic3A_734 = arith.constant 16 : i32
    %shift_right_arithmetic3A_735 = vector.broadcast %shift_right_arithmetic3A_734 : i32 to vector<16xi32>
    %shift_right_arithmetic3A_736 = arith.shrsi %get3A_733, %shift_right_arithmetic3A_735 : vector<16xi32>
    %swap3A_737 = arith.constant 2 : i32
    %swap3A_738 = arith.index_cast %swap3A_737 : i32 to index
    %swap3A_739 = arith.constant 32 : index
    %swap3A_740 = tpu.vector_load %arg7[%swap3A_738, %swap3A_739] {strides = array<i32>} : memref<4x64xi32, #tpu.memory_space<vmem>>, vector<1x16xi32>,
    %swap3A_741 = vector.shape_cast %swap3A_740 : vector<1x16xi32> to vector<16xi32>
    %swap3A_742 = vector.shape_cast %shift_right_arithmetic3A_736 : vector<16xi32> to vector<1x16xi32>
    tpu.vector_store %arg7[%swap3A_738, %swap3A_739], %swap3A_742 {strides = array<i32>} : memref<4x64xi32, #tpu.memory_space<vmem>>, vector<1x16xi32>,
    %and3A_743 = arith.constant 65535 : i32
    %and3A_744 = vector.broadcast %and3A_743 : i32 to vector<16xi32>
    %and3A_745 = arith.andi %get3A_733, %and3A_744 : vector<16xi32>
    %swap3A_746 = arith.constant 2 : i32
    %swap3A_747 = arith.index_cast %swap3A_746 : i32 to index
    %swap3A_748 = arith.constant 32 : index
    %swap3A_749 = tpu.vector_load %arg8[%swap3A_747, %swap3A_748] {strides = array<i32>} : memref<4x64xi32, #tpu.memory_space<vmem>>, vector<1x16xi32>,
    %swap3A_750 = vector.shape_cast %swap3A_749 : vector<1x16xi32> to vector<16xi32>
    %swap3A_751 = vector.shape_cast %and3A_745 : vector<16xi32> to vector<1x16xi32>
    tpu.vector_store %arg8[%swap3A_747, %swap3A_748], %swap3A_751 {strides = array<i32>} : memref<4x64xi32, #tpu.memory_space<vmem>>, vector<1x16xi32>,
    %get3A_752 = arith.constant 2 : i32
    %get3A_753 = arith.index_cast %get3A_752 : i32 to index
    %get3A_754 = arith.constant 48 : index
    %get3A_755 = tpu.vector_load %arg6[%get3A_753, %get3A_754] {strides = array<i32>} : memref<80x64xi32, #tpu.memory_space<vmem>>, vector<1x16xi32>,
    %get3A_756 = vector.shape_cast %get3A_755 : vector<1x16xi32> to vector<16xi32>
    %shift_right_arithmetic3A_757 = arith.constant 16 : i32
    %shift_right_arithmetic3A_758 = vector.broadcast %shift_right_arithmetic3A_757 : i32 to vector<16xi32>
    %shift_right_arithmetic3A_759 = arith.shrsi %get3A_756, %shift_right_arithmetic3A_758 : vector<16xi32>
    %swap3A_760 = arith.constant 2 : i32
    %swap3A_761 = arith.index_cast %swap3A_760 : i32 to index
    %swap3A_762 = arith.constant 48 : index
    %swap3A_763 = tpu.vector_load %arg7[%swap3A_761, %swap3A_762] {strides = array<i32>} : memref<4x64xi32, #tpu.memory_space<vmem>>, vector<1x16xi32>,
    %swap3A_764 = vector.shape_cast %swap3A_763 : vector<1x16xi32> to vector<16xi32>
    %swap3A_765 = vector.shape_cast %shift_right_arithmetic3A_759 : vector<16xi32> to vector<1x16xi32>
    tpu.vector_store %arg7[%swap3A_761, %swap3A_762], %swap3A_765 {strides = array<i32>} : memref<4x64xi32, #tpu.memory_space<vmem>>, vector<1x16xi32>,
    %and3A_766 = arith.constant 65535 : i32
    %and3A_767 = vector.broadcast %and3A_766 : i32 to vector<16xi32>
    %and3A_768 = arith.andi %get3A_756, %and3A_767 : vector<16xi32>
    %swap3A_769 = arith.constant 2 : i32
    %swap3A_770 = arith.index_cast %swap3A_769 : i32 to index
    %swap3A_771 = arith.constant 48 : index
    %swap3A_772 = tpu.vector_load %arg8[%swap3A_770, %swap3A_771] {strides = array<i32>} : memref<4x64xi32, #tpu.memory_space<vmem>>, vector<1x16xi32>,
    %swap3A_773 = vector.shape_cast %swap3A_772 : vector<1x16xi32> to vector<16xi32>
    %swap3A_774 = vector.shape_cast %and3A_768 : vector<16xi32> to vector<1x16xi32>
    tpu.vector_store %arg8[%swap3A_770, %swap3A_771], %swap3A_774 {strides = array<i32>} : memref<4x64xi32, #tpu.memory_space<vmem>>, vector<1x16xi32>,
    %dma_start3A_775 = arith.constant 2 : i32
    %dma_start3A_776 = arith.constant 2 : i32
    %dma_start3A_777 = arith.constant 0 : i32
    %dma_start3A_778 = arith.constant 0 : i32
    %dma_start3A_779 = tpu.memref_slice %arg9[%dma_start3A_776, %dma_start3A_777, %dma_start3A_778] : memref<4x64x128xf32, #tpu.memory_space<vmem>> -> memref<1x64x128xf32, #tpu.memory_space<vmem>>
    %dma_start3A_780 = tpu.memref_squeeze %dma_start3A_779 : memref<1x64x128xf32, #tpu.memory_space<vmem>> -> memref<64x128xf32, #tpu.memory_space<vmem>>
    %dma_start3A_781 = arith.constant 0 : i32
    %dma_start3A_782 = tpu.memref_slice %arg7[%dma_start3A_775, %dma_start3A_781] : memref<4x64xi32, #tpu.memory_space<vmem>> -> memref<1x64xi32, #tpu.memory_space<vmem>>
    %dma_start3A_783 = tpu.memref_squeeze %dma_start3A_782 : memref<1x64xi32, #tpu.memory_space<vmem>> -> memref<64xi32, #tpu.memory_space<vmem>>
    %dma_start3A_784 = arith.constant 0 : i32
    %dma_start3A_785 = arith.constant 0 : i32
    %dma_start3A_786 = tpu.memref_slice %arg3[%dma_start3A_784, %dma_start3A_785] : memref<10000x128xf32, #tpu.memory_space<hbm>> -> memref<10000x128xf32, #tpu.memory_space<hbm>>
    tpu.enqueue_indirect_dma source(%dma_start3A_786 : memref<10000x128xf32, #tpu.memory_space<hbm>>) target(%dma_start3A_780 : memref<64x128xf32, #tpu.memory_space<vmem>>) offsets(%dma_start3A_783 : memref<64xi32, #tpu.memory_space<vmem>>) semaphore(%arg13 : memref<!tpu.dma_semaphore, #tpu.memory_space<semaphore_mem>>)
    %scan3A_787 = arith.constant 0 : i32
    %scan3A_788 = arith.constant 0 : i32
    %scan3A_789 = arith.constant 19 : i32
    %scan3A_790 = arith.addi %scan3A_788, %scan3A_789 : i32
    %scan3A_791 = arith.constant 1 : i32
    scf.for %scan3A_958 = %scan3A_788 to %scan3A_790 step %scan3A_791  : i32 {
      %mul3A_959 = arith.constant 4 : i32
      %mul3A_960 = arith.muli %mul3A_959, %scan3A_958 : i32
      %add3A_961 = arith.constant 0 : i32
      %add3A_962 = arith.addi %mul3A_960, %add3A_961 : i32
      %add3A_963 = arith.constant 4 : i32
      %add3A_964 = arith.addi %add3A_962, %add3A_963 : i32
      %sub3A = arith.constant 1 : i32
      %sub3A_965 = arith.subi %add3A_964, %sub3A : i32
      %dma_wait3A_966 = arith.constant 0 : i32
      %dma_wait3A_967 = arith.constant 0 : i32
      %dma_wait3A_968 = arith.constant 0 : i32
      %dma_wait3A_969 = arith.constant 0 : i32
      %dma_wait3A_970 = tpu.memref_slice %arg9[%dma_wait3A_967, %dma_wait3A_968, %dma_wait3A_969] : memref<4x64x128xf32, #tpu.memory_space<vmem>> -> memref<1x64x128xf32, #tpu.memory_space<vmem>>
      %dma_wait3A_971 = tpu.memref_squeeze %dma_wait3A_970 : memref<1x64x128xf32, #tpu.memory_space<vmem>> -> memref<64x128xf32, #tpu.memory_space<vmem>>
      %dma_wait3A_972 = arith.constant 0 : i32
      %dma_wait3A_973 = tpu.memref_slice %arg7[%dma_wait3A_966, %dma_wait3A_972] : memref<4x64xi32, #tpu.memory_space<vmem>> -> memref<1x64xi32, #tpu.memory_space<vmem>>
      %dma_wait3A_974 = tpu.memref_squeeze %dma_wait3A_973 : memref<1x64xi32, #tpu.memory_space<vmem>> -> memref<64xi32, #tpu.memory_space<vmem>>
      %dma_wait3A_975 = arith.constant 0 : i32
      %dma_wait3A_976 = arith.constant 0 : i32
      %dma_wait3A_977 = tpu.memref_slice %arg3[%dma_wait3A_975, %dma_wait3A_976] : memref<10000x128xf32, #tpu.memory_space<hbm>> -> memref<10000x128xf32, #tpu.memory_space<hbm>>
      tpu.wait_indirect_dma semaphore(%arg11 : memref<!tpu.dma_semaphore, #tpu.memory_space<semaphore_mem>>) src(%dma_wait3A_977 : memref<10000x128xf32, #tpu.memory_space<hbm>>) dst(%dma_wait3A_971 : memref<64x128xf32, #tpu.memory_space<vmem>>)
      %get3A_978 = arith.index_cast %sub3A_965 : i32 to index
      %get3A_979 = arith.constant 0 : index
      %get3A_980 = tpu.vector_load %arg6[%get3A_978, %get3A_979] {strides = array<i32>} : memref<80x64xi32, #tpu.memory_space<vmem>>, vector<1x16xi32>,
      %get3A_981 = vector.shape_cast %get3A_980 : vector<1x16xi32> to vector<16xi32>
      %shift_right_arithmetic3A_982 = arith.constant 16 : i32
      %shift_right_arithmetic3A_983 = vector.broadcast %shift_right_arithmetic3A_982 : i32 to vector<16xi32>
      %shift_right_arithmetic3A_984 = arith.shrsi %get3A_981, %shift_right_arithmetic3A_983 : vector<16xi32>
      %swap3A_985 = arith.constant 3 : i32
      %swap3A_986 = arith.index_cast %swap3A_985 : i32 to index
      %swap3A_987 = arith.constant 0 : index
      %swap3A_988 = tpu.vector_load %arg7[%swap3A_986, %swap3A_987] {strides = array<i32>} : memref<4x64xi32, #tpu.memory_space<vmem>>, vector<1x16xi32>,
      %swap3A_989 = vector.shape_cast %swap3A_988 : vector<1x16xi32> to vector<16xi32>
      %swap3A_990 = vector.shape_cast %shift_right_arithmetic3A_984 : vector<16xi32> to vector<1x16xi32>
      tpu.vector_store %arg7[%swap3A_986, %swap3A_987], %swap3A_990 {strides = array<i32>} : memref<4x64xi32, #tpu.memory_space<vmem>>, vector<1x16xi32>,
      %and3A_991 = arith.constant 65535 : i32
      %and3A_992 = vector.broadcast %and3A_991 : i32 to vector<16xi32>
      %and3A_993 = arith.andi %get3A_981, %and3A_992 : vector<16xi32>
      %swap3A_994 = arith.constant 3 : i32
      %swap3A_995 = arith.index_cast %swap3A_994 : i32 to index
      %swap3A_996 = arith.constant 0 : index
      %swap3A_997 = tpu.vector_load %arg8[%swap3A_995, %swap3A_996] {strides = array<i32>} : memref<4x64xi32, #tpu.memory_space<vmem>>, vector<1x16xi32>,
      %swap3A_998 = vector.shape_cast %swap3A_997 : vector<1x16xi32> to vector<16xi32>
      %swap3A_999 = vector.shape_cast %and3A_993 : vector<16xi32> to vector<1x16xi32>
      tpu.vector_store %arg8[%swap3A_995, %swap3A_996], %swap3A_999 {strides = array<i32>} : memref<4x64xi32, #tpu.memory_space<vmem>>, vector<1x16xi32>,
      %get3A_1000 = arith.index_cast %sub3A_965 : i32 to index
      %get3A_1001 = arith.constant 16 : index
      %get3A_1002 = tpu.vector_load %arg6[%get3A_1000, %get3A_1001] {strides = array<i32>} : memref<80x64xi32, #tpu.memory_space<vmem>>, vector<1x16xi32>,
      %get3A_1003 = vector.shape_cast %get3A_1002 : vector<1x16xi32> to vector<16xi32>
      %shift_right_arithmetic3A_1004 = arith.constant 16 : i32
      %shift_right_arithmetic3A_1005 = vector.broadcast %shift_right_arithmetic3A_1004 : i32 to vector<16xi32>
      %shift_right_arithmetic3A_1006 = arith.shrsi %get3A_1003, %shift_right_arithmetic3A_1005 : vector<16xi32>
      %swap3A_1007 = arith.constant 3 : i32
      %swap3A_1008 = arith.index_cast %swap3A_1007 : i32 to index
      %swap3A_1009 = arith.constant 16 : index
      %swap3A_1010 = tpu.vector_load %arg7[%swap3A_1008, %swap3A_1009] {strides = array<i32>} : memref<4x64xi32, #tpu.memory_space<vmem>>, vector<1x16xi32>,
      %swap3A_1011 = vector.shape_cast %swap3A_1010 : vector<1x16xi32> to vector<16xi32>
      %swap3A_1012 = vector.shape_cast %shift_right_arithmetic3A_1006 : vector<16xi32> to vector<1x16xi32>
      tpu.vector_store %arg7[%swap3A_1008, %swap3A_1009], %swap3A_1012 {strides = array<i32>} : memref<4x64xi32, #tpu.memory_space<vmem>>, vector<1x16xi32>,
      %and3A_1013 = arith.constant 65535 : i32
      %and3A_1014 = vector.broadcast %and3A_1013 : i32 to vector<16xi32>
      %and3A_1015 = arith.andi %get3A_1003, %and3A_1014 : vector<16xi32>
      %swap3A_1016 = arith.constant 3 : i32
      %swap3A_1017 = arith.index_cast %swap3A_1016 : i32 to index
      %swap3A_1018 = arith.constant 16 : index
      %swap3A_1019 = tpu.vector_load %arg8[%swap3A_1017, %swap3A_1018] {strides = array<i32>} : memref<4x64xi32, #tpu.memory_space<vmem>>, vector<1x16xi32>,
      %swap3A_1020 = vector.shape_cast %swap3A_1019 : vector<1x16xi32> to vector<16xi32>
      %swap3A_1021 = vector.shape_cast %and3A_1015 : vector<16xi32> to vector<1x16xi32>
      tpu.vector_store %arg8[%swap3A_1017, %swap3A_1018], %swap3A_1021 {strides = array<i32>} : memref<4x64xi32, #tpu.memory_space<vmem>>, vector<1x16xi32>,
      %get3A_1022 = arith.index_cast %sub3A_965 : i32 to index
      %get3A_1023 = arith.constant 32 : index
      %get3A_1024 = tpu.vector_load %arg6[%get3A_1022, %get3A_1023] {strides = array<i32>} : memref<80x64xi32, #tpu.memory_space<vmem>>, vector<1x16xi32>,
      %get3A_1025 = vector.shape_cast %get3A_1024 : vector<1x16xi32> to vector<16xi32>
      %shift_right_arithmetic3A_1026 = arith.constant 16 : i32
      %shift_right_arithmetic3A_1027 = vector.broadcast %shift_right_arithmetic3A_1026 : i32 to vector<16xi32>
      %shift_right_arithmetic3A_1028 = arith.shrsi %get3A_1025, %shift_right_arithmetic3A_1027 : vector<16xi32>
      %swap3A_1029 = arith.constant 3 : i32
      %swap3A_1030 = arith.index_cast %swap3A_1029 : i32 to index
      %swap3A_1031 = arith.constant 32 : index
      %swap3A_1032 = tpu.vector_load %arg7[%swap3A_1030, %swap3A_1031] {strides = array<i32>} : memref<4x64xi32, #tpu.memory_space<vmem>>, vector<1x16xi32>,
      %swap3A_1033 = vector.shape_cast %swap3A_1032 : vector<1x16xi32> to vector<16xi32>
      %swap3A_1034 = vector.shape_cast %shift_right_arithmetic3A_1028 : vector<16xi32> to vector<1x16xi32>
      tpu.vector_store %arg7[%swap3A_1030, %swap3A_1031], %swap3A_1034 {strides = array<i32>} : memref<4x64xi32, #tpu.memory_space<vmem>>, vector<1x16xi32>,
      %and3A_1035 = arith.constant 65535 : i32
      %and3A_1036 = vector.broadcast %and3A_1035 : i32 to vector<16xi32>
      %and3A_1037 = arith.andi %get3A_1025, %and3A_1036 : vector<16xi32>
      %swap3A_1038 = arith.constant 3 : i32
      %swap3A_1039 = arith.index_cast %swap3A_1038 : i32 to index
      %swap3A_1040 = arith.constant 32 : index
      %swap3A_1041 = tpu.vector_load %arg8[%swap3A_1039, %swap3A_1040] {strides = array<i32>} : memref<4x64xi32, #tpu.memory_space<vmem>>, vector<1x16xi32>,
      %swap3A_1042 = vector.shape_cast %swap3A_1041 : vector<1x16xi32> to vector<16xi32>
      %swap3A_1043 = vector.shape_cast %and3A_1037 : vector<16xi32> to vector<1x16xi32>
      tpu.vector_store %arg8[%swap3A_1039, %swap3A_1040], %swap3A_1043 {strides = array<i32>} : memref<4x64xi32, #tpu.memory_space<vmem>>, vector<1x16xi32>,
      %get3A_1044 = arith.index_cast %sub3A_965 : i32 to index
      %get3A_1045 = arith.constant 48 : index
      %get3A_1046 = tpu.vector_load %arg6[%get3A_1044, %get3A_1045] {strides = array<i32>} : memref<80x64xi32, #tpu.memory_space<vmem>>, vector<1x16xi32>,
      %get3A_1047 = vector.shape_cast %get3A_1046 : vector<1x16xi32> to vector<16xi32>
      %shift_right_arithmetic3A_1048 = arith.constant 16 : i32
      %shift_right_arithmetic3A_1049 = vector.broadcast %shift_right_arithmetic3A_1048 : i32 to vector<16xi32>
      %shift_right_arithmetic3A_1050 = arith.shrsi %get3A_1047, %shift_right_arithmetic3A_1049 : vector<16xi32>
      %swap3A_1051 = arith.constant 3 : i32
      %swap3A_1052 = arith.index_cast %swap3A_1051 : i32 to index
      %swap3A_1053 = arith.constant 48 : index
      %swap3A_1054 = tpu.vector_load %arg7[%swap3A_1052, %swap3A_1053] {strides = array<i32>} : memref<4x64xi32, #tpu.memory_space<vmem>>, vector<1x16xi32>,
      %swap3A_1055 = vector.shape_cast %swap3A_1054 : vector<1x16xi32> to vector<16xi32>
      %swap3A_1056 = vector.shape_cast %shift_right_arithmetic3A_1050 : vector<16xi32> to vector<1x16xi32>
      tpu.vector_store %arg7[%swap3A_1052, %swap3A_1053], %swap3A_1056 {strides = array<i32>} : memref<4x64xi32, #tpu.memory_space<vmem>>, vector<1x16xi32>,
      %and3A_1057 = arith.constant 65535 : i32
      %and3A_1058 = vector.broadcast %and3A_1057 : i32 to vector<16xi32>
      %and3A_1059 = arith.andi %get3A_1047, %and3A_1058 : vector<16xi32>
      %swap3A_1060 = arith.constant 3 : i32
      %swap3A_1061 = arith.index_cast %swap3A_1060 : i32 to index
      %swap3A_1062 = arith.constant 48 : index
      %swap3A_1063 = tpu.vector_load %arg8[%swap3A_1061, %swap3A_1062] {strides = array<i32>} : memref<4x64xi32, #tpu.memory_space<vmem>>, vector<1x16xi32>,
      %swap3A_1064 = vector.shape_cast %swap3A_1063 : vector<1x16xi32> to vector<16xi32>
      %swap3A_1065 = vector.shape_cast %and3A_1059 : vector<16xi32> to vector<1x16xi32>
      tpu.vector_store %arg8[%swap3A_1061, %swap3A_1062], %swap3A_1065 {strides = array<i32>} : memref<4x64xi32, #tpu.memory_space<vmem>>, vector<1x16xi32>,
      %dma_start3A_1066 = arith.constant 3 : i32
      %dma_start3A_1067 = arith.constant 3 : i32
      %dma_start3A_1068 = arith.constant 0 : i32
      %dma_start3A_1069 = arith.constant 0 : i32
      %dma_start3A_1070 = tpu.memref_slice %arg9[%dma_start3A_1067, %dma_start3A_1068, %dma_start3A_1069] : memref<4x64x128xf32, #tpu.memory_space<vmem>> -> memref<1x64x128xf32, #tpu.memory_space<vmem>>
      %dma_start3A_1071 = tpu.memref_squeeze %dma_start3A_1070 : memref<1x64x128xf32, #tpu.memory_space<vmem>> -> memref<64x128xf32, #tpu.memory_space<vmem>>
      %dma_start3A_1072 = arith.constant 0 : i32
      %dma_start3A_1073 = tpu.memref_slice %arg7[%dma_start3A_1066, %dma_start3A_1072] : memref<4x64xi32, #tpu.memory_space<vmem>> -> memref<1x64xi32, #tpu.memory_space<vmem>>
      %dma_start3A_1074 = tpu.memref_squeeze %dma_start3A_1073 : memref<1x64xi32, #tpu.memory_space<vmem>> -> memref<64xi32, #tpu.memory_space<vmem>>
      %dma_start3A_1075 = arith.constant 0 : i32
      %dma_start3A_1076 = arith.constant 0 : i32
      %dma_start3A_1077 = tpu.memref_slice %arg3[%dma_start3A_1075, %dma_start3A_1076] : memref<10000x128xf32, #tpu.memory_space<hbm>> -> memref<10000x128xf32, #tpu.memory_space<hbm>>
      tpu.enqueue_indirect_dma source(%dma_start3A_1077 : memref<10000x128xf32, #tpu.memory_space<hbm>>) target(%dma_start3A_1071 : memref<64x128xf32, #tpu.memory_space<vmem>>) offsets(%dma_start3A_1074 : memref<64xi32, #tpu.memory_space<vmem>>) semaphore(%arg14 : memref<!tpu.dma_semaphore, #tpu.memory_space<semaphore_mem>>)
      %run_scoped3A_1078 = arith.constant 0 : i32
      %run_scoped3A_1079 = arith.constant 0 : i32
      "tpu.region"() ({
        %run_scoped3A_1446 = tpu.sem_alloc : memref<!tpu.dma_semaphore, #tpu.memory_space<semaphore_mem>>
        %dma_start3A_1447 = arith.constant 0 : i32
        %dma_start3A_1448 = arith.constant 0 : i32
        %dma_start3A_1449 = tpu.memref_slice %arg9[%run_scoped3A_1078, %dma_start3A_1447, %dma_start3A_1448] : memref<4x64x128xf32, #tpu.memory_space<vmem>> -> memref<1x64x128xf32, #tpu.memory_space<vmem>>
        %dma_start3A_1450 = tpu.memref_squeeze %dma_start3A_1449 : memref<1x64x128xf32, #tpu.memory_space<vmem>> -> memref<64x128xf32, #tpu.memory_space<vmem>>
        %dma_start3A_1451 = arith.constant 0 : i32
        %dma_start3A_1452 = tpu.memref_slice %arg8[%run_scoped3A_1079, %dma_start3A_1451] : memref<4x64xi32, #tpu.memory_space<vmem>> -> memref<1x64xi32, #tpu.memory_space<vmem>>
        %dma_start3A_1453 = tpu.memref_squeeze %dma_start3A_1452 : memref<1x64xi32, #tpu.memory_space<vmem>> -> memref<64xi32, #tpu.memory_space<vmem>>
        %dma_start3A_1454 = arith.constant 0 : i32
        %dma_start3A_1455 = arith.constant 0 : i32
        %dma_start3A_1456 = tpu.memref_slice %arg10[%dma_start3A_1454, %dma_start3A_1455] : memref<10240x128xf32, #tpu.memory_space<vmem_shared>> -> memref<10240x128xf32, #tpu.memory_space<vmem_shared>>
        tpu.enqueue_indirect_dma source(%dma_start3A_1450 : memref<64x128xf32, #tpu.memory_space<vmem>>) target(%dma_start3A_1456 : memref<10240x128xf32, #tpu.memory_space<vmem_shared>>) offsets(%dma_start3A_1453 : memref<64xi32, #tpu.memory_space<vmem>>) semaphore(%run_scoped3A_1446 : memref<!tpu.dma_semaphore, #tpu.memory_space<semaphore_mem>>) {add = true}
        %dma_wait3A_1457 = arith.constant 0 : i32
        %dma_wait3A_1458 = arith.constant 0 : i32
        %dma_wait3A_1459 = tpu.memref_slice %arg9[%run_scoped3A_1078, %dma_wait3A_1457, %dma_wait3A_1458] : memref<4x64x128xf32, #tpu.memory_space<vmem>> -> memref<1x64x128xf32, #tpu.memory_space<vmem>>
        %dma_wait3A_1460 = tpu.memref_squeeze %dma_wait3A_1459 : memref<1x64x128xf32, #tpu.memory_space<vmem>> -> memref<64x128xf32, #tpu.memory_space<vmem>>
        %dma_wait3A_1461 = arith.constant 0 : i32
        %dma_wait3A_1462 = tpu.memref_slice %arg8[%run_scoped3A_1079, %dma_wait3A_1461] : memref<4x64xi32, #tpu.memory_space<vmem>> -> memref<1x64xi32, #tpu.memory_space<vmem>>
        %dma_wait3A_1463 = tpu.memref_squeeze %dma_wait3A_1462 : memref<1x64xi32, #tpu.memory_space<vmem>> -> memref<64xi32, #tpu.memory_space<vmem>>
        %dma_wait3A_1464 = arith.constant 0 : i32
        %dma_wait3A_1465 = arith.constant 0 : i32
        %dma_wait3A_1466 = tpu.memref_slice %arg10[%dma_wait3A_1464, %dma_wait3A_1465] : memref<10240x128xf32, #tpu.memory_space<vmem_shared>> -> memref<10240x128xf32, #tpu.memory_space<vmem_shared>>
        tpu.wait_indirect_dma semaphore(%run_scoped3A_1446 : memref<!tpu.dma_semaphore, #tpu.memory_space<semaphore_mem>>) src(%dma_wait3A_1460 : memref<64x128xf32, #tpu.memory_space<vmem>>) dst(%dma_wait3A_1466 : memref<10240x128xf32, #tpu.memory_space<vmem_shared>>)
        tpu.yield
      }) : () -> ()
      %mul3A_1080 = arith.constant 4 : i32
      %mul3A_1081 = arith.muli %mul3A_1080, %scan3A_958 : i32
      %add3A_1082 = arith.constant 1 : i32
      %add3A_1083 = arith.addi %mul3A_1081, %add3A_1082 : i32
      %add3A_1084 = arith.constant 4 : i32
      %add3A_1085 = arith.addi %add3A_1083, %add3A_1084 : i32
      %sub3A_1086 = arith.constant 1 : i32
      %sub3A_1087 = arith.subi %add3A_1085, %sub3A_1086 : i32
      %dma_wait3A_1088 = arith.constant 1 : i32
      %dma_wait3A_1089 = arith.constant 1 : i32
      %dma_wait3A_1090 = arith.constant 0 : i32
      %dma_wait3A_1091 = arith.constant 0 : i32
      %dma_wait3A_1092 = tpu.memref_slice %arg9[%dma_wait3A_1089, %dma_wait3A_1090, %dma_wait3A_1091] : memref<4x64x128xf32, #tpu.memory_space<vmem>> -> memref<1x64x128xf32, #tpu.memory_space<vmem>>
      %dma_wait3A_1093 = tpu.memref_squeeze %dma_wait3A_1092 : memref<1x64x128xf32, #tpu.memory_space<vmem>> -> memref<64x128xf32, #tpu.memory_space<vmem>>
      %dma_wait3A_1094 = arith.constant 0 : i32
      %dma_wait3A_1095 = tpu.memref_slice %arg7[%dma_wait3A_1088, %dma_wait3A_1094] : memref<4x64xi32, #tpu.memory_space<vmem>> -> memref<1x64xi32, #tpu.memory_space<vmem>>
      %dma_wait3A_1096 = tpu.memref_squeeze %dma_wait3A_1095 : memref<1x64xi32, #tpu.memory_space<vmem>> -> memref<64xi32, #tpu.memory_space<vmem>>
      %dma_wait3A_1097 = arith.constant 0 : i32
      %dma_wait3A_1098 = arith.constant 0 : i32
      %dma_wait3A_1099 = tpu.memref_slice %arg3[%dma_wait3A_1097, %dma_wait3A_1098] : memref<10000x128xf32, #tpu.memory_space<hbm>> -> memref<10000x128xf32, #tpu.memory_space<hbm>>
      tpu.wait_indirect_dma semaphore(%arg12 : memref<!tpu.dma_semaphore, #tpu.memory_space<semaphore_mem>>) src(%dma_wait3A_1099 : memref<10000x128xf32, #tpu.memory_space<hbm>>) dst(%dma_wait3A_1093 : memref<64x128xf32, #tpu.memory_space<vmem>>)
      %get3A_1100 = arith.index_cast %sub3A_1087 : i32 to index
      %get3A_1101 = arith.constant 0 : index
      %get3A_1102 = tpu.vector_load %arg6[%get3A_1100, %get3A_1101] {strides = array<i32>} : memref<80x64xi32, #tpu.memory_space<vmem>>, vector<1x16xi32>,
      %get3A_1103 = vector.shape_cast %get3A_1102 : vector<1x16xi32> to vector<16xi32>
      %shift_right_arithmetic3A_1104 = arith.constant 16 : i32
      %shift_right_arithmetic3A_1105 = vector.broadcast %shift_right_arithmetic3A_1104 : i32 to vector<16xi32>
      %shift_right_arithmetic3A_1106 = arith.shrsi %get3A_1103, %shift_right_arithmetic3A_1105 : vector<16xi32>
      %swap3A_1107 = arith.constant 0 : i32
      %swap3A_1108 = arith.index_cast %swap3A_1107 : i32 to index
      %swap3A_1109 = arith.constant 0 : index
      %swap3A_1110 = tpu.vector_load %arg7[%swap3A_1108, %swap3A_1109] {strides = array<i32>} : memref<4x64xi32, #tpu.memory_space<vmem>>, vector<1x16xi32>,
      %swap3A_1111 = vector.shape_cast %swap3A_1110 : vector<1x16xi32> to vector<16xi32>
      %swap3A_1112 = vector.shape_cast %shift_right_arithmetic3A_1106 : vector<16xi32> to vector<1x16xi32>
      tpu.vector_store %arg7[%swap3A_1108, %swap3A_1109], %swap3A_1112 {strides = array<i32>} : memref<4x64xi32, #tpu.memory_space<vmem>>, vector<1x16xi32>,
      %and3A_1113 = arith.constant 65535 : i32
      %and3A_1114 = vector.broadcast %and3A_1113 : i32 to vector<16xi32>
      %and3A_1115 = arith.andi %get3A_1103, %and3A_1114 : vector<16xi32>
      %swap3A_1116 = arith.constant 0 : i32
      %swap3A_1117 = arith.index_cast %swap3A_1116 : i32 to index
      %swap3A_1118 = arith.constant 0 : index
      %swap3A_1119 = tpu.vector_load %arg8[%swap3A_1117, %swap3A_1118] {strides = array<i32>} : memref<4x64xi32, #tpu.memory_space<vmem>>, vector<1x16xi32>,
      %swap3A_1120 = vector.shape_cast %swap3A_1119 : vector<1x16xi32> to vector<16xi32>
      %swap3A_1121 = vector.shape_cast %and3A_1115 : vector<16xi32> to vector<1x16xi32>
      tpu.vector_store %arg8[%swap3A_1117, %swap3A_1118], %swap3A_1121 {strides = array<i32>} : memref<4x64xi32, #tpu.memory_space<vmem>>, vector<1x16xi32>,
      %get3A_1122 = arith.index_cast %sub3A_1087 : i32 to index
      %get3A_1123 = arith.constant 16 : index
      %get3A_1124 = tpu.vector_load %arg6[%get3A_1122, %get3A_1123] {strides = array<i32>} : memref<80x64xi32, #tpu.memory_space<vmem>>, vector<1x16xi32>,
      %get3A_1125 = vector.shape_cast %get3A_1124 : vector<1x16xi32> to vector<16xi32>
      %shift_right_arithmetic3A_1126 = arith.constant 16 : i32
      %shift_right_arithmetic3A_1127 = vector.broadcast %shift_right_arithmetic3A_1126 : i32 to vector<16xi32>
      %shift_right_arithmetic3A_1128 = arith.shrsi %get3A_1125, %shift_right_arithmetic3A_1127 : vector<16xi32>
      %swap3A_1129 = arith.constant 0 : i32
      %swap3A_1130 = arith.index_cast %swap3A_1129 : i32 to index
      %swap3A_1131 = arith.constant 16 : index
      %swap3A_1132 = tpu.vector_load %arg7[%swap3A_1130, %swap3A_1131] {strides = array<i32>} : memref<4x64xi32, #tpu.memory_space<vmem>>, vector<1x16xi32>,
      %swap3A_1133 = vector.shape_cast %swap3A_1132 : vector<1x16xi32> to vector<16xi32>
      %swap3A_1134 = vector.shape_cast %shift_right_arithmetic3A_1128 : vector<16xi32> to vector<1x16xi32>
      tpu.vector_store %arg7[%swap3A_1130, %swap3A_1131], %swap3A_1134 {strides = array<i32>} : memref<4x64xi32, #tpu.memory_space<vmem>>, vector<1x16xi32>,
      %and3A_1135 = arith.constant 65535 : i32
      %and3A_1136 = vector.broadcast %and3A_1135 : i32 to vector<16xi32>
      %and3A_1137 = arith.andi %get3A_1125, %and3A_1136 : vector<16xi32>
      %swap3A_1138 = arith.constant 0 : i32
      %swap3A_1139 = arith.index_cast %swap3A_1138 : i32 to index
      %swap3A_1140 = arith.constant 16 : index
      %swap3A_1141 = tpu.vector_load %arg8[%swap3A_1139, %swap3A_1140] {strides = array<i32>} : memref<4x64xi32, #tpu.memory_space<vmem>>, vector<1x16xi32>,
      %swap3A_1142 = vector.shape_cast %swap3A_1141 : vector<1x16xi32> to vector<16xi32>
      %swap3A_1143 = vector.shape_cast %and3A_1137 : vector<16xi32> to vector<1x16xi32>
      tpu.vector_store %arg8[%swap3A_1139, %swap3A_1140], %swap3A_1143 {strides = array<i32>} : memref<4x64xi32, #tpu.memory_space<vmem>>, vector<1x16xi32>,
      %get3A_1144 = arith.index_cast %sub3A_1087 : i32 to index
      %get3A_1145 = arith.constant 32 : index
      %get3A_1146 = tpu.vector_load %arg6[%get3A_1144, %get3A_1145] {strides = array<i32>} : memref<80x64xi32, #tpu.memory_space<vmem>>, vector<1x16xi32>,
      %get3A_1147 = vector.shape_cast %get3A_1146 : vector<1x16xi32> to vector<16xi32>
      %shift_right_arithmetic3A_1148 = arith.constant 16 : i32
      %shift_right_arithmetic3A_1149 = vector.broadcast %shift_right_arithmetic3A_1148 : i32 to vector<16xi32>
      %shift_right_arithmetic3A_1150 = arith.shrsi %get3A_1147, %shift_right_arithmetic3A_1149 : vector<16xi32>
      %swap3A_1151 = arith.constant 0 : i32
      %swap3A_1152 = arith.index_cast %swap3A_1151 : i32 to index
      %swap3A_1153 = arith.constant 32 : index
      %swap3A_1154 = tpu.vector_load %arg7[%swap3A_1152, %swap3A_1153] {strides = array<i32>} : memref<4x64xi32, #tpu.memory_space<vmem>>, vector<1x16xi32>,
      %swap3A_1155 = vector.shape_cast %swap3A_1154 : vector<1x16xi32> to vector<16xi32>
      %swap3A_1156 = vector.shape_cast %shift_right_arithmetic3A_1150 : vector<16xi32> to vector<1x16xi32>
      tpu.vector_store %arg7[%swap3A_1152, %swap3A_1153], %swap3A_1156 {strides = array<i32>} : memref<4x64xi32, #tpu.memory_space<vmem>>, vector<1x16xi32>,
      %and3A_1157 = arith.constant 65535 : i32
      %and3A_1158 = vector.broadcast %and3A_1157 : i32 to vector<16xi32>
      %and3A_1159 = arith.andi %get3A_1147, %and3A_1158 : vector<16xi32>
      %swap3A_1160 = arith.constant 0 : i32
      %swap3A_1161 = arith.index_cast %swap3A_1160 : i32 to index
      %swap3A_1162 = arith.constant 32 : index
      %swap3A_1163 = tpu.vector_load %arg8[%swap3A_1161, %swap3A_1162] {strides = array<i32>} : memref<4x64xi32, #tpu.memory_space<vmem>>, vector<1x16xi32>,
      %swap3A_1164 = vector.shape_cast %swap3A_1163 : vector<1x16xi32> to vector<16xi32>
      %swap3A_1165 = vector.shape_cast %and3A_1159 : vector<16xi32> to vector<1x16xi32>
      tpu.vector_store %arg8[%swap3A_1161, %swap3A_1162], %swap3A_1165 {strides = array<i32>} : memref<4x64xi32, #tpu.memory_space<vmem>>, vector<1x16xi32>,
      %get3A_1166 = arith.index_cast %sub3A_1087 : i32 to index
      %get3A_1167 = arith.constant 48 : index
      %get3A_1168 = tpu.vector_load %arg6[%get3A_1166, %get3A_1167] {strides = array<i32>} : memref<80x64xi32, #tpu.memory_space<vmem>>, vector<1x16xi32>,
      %get3A_1169 = vector.shape_cast %get3A_1168 : vector<1x16xi32> to vector<16xi32>
      %shift_right_arithmetic3A_1170 = arith.constant 16 : i32
      %shift_right_arithmetic3A_1171 = vector.broadcast %shift_right_arithmetic3A_1170 : i32 to vector<16xi32>
      %shift_right_arithmetic3A_1172 = arith.shrsi %get3A_1169, %shift_right_arithmetic3A_1171 : vector<16xi32>
      %swap3A_1173 = arith.constant 0 : i32
      %swap3A_1174 = arith.index_cast %swap3A_1173 : i32 to index
      %swap3A_1175 = arith.constant 48 : index
      %swap3A_1176 = tpu.vector_load %arg7[%swap3A_1174, %swap3A_1175] {strides = array<i32>} : memref<4x64xi32, #tpu.memory_space<vmem>>, vector<1x16xi32>,
      %swap3A_1177 = vector.shape_cast %swap3A_1176 : vector<1x16xi32> to vector<16xi32>
      %swap3A_1178 = vector.shape_cast %shift_right_arithmetic3A_1172 : vector<16xi32> to vector<1x16xi32>
      tpu.vector_store %arg7[%swap3A_1174, %swap3A_1175], %swap3A_1178 {strides = array<i32>} : memref<4x64xi32, #tpu.memory_space<vmem>>, vector<1x16xi32>,
      %and3A_1179 = arith.constant 65535 : i32
      %and3A_1180 = vector.broadcast %and3A_1179 : i32 to vector<16xi32>
      %and3A_1181 = arith.andi %get3A_1169, %and3A_1180 : vector<16xi32>
      %swap3A_1182 = arith.constant 0 : i32
      %swap3A_1183 = arith.index_cast %swap3A_1182 : i32 to index
      %swap3A_1184 = arith.constant 48 : index
      %swap3A_1185 = tpu.vector_load %arg8[%swap3A_1183, %swap3A_1184] {strides = array<i32>} : memref<4x64xi32, #tpu.memory_space<vmem>>, vector<1x16xi32>,
      %swap3A_1186 = vector.shape_cast %swap3A_1185 : vector<1x16xi32> to vector<16xi32>
      %swap3A_1187 = vector.shape_cast %and3A_1181 : vector<16xi32> to vector<1x16xi32>
      tpu.vector_store %arg8[%swap3A_1183, %swap3A_1184], %swap3A_1187 {strides = array<i32>} : memref<4x64xi32, #tpu.memory_space<vmem>>, vector<1x16xi32>,
      %dma_start3A_1188 = arith.constant 0 : i32
      %dma_start3A_1189 = arith.constant 0 : i32
      %dma_start3A_1190 = arith.constant 0 : i32
      %dma_start3A_1191 = arith.constant 0 : i32
      %dma_start3A_1192 = tpu.memref_slice %arg9[%dma_start3A_1189, %dma_start3A_1190, %dma_start3A_1191] : memref<4x64x128xf32, #tpu.memory_space<vmem>> -> memref<1x64x128xf32, #tpu.memory_space<vmem>>
      %dma_start3A_1193 = tpu.memref_squeeze %dma_start3A_1192 : memref<1x64x128xf32, #tpu.memory_space<vmem>> -> memref<64x128xf32, #tpu.memory_space<vmem>>
      %dma_start3A_1194 = arith.constant 0 : i32
      %dma_start3A_1195 = tpu.memref_slice %arg7[%dma_start3A_1188, %dma_start3A_1194] : memref<4x64xi32, #tpu.memory_space<vmem>> -> memref<1x64xi32, #tpu.memory_space<vmem>>
      %dma_start3A_1196 = tpu.memref_squeeze %dma_start3A_1195 : memref<1x64xi32, #tpu.memory_space<vmem>> -> memref<64xi32, #tpu.memory_space<vmem>>
      %dma_start3A_1197 = arith.constant 0 : i32
      %dma_start3A_1198 = arith.constant 0 : i32
      %dma_start3A_1199 = tpu.memref_slice %arg3[%dma_start3A_1197, %dma_start3A_1198] : memref<10000x128xf32, #tpu.memory_space<hbm>> -> memref<10000x128xf32, #tpu.memory_space<hbm>>
      tpu.enqueue_indirect_dma source(%dma_start3A_1199 : memref<10000x128xf32, #tpu.memory_space<hbm>>) target(%dma_start3A_1193 : memref<64x128xf32, #tpu.memory_space<vmem>>) offsets(%dma_start3A_1196 : memref<64xi32, #tpu.memory_space<vmem>>) semaphore(%arg11 : memref<!tpu.dma_semaphore, #tpu.memory_space<semaphore_mem>>)
      %run_scoped3A_1200 = arith.constant 1 : i32
      %run_scoped3A_1201 = arith.constant 1 : i32
      "tpu.region"() ({
        %run_scoped3A_1446 = tpu.sem_alloc : memref<!tpu.dma_semaphore, #tpu.memory_space<semaphore_mem>>
        %dma_start3A_1447 = arith.constant 0 : i32
        %dma_start3A_1448 = arith.constant 0 : i32
        %dma_start3A_1449 = tpu.memref_slice %arg9[%run_scoped3A_1200, %dma_start3A_1447, %dma_start3A_1448] : memref<4x64x128xf32, #tpu.memory_space<vmem>> -> memref<1x64x128xf32, #tpu.memory_space<vmem>>
        %dma_start3A_1450 = tpu.memref_squeeze %dma_start3A_1449 : memref<1x64x128xf32, #tpu.memory_space<vmem>> -> memref<64x128xf32, #tpu.memory_space<vmem>>
        %dma_start3A_1451 = arith.constant 0 : i32
        %dma_start3A_1452 = tpu.memref_slice %arg8[%run_scoped3A_1201, %dma_start3A_1451] : memref<4x64xi32, #tpu.memory_space<vmem>> -> memref<1x64xi32, #tpu.memory_space<vmem>>
        %dma_start3A_1453 = tpu.memref_squeeze %dma_start3A_1452 : memref<1x64xi32, #tpu.memory_space<vmem>> -> memref<64xi32, #tpu.memory_space<vmem>>
        %dma_start3A_1454 = arith.constant 0 : i32
        %dma_start3A_1455 = arith.constant 0 : i32
        %dma_start3A_1456 = tpu.memref_slice %arg10[%dma_start3A_1454, %dma_start3A_1455] : memref<10240x128xf32, #tpu.memory_space<vmem_shared>> -> memref<10240x128xf32, #tpu.memory_space<vmem_shared>>
        tpu.enqueue_indirect_dma source(%dma_start3A_1450 : memref<64x128xf32, #tpu.memory_space<vmem>>) target(%dma_start3A_1456 : memref<10240x128xf32, #tpu.memory_space<vmem_shared>>) offsets(%dma_start3A_1453 : memref<64xi32, #tpu.memory_space<vmem>>) semaphore(%run_scoped3A_1446 : memref<!tpu.dma_semaphore, #tpu.memory_space<semaphore_mem>>) {add = true}
        %dma_wait3A_1457 = arith.constant 0 : i32
        %dma_wait3A_1458 = arith.constant 0 : i32
        %dma_wait3A_1459 = tpu.memref_slice %arg9[%run_scoped3A_1200, %dma_wait3A_1457, %dma_wait3A_1458] : memref<4x64x128xf32, #tpu.memory_space<vmem>> -> memref<1x64x128xf32, #tpu.memory_space<vmem>>
        %dma_wait3A_1460 = tpu.memref_squeeze %dma_wait3A_1459 : memref<1x64x128xf32, #tpu.memory_space<vmem>> -> memref<64x128xf32, #tpu.memory_space<vmem>>
        %dma_wait3A_1461 = arith.constant 0 : i32
        %dma_wait3A_1462 = tpu.memref_slice %arg8[%run_scoped3A_1201, %dma_wait3A_1461] : memref<4x64xi32, #tpu.memory_space<vmem>> -> memref<1x64xi32, #tpu.memory_space<vmem>>
        %dma_wait3A_1463 = tpu.memref_squeeze %dma_wait3A_1462 : memref<1x64xi32, #tpu.memory_space<vmem>> -> memref<64xi32, #tpu.memory_space<vmem>>
        %dma_wait3A_1464 = arith.constant 0 : i32
        %dma_wait3A_1465 = arith.constant 0 : i32
        %dma_wait3A_1466 = tpu.memref_slice %arg10[%dma_wait3A_1464, %dma_wait3A_1465] : memref<10240x128xf32, #tpu.memory_space<vmem_shared>> -> memref<10240x128xf32, #tpu.memory_space<vmem_shared>>
        tpu.wait_indirect_dma semaphore(%run_scoped3A_1446 : memref<!tpu.dma_semaphore, #tpu.memory_space<semaphore_mem>>) src(%dma_wait3A_1460 : memref<64x128xf32, #tpu.memory_space<vmem>>) dst(%dma_wait3A_1466 : memref<10240x128xf32, #tpu.memory_space<vmem_shared>>)
        tpu.yield
      }) : () -> ()
      %mul3A_1202 = arith.constant 4 : i32
      %mul3A_1203 = arith.muli %mul3A_1202, %scan3A_958 : i32
      %add3A_1204 = arith.constant 2 : i32
      %add3A_1205 = arith.addi %mul3A_1203, %add3A_1204 : i32
      %add3A_1206 = arith.constant 4 : i32
      %add3A_1207 = arith.addi %add3A_1205, %add3A_1206 : i32
      %sub3A_1208 = arith.constant 1 : i32
      %sub3A_1209 = arith.subi %add3A_1207, %sub3A_1208 : i32
      %dma_wait3A_1210 = arith.constant 2 : i32
      %dma_wait3A_1211 = arith.constant 2 : i32
      %dma_wait3A_1212 = arith.constant 0 : i32
      %dma_wait3A_1213 = arith.constant 0 : i32
      %dma_wait3A_1214 = tpu.memref_slice %arg9[%dma_wait3A_1211, %dma_wait3A_1212, %dma_wait3A_1213] : memref<4x64x128xf32, #tpu.memory_space<vmem>> -> memref<1x64x128xf32, #tpu.memory_space<vmem>>
      %dma_wait3A_1215 = tpu.memref_squeeze %dma_wait3A_1214 : memref<1x64x128xf32, #tpu.memory_space<vmem>> -> memref<64x128xf32, #tpu.memory_space<vmem>>
      %dma_wait3A_1216 = arith.constant 0 : i32
      %dma_wait3A_1217 = tpu.memref_slice %arg7[%dma_wait3A_1210, %dma_wait3A_1216] : memref<4x64xi32, #tpu.memory_space<vmem>> -> memref<1x64xi32, #tpu.memory_space<vmem>>
      %dma_wait3A_1218 = tpu.memref_squeeze %dma_wait3A_1217 : memref<1x64xi32, #tpu.memory_space<vmem>> -> memref<64xi32, #tpu.memory_space<vmem>>
      %dma_wait3A_1219 = arith.constant 0 : i32
      %dma_wait3A_1220 = arith.constant 0 : i32
      %dma_wait3A_1221 = tpu.memref_slice %arg3[%dma_wait3A_1219, %dma_wait3A_1220] : memref<10000x128xf32, #tpu.memory_space<hbm>> -> memref<10000x128xf32, #tpu.memory_space<hbm>>
      tpu.wait_indirect_dma semaphore(%arg13 : memref<!tpu.dma_semaphore, #tpu.memory_space<semaphore_mem>>) src(%dma_wait3A_1221 : memref<10000x128xf32, #tpu.memory_space<hbm>>) dst(%dma_wait3A_1215 : memref<64x128xf32, #tpu.memory_space<vmem>>)
      %get3A_1222 = arith.index_cast %sub3A_1209 : i32 to index
      %get3A_1223 = arith.constant 0 : index
      %get3A_1224 = tpu.vector_load %arg6[%get3A_1222, %get3A_1223] {strides = array<i32>} : memref<80x64xi32, #tpu.memory_space<vmem>>, vector<1x16xi32>,
      %get3A_1225 = vector.shape_cast %get3A_1224 : vector<1x16xi32> to vector<16xi32>
      %shift_right_arithmetic3A_1226 = arith.constant 16 : i32
      %shift_right_arithmetic3A_1227 = vector.broadcast %shift_right_arithmetic3A_1226 : i32 to vector<16xi32>
      %shift_right_arithmetic3A_1228 = arith.shrsi %get3A_1225, %shift_right_arithmetic3A_1227 : vector<16xi32>
      %swap3A_1229 = arith.constant 1 : i32
      %swap3A_1230 = arith.index_cast %swap3A_1229 : i32 to index
      %swap3A_1231 = arith.constant 0 : index
      %swap3A_1232 = tpu.vector_load %arg7[%swap3A_1230, %swap3A_1231] {strides = array<i32>} : memref<4x64xi32, #tpu.memory_space<vmem>>, vector<1x16xi32>,
      %swap3A_1233 = vector.shape_cast %swap3A_1232 : vector<1x16xi32> to vector<16xi32>
      %swap3A_1234 = vector.shape_cast %shift_right_arithmetic3A_1228 : vector<16xi32> to vector<1x16xi32>
      tpu.vector_store %arg7[%swap3A_1230, %swap3A_1231], %swap3A_1234 {strides = array<i32>} : memref<4x64xi32, #tpu.memory_space<vmem>>, vector<1x16xi32>,
      %and3A_1235 = arith.constant 65535 : i32
      %and3A_1236 = vector.broadcast %and3A_1235 : i32 to vector<16xi32>
      %and3A_1237 = arith.andi %get3A_1225, %and3A_1236 : vector<16xi32>
      %swap3A_1238 = arith.constant 1 : i32
      %swap3A_1239 = arith.index_cast %swap3A_1238 : i32 to index
      %swap3A_1240 = arith.constant 0 : index
      %swap3A_1241 = tpu.vector_load %arg8[%swap3A_1239, %swap3A_1240] {strides = array<i32>} : memref<4x64xi32, #tpu.memory_space<vmem>>, vector<1x16xi32>,
      %swap3A_1242 = vector.shape_cast %swap3A_1241 : vector<1x16xi32> to vector<16xi32>
      %swap3A_1243 = vector.shape_cast %and3A_1237 : vector<16xi32> to vector<1x16xi32>
      tpu.vector_store %arg8[%swap3A_1239, %swap3A_1240], %swap3A_1243 {strides = array<i32>} : memref<4x64xi32, #tpu.memory_space<vmem>>, vector<1x16xi32>,
      %get3A_1244 = arith.index_cast %sub3A_1209 : i32 to index
      %get3A_1245 = arith.constant 16 : index
      %get3A_1246 = tpu.vector_load %arg6[%get3A_1244, %get3A_1245] {strides = array<i32>} : memref<80x64xi32, #tpu.memory_space<vmem>>, vector<1x16xi32>,
      %get3A_1247 = vector.shape_cast %get3A_1246 : vector<1x16xi32> to vector<16xi32>
      %shift_right_arithmetic3A_1248 = arith.constant 16 : i32
      %shift_right_arithmetic3A_1249 = vector.broadcast %shift_right_arithmetic3A_1248 : i32 to vector<16xi32>
      %shift_right_arithmetic3A_1250 = arith.shrsi %get3A_1247, %shift_right_arithmetic3A_1249 : vector<16xi32>
      %swap3A_1251 = arith.constant 1 : i32
      %swap3A_1252 = arith.index_cast %swap3A_1251 : i32 to index
      %swap3A_1253 = arith.constant 16 : index
      %swap3A_1254 = tpu.vector_load %arg7[%swap3A_1252, %swap3A_1253] {strides = array<i32>} : memref<4x64xi32, #tpu.memory_space<vmem>>, vector<1x16xi32>,
      %swap3A_1255 = vector.shape_cast %swap3A_1254 : vector<1x16xi32> to vector<16xi32>
      %swap3A_1256 = vector.shape_cast %shift_right_arithmetic3A_1250 : vector<16xi32> to vector<1x16xi32>
      tpu.vector_store %arg7[%swap3A_1252, %swap3A_1253], %swap3A_1256 {strides = array<i32>} : memref<4x64xi32, #tpu.memory_space<vmem>>, vector<1x16xi32>,
      %and3A_1257 = arith.constant 65535 : i32
      %and3A_1258 = vector.broadcast %and3A_1257 : i32 to vector<16xi32>
      %and3A_1259 = arith.andi %get3A_1247, %and3A_1258 : vector<16xi32>
      %swap3A_1260 = arith.constant 1 : i32
      %swap3A_1261 = arith.index_cast %swap3A_1260 : i32 to index
      %swap3A_1262 = arith.constant 16 : index
      %swap3A_1263 = tpu.vector_load %arg8[%swap3A_1261, %swap3A_1262] {strides = array<i32>} : memref<4x64xi32, #tpu.memory_space<vmem>>, vector<1x16xi32>,
      %swap3A_1264 = vector.shape_cast %swap3A_1263 : vector<1x16xi32> to vector<16xi32>
      %swap3A_1265 = vector.shape_cast %and3A_1259 : vector<16xi32> to vector<1x16xi32>
      tpu.vector_store %arg8[%swap3A_1261, %swap3A_1262], %swap3A_1265 {strides = array<i32>} : memref<4x64xi32, #tpu.memory_space<vmem>>, vector<1x16xi32>,
      %get3A_1266 = arith.index_cast %sub3A_1209 : i32 to index
      %get3A_1267 = arith.constant 32 : index
      %get3A_1268 = tpu.vector_load %arg6[%get3A_1266, %get3A_1267] {strides = array<i32>} : memref<80x64xi32, #tpu.memory_space<vmem>>, vector<1x16xi32>,
      %get3A_1269 = vector.shape_cast %get3A_1268 : vector<1x16xi32> to vector<16xi32>
      %shift_right_arithmetic3A_1270 = arith.constant 16 : i32
      %shift_right_arithmetic3A_1271 = vector.broadcast %shift_right_arithmetic3A_1270 : i32 to vector<16xi32>
      %shift_right_arithmetic3A_1272 = arith.shrsi %get3A_1269, %shift_right_arithmetic3A_1271 : vector<16xi32>
      %swap3A_1273 = arith.constant 1 : i32
      %swap3A_1274 = arith.index_cast %swap3A_1273 : i32 to index
      %swap3A_1275 = arith.constant 32 : index
      %swap3A_1276 = tpu.vector_load %arg7[%swap3A_1274, %swap3A_1275] {strides = array<i32>} : memref<4x64xi32, #tpu.memory_space<vmem>>, vector<1x16xi32>,
      %swap3A_1277 = vector.shape_cast %swap3A_1276 : vector<1x16xi32> to vector<16xi32>
      %swap3A_1278 = vector.shape_cast %shift_right_arithmetic3A_1272 : vector<16xi32> to vector<1x16xi32>
      tpu.vector_store %arg7[%swap3A_1274, %swap3A_1275], %swap3A_1278 {strides = array<i32>} : memref<4x64xi32, #tpu.memory_space<vmem>>, vector<1x16xi32>,
      %and3A_1279 = arith.constant 65535 : i32
      %and3A_1280 = vector.broadcast %and3A_1279 : i32 to vector<16xi32>
      %and3A_1281 = arith.andi %get3A_1269, %and3A_1280 : vector<16xi32>
      %swap3A_1282 = arith.constant 1 : i32
      %swap3A_1283 = arith.index_cast %swap3A_1282 : i32 to index
      %swap3A_1284 = arith.constant 32 : index
      %swap3A_1285 = tpu.vector_load %arg8[%swap3A_1283, %swap3A_1284] {strides = array<i32>} : memref<4x64xi32, #tpu.memory_space<vmem>>, vector<1x16xi32>,
      %swap3A_1286 = vector.shape_cast %swap3A_1285 : vector<1x16xi32> to vector<16xi32>
      %swap3A_1287 = vector.shape_cast %and3A_1281 : vector<16xi32> to vector<1x16xi32>
      tpu.vector_store %arg8[%swap3A_1283, %swap3A_1284], %swap3A_1287 {strides = array<i32>} : memref<4x64xi32, #tpu.memory_space<vmem>>, vector<1x16xi32>,
      %get3A_1288 = arith.index_cast %sub3A_1209 : i32 to index
      %get3A_1289 = arith.constant 48 : index
      %get3A_1290 = tpu.vector_load %arg6[%get3A_1288, %get3A_1289] {strides = array<i32>} : memref<80x64xi32, #tpu.memory_space<vmem>>, vector<1x16xi32>,
      %get3A_1291 = vector.shape_cast %get3A_1290 : vector<1x16xi32> to vector<16xi32>
      %shift_right_arithmetic3A_1292 = arith.constant 16 : i32
      %shift_right_arithmetic3A_1293 = vector.broadcast %shift_right_arithmetic3A_1292 : i32 to vector<16xi32>
      %shift_right_arithmetic3A_1294 = arith.shrsi %get3A_1291, %shift_right_arithmetic3A_1293 : vector<16xi32>
      %swap3A_1295 = arith.constant 1 : i32
      %swap3A_1296 = arith.index_cast %swap3A_1295 : i32 to index
      %swap3A_1297 = arith.constant 48 : index
      %swap3A_1298 = tpu.vector_load %arg7[%swap3A_1296, %swap3A_1297] {strides = array<i32>} : memref<4x64xi32, #tpu.memory_space<vmem>>, vector<1x16xi32>,
      %swap3A_1299 = vector.shape_cast %swap3A_1298 : vector<1x16xi32> to vector<16xi32>
      %swap3A_1300 = vector.shape_cast %shift_right_arithmetic3A_1294 : vector<16xi32> to vector<1x16xi32>
      tpu.vector_store %arg7[%swap3A_1296, %swap3A_1297], %swap3A_1300 {strides = array<i32>} : memref<4x64xi32, #tpu.memory_space<vmem>>, vector<1x16xi32>,
      %and3A_1301 = arith.constant 65535 : i32
      %and3A_1302 = vector.broadcast %and3A_1301 : i32 to vector<16xi32>
      %and3A_1303 = arith.andi %get3A_1291, %and3A_1302 : vector<16xi32>
      %swap3A_1304 = arith.constant 1 : i32
      %swap3A_1305 = arith.index_cast %swap3A_1304 : i32 to index
      %swap3A_1306 = arith.constant 48 : index
      %swap3A_1307 = tpu.vector_load %arg8[%swap3A_1305, %swap3A_1306] {strides = array<i32>} : memref<4x64xi32, #tpu.memory_space<vmem>>, vector<1x16xi32>,
      %swap3A_1308 = vector.shape_cast %swap3A_1307 : vector<1x16xi32> to vector<16xi32>
      %swap3A_1309 = vector.shape_cast %and3A_1303 : vector<16xi32> to vector<1x16xi32>
      tpu.vector_store %arg8[%swap3A_1305, %swap3A_1306], %swap3A_1309 {strides = array<i32>} : memref<4x64xi32, #tpu.memory_space<vmem>>, vector<1x16xi32>,
      %dma_start3A_1310 = arith.constant 1 : i32
      %dma_start3A_1311 = arith.constant 1 : i32
      %dma_start3A_1312 = arith.constant 0 : i32
      %dma_start3A_1313 = arith.constant 0 : i32
      %dma_start3A_1314 = tpu.memref_slice %arg9[%dma_start3A_1311, %dma_start3A_1312, %dma_start3A_1313] : memref<4x64x128xf32, #tpu.memory_space<vmem>> -> memref<1x64x128xf32, #tpu.memory_space<vmem>>
      %dma_start3A_1315 = tpu.memref_squeeze %dma_start3A_1314 : memref<1x64x128xf32, #tpu.memory_space<vmem>> -> memref<64x128xf32, #tpu.memory_space<vmem>>
      %dma_start3A_1316 = arith.constant 0 : i32
      %dma_start3A_1317 = tpu.memref_slice %arg7[%dma_start3A_1310, %dma_start3A_1316] : memref<4x64xi32, #tpu.memory_space<vmem>> -> memref<1x64xi32, #tpu.memory_space<vmem>>
      %dma_start3A_1318 = tpu.memref_squeeze %dma_start3A_1317 : memref<1x64xi32, #tpu.memory_space<vmem>> -> memref<64xi32, #tpu.memory_space<vmem>>
      %dma_start3A_1319 = arith.constant 0 : i32
      %dma_start3A_1320 = arith.constant 0 : i32
      %dma_start3A_1321 = tpu.memref_slice %arg3[%dma_start3A_1319, %dma_start3A_1320] : memref<10000x128xf32, #tpu.memory_space<hbm>> -> memref<10000x128xf32, #tpu.memory_space<hbm>>
      tpu.enqueue_indirect_dma source(%dma_start3A_1321 : memref<10000x128xf32, #tpu.memory_space<hbm>>) target(%dma_start3A_1315 : memref<64x128xf32, #tpu.memory_space<vmem>>) offsets(%dma_start3A_1318 : memref<64xi32, #tpu.memory_space<vmem>>) semaphore(%arg12 : memref<!tpu.dma_semaphore, #tpu.memory_space<semaphore_mem>>)
      %run_scoped3A_1322 = arith.constant 2 : i32
      %run_scoped3A_1323 = arith.constant 2 : i32
      "tpu.region"() ({
        %run_scoped3A_1446 = tpu.sem_alloc : memref<!tpu.dma_semaphore, #tpu.memory_space<semaphore_mem>>
        %dma_start3A_1447 = arith.constant 0 : i32
        %dma_start3A_1448 = arith.constant 0 : i32
        %dma_start3A_1449 = tpu.memref_slice %arg9[%run_scoped3A_1322, %dma_start3A_1447, %dma_start3A_1448] : memref<4x64x128xf32, #tpu.memory_space<vmem>> -> memref<1x64x128xf32, #tpu.memory_space<vmem>>
        %dma_start3A_1450 = tpu.memref_squeeze %dma_start3A_1449 : memref<1x64x128xf32, #tpu.memory_space<vmem>> -> memref<64x128xf32, #tpu.memory_space<vmem>>
        %dma_start3A_1451 = arith.constant 0 : i32
        %dma_start3A_1452 = tpu.memref_slice %arg8[%run_scoped3A_1323, %dma_start3A_1451] : memref<4x64xi32, #tpu.memory_space<vmem>> -> memref<1x64xi32, #tpu.memory_space<vmem>>
        %dma_start3A_1453 = tpu.memref_squeeze %dma_start3A_1452 : memref<1x64xi32, #tpu.memory_space<vmem>> -> memref<64xi32, #tpu.memory_space<vmem>>
        %dma_start3A_1454 = arith.constant 0 : i32
        %dma_start3A_1455 = arith.constant 0 : i32
        %dma_start3A_1456 = tpu.memref_slice %arg10[%dma_start3A_1454, %dma_start3A_1455] : memref<10240x128xf32, #tpu.memory_space<vmem_shared>> -> memref<10240x128xf32, #tpu.memory_space<vmem_shared>>
        tpu.enqueue_indirect_dma source(%dma_start3A_1450 : memref<64x128xf32, #tpu.memory_space<vmem>>) target(%dma_start3A_1456 : memref<10240x128xf32, #tpu.memory_space<vmem_shared>>) offsets(%dma_start3A_1453 : memref<64xi32, #tpu.memory_space<vmem>>) semaphore(%run_scoped3A_1446 : memref<!tpu.dma_semaphore, #tpu.memory_space<semaphore_mem>>) {add = true}
        %dma_wait3A_1457 = arith.constant 0 : i32
        %dma_wait3A_1458 = arith.constant 0 : i32
        %dma_wait3A_1459 = tpu.memref_slice %arg9[%run_scoped3A_1322, %dma_wait3A_1457, %dma_wait3A_1458] : memref<4x64x128xf32, #tpu.memory_space<vmem>> -> memref<1x64x128xf32, #tpu.memory_space<vmem>>
        %dma_wait3A_1460 = tpu.memref_squeeze %dma_wait3A_1459 : memref<1x64x128xf32, #tpu.memory_space<vmem>> -> memref<64x128xf32, #tpu.memory_space<vmem>>
        %dma_wait3A_1461 = arith.constant 0 : i32
        %dma_wait3A_1462 = tpu.memref_slice %arg8[%run_scoped3A_1323, %dma_wait3A_1461] : memref<4x64xi32, #tpu.memory_space<vmem>> -> memref<1x64xi32, #tpu.memory_space<vmem>>
        %dma_wait3A_1463 = tpu.memref_squeeze %dma_wait3A_1462 : memref<1x64xi32, #tpu.memory_space<vmem>> -> memref<64xi32, #tpu.memory_space<vmem>>
        %dma_wait3A_1464 = arith.constant 0 : i32
        %dma_wait3A_1465 = arith.constant 0 : i32
        %dma_wait3A_1466 = tpu.memref_slice %arg10[%dma_wait3A_1464, %dma_wait3A_1465] : memref<10240x128xf32, #tpu.memory_space<vmem_shared>> -> memref<10240x128xf32, #tpu.memory_space<vmem_shared>>
        tpu.wait_indirect_dma semaphore(%run_scoped3A_1446 : memref<!tpu.dma_semaphore, #tpu.memory_space<semaphore_mem>>) src(%dma_wait3A_1460 : memref<64x128xf32, #tpu.memory_space<vmem>>) dst(%dma_wait3A_1466 : memref<10240x128xf32, #tpu.memory_space<vmem_shared>>)
        tpu.yield
      }) : () -> ()
      %mul3A_1324 = arith.constant 4 : i32
      %mul3A_1325 = arith.muli %mul3A_1324, %scan3A_958 : i32
      %add3A_1326 = arith.constant 3 : i32
      %add3A_1327 = arith.addi %mul3A_1325, %add3A_1326 : i32
      %add3A_1328 = arith.constant 4 : i32
      %add3A_1329 = arith.addi %add3A_1327, %add3A_1328 : i32
      %sub3A_1330 = arith.constant 1 : i32
      %sub3A_1331 = arith.subi %add3A_1329, %sub3A_1330 : i32
      %dma_wait3A_1332 = arith.constant 3 : i32
      %dma_wait3A_1333 = arith.constant 3 : i32
      %dma_wait3A_1334 = arith.constant 0 : i32
      %dma_wait3A_1335 = arith.constant 0 : i32
      %dma_wait3A_1336 = tpu.memref_slice %arg9[%dma_wait3A_1333, %dma_wait3A_1334, %dma_wait3A_1335] : memref<4x64x128xf32, #tpu.memory_space<vmem>> -> memref<1x64x128xf32, #tpu.memory_space<vmem>>
      %dma_wait3A_1337 = tpu.memref_squeeze %dma_wait3A_1336 : memref<1x64x128xf32, #tpu.memory_space<vmem>> -> memref<64x128xf32, #tpu.memory_space<vmem>>
      %dma_wait3A_1338 = arith.constant 0 : i32
      %dma_wait3A_1339 = tpu.memref_slice %arg7[%dma_wait3A_1332, %dma_wait3A_1338] : memref<4x64xi32, #tpu.memory_space<vmem>> -> memref<1x64xi32, #tpu.memory_space<vmem>>
      %dma_wait3A_1340 = tpu.memref_squeeze %dma_wait3A_1339 : memref<1x64xi32, #tpu.memory_space<vmem>> -> memref<64xi32, #tpu.memory_space<vmem>>
      %dma_wait3A_1341 = arith.constant 0 : i32
      %dma_wait3A_1342 = arith.constant 0 : i32
      %dma_wait3A_1343 = tpu.memref_slice %arg3[%dma_wait3A_1341, %dma_wait3A_1342] : memref<10000x128xf32, #tpu.memory_space<hbm>> -> memref<10000x128xf32, #tpu.memory_space<hbm>>
      tpu.wait_indirect_dma semaphore(%arg14 : memref<!tpu.dma_semaphore, #tpu.memory_space<semaphore_mem>>) src(%dma_wait3A_1343 : memref<10000x128xf32, #tpu.memory_space<hbm>>) dst(%dma_wait3A_1337 : memref<64x128xf32, #tpu.memory_space<vmem>>)
      %get3A_1344 = arith.index_cast %sub3A_1331 : i32 to index
      %get3A_1345 = arith.constant 0 : index
      %get3A_1346 = tpu.vector_load %arg6[%get3A_1344, %get3A_1345] {strides = array<i32>} : memref<80x64xi32, #tpu.memory_space<vmem>>, vector<1x16xi32>,
      %get3A_1347 = vector.shape_cast %get3A_1346 : vector<1x16xi32> to vector<16xi32>
      %shift_right_arithmetic3A_1348 = arith.constant 16 : i32
      %shift_right_arithmetic3A_1349 = vector.broadcast %shift_right_arithmetic3A_1348 : i32 to vector<16xi32>
      %shift_right_arithmetic3A_1350 = arith.shrsi %get3A_1347, %shift_right_arithmetic3A_1349 : vector<16xi32>
      %swap3A_1351 = arith.constant 2 : i32
      %swap3A_1352 = arith.index_cast %swap3A_1351 : i32 to index
      %swap3A_1353 = arith.constant 0 : index
      %swap3A_1354 = tpu.vector_load %arg7[%swap3A_1352, %swap3A_1353] {strides = array<i32>} : memref<4x64xi32, #tpu.memory_space<vmem>>, vector<1x16xi32>,
      %swap3A_1355 = vector.shape_cast %swap3A_1354 : vector<1x16xi32> to vector<16xi32>
      %swap3A_1356 = vector.shape_cast %shift_right_arithmetic3A_1350 : vector<16xi32> to vector<1x16xi32>
      tpu.vector_store %arg7[%swap3A_1352, %swap3A_1353], %swap3A_1356 {strides = array<i32>} : memref<4x64xi32, #tpu.memory_space<vmem>>, vector<1x16xi32>,
      %and3A_1357 = arith.constant 65535 : i32
      %and3A_1358 = vector.broadcast %and3A_1357 : i32 to vector<16xi32>
      %and3A_1359 = arith.andi %get3A_1347, %and3A_1358 : vector<16xi32>
      %swap3A_1360 = arith.constant 2 : i32
      %swap3A_1361 = arith.index_cast %swap3A_1360 : i32 to index
      %swap3A_1362 = arith.constant 0 : index
      %swap3A_1363 = tpu.vector_load %arg8[%swap3A_1361, %swap3A_1362] {strides = array<i32>} : memref<4x64xi32, #tpu.memory_space<vmem>>, vector<1x16xi32>,
      %swap3A_1364 = vector.shape_cast %swap3A_1363 : vector<1x16xi32> to vector<16xi32>
      %swap3A_1365 = vector.shape_cast %and3A_1359 : vector<16xi32> to vector<1x16xi32>
      tpu.vector_store %arg8[%swap3A_1361, %swap3A_1362], %swap3A_1365 {strides = array<i32>} : memref<4x64xi32, #tpu.memory_space<vmem>>, vector<1x16xi32>,
      %get3A_1366 = arith.index_cast %sub3A_1331 : i32 to index
      %get3A_1367 = arith.constant 16 : index
      %get3A_1368 = tpu.vector_load %arg6[%get3A_1366, %get3A_1367] {strides = array<i32>} : memref<80x64xi32, #tpu.memory_space<vmem>>, vector<1x16xi32>,
      %get3A_1369 = vector.shape_cast %get3A_1368 : vector<1x16xi32> to vector<16xi32>
      %shift_right_arithmetic3A_1370 = arith.constant 16 : i32
      %shift_right_arithmetic3A_1371 = vector.broadcast %shift_right_arithmetic3A_1370 : i32 to vector<16xi32>
      %shift_right_arithmetic3A_1372 = arith.shrsi %get3A_1369, %shift_right_arithmetic3A_1371 : vector<16xi32>
      %swap3A_1373 = arith.constant 2 : i32
      %swap3A_1374 = arith.index_cast %swap3A_1373 : i32 to index
      %swap3A_1375 = arith.constant 16 : index
      %swap3A_1376 = tpu.vector_load %arg7[%swap3A_1374, %swap3A_1375] {strides = array<i32>} : memref<4x64xi32, #tpu.memory_space<vmem>>, vector<1x16xi32>,
      %swap3A_1377 = vector.shape_cast %swap3A_1376 : vector<1x16xi32> to vector<16xi32>
      %swap3A_1378 = vector.shape_cast %shift_right_arithmetic3A_1372 : vector<16xi32> to vector<1x16xi32>
      tpu.vector_store %arg7[%swap3A_1374, %swap3A_1375], %swap3A_1378 {strides = array<i32>} : memref<4x64xi32, #tpu.memory_space<vmem>>, vector<1x16xi32>,
      %and3A_1379 = arith.constant 65535 : i32
      %and3A_1380 = vector.broadcast %and3A_1379 : i32 to vector<16xi32>
      %and3A_1381 = arith.andi %get3A_1369, %and3A_1380 : vector<16xi32>
      %swap3A_1382 = arith.constant 2 : i32
      %swap3A_1383 = arith.index_cast %swap3A_1382 : i32 to index
      %swap3A_1384 = arith.constant 16 : index
      %swap3A_1385 = tpu.vector_load %arg8[%swap3A_1383, %swap3A_1384] {strides = array<i32>} : memref<4x64xi32, #tpu.memory_space<vmem>>, vector<1x16xi32>,
      %swap3A_1386 = vector.shape_cast %swap3A_1385 : vector<1x16xi32> to vector<16xi32>
      %swap3A_1387 = vector.shape_cast %and3A_1381 : vector<16xi32> to vector<1x16xi32>
      tpu.vector_store %arg8[%swap3A_1383, %swap3A_1384], %swap3A_1387 {strides = array<i32>} : memref<4x64xi32, #tpu.memory_space<vmem>>, vector<1x16xi32>,
      %get3A_1388 = arith.index_cast %sub3A_1331 : i32 to index
      %get3A_1389 = arith.constant 32 : index
      %get3A_1390 = tpu.vector_load %arg6[%get3A_1388, %get3A_1389] {strides = array<i32>} : memref<80x64xi32, #tpu.memory_space<vmem>>, vector<1x16xi32>,
      %get3A_1391 = vector.shape_cast %get3A_1390 : vector<1x16xi32> to vector<16xi32>
      %shift_right_arithmetic3A_1392 = arith.constant 16 : i32
      %shift_right_arithmetic3A_1393 = vector.broadcast %shift_right_arithmetic3A_1392 : i32 to vector<16xi32>
      %shift_right_arithmetic3A_1394 = arith.shrsi %get3A_1391, %shift_right_arithmetic3A_1393 : vector<16xi32>
      %swap3A_1395 = arith.constant 2 : i32
      %swap3A_1396 = arith.index_cast %swap3A_1395 : i32 to index
      %swap3A_1397 = arith.constant 32 : index
      %swap3A_1398 = tpu.vector_load %arg7[%swap3A_1396, %swap3A_1397] {strides = array<i32>} : memref<4x64xi32, #tpu.memory_space<vmem>>, vector<1x16xi32>,
      %swap3A_1399 = vector.shape_cast %swap3A_1398 : vector<1x16xi32> to vector<16xi32>
      %swap3A_1400 = vector.shape_cast %shift_right_arithmetic3A_1394 : vector<16xi32> to vector<1x16xi32>
      tpu.vector_store %arg7[%swap3A_1396, %swap3A_1397], %swap3A_1400 {strides = array<i32>} : memref<4x64xi32, #tpu.memory_space<vmem>>, vector<1x16xi32>,
      %and3A_1401 = arith.constant 65535 : i32
      %and3A_1402 = vector.broadcast %and3A_1401 : i32 to vector<16xi32>
      %and3A_1403 = arith.andi %get3A_1391, %and3A_1402 : vector<16xi32>
      %swap3A_1404 = arith.constant 2 : i32
      %swap3A_1405 = arith.index_cast %swap3A_1404 : i32 to index
      %swap3A_1406 = arith.constant 32 : index
      %swap3A_1407 = tpu.vector_load %arg8[%swap3A_1405, %swap3A_1406] {strides = array<i32>} : memref<4x64xi32, #tpu.memory_space<vmem>>, vector<1x16xi32>,
      %swap3A_1408 = vector.shape_cast %swap3A_1407 : vector<1x16xi32> to vector<16xi32>
      %swap3A_1409 = vector.shape_cast %and3A_1403 : vector<16xi32> to vector<1x16xi32>
      tpu.vector_store %arg8[%swap3A_1405, %swap3A_1406], %swap3A_1409 {strides = array<i32>} : memref<4x64xi32, #tpu.memory_space<vmem>>, vector<1x16xi32>,
      %get3A_1410 = arith.index_cast %sub3A_1331 : i32 to index
      %get3A_1411 = arith.constant 48 : index
      %get3A_1412 = tpu.vector_load %arg6[%get3A_1410, %get3A_1411] {strides = array<i32>} : memref<80x64xi32, #tpu.memory_space<vmem>>, vector<1x16xi32>,
      %get3A_1413 = vector.shape_cast %get3A_1412 : vector<1x16xi32> to vector<16xi32>
      %shift_right_arithmetic3A_1414 = arith.constant 16 : i32
      %shift_right_arithmetic3A_1415 = vector.broadcast %shift_right_arithmetic3A_1414 : i32 to vector<16xi32>
      %shift_right_arithmetic3A_1416 = arith.shrsi %get3A_1413, %shift_right_arithmetic3A_1415 : vector<16xi32>
      %swap3A_1417 = arith.constant 2 : i32
      %swap3A_1418 = arith.index_cast %swap3A_1417 : i32 to index
      %swap3A_1419 = arith.constant 48 : index
      %swap3A_1420 = tpu.vector_load %arg7[%swap3A_1418, %swap3A_1419] {strides = array<i32>} : memref<4x64xi32, #tpu.memory_space<vmem>>, vector<1x16xi32>,
      %swap3A_1421 = vector.shape_cast %swap3A_1420 : vector<1x16xi32> to vector<16xi32>
      %swap3A_1422 = vector.shape_cast %shift_right_arithmetic3A_1416 : vector<16xi32> to vector<1x16xi32>
      tpu.vector_store %arg7[%swap3A_1418, %swap3A_1419], %swap3A_1422 {strides = array<i32>} : memref<4x64xi32, #tpu.memory_space<vmem>>, vector<1x16xi32>,
      %and3A_1423 = arith.constant 65535 : i32
      %and3A_1424 = vector.broadcast %and3A_1423 : i32 to vector<16xi32>
      %and3A_1425 = arith.andi %get3A_1413, %and3A_1424 : vector<16xi32>
      %swap3A_1426 = arith.constant 2 : i32
      %swap3A_1427 = arith.index_cast %swap3A_1426 : i32 to index
      %swap3A_1428 = arith.constant 48 : index
      %swap3A_1429 = tpu.vector_load %arg8[%swap3A_1427, %swap3A_1428] {strides = array<i32>} : memref<4x64xi32, #tpu.memory_space<vmem>>, vector<1x16xi32>,
      %swap3A_1430 = vector.shape_cast %swap3A_1429 : vector<1x16xi32> to vector<16xi32>
      %swap3A_1431 = vector.shape_cast %and3A_1425 : vector<16xi32> to vector<1x16xi32>
      tpu.vector_store %arg8[%swap3A_1427, %swap3A_1428], %swap3A_1431 {strides = array<i32>} : memref<4x64xi32, #tpu.memory_space<vmem>>, vector<1x16xi32>,
      %dma_start3A_1432 = arith.constant 2 : i32
      %dma_start3A_1433 = arith.constant 2 : i32
      %dma_start3A_1434 = arith.constant 0 : i32
      %dma_start3A_1435 = arith.constant 0 : i32
      %dma_start3A_1436 = tpu.memref_slice %arg9[%dma_start3A_1433, %dma_start3A_1434, %dma_start3A_1435] : memref<4x64x128xf32, #tpu.memory_space<vmem>> -> memref<1x64x128xf32, #tpu.memory_space<vmem>>
      %dma_start3A_1437 = tpu.memref_squeeze %dma_start3A_1436 : memref<1x64x128xf32, #tpu.memory_space<vmem>> -> memref<64x128xf32, #tpu.memory_space<vmem>>
      %dma_start3A_1438 = arith.constant 0 : i32
      %dma_start3A_1439 = tpu.memref_slice %arg7[%dma_start3A_1432, %dma_start3A_1438] : memref<4x64xi32, #tpu.memory_space<vmem>> -> memref<1x64xi32, #tpu.memory_space<vmem>>
      %dma_start3A_1440 = tpu.memref_squeeze %dma_start3A_1439 : memref<1x64xi32, #tpu.memory_space<vmem>> -> memref<64xi32, #tpu.memory_space<vmem>>
      %dma_start3A_1441 = arith.constant 0 : i32
      %dma_start3A_1442 = arith.constant 0 : i32
      %dma_start3A_1443 = tpu.memref_slice %arg3[%dma_start3A_1441, %dma_start3A_1442] : memref<10000x128xf32, #tpu.memory_space<hbm>> -> memref<10000x128xf32, #tpu.memory_space<hbm>>
      tpu.enqueue_indirect_dma source(%dma_start3A_1443 : memref<10000x128xf32, #tpu.memory_space<hbm>>) target(%dma_start3A_1437 : memref<64x128xf32, #tpu.memory_space<vmem>>) offsets(%dma_start3A_1440 : memref<64xi32, #tpu.memory_space<vmem>>) semaphore(%arg13 : memref<!tpu.dma_semaphore, #tpu.memory_space<semaphore_mem>>)
      %run_scoped3A_1444 = arith.constant 3 : i32
      %run_scoped3A_1445 = arith.constant 3 : i32
      "tpu.region"() ({
        %run_scoped3A_1446 = tpu.sem_alloc : memref<!tpu.dma_semaphore, #tpu.memory_space<semaphore_mem>>
        %dma_start3A_1447 = arith.constant 0 : i32
        %dma_start3A_1448 = arith.constant 0 : i32
        %dma_start3A_1449 = tpu.memref_slice %arg9[%run_scoped3A_1444, %dma_start3A_1447, %dma_start3A_1448] : memref<4x64x128xf32, #tpu.memory_space<vmem>> -> memref<1x64x128xf32, #tpu.memory_space<vmem>>
        %dma_start3A_1450 = tpu.memref_squeeze %dma_start3A_1449 : memref<1x64x128xf32, #tpu.memory_space<vmem>> -> memref<64x128xf32, #tpu.memory_space<vmem>>
        %dma_start3A_1451 = arith.constant 0 : i32
        %dma_start3A_1452 = tpu.memref_slice %arg8[%run_scoped3A_1445, %dma_start3A_1451] : memref<4x64xi32, #tpu.memory_space<vmem>> -> memref<1x64xi32, #tpu.memory_space<vmem>>
        %dma_start3A_1453 = tpu.memref_squeeze %dma_start3A_1452 : memref<1x64xi32, #tpu.memory_space<vmem>> -> memref<64xi32, #tpu.memory_space<vmem>>
        %dma_start3A_1454 = arith.constant 0 : i32
        %dma_start3A_1455 = arith.constant 0 : i32
        %dma_start3A_1456 = tpu.memref_slice %arg10[%dma_start3A_1454, %dma_start3A_1455] : memref<10240x128xf32, #tpu.memory_space<vmem_shared>> -> memref<10240x128xf32, #tpu.memory_space<vmem_shared>>
        tpu.enqueue_indirect_dma source(%dma_start3A_1450 : memref<64x128xf32, #tpu.memory_space<vmem>>) target(%dma_start3A_1456 : memref<10240x128xf32, #tpu.memory_space<vmem_shared>>) offsets(%dma_start3A_1453 : memref<64xi32, #tpu.memory_space<vmem>>) semaphore(%run_scoped3A_1446 : memref<!tpu.dma_semaphore, #tpu.memory_space<semaphore_mem>>) {add = true}
        %dma_wait3A_1457 = arith.constant 0 : i32
        %dma_wait3A_1458 = arith.constant 0 : i32
        %dma_wait3A_1459 = tpu.memref_slice %arg9[%run_scoped3A_1444, %dma_wait3A_1457, %dma_wait3A_1458] : memref<4x64x128xf32, #tpu.memory_space<vmem>> -> memref<1x64x128xf32, #tpu.memory_space<vmem>>
        %dma_wait3A_1460 = tpu.memref_squeeze %dma_wait3A_1459 : memref<1x64x128xf32, #tpu.memory_space<vmem>> -> memref<64x128xf32, #tpu.memory_space<vmem>>
        %dma_wait3A_1461 = arith.constant 0 : i32
        %dma_wait3A_1462 = tpu.memref_slice %arg8[%run_scoped3A_1445, %dma_wait3A_1461] : memref<4x64xi32, #tpu.memory_space<vmem>> -> memref<1x64xi32, #tpu.memory_space<vmem>>
        %dma_wait3A_1463 = tpu.memref_squeeze %dma_wait3A_1462 : memref<1x64xi32, #tpu.memory_space<vmem>> -> memref<64xi32, #tpu.memory_space<vmem>>
        %dma_wait3A_1464 = arith.constant 0 : i32
        %dma_wait3A_1465 = arith.constant 0 : i32
        %dma_wait3A_1466 = tpu.memref_slice %arg10[%dma_wait3A_1464, %dma_wait3A_1465] : memref<10240x128xf32, #tpu.memory_space<vmem_shared>> -> memref<10240x128xf32, #tpu.memory_space<vmem_shared>>
        tpu.wait_indirect_dma semaphore(%run_scoped3A_1446 : memref<!tpu.dma_semaphore, #tpu.memory_space<semaphore_mem>>) src(%dma_wait3A_1460 : memref<64x128xf32, #tpu.memory_space<vmem>>) dst(%dma_wait3A_1466 : memref<10240x128xf32, #tpu.memory_space<vmem_shared>>)
        tpu.yield
      }) : () -> ()
    }
    %scan3A_792 = arith.constant 19 : i32
    %dma_wait3A_793 = arith.constant 0 : i32
    %dma_wait3A_794 = arith.constant 0 : i32
    %dma_wait3A_795 = arith.constant 0 : i32
    %dma_wait3A_796 = arith.constant 0 : i32
    %dma_wait3A_797 = tpu.memref_slice %arg9[%dma_wait3A_794, %dma_wait3A_795, %dma_wait3A_796] : memref<4x64x128xf32, #tpu.memory_space<vmem>> -> memref<1x64x128xf32, #tpu.memory_space<vmem>>
    %dma_wait3A_798 = tpu.memref_squeeze %dma_wait3A_797 : memref<1x64x128xf32, #tpu.memory_space<vmem>> -> memref<64x128xf32, #tpu.memory_space<vmem>>
    %dma_wait3A_799 = arith.constant 0 : i32
    %dma_wait3A_800 = tpu.memref_slice %arg7[%dma_wait3A_793, %dma_wait3A_799] : memref<4x64xi32, #tpu.memory_space<vmem>> -> memref<1x64xi32, #tpu.memory_space<vmem>>
    %dma_wait3A_801 = tpu.memref_squeeze %dma_wait3A_800 : memref<1x64xi32, #tpu.memory_space<vmem>> -> memref<64xi32, #tpu.memory_space<vmem>>
    %dma_wait3A_802 = arith.constant 0 : i32
    %dma_wait3A_803 = arith.constant 0 : i32
    %dma_wait3A_804 = tpu.memref_slice %arg3[%dma_wait3A_802, %dma_wait3A_803] : memref<10000x128xf32, #tpu.memory_space<hbm>> -> memref<10000x128xf32, #tpu.memory_space<hbm>>
    tpu.wait_indirect_dma semaphore(%arg11 : memref<!tpu.dma_semaphore, #tpu.memory_space<semaphore_mem>>) src(%dma_wait3A_804 : memref<10000x128xf32, #tpu.memory_space<hbm>>) dst(%dma_wait3A_798 : memref<64x128xf32, #tpu.memory_space<vmem>>)
    %get3A_805 = arith.constant 79 : i32
    %get3A_806 = arith.index_cast %get3A_805 : i32 to index
    %get3A_807 = arith.constant 0 : index
    %get3A_808 = tpu.vector_load %arg6[%get3A_806, %get3A_807] {strides = array<i32>} : memref<80x64xi32, #tpu.memory_space<vmem>>, vector<1x16xi32>,
    %get3A_809 = vector.shape_cast %get3A_808 : vector<1x16xi32> to vector<16xi32>
    %shift_right_arithmetic3A_810 = arith.constant 16 : i32
    %shift_right_arithmetic3A_811 = vector.broadcast %shift_right_arithmetic3A_810 : i32 to vector<16xi32>
    %shift_right_arithmetic3A_812 = arith.shrsi %get3A_809, %shift_right_arithmetic3A_811 : vector<16xi32>
    %swap3A_813 = arith.constant 3 : i32
    %swap3A_814 = arith.index_cast %swap3A_813 : i32 to index
    %swap3A_815 = arith.constant 0 : index
    %swap3A_816 = tpu.vector_load %arg7[%swap3A_814, %swap3A_815] {strides = array<i32>} : memref<4x64xi32, #tpu.memory_space<vmem>>, vector<1x16xi32>,
    %swap3A_817 = vector.shape_cast %swap3A_816 : vector<1x16xi32> to vector<16xi32>
    %swap3A_818 = vector.shape_cast %shift_right_arithmetic3A_812 : vector<16xi32> to vector<1x16xi32>
    tpu.vector_store %arg7[%swap3A_814, %swap3A_815], %swap3A_818 {strides = array<i32>} : memref<4x64xi32, #tpu.memory_space<vmem>>, vector<1x16xi32>,
    %and3A_819 = arith.constant 65535 : i32
    %and3A_820 = vector.broadcast %and3A_819 : i32 to vector<16xi32>
    %and3A_821 = arith.andi %get3A_809, %and3A_820 : vector<16xi32>
    %swap3A_822 = arith.constant 3 : i32
    %swap3A_823 = arith.index_cast %swap3A_822 : i32 to index
    %swap3A_824 = arith.constant 0 : index
    %swap3A_825 = tpu.vector_load %arg8[%swap3A_823, %swap3A_824] {strides = array<i32>} : memref<4x64xi32, #tpu.memory_space<vmem>>, vector<1x16xi32>,
    %swap3A_826 = vector.shape_cast %swap3A_825 : vector<1x16xi32> to vector<16xi32>
    %swap3A_827 = vector.shape_cast %and3A_821 : vector<16xi32> to vector<1x16xi32>
    tpu.vector_store %arg8[%swap3A_823, %swap3A_824], %swap3A_827 {strides = array<i32>} : memref<4x64xi32, #tpu.memory_space<vmem>>, vector<1x16xi32>,
    %get3A_828 = arith.constant 79 : i32
    %get3A_829 = arith.index_cast %get3A_828 : i32 to index
    %get3A_830 = arith.constant 16 : index
    %get3A_831 = tpu.vector_load %arg6[%get3A_829, %get3A_830] {strides = array<i32>} : memref<80x64xi32, #tpu.memory_space<vmem>>, vector<1x16xi32>,
    %get3A_832 = vector.shape_cast %get3A_831 : vector<1x16xi32> to vector<16xi32>
    %shift_right_arithmetic3A_833 = arith.constant 16 : i32
    %shift_right_arithmetic3A_834 = vector.broadcast %shift_right_arithmetic3A_833 : i32 to vector<16xi32>
    %shift_right_arithmetic3A_835 = arith.shrsi %get3A_832, %shift_right_arithmetic3A_834 : vector<16xi32>
    %swap3A_836 = arith.constant 3 : i32
    %swap3A_837 = arith.index_cast %swap3A_836 : i32 to index
    %swap3A_838 = arith.constant 16 : index
    %swap3A_839 = tpu.vector_load %arg7[%swap3A_837, %swap3A_838] {strides = array<i32>} : memref<4x64xi32, #tpu.memory_space<vmem>>, vector<1x16xi32>,
    %swap3A_840 = vector.shape_cast %swap3A_839 : vector<1x16xi32> to vector<16xi32>
    %swap3A_841 = vector.shape_cast %shift_right_arithmetic3A_835 : vector<16xi32> to vector<1x16xi32>
    tpu.vector_store %arg7[%swap3A_837, %swap3A_838], %swap3A_841 {strides = array<i32>} : memref<4x64xi32, #tpu.memory_space<vmem>>, vector<1x16xi32>,
    %and3A_842 = arith.constant 65535 : i32
    %and3A_843 = vector.broadcast %and3A_842 : i32 to vector<16xi32>
    %and3A_844 = arith.andi %get3A_832, %and3A_843 : vector<16xi32>
    %swap3A_845 = arith.constant 3 : i32
    %swap3A_846 = arith.index_cast %swap3A_845 : i32 to index
    %swap3A_847 = arith.constant 16 : index
    %swap3A_848 = tpu.vector_load %arg8[%swap3A_846, %swap3A_847] {strides = array<i32>} : memref<4x64xi32, #tpu.memory_space<vmem>>, vector<1x16xi32>,
    %swap3A_849 = vector.shape_cast %swap3A_848 : vector<1x16xi32> to vector<16xi32>
    %swap3A_850 = vector.shape_cast %and3A_844 : vector<16xi32> to vector<1x16xi32>
    tpu.vector_store %arg8[%swap3A_846, %swap3A_847], %swap3A_850 {strides = array<i32>} : memref<4x64xi32, #tpu.memory_space<vmem>>, vector<1x16xi32>,
    %get3A_851 = arith.constant 79 : i32
    %get3A_852 = arith.index_cast %get3A_851 : i32 to index
    %get3A_853 = arith.constant 32 : index
    %get3A_854 = tpu.vector_load %arg6[%get3A_852, %get3A_853] {strides = array<i32>} : memref<80x64xi32, #tpu.memory_space<vmem>>, vector<1x16xi32>,
    %get3A_855 = vector.shape_cast %get3A_854 : vector<1x16xi32> to vector<16xi32>
    %shift_right_arithmetic3A_856 = arith.constant 16 : i32
    %shift_right_arithmetic3A_857 = vector.broadcast %shift_right_arithmetic3A_856 : i32 to vector<16xi32>
    %shift_right_arithmetic3A_858 = arith.shrsi %get3A_855, %shift_right_arithmetic3A_857 : vector<16xi32>
    %swap3A_859 = arith.constant 3 : i32
    %swap3A_860 = arith.index_cast %swap3A_859 : i32 to index
    %swap3A_861 = arith.constant 32 : index
    %swap3A_862 = tpu.vector_load %arg7[%swap3A_860, %swap3A_861] {strides = array<i32>} : memref<4x64xi32, #tpu.memory_space<vmem>>, vector<1x16xi32>,
    %swap3A_863 = vector.shape_cast %swap3A_862 : vector<1x16xi32> to vector<16xi32>
    %swap3A_864 = vector.shape_cast %shift_right_arithmetic3A_858 : vector<16xi32> to vector<1x16xi32>
    tpu.vector_store %arg7[%swap3A_860, %swap3A_861], %swap3A_864 {strides = array<i32>} : memref<4x64xi32, #tpu.memory_space<vmem>>, vector<1x16xi32>,
    %and3A_865 = arith.constant 65535 : i32
    %and3A_866 = vector.broadcast %and3A_865 : i32 to vector<16xi32>
    %and3A_867 = arith.andi %get3A_855, %and3A_866 : vector<16xi32>
    %swap3A_868 = arith.constant 3 : i32
    %swap3A_869 = arith.index_cast %swap3A_868 : i32 to index
    %swap3A_870 = arith.constant 32 : index
    %swap3A_871 = tpu.vector_load %arg8[%swap3A_869, %swap3A_870] {strides = array<i32>} : memref<4x64xi32, #tpu.memory_space<vmem>>, vector<1x16xi32>,
    %swap3A_872 = vector.shape_cast %swap3A_871 : vector<1x16xi32> to vector<16xi32>
    %swap3A_873 = vector.shape_cast %and3A_867 : vector<16xi32> to vector<1x16xi32>
    tpu.vector_store %arg8[%swap3A_869, %swap3A_870], %swap3A_873 {strides = array<i32>} : memref<4x64xi32, #tpu.memory_space<vmem>>, vector<1x16xi32>,
    %get3A_874 = arith.constant 79 : i32
    %get3A_875 = arith.index_cast %get3A_874 : i32 to index
    %get3A_876 = arith.constant 48 : index
    %get3A_877 = tpu.vector_load %arg6[%get3A_875, %get3A_876] {strides = array<i32>} : memref<80x64xi32, #tpu.memory_space<vmem>>, vector<1x16xi32>,
    %get3A_878 = vector.shape_cast %get3A_877 : vector<1x16xi32> to vector<16xi32>
    %shift_right_arithmetic3A_879 = arith.constant 16 : i32
    %shift_right_arithmetic3A_880 = vector.broadcast %shift_right_arithmetic3A_879 : i32 to vector<16xi32>
    %shift_right_arithmetic3A_881 = arith.shrsi %get3A_878, %shift_right_arithmetic3A_880 : vector<16xi32>
    %swap3A_882 = arith.constant 3 : i32
    %swap3A_883 = arith.index_cast %swap3A_882 : i32 to index
    %swap3A_884 = arith.constant 48 : index
    %swap3A_885 = tpu.vector_load %arg7[%swap3A_883, %swap3A_884] {strides = array<i32>} : memref<4x64xi32, #tpu.memory_space<vmem>>, vector<1x16xi32>,
    %swap3A_886 = vector.shape_cast %swap3A_885 : vector<1x16xi32> to vector<16xi32>
    %swap3A_887 = vector.shape_cast %shift_right_arithmetic3A_881 : vector<16xi32> to vector<1x16xi32>
    tpu.vector_store %arg7[%swap3A_883, %swap3A_884], %swap3A_887 {strides = array<i32>} : memref<4x64xi32, #tpu.memory_space<vmem>>, vector<1x16xi32>,
    %and3A_888 = arith.constant 65535 : i32
    %and3A_889 = vector.broadcast %and3A_888 : i32 to vector<16xi32>
    %and3A_890 = arith.andi %get3A_878, %and3A_889 : vector<16xi32>
    %swap3A_891 = arith.constant 3 : i32
    %swap3A_892 = arith.index_cast %swap3A_891 : i32 to index
    %swap3A_893 = arith.constant 48 : index
    %swap3A_894 = tpu.vector_load %arg8[%swap3A_892, %swap3A_893] {strides = array<i32>} : memref<4x64xi32, #tpu.memory_space<vmem>>, vector<1x16xi32>,
    %swap3A_895 = vector.shape_cast %swap3A_894 : vector<1x16xi32> to vector<16xi32>
    %swap3A_896 = vector.shape_cast %and3A_890 : vector<16xi32> to vector<1x16xi32>
    tpu.vector_store %arg8[%swap3A_892, %swap3A_893], %swap3A_896 {strides = array<i32>} : memref<4x64xi32, #tpu.memory_space<vmem>>, vector<1x16xi32>,
    %dma_start3A_897 = arith.constant 3 : i32
    %dma_start3A_898 = arith.constant 3 : i32
    %dma_start3A_899 = arith.constant 0 : i32
    %dma_start3A_900 = arith.constant 0 : i32
    %dma_start3A_901 = tpu.memref_slice %arg9[%dma_start3A_898, %dma_start3A_899, %dma_start3A_900] : memref<4x64x128xf32, #tpu.memory_space<vmem>> -> memref<1x64x128xf32, #tpu.memory_space<vmem>>
    %dma_start3A_902 = tpu.memref_squeeze %dma_start3A_901 : memref<1x64x128xf32, #tpu.memory_space<vmem>> -> memref<64x128xf32, #tpu.memory_space<vmem>>
    %dma_start3A_903 = arith.constant 0 : i32
    %dma_start3A_904 = tpu.memref_slice %arg7[%dma_start3A_897, %dma_start3A_903] : memref<4x64xi32, #tpu.memory_space<vmem>> -> memref<1x64xi32, #tpu.memory_space<vmem>>
    %dma_start3A_905 = tpu.memref_squeeze %dma_start3A_904 : memref<1x64xi32, #tpu.memory_space<vmem>> -> memref<64xi32, #tpu.memory_space<vmem>>
    %dma_start3A_906 = arith.constant 0 : i32
    %dma_start3A_907 = arith.constant 0 : i32
    %dma_start3A_908 = tpu.memref_slice %arg3[%dma_start3A_906, %dma_start3A_907] : memref<10000x128xf32, #tpu.memory_space<hbm>> -> memref<10000x128xf32, #tpu.memory_space<hbm>>
    tpu.enqueue_indirect_dma source(%dma_start3A_908 : memref<10000x128xf32, #tpu.memory_space<hbm>>) target(%dma_start3A_902 : memref<64x128xf32, #tpu.memory_space<vmem>>) offsets(%dma_start3A_905 : memref<64xi32, #tpu.memory_space<vmem>>) semaphore(%arg14 : memref<!tpu.dma_semaphore, #tpu.memory_space<semaphore_mem>>)
    %run_scoped3A_909 = arith.constant 0 : i32
    %run_scoped3A_910 = arith.constant 0 : i32
    "tpu.region"() ({
      %run_scoped3A_958 = tpu.sem_alloc : memref<!tpu.dma_semaphore, #tpu.memory_space<semaphore_mem>>
      %dma_start3A_959 = arith.constant 0 : i32
      %dma_start3A_960 = arith.constant 0 : i32
      %dma_start3A_961 = tpu.memref_slice %arg9[%run_scoped3A_909, %dma_start3A_959, %dma_start3A_960] : memref<4x64x128xf32, #tpu.memory_space<vmem>> -> memref<1x64x128xf32, #tpu.memory_space<vmem>>
      %dma_start3A_962 = tpu.memref_squeeze %dma_start3A_961 : memref<1x64x128xf32, #tpu.memory_space<vmem>> -> memref<64x128xf32, #tpu.memory_space<vmem>>
      %dma_start3A_963 = arith.constant 0 : i32
      %dma_start3A_964 = tpu.memref_slice %arg8[%run_scoped3A_910, %dma_start3A_963] : memref<4x64xi32, #tpu.memory_space<vmem>> -> memref<1x64xi32, #tpu.memory_space<vmem>>
      %dma_start3A_965 = tpu.memref_squeeze %dma_start3A_964 : memref<1x64xi32, #tpu.memory_space<vmem>> -> memref<64xi32, #tpu.memory_space<vmem>>
      %dma_start3A_966 = arith.constant 0 : i32
      %dma_start3A_967 = arith.constant 0 : i32
      %dma_start3A_968 = tpu.memref_slice %arg10[%dma_start3A_966, %dma_start3A_967] : memref<10240x128xf32, #tpu.memory_space<vmem_shared>> -> memref<10240x128xf32, #tpu.memory_space<vmem_shared>>
      tpu.enqueue_indirect_dma source(%dma_start3A_962 : memref<64x128xf32, #tpu.memory_space<vmem>>) target(%dma_start3A_968 : memref<10240x128xf32, #tpu.memory_space<vmem_shared>>) offsets(%dma_start3A_965 : memref<64xi32, #tpu.memory_space<vmem>>) semaphore(%run_scoped3A_958 : memref<!tpu.dma_semaphore, #tpu.memory_space<semaphore_mem>>) {add = true}
      %dma_wait3A_969 = arith.constant 0 : i32
      %dma_wait3A_970 = arith.constant 0 : i32
      %dma_wait3A_971 = tpu.memref_slice %arg9[%run_scoped3A_909, %dma_wait3A_969, %dma_wait3A_970] : memref<4x64x128xf32, #tpu.memory_space<vmem>> -> memref<1x64x128xf32, #tpu.memory_space<vmem>>
      %dma_wait3A_972 = tpu.memref_squeeze %dma_wait3A_971 : memref<1x64x128xf32, #tpu.memory_space<vmem>> -> memref<64x128xf32, #tpu.memory_space<vmem>>
      %dma_wait3A_973 = arith.constant 0 : i32
      %dma_wait3A_974 = tpu.memref_slice %arg8[%run_scoped3A_910, %dma_wait3A_973] : memref<4x64xi32, #tpu.memory_space<vmem>> -> memref<1x64xi32, #tpu.memory_space<vmem>>
      %dma_wait3A_975 = tpu.memref_squeeze %dma_wait3A_974 : memref<1x64xi32, #tpu.memory_space<vmem>> -> memref<64xi32, #tpu.memory_space<vmem>>
      %dma_wait3A_976 = arith.constant 0 : i32
      %dma_wait3A_977 = arith.constant 0 : i32
      %dma_wait3A_978 = tpu.memref_slice %arg10[%dma_wait3A_976, %dma_wait3A_977] : memref<10240x128xf32, #tpu.memory_space<vmem_shared>> -> memref<10240x128xf32, #tpu.memory_space<vmem_shared>>
      tpu.wait_indirect_dma semaphore(%run_scoped3A_958 : memref<!tpu.dma_semaphore, #tpu.memory_space<semaphore_mem>>) src(%dma_wait3A_972 : memref<64x128xf32, #tpu.memory_space<vmem>>) dst(%dma_wait3A_978 : memref<10240x128xf32, #tpu.memory_space<vmem_shared>>)
      tpu.yield
    }) : () -> ()
    %dma_wait3A_911 = arith.constant 1 : i32
    %dma_wait3A_912 = arith.constant 1 : i32
    %dma_wait3A_913 = arith.constant 0 : i32
    %dma_wait3A_914 = arith.constant 0 : i32
    %dma_wait3A_915 = tpu.memref_slice %arg9[%dma_wait3A_912, %dma_wait3A_913, %dma_wait3A_914] : memref<4x64x128xf32, #tpu.memory_space<vmem>> -> memref<1x64x128xf32, #tpu.memory_space<vmem>>
    %dma_wait3A_916 = tpu.memref_squeeze %dma_wait3A_915 : memref<1x64x128xf32, #tpu.memory_space<vmem>> -> memref<64x128xf32, #tpu.memory_space<vmem>>
    %dma_wait3A_917 = arith.constant 0 : i32
    %dma_wait3A_918 = tpu.memref_slice %arg7[%dma_wait3A_911, %dma_wait3A_917] : memref<4x64xi32, #tpu.memory_space<vmem>> -> memref<1x64xi32, #tpu.memory_space<vmem>>
    %dma_wait3A_919 = tpu.memref_squeeze %dma_wait3A_918 : memref<1x64xi32, #tpu.memory_space<vmem>> -> memref<64xi32, #tpu.memory_space<vmem>>
    %dma_wait3A_920 = arith.constant 0 : i32
    %dma_wait3A_921 = arith.constant 0 : i32
    %dma_wait3A_922 = tpu.memref_slice %arg3[%dma_wait3A_920, %dma_wait3A_921] : memref<10000x128xf32, #tpu.memory_space<hbm>> -> memref<10000x128xf32, #tpu.memory_space<hbm>>
    tpu.wait_indirect_dma semaphore(%arg12 : memref<!tpu.dma_semaphore, #tpu.memory_space<semaphore_mem>>) src(%dma_wait3A_922 : memref<10000x128xf32, #tpu.memory_space<hbm>>) dst(%dma_wait3A_916 : memref<64x128xf32, #tpu.memory_space<vmem>>)
    %run_scoped3A_923 = arith.constant 1 : i32
    %run_scoped3A_924 = arith.constant 1 : i32
    "tpu.region"() ({
      %run_scoped3A_958 = tpu.sem_alloc : memref<!tpu.dma_semaphore, #tpu.memory_space<semaphore_mem>>
      %dma_start3A_959 = arith.constant 0 : i32
      %dma_start3A_960 = arith.constant 0 : i32
      %dma_start3A_961 = tpu.memref_slice %arg9[%run_scoped3A_923, %dma_start3A_959, %dma_start3A_960] : memref<4x64x128xf32, #tpu.memory_space<vmem>> -> memref<1x64x128xf32, #tpu.memory_space<vmem>>
      %dma_start3A_962 = tpu.memref_squeeze %dma_start3A_961 : memref<1x64x128xf32, #tpu.memory_space<vmem>> -> memref<64x128xf32, #tpu.memory_space<vmem>>
      %dma_start3A_963 = arith.constant 0 : i32
      %dma_start3A_964 = tpu.memref_slice %arg8[%run_scoped3A_924, %dma_start3A_963] : memref<4x64xi32, #tpu.memory_space<vmem>> -> memref<1x64xi32, #tpu.memory_space<vmem>>
      %dma_start3A_965 = tpu.memref_squeeze %dma_start3A_964 : memref<1x64xi32, #tpu.memory_space<vmem>> -> memref<64xi32, #tpu.memory_space<vmem>>
      %dma_start3A_966 = arith.constant 0 : i32
      %dma_start3A_967 = arith.constant 0 : i32
      %dma_start3A_968 = tpu.memref_slice %arg10[%dma_start3A_966, %dma_start3A_967] : memref<10240x128xf32, #tpu.memory_space<vmem_shared>> -> memref<10240x128xf32, #tpu.memory_space<vmem_shared>>
      tpu.enqueue_indirect_dma source(%dma_start3A_962 : memref<64x128xf32, #tpu.memory_space<vmem>>) target(%dma_start3A_968 : memref<10240x128xf32, #tpu.memory_space<vmem_shared>>) offsets(%dma_start3A_965 : memref<64xi32, #tpu.memory_space<vmem>>) semaphore(%run_scoped3A_958 : memref<!tpu.dma_semaphore, #tpu.memory_space<semaphore_mem>>) {add = true}
      %dma_wait3A_969 = arith.constant 0 : i32
      %dma_wait3A_970 = arith.constant 0 : i32
      %dma_wait3A_971 = tpu.memref_slice %arg9[%run_scoped3A_923, %dma_wait3A_969, %dma_wait3A_970] : memref<4x64x128xf32, #tpu.memory_space<vmem>> -> memref<1x64x128xf32, #tpu.memory_space<vmem>>
      %dma_wait3A_972 = tpu.memref_squeeze %dma_wait3A_971 : memref<1x64x128xf32, #tpu.memory_space<vmem>> -> memref<64x128xf32, #tpu.memory_space<vmem>>
      %dma_wait3A_973 = arith.constant 0 : i32
      %dma_wait3A_974 = tpu.memref_slice %arg8[%run_scoped3A_924, %dma_wait3A_973] : memref<4x64xi32, #tpu.memory_space<vmem>> -> memref<1x64xi32, #tpu.memory_space<vmem>>
      %dma_wait3A_975 = tpu.memref_squeeze %dma_wait3A_974 : memref<1x64xi32, #tpu.memory_space<vmem>> -> memref<64xi32, #tpu.memory_space<vmem>>
      %dma_wait3A_976 = arith.constant 0 : i32
      %dma_wait3A_977 = arith.constant 0 : i32
      %dma_wait3A_978 = tpu.memref_slice %arg10[%dma_wait3A_976, %dma_wait3A_977] : memref<10240x128xf32, #tpu.memory_space<vmem_shared>> -> memref<10240x128xf32, #tpu.memory_space<vmem_shared>>
      tpu.wait_indirect_dma semaphore(%run_scoped3A_958 : memref<!tpu.dma_semaphore, #tpu.memory_space<semaphore_mem>>) src(%dma_wait3A_972 : memref<64x128xf32, #tpu.memory_space<vmem>>) dst(%dma_wait3A_978 : memref<10240x128xf32, #tpu.memory_space<vmem_shared>>)
      tpu.yield
    }) : () -> ()
    %dma_wait3A_925 = arith.constant 2 : i32
    %dma_wait3A_926 = arith.constant 2 : i32
    %dma_wait3A_927 = arith.constant 0 : i32
    %dma_wait3A_928 = arith.constant 0 : i32
    %dma_wait3A_929 = tpu.memref_slice %arg9[%dma_wait3A_926, %dma_wait3A_927, %dma_wait3A_928] : memref<4x64x128xf32, #tpu.memory_space<vmem>> -> memref<1x64x128xf32, #tpu.memory_space<vmem>>
    %dma_wait3A_930 = tpu.memref_squeeze %dma_wait3A_929 : memref<1x64x128xf32, #tpu.memory_space<vmem>> -> memref<64x128xf32, #tpu.memory_space<vmem>>
    %dma_wait3A_931 = arith.constant 0 : i32
    %dma_wait3A_932 = tpu.memref_slice %arg7[%dma_wait3A_925, %dma_wait3A_931] : memref<4x64xi32, #tpu.memory_space<vmem>> -> memref<1x64xi32, #tpu.memory_space<vmem>>
    %dma_wait3A_933 = tpu.memref_squeeze %dma_wait3A_932 : memref<1x64xi32, #tpu.memory_space<vmem>> -> memref<64xi32, #tpu.memory_space<vmem>>
    %dma_wait3A_934 = arith.constant 0 : i32
    %dma_wait3A_935 = arith.constant 0 : i32
    %dma_wait3A_936 = tpu.memref_slice %arg3[%dma_wait3A_934, %dma_wait3A_935] : memref<10000x128xf32, #tpu.memory_space<hbm>> -> memref<10000x128xf32, #tpu.memory_space<hbm>>
    tpu.wait_indirect_dma semaphore(%arg13 : memref<!tpu.dma_semaphore, #tpu.memory_space<semaphore_mem>>) src(%dma_wait3A_936 : memref<10000x128xf32, #tpu.memory_space<hbm>>) dst(%dma_wait3A_930 : memref<64x128xf32, #tpu.memory_space<vmem>>)
    %run_scoped3A_937 = arith.constant 2 : i32
    %run_scoped3A_938 = arith.constant 2 : i32
    "tpu.region"() ({
      %run_scoped3A_958 = tpu.sem_alloc : memref<!tpu.dma_semaphore, #tpu.memory_space<semaphore_mem>>
      %dma_start3A_959 = arith.constant 0 : i32
      %dma_start3A_960 = arith.constant 0 : i32
      %dma_start3A_961 = tpu.memref_slice %arg9[%run_scoped3A_937, %dma_start3A_959, %dma_start3A_960] : memref<4x64x128xf32, #tpu.memory_space<vmem>> -> memref<1x64x128xf32, #tpu.memory_space<vmem>>
      %dma_start3A_962 = tpu.memref_squeeze %dma_start3A_961 : memref<1x64x128xf32, #tpu.memory_space<vmem>> -> memref<64x128xf32, #tpu.memory_space<vmem>>
      %dma_start3A_963 = arith.constant 0 : i32
      %dma_start3A_964 = tpu.memref_slice %arg8[%run_scoped3A_938, %dma_start3A_963] : memref<4x64xi32, #tpu.memory_space<vmem>> -> memref<1x64xi32, #tpu.memory_space<vmem>>
      %dma_start3A_965 = tpu.memref_squeeze %dma_start3A_964 : memref<1x64xi32, #tpu.memory_space<vmem>> -> memref<64xi32, #tpu.memory_space<vmem>>
      %dma_start3A_966 = arith.constant 0 : i32
      %dma_start3A_967 = arith.constant 0 : i32
      %dma_start3A_968 = tpu.memref_slice %arg10[%dma_start3A_966, %dma_start3A_967] : memref<10240x128xf32, #tpu.memory_space<vmem_shared>> -> memref<10240x128xf32, #tpu.memory_space<vmem_shared>>
      tpu.enqueue_indirect_dma source(%dma_start3A_962 : memref<64x128xf32, #tpu.memory_space<vmem>>) target(%dma_start3A_968 : memref<10240x128xf32, #tpu.memory_space<vmem_shared>>) offsets(%dma_start3A_965 : memref<64xi32, #tpu.memory_space<vmem>>) semaphore(%run_scoped3A_958 : memref<!tpu.dma_semaphore, #tpu.memory_space<semaphore_mem>>) {add = true}
      %dma_wait3A_969 = arith.constant 0 : i32
      %dma_wait3A_970 = arith.constant 0 : i32
      %dma_wait3A_971 = tpu.memref_slice %arg9[%run_scoped3A_937, %dma_wait3A_969, %dma_wait3A_970] : memref<4x64x128xf32, #tpu.memory_space<vmem>> -> memref<1x64x128xf32, #tpu.memory_space<vmem>>
      %dma_wait3A_972 = tpu.memref_squeeze %dma_wait3A_971 : memref<1x64x128xf32, #tpu.memory_space<vmem>> -> memref<64x128xf32, #tpu.memory_space<vmem>>
      %dma_wait3A_973 = arith.constant 0 : i32
      %dma_wait3A_974 = tpu.memref_slice %arg8[%run_scoped3A_938, %dma_wait3A_973] : memref<4x64xi32, #tpu.memory_space<vmem>> -> memref<1x64xi32, #tpu.memory_space<vmem>>
      %dma_wait3A_975 = tpu.memref_squeeze %dma_wait3A_974 : memref<1x64xi32, #tpu.memory_space<vmem>> -> memref<64xi32, #tpu.memory_space<vmem>>
      %dma_wait3A_976 = arith.constant 0 : i32
      %dma_wait3A_977 = arith.constant 0 : i32
      %dma_wait3A_978 = tpu.memref_slice %arg10[%dma_wait3A_976, %dma_wait3A_977] : memref<10240x128xf32, #tpu.memory_space<vmem_shared>> -> memref<10240x128xf32, #tpu.memory_space<vmem_shared>>
      tpu.wait_indirect_dma semaphore(%run_scoped3A_958 : memref<!tpu.dma_semaphore, #tpu.memory_space<semaphore_mem>>) src(%dma_wait3A_972 : memref<64x128xf32, #tpu.memory_space<vmem>>) dst(%dma_wait3A_978 : memref<10240x128xf32, #tpu.memory_space<vmem_shared>>)
      tpu.yield
    }) : () -> ()
    %dma_wait3A_939 = arith.constant 3 : i32
    %dma_wait3A_940 = arith.constant 3 : i32
    %dma_wait3A_941 = arith.constant 0 : i32
    %dma_wait3A_942 = arith.constant 0 : i32
    %dma_wait3A_943 = tpu.memref_slice %arg9[%dma_wait3A_940, %dma_wait3A_941, %dma_wait3A_942] : memref<4x64x128xf32, #tpu.memory_space<vmem>> -> memref<1x64x128xf32, #tpu.memory_space<vmem>>
    %dma_wait3A_944 = tpu.memref_squeeze %dma_wait3A_943 : memref<1x64x128xf32, #tpu.memory_space<vmem>> -> memref<64x128xf32, #tpu.memory_space<vmem>>
    %dma_wait3A_945 = arith.constant 0 : i32
    %dma_wait3A_946 = tpu.memref_slice %arg7[%dma_wait3A_939, %dma_wait3A_945] : memref<4x64xi32, #tpu.memory_space<vmem>> -> memref<1x64xi32, #tpu.memory_space<vmem>>
    %dma_wait3A_947 = tpu.memref_squeeze %dma_wait3A_946 : memref<1x64xi32, #tpu.memory_space<vmem>> -> memref<64xi32, #tpu.memory_space<vmem>>
    %dma_wait3A_948 = arith.constant 0 : i32
    %dma_wait3A_949 = arith.constant 0 : i32
    %dma_wait3A_950 = tpu.memref_slice %arg3[%dma_wait3A_948, %dma_wait3A_949] : memref<10000x128xf32, #tpu.memory_space<hbm>> -> memref<10000x128xf32, #tpu.memory_space<hbm>>
    tpu.wait_indirect_dma semaphore(%arg14 : memref<!tpu.dma_semaphore, #tpu.memory_space<semaphore_mem>>) src(%dma_wait3A_950 : memref<10000x128xf32, #tpu.memory_space<hbm>>) dst(%dma_wait3A_944 : memref<64x128xf32, #tpu.memory_space<vmem>>)
    %run_scoped3A_951 = arith.constant 3 : i32
    %run_scoped3A_952 = arith.constant 3 : i32
    "tpu.region"() ({
      %run_scoped3A_958 = tpu.sem_alloc : memref<!tpu.dma_semaphore, #tpu.memory_space<semaphore_mem>>
      %dma_start3A_959 = arith.constant 0 : i32
      %dma_start3A_960 = arith.constant 0 : i32
      %dma_start3A_961 = tpu.memref_slice %arg9[%run_scoped3A_951, %dma_start3A_959, %dma_start3A_960] : memref<4x64x128xf32, #tpu.memory_space<vmem>> -> memref<1x64x128xf32, #tpu.memory_space<vmem>>
      %dma_start3A_962 = tpu.memref_squeeze %dma_start3A_961 : memref<1x64x128xf32, #tpu.memory_space<vmem>> -> memref<64x128xf32, #tpu.memory_space<vmem>>
      %dma_start3A_963 = arith.constant 0 : i32
      %dma_start3A_964 = tpu.memref_slice %arg8[%run_scoped3A_952, %dma_start3A_963] : memref<4x64xi32, #tpu.memory_space<vmem>> -> memref<1x64xi32, #tpu.memory_space<vmem>>
      %dma_start3A_965 = tpu.memref_squeeze %dma_start3A_964 : memref<1x64xi32, #tpu.memory_space<vmem>> -> memref<64xi32, #tpu.memory_space<vmem>>
      %dma_start3A_966 = arith.constant 0 : i32
      %dma_start3A_967 = arith.constant 0 : i32
      %dma_start3A_968 = tpu.memref_slice %arg10[%dma_start3A_966, %dma_start3A_967] : memref<10240x128xf32, #tpu.memory_space<vmem_shared>> -> memref<10240x128xf32, #tpu.memory_space<vmem_shared>>
      tpu.enqueue_indirect_dma source(%dma_start3A_962 : memref<64x128xf32, #tpu.memory_space<vmem>>) target(%dma_start3A_968 : memref<10240x128xf32, #tpu.memory_space<vmem_shared>>) offsets(%dma_start3A_965 : memref<64xi32, #tpu.memory_space<vmem>>) semaphore(%run_scoped3A_958 : memref<!tpu.dma_semaphore, #tpu.memory_space<semaphore_mem>>) {add = true}
      %dma_wait3A_969 = arith.constant 0 : i32
      %dma_wait3A_970 = arith.constant 0 : i32
      %dma_wait3A_971 = tpu.memref_slice %arg9[%run_scoped3A_951, %dma_wait3A_969, %dma_wait3A_970] : memref<4x64x128xf32, #tpu.memory_space<vmem>> -> memref<1x64x128xf32, #tpu.memory_space<vmem>>
      %dma_wait3A_972 = tpu.memref_squeeze %dma_wait3A_971 : memref<1x64x128xf32, #tpu.memory_space<vmem>> -> memref<64x128xf32, #tpu.memory_space<vmem>>
      %dma_wait3A_973 = arith.constant 0 : i32
      %dma_wait3A_974 = tpu.memref_slice %arg8[%run_scoped3A_952, %dma_wait3A_973] : memref<4x64xi32, #tpu.memory_space<vmem>> -> memref<1x64xi32, #tpu.memory_space<vmem>>
      %dma_wait3A_975 = tpu.memref_squeeze %dma_wait3A_974 : memref<1x64xi32, #tpu.memory_space<vmem>> -> memref<64xi32, #tpu.memory_space<vmem>>
      %dma_wait3A_976 = arith.constant 0 : i32
      %dma_wait3A_977 = arith.constant 0 : i32
      %dma_wait3A_978 = tpu.memref_slice %arg10[%dma_wait3A_976, %dma_wait3A_977] : memref<10240x128xf32, #tpu.memory_space<vmem_shared>> -> memref<10240x128xf32, #tpu.memory_space<vmem_shared>>
      tpu.wait_indirect_dma semaphore(%run_scoped3A_958 : memref<!tpu.dma_semaphore, #tpu.memory_space<semaphore_mem>>) src(%dma_wait3A_972 : memref<64x128xf32, #tpu.memory_space<vmem>>) dst(%dma_wait3A_978 : memref<10240x128xf32, #tpu.memory_space<vmem_shared>>)
      tpu.yield
    }) : () -> ()
    %barrier3A_953 = arith.constant 0 : index
    tpu.barrier barrier_id(%barrier3A_953)
    %mul3A_954 = arith.constant 640 : i32
    %mul3A_955 = arith.muli %arg1, %mul3A_954 : i32
    %mul3A_956 = arith.constant 640 : i32
    %mul3A_957 = arith.muli %arg1, %mul3A_956 : i32
    "tpu.region"() ({
      %run_scoped3A_958 = tpu.sem_alloc : memref<!tpu.dma_semaphore, #tpu.memory_space<semaphore_mem>>
      %dma_start3A_959 = arith.constant 0 : i32
      %dma_start3A_960 = tpu.memref_slice %arg5[%arg0, %mul3A_957, %dma_start3A_959] : memref<2x10240x128xf32, #tpu.memory_space<hbm>> -> memref<1x640x128xf32, #tpu.memory_space<hbm>>
      %dma_start3A_961 = tpu.memref_squeeze %dma_start3A_960 : memref<1x640x128xf32, #tpu.memory_space<hbm>> -> memref<640x128xf32, #tpu.memory_space<hbm>>
      %dma_start3A_962 = arith.constant 0 : i32
      %dma_start3A_963 = tpu.memref_slice %arg10[%mul3A_955, %dma_start3A_962] : memref<10240x128xf32, #tpu.memory_space<vmem_shared>> -> memref<640x128xf32, #tpu.memory_space<vmem_shared>>
      tpu.enqueue_dma source(%dma_start3A_963 : memref<640x128xf32, #tpu.memory_space<vmem_shared>>) target(%dma_start3A_961 : memref<640x128xf32, #tpu.memory_space<hbm>>) target_semaphore(%run_scoped3A_958 : memref<!tpu.dma_semaphore, #tpu.memory_space<semaphore_mem>>)
      %dma_wait3A_964 = arith.constant 0 : i32
      %dma_wait3A_965 = tpu.memref_slice %arg5[%arg0, %mul3A_957, %dma_wait3A_964] : memref<2x10240x128xf32, #tpu.memory_space<hbm>> -> memref<1x640x128xf32, #tpu.memory_space<hbm>>
      %dma_wait3A_966 = tpu.memref_squeeze %dma_wait3A_965 : memref<1x640x128xf32, #tpu.memory_space<hbm>> -> memref<640x128xf32, #tpu.memory_space<hbm>>
      %dma_wait3A_967 = arith.constant 0 : i32
      %dma_wait3A_968 = tpu.memref_slice %arg10[%mul3A_955, %dma_wait3A_967] : memref<10240x128xf32, #tpu.memory_space<vmem_shared>> -> memref<640x128xf32, #tpu.memory_space<vmem_shared>>
      tpu.wait_dma2 semaphore(%run_scoped3A_958 : memref<!tpu.dma_semaphore, #tpu.memory_space<semaphore_mem>>) src(%dma_wait3A_968 : memref<640x128xf32, #tpu.memory_space<vmem_shared>>) dst(%dma_wait3A_966 : memref<640x128xf32, #tpu.memory_space<hbm>>)
      tpu.yield
    }) : () -> ()
    return
  }
}

#map = affine_map<(d0, d1) -> (0, 0, 0)>
#map1 = affine_map<(d0, d1) -> (0)>
#map2 = affine_map<(d0, d1) -> (0, 0)>
module attributes {stable_mosaic.version = 14 : i64} {
  func.func @_sc_deg_body(%arg0: i32, %arg1: i32, %arg2: memref<32x160x64xi32, #tpu.memory_space<hbm>>, %arg3: memref<10240xf32, #tpu.memory_space<hbm>>, %arg4: memref<2x10240xf32, #tpu.memory_space<hbm>>, %arg5: memref<160x64xi32, #tpu.memory_space<vmem>>, %arg6: memref<160x64xi32, #tpu.memory_space<vmem>>, %arg7: memref<64xf32, #tpu.memory_space<vmem>>, %arg8: memref<10240xf32, #tpu.memory_space<vmem_shared>>, %arg9: memref<!tpu.dma_semaphore, #tpu.memory_space<semaphore_mem>>) attributes {dimension_semantics = [#tpu.dimension_semantics<core_parallel>, #tpu.dimension_semantics<subcore_parallel>], iteration_bounds = array<i64: 2, 16>, scalar_prefetch = 0 : i64, scratch_operands = 5 : i64, tpu.core_type = #tpu.core_type<sc_vector_subcore>, window_params = [{transform_indices = #map}, {transform_indices = #map1}, {transform_indices = #map2}]} {
    %mul3A = arith.constant 16 : i32
    %mul3A_0 = arith.muli %arg0, %mul3A : i32
    %add3A = arith.addi %mul3A_0, %arg1 : i32
    %broadcast_in_dim3A = arith.constant 1.000000e+00 : f32
    %broadcast_in_dim3A_1 = vector.broadcast %broadcast_in_dim3A : f32 to vector<16xf32>
    %swap3A = arith.constant 0 : index
    %swap3A_2 = tpu.vector_load %arg7[%swap3A] {strides = array<i32>} : memref<64xf32, #tpu.memory_space<vmem>>, vector<16xf32>,
    %swap3A_3 = vector.shape_cast %swap3A_2 : vector<16xf32> to vector<16xf32>
    %swap3A_4 = vector.shape_cast %broadcast_in_dim3A_1 : vector<16xf32> to vector<16xf32>
    tpu.vector_store %arg7[%swap3A], %swap3A_4 {strides = array<i32>} : memref<64xf32, #tpu.memory_space<vmem>>, vector<16xf32>,
    %broadcast_in_dim3A_5 = arith.constant 1.000000e+00 : f32
    %broadcast_in_dim3A_6 = vector.broadcast %broadcast_in_dim3A_5 : f32 to vector<16xf32>
    %swap3A_7 = arith.constant 16 : index
    %swap3A_8 = tpu.vector_load %arg7[%swap3A_7] {strides = array<i32>} : memref<64xf32, #tpu.memory_space<vmem>>, vector<16xf32>,
    %swap3A_9 = vector.shape_cast %swap3A_8 : vector<16xf32> to vector<16xf32>
    %swap3A_10 = vector.shape_cast %broadcast_in_dim3A_6 : vector<16xf32> to vector<16xf32>
    tpu.vector_store %arg7[%swap3A_7], %swap3A_10 {strides = array<i32>} : memref<64xf32, #tpu.memory_space<vmem>>, vector<16xf32>,
    %broadcast_in_dim3A_11 = arith.constant 1.000000e+00 : f32
    %broadcast_in_dim3A_12 = vector.broadcast %broadcast_in_dim3A_11 : f32 to vector<16xf32>
    %swap3A_13 = arith.constant 32 : index
    %swap3A_14 = tpu.vector_load %arg7[%swap3A_13] {strides = array<i32>} : memref<64xf32, #tpu.memory_space<vmem>>, vector<16xf32>,
    %swap3A_15 = vector.shape_cast %swap3A_14 : vector<16xf32> to vector<16xf32>
    %swap3A_16 = vector.shape_cast %broadcast_in_dim3A_12 : vector<16xf32> to vector<16xf32>
    tpu.vector_store %arg7[%swap3A_13], %swap3A_16 {strides = array<i32>} : memref<64xf32, #tpu.memory_space<vmem>>, vector<16xf32>,
    %broadcast_in_dim3A_17 = arith.constant 1.000000e+00 : f32
    %broadcast_in_dim3A_18 = vector.broadcast %broadcast_in_dim3A_17 : f32 to vector<16xf32>
    %swap3A_19 = arith.constant 48 : index
    %swap3A_20 = tpu.vector_load %arg7[%swap3A_19] {strides = array<i32>} : memref<64xf32, #tpu.memory_space<vmem>>, vector<16xf32>,
    %swap3A_21 = vector.shape_cast %swap3A_20 : vector<16xf32> to vector<16xf32>
    %swap3A_22 = vector.shape_cast %broadcast_in_dim3A_18 : vector<16xf32> to vector<16xf32>
    tpu.vector_store %arg7[%swap3A_19], %swap3A_22 {strides = array<i32>} : memref<64xf32, #tpu.memory_space<vmem>>, vector<16xf32>,
    %mul3A_23 = arith.constant 640 : i32
    %mul3A_24 = arith.muli %arg1, %mul3A_23 : i32
    %mul3A_25 = arith.constant 640 : i32
    %mul3A_26 = arith.muli %arg1, %mul3A_25 : i32
    "tpu.region"() ({
      %run_scoped3A = tpu.sem_alloc : memref<!tpu.dma_semaphore, #tpu.memory_space<semaphore_mem>>
      %dma_start3A = tpu.memref_slice %arg8[%mul3A_26] : memref<10240xf32, #tpu.memory_space<vmem_shared>> -> memref<640xf32, #tpu.memory_space<vmem_shared>>
      %dma_start3A_49 = tpu.memref_slice %arg3[%mul3A_24] : memref<10240xf32, #tpu.memory_space<hbm>> -> memref<640xf32, #tpu.memory_space<hbm>>
      tpu.enqueue_dma source(%dma_start3A_49 : memref<640xf32, #tpu.memory_space<hbm>>) target(%dma_start3A : memref<640xf32, #tpu.memory_space<vmem_shared>>) target_semaphore(%run_scoped3A : memref<!tpu.dma_semaphore, #tpu.memory_space<semaphore_mem>>)
      %dma_wait3A = tpu.memref_slice %arg8[%mul3A_26] : memref<10240xf32, #tpu.memory_space<vmem_shared>> -> memref<640xf32, #tpu.memory_space<vmem_shared>>
      %dma_wait3A_50 = tpu.memref_slice %arg3[%mul3A_24] : memref<10240xf32, #tpu.memory_space<hbm>> -> memref<640xf32, #tpu.memory_space<hbm>>
      tpu.wait_dma2 semaphore(%run_scoped3A : memref<!tpu.dma_semaphore, #tpu.memory_space<semaphore_mem>>) src(%dma_wait3A_50 : memref<640xf32, #tpu.memory_space<hbm>>) dst(%dma_wait3A : memref<640xf32, #tpu.memory_space<vmem_shared>>)
      tpu.yield
    }) : () -> ()
    "tpu.region"() ({
      %run_scoped3A = tpu.sem_alloc : memref<!tpu.dma_semaphore, #tpu.memory_space<semaphore_mem>>
      %dma_start3A = arith.constant 0 : i32
      %dma_start3A_49 = arith.constant 0 : i32
      %dma_start3A_50 = tpu.memref_slice %arg2[%add3A, %dma_start3A, %dma_start3A_49] : memref<32x160x64xi32, #tpu.memory_space<hbm>> -> memref<1x160x64xi32, #tpu.memory_space<hbm>>
      %dma_start3A_51 = tpu.memref_squeeze %dma_start3A_50 : memref<1x160x64xi32, #tpu.memory_space<hbm>> -> memref<160x64xi32, #tpu.memory_space<hbm>>
      %dma_start3A_52 = arith.constant 0 : i32
      %dma_start3A_53 = arith.constant 0 : i32
      %dma_start3A_54 = tpu.memref_slice %arg2[%add3A, %dma_start3A_52, %dma_start3A_53] : memref<32x160x64xi32, #tpu.memory_space<hbm>> -> memref<1x160x64xi32, #tpu.memory_space<hbm>>
      %dma_start3A_55 = tpu.memref_squeeze %dma_start3A_54 : memref<1x160x64xi32, #tpu.memory_space<hbm>> -> memref<160x64xi32, #tpu.memory_space<hbm>>
      tpu.enqueue_dma source(%dma_start3A_55 : memref<160x64xi32, #tpu.memory_space<hbm>>) target(%arg5 : memref<160x64xi32, #tpu.memory_space<vmem>>) target_semaphore(%run_scoped3A : memref<!tpu.dma_semaphore, #tpu.memory_space<semaphore_mem>>)
      %dma_wait3A = arith.constant 0 : i32
      %dma_wait3A_56 = arith.constant 0 : i32
      %dma_wait3A_57 = tpu.memref_slice %arg2[%add3A, %dma_wait3A, %dma_wait3A_56] : memref<32x160x64xi32, #tpu.memory_space<hbm>> -> memref<1x160x64xi32, #tpu.memory_space<hbm>>
      %dma_wait3A_58 = tpu.memref_squeeze %dma_wait3A_57 : memref<1x160x64xi32, #tpu.memory_space<hbm>> -> memref<160x64xi32, #tpu.memory_space<hbm>>
      %dma_wait3A_59 = arith.constant 0 : i32
      %dma_wait3A_60 = arith.constant 0 : i32
      %dma_wait3A_61 = tpu.memref_slice %arg2[%add3A, %dma_wait3A_59, %dma_wait3A_60] : memref<32x160x64xi32, #tpu.memory_space<hbm>> -> memref<1x160x64xi32, #tpu.memory_space<hbm>>
      %dma_wait3A_62 = tpu.memref_squeeze %dma_wait3A_61 : memref<1x160x64xi32, #tpu.memory_space<hbm>> -> memref<160x64xi32, #tpu.memory_space<hbm>>
      tpu.wait_dma2 semaphore(%run_scoped3A : memref<!tpu.dma_semaphore, #tpu.memory_space<semaphore_mem>>) src(%dma_wait3A_62 : memref<160x64xi32, #tpu.memory_space<hbm>>) dst(%arg5 : memref<160x64xi32, #tpu.memory_space<vmem>>)
      tpu.yield
    }) : () -> ()
    %scan3A = arith.constant 0 : i32
    %scan3A_27 = arith.constant 0 : i32
    %scan3A_28 = arith.constant 160 : i32
    %scan3A_29 = arith.addi %scan3A_27, %scan3A_28 : i32
    %scan3A_30 = arith.constant 1 : i32
    scf.for %scan3A_49 = %scan3A_27 to %scan3A_29 step %scan3A_30  : i32 {
      %get3A = arith.index_cast %scan3A_49 : i32 to index
      %get3A_50 = arith.constant 0 : index
      %get3A_51 = tpu.vector_load %arg5[%get3A, %get3A_50] {strides = array<i32>} : memref<160x64xi32, #tpu.memory_space<vmem>>, vector<1x16xi32>,
      %get3A_52 = vector.shape_cast %get3A_51 : vector<1x16xi32> to vector<16xi32>
      %and3A = arith.constant 65535 : i32
      %and3A_53 = vector.broadcast %and3A : i32 to vector<16xi32>
      %and3A_54 = arith.andi %get3A_52, %and3A_53 : vector<16xi32>
      %swap3A_55 = arith.index_cast %scan3A_49 : i32 to index
      %swap3A_56 = arith.constant 0 : index
      %swap3A_57 = tpu.vector_load %arg6[%swap3A_55, %swap3A_56] {strides = array<i32>} : memref<160x64xi32, #tpu.memory_space<vmem>>, vector<1x16xi32>,
      %swap3A_58 = vector.shape_cast %swap3A_57 : vector<1x16xi32> to vector<16xi32>
      %swap3A_59 = vector.shape_cast %and3A_54 : vector<16xi32> to vector<1x16xi32>
      tpu.vector_store %arg6[%swap3A_55, %swap3A_56], %swap3A_59 {strides = array<i32>} : memref<160x64xi32, #tpu.memory_space<vmem>>, vector<1x16xi32>,
      %get3A_60 = arith.index_cast %scan3A_49 : i32 to index
      %get3A_61 = arith.constant 16 : index
      %get3A_62 = tpu.vector_load %arg5[%get3A_60, %get3A_61] {strides = array<i32>} : memref<160x64xi32, #tpu.memory_space<vmem>>, vector<1x16xi32>,
      %get3A_63 = vector.shape_cast %get3A_62 : vector<1x16xi32> to vector<16xi32>
      %and3A_64 = arith.constant 65535 : i32
      %and3A_65 = vector.broadcast %and3A_64 : i32 to vector<16xi32>
      %and3A_66 = arith.andi %get3A_63, %and3A_65 : vector<16xi32>
      %swap3A_67 = arith.index_cast %scan3A_49 : i32 to index
      %swap3A_68 = arith.constant 16 : index
      %swap3A_69 = tpu.vector_load %arg6[%swap3A_67, %swap3A_68] {strides = array<i32>} : memref<160x64xi32, #tpu.memory_space<vmem>>, vector<1x16xi32>,
      %swap3A_70 = vector.shape_cast %swap3A_69 : vector<1x16xi32> to vector<16xi32>
      %swap3A_71 = vector.shape_cast %and3A_66 : vector<16xi32> to vector<1x16xi32>
      tpu.vector_store %arg6[%swap3A_67, %swap3A_68], %swap3A_71 {strides = array<i32>} : memref<160x64xi32, #tpu.memory_space<vmem>>, vector<1x16xi32>,
      %get3A_72 = arith.index_cast %scan3A_49 : i32 to index
      %get3A_73 = arith.constant 32 : index
      %get3A_74 = tpu.vector_load %arg5[%get3A_72, %get3A_73] {strides = array<i32>} : memref<160x64xi32, #tpu.memory_space<vmem>>, vector<1x16xi32>,
      %get3A_75 = vector.shape_cast %get3A_74 : vector<1x16xi32> to vector<16xi32>
      %and3A_76 = arith.constant 65535 : i32
      %and3A_77 = vector.broadcast %and3A_76 : i32 to vector<16xi32>
      %and3A_78 = arith.andi %get3A_75, %and3A_77 : vector<16xi32>
      %swap3A_79 = arith.index_cast %scan3A_49 : i32 to index
      %swap3A_80 = arith.constant 32 : index
      %swap3A_81 = tpu.vector_load %arg6[%swap3A_79, %swap3A_80] {strides = array<i32>} : memref<160x64xi32, #tpu.memory_space<vmem>>, vector<1x16xi32>,
      %swap3A_82 = vector.shape_cast %swap3A_81 : vector<1x16xi32> to vector<16xi32>
      %swap3A_83 = vector.shape_cast %and3A_78 : vector<16xi32> to vector<1x16xi32>
      tpu.vector_store %arg6[%swap3A_79, %swap3A_80], %swap3A_83 {strides = array<i32>} : memref<160x64xi32, #tpu.memory_space<vmem>>, vector<1x16xi32>,
      %get3A_84 = arith.index_cast %scan3A_49 : i32 to index
      %get3A_85 = arith.constant 48 : index
      %get3A_86 = tpu.vector_load %arg5[%get3A_84, %get3A_85] {strides = array<i32>} : memref<160x64xi32, #tpu.memory_space<vmem>>, vector<1x16xi32>,
      %get3A_87 = vector.shape_cast %get3A_86 : vector<1x16xi32> to vector<16xi32>
      %and3A_88 = arith.constant 65535 : i32
      %and3A_89 = vector.broadcast %and3A_88 : i32 to vector<16xi32>
      %and3A_90 = arith.andi %get3A_87, %and3A_89 : vector<16xi32>
      %swap3A_91 = arith.index_cast %scan3A_49 : i32 to index
      %swap3A_92 = arith.constant 48 : index
      %swap3A_93 = tpu.vector_load %arg6[%swap3A_91, %swap3A_92] {strides = array<i32>} : memref<160x64xi32, #tpu.memory_space<vmem>>, vector<1x16xi32>,
      %swap3A_94 = vector.shape_cast %swap3A_93 : vector<1x16xi32> to vector<16xi32>
      %swap3A_95 = vector.shape_cast %and3A_90 : vector<16xi32> to vector<1x16xi32>
      tpu.vector_store %arg6[%swap3A_91, %swap3A_92], %swap3A_95 {strides = array<i32>} : memref<160x64xi32, #tpu.memory_space<vmem>>, vector<1x16xi32>,
    }
    %scan3A_31 = arith.constant 160 : i32
    %barrier3A = arith.constant 0 : index
    tpu.barrier barrier_id(%barrier3A)
    %scan3A_32 = arith.constant 0 : i32
    %scan3A_33 = arith.constant 0 : i32
    %scan3A_34 = arith.constant 160 : i32
    %scan3A_35 = arith.addi %scan3A_33, %scan3A_34 : i32
    %scan3A_36 = arith.constant 1 : i32
    scf.for %scan3A_49 = %scan3A_33 to %scan3A_35 step %scan3A_36  : i32 {
      %dma_start3A = arith.constant 0 : i32
      %dma_start3A_50 = tpu.memref_slice %arg6[%scan3A_49, %dma_start3A] : memref<160x64xi32, #tpu.memory_space<vmem>> -> memref<1x64xi32, #tpu.memory_space<vmem>>
      %dma_start3A_51 = tpu.memref_squeeze %dma_start3A_50 : memref<1x64xi32, #tpu.memory_space<vmem>> -> memref<64xi32, #tpu.memory_space<vmem>>
      %dma_start3A_52 = arith.constant 0 : i32
      %dma_start3A_53 = tpu.memref_slice %arg8[%dma_start3A_52] : memref<10240xf32, #tpu.memory_space<vmem_shared>> -> memref<10240xf32, #tpu.memory_space<vmem_shared>>
      tpu.enqueue_indirect_dma source(%arg7 : memref<64xf32, #tpu.memory_space<vmem>>) target(%dma_start3A_53 : memref<10240xf32, #tpu.memory_space<vmem_shared>>) offsets(%dma_start3A_51 : memref<64xi32, #tpu.memory_space<vmem>>) semaphore(%arg9 : memref<!tpu.dma_semaphore, #tpu.memory_space<semaphore_mem>>) {add = true}
    }
    %scan3A_37 = arith.constant 160 : i32
    %scan3A_38 = arith.constant 0 : i32
    %scan3A_39 = arith.constant 0 : i32
    %scan3A_40 = arith.constant 160 : i32
    %scan3A_41 = arith.addi %scan3A_39, %scan3A_40 : i32
    %scan3A_42 = arith.constant 1 : i32
    scf.for %scan3A_49 = %scan3A_39 to %scan3A_41 step %scan3A_42  : i32 {
      %dma_wait3A = arith.constant 0 : i32
      %dma_wait3A_50 = tpu.memref_slice %arg6[%scan3A_49, %dma_wait3A] : memref<160x64xi32, #tpu.memory_space<vmem>> -> memref<1x64xi32, #tpu.memory_space<vmem>>
      %dma_wait3A_51 = tpu.memref_squeeze %dma_wait3A_50 : memref<1x64xi32, #tpu.memory_space<vmem>> -> memref<64xi32, #tpu.memory_space<vmem>>
      %dma_wait3A_52 = arith.constant 0 : i32
      %dma_wait3A_53 = tpu.memref_slice %arg8[%dma_wait3A_52] : memref<10240xf32, #tpu.memory_space<vmem_shared>> -> memref<10240xf32, #tpu.memory_space<vmem_shared>>
      tpu.wait_indirect_dma semaphore(%arg9 : memref<!tpu.dma_semaphore, #tpu.memory_space<semaphore_mem>>) src(%arg7 : memref<64xf32, #tpu.memory_space<vmem>>) dst(%dma_wait3A_53 : memref<10240xf32, #tpu.memory_space<vmem_shared>>)
    }
    %scan3A_43 = arith.constant 160 : i32
    %barrier3A_44 = arith.constant 0 : index
    tpu.barrier barrier_id(%barrier3A_44)
    %mul3A_45 = arith.constant 640 : i32
    %mul3A_46 = arith.muli %arg1, %mul3A_45 : i32
    %mul3A_47 = arith.constant 640 : i32
    %mul3A_48 = arith.muli %arg1, %mul3A_47 : i32
    "tpu.region"() ({
      %run_scoped3A = tpu.sem_alloc : memref<!tpu.dma_semaphore, #tpu.memory_space<semaphore_mem>>
      %dma_start3A = tpu.memref_slice %arg4[%arg0, %mul3A_48] : memref<2x10240xf32, #tpu.memory_space<hbm>> -> memref<1x640xf32, #tpu.memory_space<hbm>>
      %dma_start3A_49 = tpu.memref_squeeze %dma_start3A : memref<1x640xf32, #tpu.memory_space<hbm>> -> memref<640xf32, #tpu.memory_space<hbm>>
      %dma_start3A_50 = tpu.memref_slice %arg8[%mul3A_46] : memref<10240xf32, #tpu.memory_space<vmem_shared>> -> memref<640xf32, #tpu.memory_space<vmem_shared>>
      tpu.enqueue_dma source(%dma_start3A_50 : memref<640xf32, #tpu.memory_space<vmem_shared>>) target(%dma_start3A_49 : memref<640xf32, #tpu.memory_space<hbm>>) target_semaphore(%run_scoped3A : memref<!tpu.dma_semaphore, #tpu.memory_space<semaphore_mem>>)
      %dma_wait3A = tpu.memref_slice %arg4[%arg0, %mul3A_48] : memref<2x10240xf32, #tpu.memory_space<hbm>> -> memref<1x640xf32, #tpu.memory_space<hbm>>
      %dma_wait3A_51 = tpu.memref_squeeze %dma_wait3A : memref<1x640xf32, #tpu.memory_space<hbm>> -> memref<640xf32, #tpu.memory_space<hbm>>
      %dma_wait3A_52 = tpu.memref_slice %arg8[%mul3A_46] : memref<10240xf32, #tpu.memory_space<vmem_shared>> -> memref<640xf32, #tpu.memory_space<vmem_shared>>
      tpu.wait_dma2 semaphore(%run_scoped3A : memref<!tpu.dma_semaphore, #tpu.memory_space<semaphore_mem>>) src(%dma_wait3A_52 : memref<640xf32, #tpu.memory_space<vmem_shared>>) dst(%dma_wait3A_51 : memref<640xf32, #tpu.memory_space<hbm>>)
      tpu.yield
    }) : () -> ()
    return
  }
}

module attributes {stable_mosaic.version = 14 : i64} {
  func.func @_tc_xs_body(%arg0: memref<10000x128xf32, #tpu.memory_space<vmem>>, %arg1: memref<2x10240xf32, #tpu.memory_space<vmem>>, %arg2: memref<10000x128xf32, #tpu.memory_space<vmem>>) attributes {dimension_semantics = [], scalar_prefetch = 0 : i64, scratch_operands = 0 : i64, tpu.core_type = #tpu.core_type<tc>} {
    %get3A = arith.constant 0 : index
    %get3A_0 = arith.constant 0 : index
    %get3A_1 = vector.load %arg1[%get3A, %get3A_0] : memref<2x10240xf32, #tpu.memory_space<vmem>>, vector<1x10000xf32>
    %get3A_2 = vector.shape_cast %get3A_1 : vector<1x10000xf32> to vector<10000xf32>
    %get3A_3 = arith.constant 1 : index
    %get3A_4 = arith.constant 0 : index
    %get3A_5 = vector.load %arg1[%get3A_3, %get3A_4] : memref<2x10240xf32, #tpu.memory_space<vmem>>, vector<1x10000xf32>
    %get3A_6 = vector.shape_cast %get3A_5 : vector<1x10000xf32> to vector<10000xf32>
    %add3A = arith.addf %get3A_2, %get3A_6 : vector<10000xf32>
    %add3A_7 = arith.constant 1.000000e+00 : f32
    %add3A_8 = vector.broadcast %add3A_7 : f32 to vector<10000xf32>
    %add3A_9 = arith.addf %add3A, %add3A_8 : vector<10000xf32>
    %rsqrt3A = math.rsqrt %add3A_9 : vector<10000xf32>
    %get3A_10 = arith.constant 0 : index
    %get3A_11 = arith.constant 0 : index
    %get3A_12 = vector.load %arg0[%get3A_10, %get3A_11] : memref<10000x128xf32, #tpu.memory_space<vmem>>, vector<10000x128xf32>
    %broadcast_in_dim3A = vector.shape_cast %rsqrt3A : vector<10000xf32> to vector<10000x1xf32>
    %mul3A = vector.broadcast %broadcast_in_dim3A : vector<10000x1xf32> to vector<10000x128xf32>
    %mul3A_13 = arith.mulf %get3A_12, %mul3A : vector<10000x128xf32>
    %swap3A = arith.constant 0 : index
    %swap3A_14 = arith.constant 0 : index
    %swap3A_15 = vector.load %arg2[%swap3A, %swap3A_14] : memref<10000x128xf32, #tpu.memory_space<vmem>>, vector<10000x128xf32>
    tpu.vector_store %arg2[%swap3A, %swap3A_14], %mul3A_13 {strides = array<i32>} : memref<10000x128xf32, #tpu.memory_space<vmem>>, vector<10000x128xf32>,
    return
  }
}

module attributes {stable_mosaic.version = 14 : i64} {
  func.func @_tc_out_body(%arg0: memref<10000x128xf32, #tpu.memory_space<vmem>>, %arg1: memref<2x10240x128xf32, #tpu.memory_space<vmem>>, %arg2: memref<2x10240xf32, #tpu.memory_space<vmem>>, %arg3: memref<128x128xf32, #tpu.memory_space<vmem>>, %arg4: memref<128xf32, #tpu.memory_space<vmem>>, %arg5: memref<128x128xf32, #tpu.memory_space<vmem>>, %arg6: memref<128xf32, #tpu.memory_space<vmem>>, %arg7: memref<10000x128xf32, #tpu.memory_space<vmem>>) attributes {dimension_semantics = [], scalar_prefetch = 0 : i64, scratch_operands = 0 : i64, tpu.core_type = #tpu.core_type<tc>} {
    %get3A = arith.constant 0 : index
    %get3A_0 = arith.constant 0 : index
    %get3A_1 = vector.load %arg2[%get3A, %get3A_0] : memref<2x10240xf32, #tpu.memory_space<vmem>>, vector<1x10000xf32>
    %get3A_2 = vector.shape_cast %get3A_1 : vector<1x10000xf32> to vector<10000xf32>
    %get3A_3 = arith.constant 1 : index
    %get3A_4 = arith.constant 0 : index
    %get3A_5 = vector.load %arg2[%get3A_3, %get3A_4] : memref<2x10240xf32, #tpu.memory_space<vmem>>, vector<1x10000xf32>
    %get3A_6 = vector.shape_cast %get3A_5 : vector<1x10000xf32> to vector<10000xf32>
    %add3A = arith.addf %get3A_2, %get3A_6 : vector<10000xf32>
    %add3A_7 = arith.constant 1.000000e+00 : f32
    %add3A_8 = vector.broadcast %add3A_7 : f32 to vector<10000xf32>
    %add3A_9 = arith.addf %add3A, %add3A_8 : vector<10000xf32>
    %rsqrt3A = math.rsqrt %add3A_9 : vector<10000xf32>
    %broadcast_in_dim3A = vector.shape_cast %rsqrt3A : vector<10000xf32> to vector<10000x1xf32>
    %get3A_10 = arith.constant 0 : index
    %get3A_11 = arith.constant 0 : index
    %get3A_12 = arith.constant 0 : index
    %get3A_13 = vector.load %arg1[%get3A_10, %get3A_11, %get3A_12] : memref<2x10240x128xf32, #tpu.memory_space<vmem>>, vector<1x10000x128xf32>
    %get3A_14 = vector.shape_cast %get3A_13 : vector<1x10000x128xf32> to vector<10000x128xf32>
    %get3A_15 = arith.constant 1 : index
    %get3A_16 = arith.constant 0 : index
    %get3A_17 = arith.constant 0 : index
    %get3A_18 = vector.load %arg1[%get3A_15, %get3A_16, %get3A_17] : memref<2x10240x128xf32, #tpu.memory_space<vmem>>, vector<1x10000x128xf32>
    %get3A_19 = vector.shape_cast %get3A_18 : vector<1x10000x128xf32> to vector<10000x128xf32>
    %add3A_20 = arith.addf %get3A_14, %get3A_19 : vector<10000x128xf32>
    %mul3A = vector.broadcast %broadcast_in_dim3A : vector<10000x1xf32> to vector<10000x128xf32>
    %mul3A_21 = arith.mulf %add3A_20, %mul3A : vector<10000x128xf32>
    %get3A_22 = arith.constant 0 : index
    %get3A_23 = arith.constant 0 : index
    %get3A_24 = vector.load %arg0[%get3A_22, %get3A_23] : memref<10000x128xf32, #tpu.memory_space<vmem>>, vector<10000x128xf32>
    %mul3A_25 = arith.mulf %broadcast_in_dim3A, %broadcast_in_dim3A : vector<10000x1xf32>
    %mul3A_26 = vector.broadcast %mul3A_25 : vector<10000x1xf32> to vector<10000x128xf32>
    %mul3A_27 = arith.mulf %get3A_24, %mul3A_26 : vector<10000x128xf32>
    %add3A_28 = arith.addf %mul3A_21, %mul3A_27 : vector<10000x128xf32>
    %get3A_29 = arith.constant 0 : index
    %get3A_30 = arith.constant 0 : index
    %get3A_31 = vector.load %arg3[%get3A_29, %get3A_30] : memref<128x128xf32, #tpu.memory_space<vmem>>, vector<128x128xf32>
    %dot_general3A = arith.constant dense<0.000000e+00> : vector<10000x128xf32>
    %dot_general3A_32 = tpu.matmul %add3A_28, %get3A_31, %dot_general3A {dimension_numbers = #tpu.dot_dimension_numbers<[1], [0], [0], [1], [0, 0, 1, 1], [], []>, transpose_lhs_hint = false} : vector<10000x128xf32>, vector<128x128xf32>, vector<10000x128xf32> -> vector<10000x128xf32>
    %get3A_33 = arith.constant 0 : index
    %get3A_34 = vector.load %arg4[%get3A_33] : memref<128xf32, #tpu.memory_space<vmem>>, vector<128xf32>
    %broadcast_in_dim3A_35 = vector.shape_cast %get3A_34 : vector<128xf32> to vector<1x128xf32>
    %add3A_36 = vector.broadcast %broadcast_in_dim3A_35 : vector<1x128xf32> to vector<10000x128xf32>
    %add3A_37 = arith.addf %dot_general3A_32, %add3A_36 : vector<10000x128xf32>
    %max3A = arith.constant 0.000000e+00 : f32
    %max3A_38 = vector.broadcast %max3A : f32 to vector<10000x128xf32>
    %max3A_39 = arith.maximumf %add3A_37, %max3A_38 : vector<10000x128xf32>
    %get3A_40 = arith.constant 0 : index
    %get3A_41 = arith.constant 0 : index
    %get3A_42 = vector.load %arg5[%get3A_40, %get3A_41] : memref<128x128xf32, #tpu.memory_space<vmem>>, vector<128x128xf32>
    %dot_general3A_43 = arith.constant dense<0.000000e+00> : vector<10000x128xf32>
    %dot_general3A_44 = tpu.matmul %add3A_28, %get3A_42, %dot_general3A_43 {dimension_numbers = #tpu.dot_dimension_numbers<[1], [0], [0], [1], [0, 0, 1, 1], [], []>, transpose_lhs_hint = false} : vector<10000x128xf32>, vector<128x128xf32>, vector<10000x128xf32> -> vector<10000x128xf32>
    %add3A_45 = arith.addf %max3A_39, %dot_general3A_44 : vector<10000x128xf32>
    %get3A_46 = arith.constant 0 : index
    %get3A_47 = vector.load %arg6[%get3A_46] : memref<128xf32, #tpu.memory_space<vmem>>, vector<128xf32>
    %broadcast_in_dim3A_48 = vector.shape_cast %get3A_47 : vector<128xf32> to vector<1x128xf32>
    %add3A_49 = vector.broadcast %broadcast_in_dim3A_48 : vector<1x128xf32> to vector<10000x128xf32>
    %add3A_50 = arith.addf %add3A_45, %add3A_49 : vector<10000x128xf32>
    %swap3A = arith.constant 0 : index
    %swap3A_51 = arith.constant 0 : index
    %swap3A_52 = vector.load %arg7[%swap3A, %swap3A_51] : memref<10000x128xf32, #tpu.memory_space<vmem>>, vector<10000x128xf32>
    tpu.vector_store %arg7[%swap3A, %swap3A_51], %add3A_50 {strides = array<i32>} : memref<10000x128xf32, #tpu.memory_space<vmem>>, vector<10000x128xf32>,
    return
  }
}

</mosaic_0001>

<sc_bundles>
// kernel: kernel.6.cloned.1.call-start
scs
__scs_entry_jumppad:
0x0: {  	(pc) =	sbr.rel $0x88, $3  }
0x1: {  	(tag) =	ssettag $0x0;
	lr =	simm.s32 $0x1  }
0x2: {  	[smem:$0x3F9B] =	sst lr;
	_ =	strace $0xD0000000  }
0x3: {  	_ = 	snop  }
0x4: {  	_ = 	snop  }
0x5: {  	_ = 	snop  }
0x6: {  	_ = 	snop  }
0x7: {  	_ = 	snop  }
__scs_overlays_trampoline_lowered:
0x8: {  	[smem:$0x3FAA] =	sst s0  }
0x9: {  	[smem:$0x3FAB] =	sst s1  }
0xa: {  	[smem:$0x3FAC] =	sst s2  }
0xb: {  	[smem:$0x3FAD] =	sst s3  }
0xc: {  	[smem:$0x3FAE] =	sst s4  }
0xd: {  	[smem:$0x3FAF] =	sst s5  }
0xe: {  	[smem:$0x3FB0] =	sst s6  }
0xf: {  	[smem:$0x3FB1] =	sst s7  }
0x10: {  	[smem:$0x3FB2] =	sst s8  }
0x11: {  	[smem:$0x3FB3] =	sst s9;
	s0 =	simm.s32 @!p0 $0x0  }
0x12: {  	s1 =	sld [smem:$0x3F99];
	s0 =	simm.s32 @p0 $0x1  }
0x13: {  	[smem:$0x3FB4] =	sst s0;
	s0 =	simm.s32 @!p1 $0x0  }
0x14: {  	s2 =	sld [smem:$0x3F98];
	s0 =	simm.s32 @p1 $0x1  }
0x15: {  	[smem:$0x3FB5] =	sst s0;
	s0 =	simm.s32 @!p2 $0x0  }
0x16: {  	s3 =	sld [smem:$0x3FDB];
	s0 =	simm.s32 @p2 $0x1  }
0x17: {  	s4 =	simm.s32 $0x1BF5;
	[smem:$0x3FB7] =	sst s0  }
0x18: {  	s0 =	sld [smem:$0x3F9A];
	_ =	swait.ge [sflag:s4], $0x0  }
0x19: {  	s7 =	sld [smem:$0x3F9B]  }
0x1a: {  	s8 =	sadd.s32 $0xFFFFE003, lr  }
0x1b: {  	s9 =	sadd.s32 $0xFFFFFEF7, lr;
	s5 =	simm.s32 $0xFFFFFFFF;
	p2 =	slt.u32 s8, $0xFFFFF086  }
0x1c: {  	p1 =	slt.u32 s9, $0xF7A;
	s5 =	simm.s32 @!p2 $0x0  }
0x1d: {  	s5 =	simm.s32 @p1 $0x1;
	p0 =	seq.s32 s7, s2  }
0x1e: {  	s7 =	smul.u32 @!p0 $0xF7A, s2;
	p2 =	seq.s32 @!p0 s5, $0x0  }
0x1f: {  	s9 =	smul.u32 $0xF7A, s1;
	s8 =	simm.s32 @!p0 $0x1BF5;
	p2 =	por !p2, p0  }
0x20: {  	[sflag:s8] =	ssyncset.s32 @!p0 $0xFFFFF086;
	s6 =	sadd.s32 @!p0 s3, s7;
	s7 =	simm.s32 @!p0 $0x108  }
0x21: {  	s3 =	sadd.s32 s3, s9;
	s6 =	sadd.s32 @!p0 $0x88, s6;
	s7 =	simm.s32 @p2 $0x1082  }
0x22: {  	[simem:s7], [sflag:s8] =	dma.local @!p0 [hbm:s6], $0xF7A  }
0x23: {  	s9 =	sor.u32 $0xD0000000, s2;
	s6 =	simm.s32 $0x108;
	_ =	swait.ge @!p0 [sflag:s8], $0x0  }
0x24: {  	s3 =	sadd.s32 $0x88, s3;
	s6 =	simm.s32 @!p1 $0x1082;
	[sflag:s4] =	ssyncset.s32 $0xFFFFF086  }
0x25: {  	[simem:s6], [sflag:s4] =	dma.local [hbm:s3], $0xF7A  }
0x26: {  	[smem:$0x3F9B] =	sst s1;
	(tag) =	ssettag s2;
	_ =	strace s9  }
0x27: {  	s1 =	sld [smem:$0x3FAB]  }
0x28: {  	s2 =	sld [smem:$0x3FAC]  }
0x29: {  	s4 =	sld [smem:$0x3FAE]  }
0x2a: {  	p0 =	seq.s32 s5, $0x0;
	s5 =	sld [smem:$0x3FAF]  }
0x2b: {  	s6 =	sld [smem:$0x3FB0]  }
0x2c: {  	s7 =	sld [smem:$0x3FB1]  }
0x2d: {  	s3 =	simm.s32 $0x108;
	s8 =	sld [smem:$0x3FB2]  }
0x2e: {  	s3 =	simm.s32 @!p0 $0x1082;
	s9 =	sld [smem:$0x3FB3]  }
0x2f: {  	lr =	sadd.s32 s0, s3;
	s0 =	sld [smem:$0x3FAA]  }
0x30: {  	s3 =	sld [smem:$0x3FAD]  }
0x31: {  	[smem:$0x3FB6] =	sst s10  }
0x32: {  	s10 =	sld [smem:$0x3FB4];
	_ =	sdelay $0x3  }
0x33: {  	p0 =	seq.s32 s10, $0x1;
	s10 =	sld [smem:$0x3FB6];
	_ =	sdelay $0x3  }
0x34: {  	[smem:$0x3FB6] =	sst s10  }
0x35: {  	s10 =	sld [smem:$0x3FB5];
	_ =	sdelay $0x3  }
0x36: {  	p1 =	seq.s32 s10, $0x1;
	s10 =	sld [smem:$0x3FB6];
	_ =	sdelay $0x3  }
0x37: {  	[smem:$0x3FB6] =	sst s10  }
0x38: {  	s10 =	sld [smem:$0x3FB7]  }
0x39: {  	_ = 	snop;
	(pc) =	sbr.ind lr, $3  }
0x3a: {  	_ = 	snop  }
0x3b: {  	_ = 	snop  }
0x3c: {  	p2 =	seq.s32 s10, $0x1;
	s10 =	sld [smem:$0x3FB6]  }
0x3d: {  	_ =	shalt  }
0x3e: {  	_ =	shalt  }
0x3f: {  	_ =	shalt  }
0x40: {  	_ =	shalt  }
0x41: {  	_ =	shalt  }
0x42: {  	_ =	shalt  }
0x43: {  	_ =	shalt  }
0x44: {  	_ =	shalt  }
0x45: {  	_ =	shalt  }
0x46: {  	_ =	shalt  }
0x47: {  	_ =	shalt  }
0x48: {  	_ =	shalt  }
0x49: {  	_ =	shalt  }
0x4a: {  	_ =	shalt  }
0x4b: {  	_ =	shalt  }
0x4c: {  	_ =	shalt  }
0x4d: {  	_ =	shalt  }
0x4e: {  	_ =	shalt  }
0x4f: {  	_ =	shalt  }
0x50: {  	_ =	shalt  }
0x51: {  	_ =	shalt  }
0x52: {  	_ =	shalt  }
0x53: {  	_ =	shalt  }
0x54: {  	_ =	shalt  }
0x55: {  	_ =	shalt  }
0x56: {  	_ =	shalt  }
0x57: {  	_ =	shalt  }
0x58: {  	_ =	shalt  }
0x59: {  	_ =	shalt  }
0x5a: {  	_ =	shalt  }
0x5b: {  	_ =	shalt  }
0x5c: {  	_ =	shalt  }
0x5d: {  	_ =	shalt  }
0x5e: {  	_ =	shalt  }
0x5f: {  	_ =	shalt  }
0x60: {  	_ =	shalt  }
0x61: {  	_ =	shalt  }
0x62: {  	_ =	shalt  }
0x63: {  	_ =	shalt  }
0x64: {  	_ =	shalt  }
0x65: {  	_ =	shalt  }
0x66: {  	_ =	shalt  }
0x67: {  	_ =	shalt  }
0x68: {  	_ =	shalt  }
0x69: {  	_ =	shalt  }
0x6a: {  	_ =	shalt  }
0x6b: {  	_ =	shalt  }
0x6c: {  	_ =	shalt  }
0x6d: {  	_ =	shalt  }
0x6e: {  	_ =	shalt  }
0x6f: {  	_ =	shalt  }
0x70: {  	_ =	shalt  }
0x71: {  	_ =	shalt  }
0x72: {  	_ =	shalt  }
0x73: {  	_ =	shalt  }
0x74: {  	_ =	shalt  }
0x75: {  	_ =	shalt  }
0x76: {  	_ =	shalt  }
0x77: {  	_ =	shalt  }
0x78: {  	_ =	shalt  }
0x79: {  	_ =	shalt  }
0x7a: {  	_ =	shalt  }
0x7b: {  	_ =	shalt  }
0x7c: {  	_ =	shalt  }
0x7d: {  	_ =	shalt  }
0x7e: {  	_ =	shalt  }
0x7f: {  	_ =	shalt  }
0x80: {  	_ =	shalt  }
0x81: {  	_ =	shalt  }
0x82: {  	_ =	shalt  }
0x83: {  	_ =	shalt  }
0x84: {  	_ =	shalt  }
0x85: {  	_ =	shalt  }
0x86: {  	_ =	shalt  }
0x87: {  	_ =	shalt  }
.Lfunc_end0:
.L_simem_size_0:
called_computation_lowered:
.L_overlay_start_0:
0x88: {  	s2 =	sld [smem:$0x3FD9]  }
0x89: {  	s3 =	sld [smem:$0x3FFE];
	_ =	sdelay $0x1  }
0x8a: {  	s1 =	srdreg.scid  }
0x8b: {  	s0 =	sand.u32 $0x1, s1  }
0x8c: {  	s17 =	sshll.u32 s0, $0xA;
	s2 =	sadd.s32 s3, s2  }
0x8d: {  	s2 =	sadd.s32 s2, s17  }
0x8e: {  	[smem:$0x3FC2] =	sst s2  }
0x8f: {  	_ = 	snop  }
0x90: {  	s2 =	sld [smem:$0x3FD0];
	(tm) =	ssettm $0x1  }
0x91: {  	s18 =	sld [smem:$0x3FFB];
	_ =	sdelay $0x3  }
0x92: {  	_ =	strace s18  }
0x93: {  	s3 =	sld [smem:$0x3FFC];
	_ =	sdelay $0x3  }
0x94: {  	_ =	strace s3  }
0x95: {  	s3 =	sld [smem:$0x3FFD];
	_ =	sdelay $0x3  }
0x96: {  	_ =	strace s3  }
0x97: {  	_ =	strace $0x8FFFFFFF  }
0x98: {  	s19 =	sld [smem:$0x3FDB];
	_ =	sdelay $0x1  }
0x99: {  	s4 =	simm.s32 $_scs_section_size  }
0x9a: {  	s5 =	simm.s32 $_size__tile_overlayer_lowered;
	s6 =	simm.s32 $_tile_overlayer_lowered  }
0x9b: {  	s22 =	simm.s32 $0x1BFF;
	s21 =	sshll.u32 s6, $0x1;
	s3 =	sadd.s32 s4, s19  }
0x9c: {  	s7 =	simm.s32 $0x0;
	s20 =	sshll.u32 s5, $0x1;
	s5 =	sadd.s32 s21, s3  }
0x9d: {  	[timem:s7], [sflag:s22] =	dma.local [hbm:s5], s20  }
0x9e: {  	_ =	swait.ge [sflag:s22], s20  }
0x9f: {  	s4 =	ssub.s32 $0x0, s20;
	[sflag:s22] =	ssyncset.done $0x0  }
0xa0: {  	[sflag:s22] =	ssyncadd.s32 s4;
	_ =	sdelay $0x1  }
0xa1: {  	s23 =	simm.s32 $0x1B8B  }
0xa2: {  	_ =	swait.ge [sflag:s23], $0x1  }
0xa3: {  	[sflag:s23] =	ssyncset.done $0x0  }
0xa4: {  	s25 =	simm.s32 $0x1B8E;
	s24 =	sld [smem:$0x3FFE];
	[sflag:s23] =	ssyncadd.s32 $0xFFFFFFFF  }
0xa5: {  	s26 =	simm.s32 $execute0_lowered;
	[smem:$0x3FD2] =	sst s25  }
0xa6: {  	s5 =	sshll.u32 s26, $0x1;
	_ =	strace $0x80000046;
	[dreg:$0x1] =	wrdreg $0xFFFFFFFF  }
0xa7: {  	s28 =	simm.s32 $_size_execute0_lowered;
	s3 =	sadd.s32 s3, s5;
	[dreg:$0x0] =	wrdreg $0x0  }
0xa8: {  	s5 =	sshll.u32 s28, $0x1;
	[dreg:$0x2] =	wrdreg s3  }
0xa9: {  	[dreg:$0x3] =	wrdreg s5  }
0xaa: {  	[dreg:$0x4] =	wrdreg $0xC0  }
0xab: {  	_ =	task [dreg:s7], $0x5FFFF  }
0xac: {  	[dreg:$0x1] =	wrdreg $0xFFFFFFFF  }
0xad: {  	[dreg:$0x0] =	wrdreg $0x60  }
0xae: {  	[dreg:$0x2] =	wrdreg s24  }
0xaf: {  	[dreg:$0x3] =	wrdreg s2  }
0xb0: {  	[dreg:$0x4] =	wrdreg $0xA0800  }
0xb1: {  	[dreg:$0x5] =	wrdreg $0x9  }
0xb2: {  	_ =	task.clear_ibuf [dreg:s7], $0x6FFFF;
	_ =	strace $0x90000046  }
0xb3: {  	s29 =	simm.s32 $0x9;
	_ =	strace $0x80000048  }
0xb4: {  	_ =	swait.ge [sflag:s29], $0x1  }
0xb5: {  	[sflag:s29] =	ssyncadd.s32 $0xFFFFFFFF  }
0xb6: {  	_ =	strace $0x90000048  }
0xb7: {  	_ =	sfence  }
0xb8: {  	s30 =	sld [smem:$0x0];
	_ =	sdelay $0x2  }
0xb9: {  	s31 =	sshll.u32 s1, $0xD;
	s1 =	sshrl.u32 s1, $0x2  }
0xba: {  	s3 =	sand.u32 $0x4000, s31;
	s1 =	sadd.s32 s1, s30  }
0xbb: {  	s0 =	sor.u32 s3, s0;
	s1 =	sshll.u32 s1, $0x11  }
0xbc: {  	s0 =	sor.u32 s1, s0  }
0xbd: {  	s0 =	sadd.s32 $0x8F2B, s0  }
0xbe: {  	[sflag:s0] =	ssyncadd.remote.s32 $0x1  }
0xbf: {  	_ =	sfence.sel $0xFFFF  }
0xc0: {  	[dreg:$0x0] =	wrdreg $0xFFFFFFFF;
	(pc) =	sbr.abs _section_cstart, $3  }
0xc1: {  	[dreg:$0x1] =	wrdreg $0xFFFFFFFF  }
0xc2: {  	_ =	task.clear_ibuf [dreg:s7], $0x2FFFF;
	_ =	strace $0x9FFFFFFF  }
0xc3: {  	(tm) =	ssettm $0x7FFFFFFF  }
tec
execute0_lowered:
.L_overlay_start_1:
0x0: {  	(tag) =	ssettag $0x1  }
0x1: {  	s4 =	rddreg [dreg:$0x0]  }
0x2: {  	s0 =	srdreg.scid;
	s7 =	rddreg [dreg:$0x1]  }
0x3: {  	s2 =	rddreg [dreg:$0x2];
	s3 =	simm.s32 $0x0;
	s12 =	simm.s32 $0xA000  }
0x4: {  	s13 =	simm.s32 $0x1;
	s14 =	simm.s32 $0x20;
	s15 =	simm.s32 $0x10  }
0x5: {  	s16 =	simm.s32 $0x0;
	s5 =	sand.u32 $0x1, s0;
	s0 =	stileid.u32  }
0x6: {  	[smem:$0x7FF] =	sst s3;
	s1 =	sshll.u32 s5, $0x4;
	s8 =	smul.u32 $0x280, s0  }
0x7: {  	s10 =	ssub.s32 $0x2, s5;
	s11 =	smul.u32 $0x500, s0;
	s5 =	sshll.u32 s5, $0x7  }
0x8: {  	s31 =	sshll.u32 s0, $0x6;
	s6 =	sor.u32 s0, s1;
	s1 =	rddreg [dreg:$0x3]  }
0x9: {  	_ =	strace $0x80000047;
	s29 =	sshrl.u32 s10, $0x1;
	s6 =	smul.u32 $0xA00, s6  }
0xa: {  	s9 =	sshrl.u32 s8, $0x3;
	s30 =	sadd.s32 s8, s2;
	s5 =	sor.u32 s5, s11  }
0xb: {  	s11 =	sshrl.u32 s5, $0x3;
	s5 =	sor.u32 $0x1C02, s31;
	s6 =	sadd.s32 s6, s4  }
0xc: {  	s4 =	sadd.s32 s9, s4;
	s9 =	ssub.s32 s10, s29;
	s7 =	sadd.s32 s7, s11  }
0xd: {  	s10 =	simm.s32 $0x2;
	s11 =	simm.s32 $0x40;
	s4 =	sadd.s32 $0x15600, s4  }
0xe: {  	v0 =	vimm.f32 $1.000000000e+00;
	s6 =	sadd.s32 $0x1600, s6;
	s8 =	smax.u32 s9, $0x1;
	s9 =	sshrl.u32 s30, $0x3  }
.LBB2_1:
0xf: {  	[tilespmem:$0xA000] =	vst v0  }
0x10: {  	[tilespmem:$0xA010] =	vst v0  }
0x11: {  	[tilespmem:$0xA020] =	vst v0  }
0x12: {  	[tilespmem:$0xA030] =	vst v0  }
0x13: {  	[spmem:s9], [sflag:s5] =	dma.local [hbm:s4], $0x50  }
0x14: {  	_ =	swait.ge [sflag:s10], $0x50  }
0x15: {  	[sflag:s10] =	ssyncset.done $0x0  }
0x16: {  	[sflag:s10] =	ssyncadd.s32 $0xFFFFFFB0  }
0x17: {  	[tilespmem:s3], [sflag:$0x2] =	stream.linear.gather [hbm4b:s6+s3], $0x5000, $0x38;
	[tilespmem:$0xA300] =	vst v63  }
0x18: {  	_ =	swait.ge [sflag:s10], $0x5000  }
0x19: {  	[sflag:s10] =	ssyncset.done $0x0  }
0x1a: {  	s17 =	simm.s32 $0x0;
	[sflag:s10] =	ssyncadd.s32 $0xFFFFB000  }
0x1b: {  	v3 =	vld [tilespmem:s17+$0x30]  }
0x1c: {  	v4 =	vld [tilespmem:s17+$0x0]  }
0x1d: {  	v1 =	vld [tilespmem:s17+$0x10]  }
0x1e: {  	s18 =	simm.s32 $0x200;
	v2 =	vld [tilespmem:s17+$0x20]  }
.LBB2_2:
0x1f: {  	p0 =	sne.s32 s18, $0x13E00  }
.Ltmp0:
0x20: {  	s19 =	sshra.s32 s18, $0x2;
	s18 =	sadd.s32 $0x200, s18;
	v5 =	vand.u32 $0xFFFF, v3;
	(pc) =	sbr.rel @p0 .LBB2_2-.Ltmp0, $4  }
0x21: {  	v3 =	vld [tilespmem:s19+$0x30];
	v6 =	vand.u32 $0xFFFF, v4;
	[tilespmem:s17+$0x5030] =	vst v5  }
0x22: {  	v4 =	vld [tilespmem:s19+$0x0];
	[tilespmem:s17+$0x5000] =	vst v6;
	v5 =	vand.u32 $0xFFFF, v1  }
0x23: {  	v1 =	vld [tilespmem:s19+$0x10];
	[tilespmem:s17+$0x5010] =	vst v5;
	v5 =	vand.u32 $0xFFFF, v2  }
0x24: {  	v2 =	vld [tilespmem:s19+$0x20];
	[tilespmem:s17+$0x5020] =	vst v5;
	s17 =	smov.u32 s19  }
0x25: {  	_ = 	snop  }
0x26: {  	v3 =	vand.u32 $0xFFFF, v3  }
0x27: {  	v4 =	vand.u32 $0xFFFF, v4;
	[tilespmem:s17+$0x5030] =	vst v3  }
0x28: {  	[tilespmem:s17+$0x5000] =	vst v4;
	v1 =	vand.u32 $0xFFFF, v1  }
0x29: {  	[tilespmem:s17+$0x5010] =	vst v1;
	v1 =	vand.u32 $0xFFFF, v2  }
0x2a: {  	[tilespmem:s17+$0x5020] =	vst v1  }
0x2b: {  	s17 =	simm.s32 $0x0;
	[bflag:$0x0] =	sbarrier.arrive $0xFFFF  }
.LBB2_4:
0x2c: {  	p0 =	sne.s32 s17, $0x13E00  }
.Ltmp1:
0x2d: {  	_ = 	snop;
	(pc) =	sbr.rel @p0 .LBB2_4-.Ltmp1, $4  }
0x2e: {  	_ = 	snop  }
0x2f: {  	s18 =	sshra.s32 s17, $0x2  }
0x30: {  	s17 =	sadd.s32 $0x200, s17;
	s18 =	sadd.s32 $0x5000, s18  }
0x31: {  	[spmem:s2] =	stream.indirect.scatter.add.f32 [tilespmem:s12], [sflag:$0x1], $0x1, s18, s11, $0xb8;
	[tilespmem:$0xA300] =	vst v63  }
0x32: {  	_ =	swait.ge [sflag:s13], $0x40  }
0x33: {  	s17 =	simm.s32 $0x9F;
	[sflag:s13] =	ssyncset.done $0x0  }
.LBB2_6:
0x34: {  	p0 =	sne.s32 s17, $0x1;
	s17 =	sadd.s32 $0xFFFFFFFF, s17;
	[sflag:s13] =	ssyncadd.s32 $0xFFFFFFC0  }
.Ltmp2:
0x35: {  	(pc) =	sbr.rel @p0 .LBB2_6-.Ltmp2, $3  }
0x36: {  	_ =	sdelay $0x1  }
0x37: {  	_ =	swait.ge [sflag:s13], $0x40  }
0x38: {  	[sflag:s13] =	ssyncset.done $0x0  }
0x39: {  	s16 =	sadd.s32 $0x1, s16  }
0x3a: {  	[sflag:s13] =	ssyncadd.s32 $0xFFFFFFC0;
	p0 =	sne.s32 s16, s8  }
.Ltmp3:
0x3b: {  	[bflag:$0x0] =	sbarrier.arrive $0xFFFF;
	(pc) =	sbr.rel @p0 .LBB2_1-.Ltmp3, $4  }
0x3c: {  	[hbm:s7@s14], [sflag:s5] =	dma.strided [spmem:s9@s15], $0x50, s13, $0x10   }
0x3d: {  	_ =	swait.ge [sflag:s10], $0x50  }
0x3e: {  	[sflag:s10] =	ssyncset.done $0x0  }
0x3f: {  	[sflag:s10] =	ssyncadd.s32 $0xFFFFFFB0  }
0x40: {  	_ =	sfence.sel $0x180000  }
0x41: {  	[bflag:$0x0] =	sbarrier.arrive $0xFFFF  }
0x42: {  	p0 =	sne.s32 s0, $0x0;
	_ =	strace $0x90000047  }
0x43: {  	s0 =	sadd.s32 @!p0 $0x100000, s1;
	[bflag:$0x2] =	sbarrier.arrive $0xFFFF  }
0x44: {  	[sflag:s0] =	ssyncadd.tile.s32 @!p0 $0x1;
	_ =	shalt  }
.Lfunc_end2:
_tile_overlayer_lowered:
.L_overlay_start_2:
0x45: {  	(tag) =	ssettag $0x2  }
0x46: {  	s0 =	rddreg [dreg:$0x0];
	s2 =	stileid.u32  }
0x47: {  	s1 =	rddreg [dreg:$0x1];
	p0 =	sne.s32 s2, $0x0  }
0x48: {  	s3 =	rddreg [dreg:$0x2];
	[bflag:$0x3] =	sbarrier.arrive $0xFFFF;
	s2 =	simm.s32 @!p0 $0x1C02  }
0x49: {  	[timem:s3], [sflag:s2] =	dma.local @!p0 [hbm:s0], s1  }
0x4a: {  	s0 =	simm.s32 @!p0 $0x2  }
0x4b: {  	_ =	swait.ge @!p0 [sflag:s0], s1  }
0x4c: {  	s1 =	ssub.s32 @!p0 $0x0, s1;
	[sflag:s0] =	ssyncset.done @!p0 $0x0  }
0x4d: {  	[sflag:s0] =	ssyncadd.s32 @!p0 s1  }
0x4e: {  	[bflag:$0x3] =	sbarrier.arrive $0xFFFF  }
0x4f: {  	_ =	shalt  }

// kernel: kernel.9.cloned.1.call-start
scs
__scs_entry_jumppad:
0x0: {  	(pc) =	sbr.rel $0x88, $3  }
0x1: {  	(tag) =	ssettag $0x0;
	lr =	simm.s32 $0x1  }
0x2: {  	[smem:$0x3F9B] =	sst lr;
	_ =	strace $0xD0000000  }
0x3: {  	_ = 	snop  }
0x4: {  	_ = 	snop  }
0x5: {  	_ = 	snop  }
0x6: {  	_ = 	snop  }
0x7: {  	_ = 	snop  }
__scs_overlays_trampoline_lowered:
0x8: {  	[smem:$0x3FAA] =	sst s0  }
0x9: {  	[smem:$0x3FAB] =	sst s1  }
0xa: {  	[smem:$0x3FAC] =	sst s2  }
0xb: {  	[smem:$0x3FAD] =	sst s3  }
0xc: {  	[smem:$0x3FAE] =	sst s4  }
0xd: {  	[smem:$0x3FAF] =	sst s5  }
0xe: {  	[smem:$0x3FB0] =	sst s6  }
0xf: {  	[smem:$0x3FB1] =	sst s7  }
0x10: {  	[smem:$0x3FB2] =	sst s8  }
0x11: {  	[smem:$0x3FB3] =	sst s9;
	s0 =	simm.s32 @!p0 $0x0  }
0x12: {  	s1 =	sld [smem:$0x3F99];
	s0 =	simm.s32 @p0 $0x1  }
0x13: {  	[smem:$0x3FB4] =	sst s0;
	s0 =	simm.s32 @!p1 $0x0  }
0x14: {  	s2 =	sld [smem:$0x3F98];
	s0 =	simm.s32 @p1 $0x1  }
0x15: {  	[smem:$0x3FB5] =	sst s0;
	s0 =	simm.s32 @!p2 $0x0  }
0x16: {  	s3 =	sld [smem:$0x3FDB];
	s0 =	simm.s32 @p2 $0x1  }
0x17: {  	s4 =	simm.s32 $0x1BF5;
	[smem:$0x3FB7] =	sst s0  }
0x18: {  	s0 =	sld [smem:$0x3F9A];
	_ =	swait.ge [sflag:s4], $0x0  }
0x19: {  	s7 =	sld [smem:$0x3F9B]  }
0x1a: {  	s8 =	sadd.s32 $0xFFFFE003, lr  }
0x1b: {  	s9 =	sadd.s32 $0xFFFFFEF7, lr;
	s5 =	simm.s32 $0xFFFFFFFF;
	p2 =	slt.u32 s8, $0xFFFFF086  }
0x1c: {  	p1 =	slt.u32 s9, $0xF7A;
	s5 =	simm.s32 @!p2 $0x0  }
0x1d: {  	s5 =	simm.s32 @p1 $0x1;
	p0 =	seq.s32 s7, s2  }
0x1e: {  	s7 =	smul.u32 @!p0 $0xF7A, s2;
	p2 =	seq.s32 @!p0 s5, $0x0  }
0x1f: {  	s9 =	smul.u32 $0xF7A, s1;
	s8 =	simm.s32 @!p0 $0x1BF5;
	p2 =	por !p2, p0  }
0x20: {  	[sflag:s8] =	ssyncset.s32 @!p0 $0xFFFFF086;
	s6 =	sadd.s32 @!p0 s3, s7;
	s7 =	simm.s32 @!p0 $0x108  }
0x21: {  	s3 =	sadd.s32 s3, s9;
	s6 =	sadd.s32 @!p0 $0x88, s6;
	s7 =	simm.s32 @p2 $0x1082  }
0x22: {  	[simem:s7], [sflag:s8] =	dma.local @!p0 [hbm:s6], $0xF7A  }
0x23: {  	s9 =	sor.u32 $0xD0000000, s2;
	s6 =	simm.s32 $0x108;
	_ =	swait.ge @!p0 [sflag:s8], $0x0  }
0x24: {  	s3 =	sadd.s32 $0x88, s3;
	s6 =	simm.s32 @!p1 $0x1082;
	[sflag:s4] =	ssyncset.s32 $0xFFFFF086  }
0x25: {  	[simem:s6], [sflag:s4] =	dma.local [hbm:s3], $0xF7A  }
0x26: {  	[smem:$0x3F9B] =	sst s1;
	(tag) =	ssettag s2;
	_ =	strace s9  }
0x27: {  	s1 =	sld [smem:$0x3FAB]  }
0x28: {  	s2 =	sld [smem:$0x3FAC]  }
0x29: {  	s4 =	sld [smem:$0x3FAE]  }
0x2a: {  	p0 =	seq.s32 s5, $0x0;
	s5 =	sld [smem:$0x3FAF]  }
0x2b: {  	s6 =	sld [smem:$0x3FB0]  }
0x2c: {  	s7 =	sld [smem:$0x3FB1]  }
0x2d: {  	s3 =	simm.s32 $0x108;
	s8 =	sld [smem:$0x3FB2]  }
0x2e: {  	s3 =	simm.s32 @!p0 $0x1082;
	s9 =	sld [smem:$0x3FB3]  }
0x2f: {  	lr =	sadd.s32 s0, s3;
	s0 =	sld [smem:$0x3FAA]  }
0x30: {  	s3 =	sld [smem:$0x3FAD]  }
0x31: {  	[smem:$0x3FB6] =	sst s10  }
0x32: {  	s10 =	sld [smem:$0x3FB4];
	_ =	sdelay $0x3  }
0x33: {  	p0 =	seq.s32 s10, $0x1;
	s10 =	sld [smem:$0x3FB6];
	_ =	sdelay $0x3  }
0x34: {  	[smem:$0x3FB6] =	sst s10  }
0x35: {  	s10 =	sld [smem:$0x3FB5];
	_ =	sdelay $0x3  }
0x36: {  	p1 =	seq.s32 s10, $0x1;
	s10 =	sld [smem:$0x3FB6];
	_ =	sdelay $0x3  }
0x37: {  	[smem:$0x3FB6] =	sst s10  }
0x38: {  	s10 =	sld [smem:$0x3FB7]  }
0x39: {  	_ = 	snop;
	(pc) =	sbr.ind lr, $3  }
0x3a: {  	_ = 	snop  }
0x3b: {  	_ = 	snop  }
0x3c: {  	p2 =	seq.s32 s10, $0x1;
	s10 =	sld [smem:$0x3FB6]  }
0x3d: {  	_ =	shalt  }
0x3e: {  	_ =	shalt  }
0x3f: {  	_ =	shalt  }
0x40: {  	_ =	shalt  }
0x41: {  	_ =	shalt  }
0x42: {  	_ =	shalt  }
0x43: {  	_ =	shalt  }
0x44: {  	_ =	shalt  }
0x45: {  	_ =	shalt  }
0x46: {  	_ =	shalt  }
0x47: {  	_ =	shalt  }
0x48: {  	_ =	shalt  }
0x49: {  	_ =	shalt  }
0x4a: {  	_ =	shalt  }
0x4b: {  	_ =	shalt  }
0x4c: {  	_ =	shalt  }
0x4d: {  	_ =	shalt  }
0x4e: {  	_ =	shalt  }
0x4f: {  	_ =	shalt  }
0x50: {  	_ =	shalt  }
0x51: {  	_ =	shalt  }
0x52: {  	_ =	shalt  }
0x53: {  	_ =	shalt  }
0x54: {  	_ =	shalt  }
0x55: {  	_ =	shalt  }
0x56: {  	_ =	shalt  }
0x57: {  	_ =	shalt  }
0x58: {  	_ =	shalt  }
0x59: {  	_ =	shalt  }
0x5a: {  	_ =	shalt  }
0x5b: {  	_ =	shalt  }
0x5c: {  	_ =	shalt  }
0x5d: {  	_ =	shalt  }
0x5e: {  	_ =	shalt  }
0x5f: {  	_ =	shalt  }
0x60: {  	_ =	shalt  }
0x61: {  	_ =	shalt  }
0x62: {  	_ =	shalt  }
0x63: {  	_ =	shalt  }
0x64: {  	_ =	shalt  }
0x65: {  	_ =	shalt  }
0x66: {  	_ =	shalt  }
0x67: {  	_ =	shalt  }
0x68: {  	_ =	shalt  }
0x69: {  	_ =	shalt  }
0x6a: {  	_ =	shalt  }
0x6b: {  	_ =	shalt  }
0x6c: {  	_ =	shalt  }
0x6d: {  	_ =	shalt  }
0x6e: {  	_ =	shalt  }
0x6f: {  	_ =	shalt  }
0x70: {  	_ =	shalt  }
0x71: {  	_ =	shalt  }
0x72: {  	_ =	shalt  }
0x73: {  	_ =	shalt  }
0x74: {  	_ =	shalt  }
0x75: {  	_ =	shalt  }
0x76: {  	_ =	shalt  }
0x77: {  	_ =	shalt  }
0x78: {  	_ =	shalt  }
0x79: {  	_ =	shalt  }
0x7a: {  	_ =	shalt  }
0x7b: {  	_ =	shalt  }
0x7c: {  	_ =	shalt  }
0x7d: {  	_ =	shalt  }
0x7e: {  	_ =	shalt  }
0x7f: {  	_ =	shalt  }
0x80: {  	_ =	shalt  }
0x81: {  	_ =	shalt  }
0x82: {  	_ =	shalt  }
0x83: {  	_ =	shalt  }
0x84: {  	_ =	shalt  }
0x85: {  	_ =	shalt  }
0x86: {  	_ =	shalt  }
0x87: {  	_ =	shalt  }
.Lfunc_end0:
.L_simem_size_0:
called_computation.1_lowered:
.L_overlay_start_0:
0x88: {  	s2 =	sld [smem:$0x3FD9]  }
0x89: {  	s3 =	sld [smem:$0x3FFE];
	_ =	sdelay $0x1  }
0x8a: {  	s1 =	srdreg.scid  }
0x8b: {  	s0 =	sand.u32 $0x1, s1  }
0x8c: {  	s17 =	sshll.u32 s0, $0xA;
	s2 =	sadd.s32 s3, s2  }
0x8d: {  	s2 =	sadd.s32 s2, s17  }
0x8e: {  	[smem:$0x3FC2] =	sst s2  }
0x8f: {  	_ = 	snop  }
0x90: {  	s2 =	sld [smem:$0x3FD0];
	(tm) =	ssettm $0x1  }
0x91: {  	s18 =	sld [smem:$0x3FFB];
	_ =	sdelay $0x3  }
0x92: {  	_ =	strace s18  }
0x93: {  	s3 =	sld [smem:$0x3FFC];
	_ =	sdelay $0x3  }
0x94: {  	_ =	strace s3  }
0x95: {  	s3 =	sld [smem:$0x3FFD];
	_ =	sdelay $0x3  }
0x96: {  	_ =	strace s3  }
0x97: {  	_ =	strace $0x8FFFFFFF  }
0x98: {  	s19 =	sld [smem:$0x3FDB];
	_ =	sdelay $0x1  }
0x99: {  	s4 =	simm.s32 $_scs_section_size  }
0x9a: {  	s5 =	simm.s32 $_size__tile_overlayer_lowered;
	s6 =	simm.s32 $_tile_overlayer_lowered  }
0x9b: {  	s22 =	simm.s32 $0x1BFF;
	s21 =	sshll.u32 s6, $0x1;
	s3 =	sadd.s32 s4, s19  }
0x9c: {  	s7 =	simm.s32 $0x0;
	s20 =	sshll.u32 s5, $0x1;
	s5 =	sadd.s32 s21, s3  }
0x9d: {  	[timem:s7], [sflag:s22] =	dma.local [hbm:s5], s20  }
0x9e: {  	_ =	swait.ge [sflag:s22], s20  }
0x9f: {  	s4 =	ssub.s32 $0x0, s20;
	[sflag:s22] =	ssyncset.done $0x0  }
0xa0: {  	[sflag:s22] =	ssyncadd.s32 s4;
	_ =	sdelay $0x1  }
0xa1: {  	s23 =	simm.s32 $0x1B8B  }
0xa2: {  	_ =	swait.ge [sflag:s23], $0x1  }
0xa3: {  	[sflag:s23] =	ssyncset.done $0x0  }
0xa4: {  	s25 =	simm.s32 $0x1B8E;
	s24 =	sld [smem:$0x3FFE];
	[sflag:s23] =	ssyncadd.s32 $0xFFFFFFFF  }
0xa5: {  	s26 =	simm.s32 $execute0_lowered;
	[smem:$0x3FD2] =	sst s25  }
0xa6: {  	s5 =	sshll.u32 s26, $0x1;
	_ =	strace $0x80000049;
	[dreg:$0x1] =	wrdreg $0xFFFFFFFF  }
0xa7: {  	s28 =	simm.s32 $_size_execute0_lowered;
	s3 =	sadd.s32 s3, s5;
	[dreg:$0x0] =	wrdreg $0x0  }
0xa8: {  	s5 =	sshll.u32 s28, $0x1;
	[dreg:$0x2] =	wrdreg s3  }
0xa9: {  	[dreg:$0x3] =	wrdreg s5  }
0xaa: {  	[dreg:$0x4] =	wrdreg $0xC0  }
0xab: {  	_ =	task [dreg:s7], $0x5FFFF  }
0xac: {  	[dreg:$0x1] =	wrdreg $0xFFFFFFFF  }
0xad: {  	[dreg:$0x0] =	wrdreg $0x60  }
0xae: {  	[dreg:$0x2] =	wrdreg s24  }
0xaf: {  	[dreg:$0x3] =	wrdreg s2  }
0xb0: {  	[dreg:$0x4] =	wrdreg $0xAC000  }
0xb1: {  	[dreg:$0x5] =	wrdreg $0x9  }
0xb2: {  	_ =	task.clear_ibuf [dreg:s7], $0x6FFFF;
	_ =	strace $0x90000049  }
0xb3: {  	s29 =	simm.s32 $0x9;
	_ =	strace $0x8000004B  }
0xb4: {  	_ =	swait.ge [sflag:s29], $0x1  }
0xb5: {  	[sflag:s29] =	ssyncadd.s32 $0xFFFFFFFF  }
0xb6: {  	_ =	strace $0x9000004B  }
0xb7: {  	_ =	sfence  }
0xb8: {  	s30 =	sld [smem:$0x0];
	_ =	sdelay $0x2  }
0xb9: {  	s31 =	sshll.u32 s1, $0xD;
	s1 =	sshrl.u32 s1, $0x2  }
0xba: {  	s3 =	sand.u32 $0x4000, s31;
	s1 =	sadd.s32 s1, s30  }
0xbb: {  	s0 =	sor.u32 s3, s0;
	s1 =	sshll.u32 s1, $0x11  }
0xbc: {  	s0 =	sor.u32 s1, s0  }
0xbd: {  	s0 =	sadd.s32 $0x8F2B, s0  }
0xbe: {  	[sflag:s0] =	ssyncadd.remote.s32 $0x1  }
0xbf: {  	_ =	sfence.sel $0xFFFF  }
0xc0: {  	[dreg:$0x0] =	wrdreg $0xFFFFFFFF;
	(pc) =	sbr.abs _section_cstart, $3  }
0xc1: {  	[dreg:$0x1] =	wrdreg $0xFFFFFFFF  }
0xc2: {  	_ =	task.clear_ibuf [dreg:s7], $0x2FFFF;
	_ =	strace $0x9FFFFFFF  }
0xc3: {  	(tm) =	ssettm $0x7FFFFFFF  }
tec
execute0_lowered:
.L_overlay_start_1:
0x0: {  	(tag) =	ssettag $0x1  }
0x1: {  	s0 =	srdreg.scid  }
0x2: {  	s1 =	rddreg [dreg:$0x0];
	s9 =	stileid.u32  }
0x3: {  	s2 =	rddreg [dreg:$0x1];
	s21 =	simm.s32 $0x0;
	s12 =	simm.s32 $0x5  }
0x4: {  	s13 =	simm.s32 $0x40;
	s14 =	simm.s32 $0x2800;
	s15 =	simm.s32 $0x2C00  }
0x5: {  	s16 =	simm.s32 $0x2880;
	s17 =	simm.s32 $0x4C00;
	s18 =	simm.s32 $0x2900  }
0x6: {  	s19 =	simm.s32 $0x6C00;
	s20 =	simm.s32 $0x1;
	s28 =	simm.s32 $0x2B00  }
0x7: {  	s29 =	simm.s32 $0x4;
	s30 =	simm.s32 $0x2B80;
	s31 =	simm.s32 $0x0  }
0x8: {  	s0 =	sand.u32 $0x1, s0;
	s6 =	smul.u32 $0x14000, s9;
	[smem:$0x7FF] =	sst s21  }
0x9: {  	s23 =	smul.u32 $0x50000, s9;
	s26 =	sshll.u32 s9, $0x6;
	s21 =	simm.s32 $0x2980  }
0xa: {  	s3 =	sshll.u32 s0, $0x4;
	s7 =	smul.u32 $0x140000, s0;
	s0 =	ssub.s32 $0x2, s0  }
0xb: {  	s4 =	sor.u32 s9, s3;
	s3 =	rddreg [dreg:$0x2];
	_ =	strace $0x8000004A  }
0xc: {  	s22 =	sshrl.u32 s6, $0x3;
	s24 =	sshrl.u32 s0, $0x1;
	s25 =	sshrl.u32 s23, $0x2  }
0xd: {  	s23 =	simm.s32 $0x2A00;
	s5 =	smul.u32 $0x5000, s4;
	s6 =	sadd.s32 s6, s7  }
0xe: {  	s0 =	ssub.s32 s0, s24;
	s11 =	sadd.s32 s25, s3;
	s24 =	simm.s32 $0x2  }
0xf: {  	s25 =	simm.s32 $0x2A80;
	s6 =	sshrl.u32 s6, $0x3;
	s5 =	sshrl.u32 s5, $0x3  }
0x10: {  	s10 =	smax.u32 s0, $0x1;
	s11 =	sshrl.u32 s11, $0x3;
	s8 =	sadd.s32 s5, s1  }
0x11: {  	s5 =	sadd.s32 s22, s1;
	s1 =	sadd.s32 s6, s1;
	s6 =	sor.u32 $0x1C05, s26  }
0x12: {  	s22 =	simm.s32 $0x8C00;
	s26 =	simm.s32 $0x3;
	s5 =	sadd.s32 $0x15600, s5  }
0x13: {  	s7 =	sadd.s32 $0x1600, s8;
	s8 =	sadd.s32 $0x1B00, s8;
	s9 =	sadd.s32 $0x3D600, s1  }
.LBB2_1:
0x14: {  	[spmem:s11], [sflag:s6] =	dma.local [hbm:s5], $0x2800  }
0x15: {  	_ =	swait.ge [sflag:s12], $0x2800  }
0x16: {  	[sflag:s12] =	ssyncset.done $0x0  }
0x17: {  	[sflag:s12] =	ssyncadd.s32 $0xFFFFD800  }
0x18: {  	s0 =	simm.s32 $0x0;
	[bflag:$0x0] =	sbarrier.arrive $0xFFFF  }
0x19: {  	[tilespmem:s0], [sflag:$0x5] =	stream.linear.gather [hbm4b:s7+s0], $0x2800, $0x38;
	[tilespmem:$0x1EC00] =	vst v63  }
0x1a: {  	_ =	swait.ge [sflag:s12], $0x2800  }
0x1b: {  	[sflag:s12] =	ssyncset.done $0x0  }
0x1c: {  	[sflag:s12] =	ssyncadd.s32 $0xFFFFD800  }
0x1d: {  	v0 =	vld [tilespmem:$0x0];
	_ =	sdelay $0x1  }
0x1e: {  	v1 =	vld [tilespmem:$0x10];
	_ =	sdelay $0x1  }
0x1f: {  	v2 =	vld [tilespmem:$0x20]  }
0x20: {  	v3 =	vshra.s32 v0, $0x10  }
0x21: {  	v0 =	vand.u32 $0xFFFF, v0;
	[tilespmem:$0x2800] =	vst v3;
	v3 =	vld [tilespmem:$0x30]  }
0x22: {  	[tilespmem:$0x2A00] =	vst v0;
	v0 =	vshra.s32 v1, $0x10  }
0x23: {  	[tilespmem:$0x2810] =	vst v0;
	v0 =	vand.u32 $0xFFFF, v1  }
0x24: {  	[tilespmem:$0x2A10] =	vst v0;
	v0 =	vshra.s32 v2, $0x10  }
0x25: {  	[tilespmem:$0x2820] =	vst v0;
	v0 =	vand.u32 $0xFFFF, v2  }
0x26: {  	[tilespmem:$0x2A20] =	vst v0;
	v0 =	vshra.s32 v3, $0x10  }
0x27: {  	[tilespmem:$0x2830] =	vst v0;
	v0 =	vand.u32 $0xFFFF, v3  }
0x28: {  	[tilespmem:$0x2A30] =	vst v0  }
0x29: {  	[tilespmem:s15], [sflag:$0x1] =	stream.indirect.gather [hbm4b:s2+s13], $0x80, s14, s13, $0xb8;
	[tilespmem:$0x1EC00] =	vst v63  }
0x2a: {  	v0 =	vld [tilespmem:$0x80];
	_ =	sdelay $0x1  }
0x2b: {  	v1 =	vld [tilespmem:$0x90];
	_ =	sdelay $0x1  }
0x2c: {  	v2 =	vld [tilespmem:$0xA0]  }
0x2d: {  	v3 =	vshra.s32 v0, $0x10  }
0x2e: {  	v0 =	vand.u32 $0xFFFF, v0;
	[tilespmem:$0x2880] =	vst v3;
	v3 =	vld [tilespmem:$0xB0]  }
0x2f: {  	[tilespmem:$0x2A80] =	vst v0;
	v0 =	vshra.s32 v1, $0x10  }
0x30: {  	[tilespmem:$0x2890] =	vst v0;
	v0 =	vand.u32 $0xFFFF, v1  }
0x31: {  	[tilespmem:$0x2A90] =	vst v0;
	v0 =	vshra.s32 v2, $0x10  }
0x32: {  	[tilespmem:$0x28A0] =	vst v0;
	v0 =	vand.u32 $0xFFFF, v2  }
0x33: {  	[tilespmem:$0x2AA0] =	vst v0;
	v0 =	vshra.s32 v3, $0x10  }
0x34: {  	[tilespmem:$0x28B0] =	vst v0;
	v0 =	vand.u32 $0xFFFF, v3  }
0x35: {  	[tilespmem:$0x2AB0] =	vst v0  }
0x36: {  	[tilespmem:s17], [sflag:$0x2] =	stream.indirect.gather [hbm4b:s2+s13], $0x80, s16, s13, $0xb8;
	[tilespmem:$0x1EC00] =	vst v63  }
0x37: {  	v0 =	vld [tilespmem:$0x100];
	_ =	sdelay $0x1  }
0x38: {  	v1 =	vld [tilespmem:$0x110];
	_ =	sdelay $0x1  }
0x39: {  	v2 =	vld [tilespmem:$0x120]  }
0x3a: {  	v3 =	vshra.s32 v0, $0x10  }
0x3b: {  	v0 =	vand.u32 $0xFFFF, v0;
	[tilespmem:$0x2900] =	vst v3;
	v3 =	vld [tilespmem:$0x130]  }
0x3c: {  	[tilespmem:$0x2B00] =	vst v0;
	v0 =	vshra.s32 v1, $0x10  }
0x3d: {  	[tilespmem:$0x2910] =	vst v0;
	v0 =	vand.u32 $0xFFFF, v1  }
0x3e: {  	[tilespmem:$0x2B10] =	vst v0;
	v0 =	vshra.s32 v2, $0x10  }
0x3f: {  	[tilespmem:$0x2920] =	vst v0;
	v0 =	vand.u32 $0xFFFF, v2  }
0x40: {  	[tilespmem:$0x2B20] =	vst v0;
	v0 =	vshra.s32 v3, $0x10  }
0x41: {  	[tilespmem:$0x2930] =	vst v0;
	v0 =	vand.u32 $0xFFFF, v3  }
0x42: {  	[tilespmem:$0x2B30] =	vst v0  }
0x43: {  	[tilespmem:s19], [sflag:$0x3] =	stream.indirect.gather [hbm4b:s2+s13], $0x80, s18, s13, $0xb8;
	[tilespmem:$0x1EC00] =	vst v63  }
0x44: {  	_ =	swait.ge [sflag:s20], $0x2000  }
0x45: {  	[sflag:s20] =	ssyncset.done $0x0  }
0x46: {  	s1 =	simm.s32 $0x0;
	[sflag:s20] =	ssyncadd.s32 $0xFFFFE000  }
0x47: {  	v0 =	vld [tilespmem:s1+$0x180];
	_ =	sdelay $0x4  }
0x48: {  	v1 =	vshra.s32 v0, $0x10  }
0x49: {  	v0 =	vand.u32 $0xFFFF, v0;
	[tilespmem:$0x2980] =	vst v1  }
0x4a: {  	[tilespmem:$0x2B80] =	vst v0  }
0x4b: {  	v0 =	vld [tilespmem:s1+$0x190];
	_ =	sdelay $0x4  }
0x4c: {  	v1 =	vshra.s32 v0, $0x10  }
0x4d: {  	v0 =	vand.u32 $0xFFFF, v0;
	[tilespmem:$0x2990] =	vst v1  }
0x4e: {  	[tilespmem:$0x2B90] =	vst v0  }
0x4f: {  	v0 =	vld [tilespmem:s1+$0x1A0];
	_ =	sdelay $0x4  }
0x50: {  	v1 =	vshra.s32 v0, $0x10  }
0x51: {  	v0 =	vand.u32 $0xFFFF, v0;
	[tilespmem:$0x29A0] =	vst v1  }
0x52: {  	[tilespmem:$0x2BA0] =	vst v0  }
0x53: {  	v0 =	vld [tilespmem:s1+$0x1B0];
	_ =	sdelay $0x4  }
0x54: {  	v1 =	vshra.s32 v0, $0x10  }
0x55: {  	v0 =	vand.u32 $0xFFFF, v0;
	[tilespmem:$0x29B0] =	vst v1  }
0x56: {  	[tilespmem:$0x2BB0] =	vst v0  }
0x57: {  	[tilespmem:s22], [sflag:$0x4] =	stream.indirect.gather [hbm4b:s2+s13], $0x80, s21, s13, $0xb8;
	[tilespmem:$0x1EC00] =	vst v63  }
0x58: {  	_ = 	snop  }
0x59: {  	[spmem:s3] =	stream.indirect.scatter.add.f32 [tilespmem:s15], [sflag:$0x5], $0x80, s23, s13, $0xb8;
	[tilespmem:$0x1EC00] =	vst v63  }
0x5a: {  	_ =	swait.ge [sflag:s12], $0x2000  }
0x5b: {  	[sflag:s12] =	ssyncset.done $0x0  }
0x5c: {  	[sflag:s12] =	ssyncadd.s32 $0xFFFFE000  }
0x5d: {  	_ =	swait.ge [sflag:s24], $0x2000  }
0x5e: {  	[sflag:s24] =	ssyncset.done $0x0  }
0x5f: {  	[sflag:s24] =	ssyncadd.s32 $0xFFFFE000  }
0x60: {  	v0 =	vld [tilespmem:s1+$0x200];
	_ =	sdelay $0x4  }
0x61: {  	v1 =	vshra.s32 v0, $0x10  }
0x62: {  	v0 =	vand.u32 $0xFFFF, v0;
	[tilespmem:$0x2800] =	vst v1  }
0x63: {  	[tilespmem:$0x2A00] =	vst v0  }
0x64: {  	v0 =	vld [tilespmem:s1+$0x210];
	_ =	sdelay $0x4  }
0x65: {  	v1 =	vshra.s32 v0, $0x10  }
0x66: {  	v0 =	vand.u32 $0xFFFF, v0;
	[tilespmem:$0x2810] =	vst v1  }
0x67: {  	[tilespmem:$0x2A10] =	vst v0  }
0x68: {  	v0 =	vld [tilespmem:s1+$0x220];
	_ =	sdelay $0x4  }
0x69: {  	v1 =	vshra.s32 v0, $0x10  }
0x6a: {  	v0 =	vand.u32 $0xFFFF, v0;
	[tilespmem:$0x2820] =	vst v1  }
0x6b: {  	[tilespmem:$0x2A20] =	vst v0  }
0x6c: {  	v0 =	vld [tilespmem:s1+$0x230];
	_ =	sdelay $0x4  }
0x6d: {  	v1 =	vshra.s32 v0, $0x10  }
0x6e: {  	v0 =	vand.u32 $0xFFFF, v0;
	[tilespmem:$0x2830] =	vst v1  }
0x6f: {  	[tilespmem:$0x2A30] =	vst v0  }
0x70: {  	[tilespmem:s15], [sflag:$0x1] =	stream.indirect.gather [hbm4b:s2+s13], $0x80, s14, s13, $0xb8;
	[tilespmem:$0x1EC00] =	vst v63  }
0x71: {  	_ = 	snop  }
0x72: {  	[spmem:s3] =	stream.indirect.scatter.add.f32 [tilespmem:s17], [sflag:$0x5], $0x80, s25, s13, $0xb8;
	[tilespmem:$0x1EC00] =	vst v63  }
0x73: {  	_ =	swait.ge [sflag:s12], $0x2000  }
0x74: {  	[sflag:s12] =	ssyncset.done $0x0  }
0x75: {  	[sflag:s12] =	ssyncadd.s32 $0xFFFFE000  }
0x76: {  	_ =	swait.ge [sflag:s26], $0x2000  }
0x77: {  	[sflag:s26] =	ssyncset.done $0x0  }
0x78: {  	[sflag:s26] =	ssyncadd.s32 $0xFFFFE000  }
0x79: {  	v0 =	vld [tilespmem:s1+$0x280];
	_ =	sdelay $0x4  }
0x7a: {  	v1 =	vshra.s32 v0, $0x10  }
0x7b: {  	v0 =	vand.u32 $0xFFFF, v0;
	[tilespmem:$0x2880] =	vst v1  }
0x7c: {  	[tilespmem:$0x2A80] =	vst v0  }
0x7d: {  	v0 =	vld [tilespmem:s1+$0x290];
	_ =	sdelay $0x4  }
0x7e: {  	v1 =	vshra.s32 v0, $0x10  }
0x7f: {  	v0 =	vand.u32 $0xFFFF, v0;
	[tilespmem:$0x2890] =	vst v1  }
0x80: {  	[tilespmem:$0x2A90] =	vst v0  }
0x81: {  	v0 =	vld [tilespmem:s1+$0x2A0];
	_ =	sdelay $0x4  }
0x82: {  	v1 =	vshra.s32 v0, $0x10  }
0x83: {  	v0 =	vand.u32 $0xFFFF, v0;
	[tilespmem:$0x28A0] =	vst v1  }
0x84: {  	[tilespmem:$0x2AA0] =	vst v0  }
0x85: {  	v0 =	vld [tilespmem:s1+$0x2B0];
	_ =	sdelay $0x4  }
0x86: {  	v1 =	vshra.s32 v0, $0x10  }
0x87: {  	v0 =	vand.u32 $0xFFFF, v0;
	[tilespmem:$0x28B0] =	vst v1  }
0x88: {  	[tilespmem:$0x2AB0] =	vst v0  }
0x89: {  	[tilespmem:s17], [sflag:$0x2] =	stream.indirect.gather [hbm4b:s2+s13], $0x80, s16, s13, $0xb8;
	[tilespmem:$0x1EC00] =	vst v63  }
0x8a: {  	_ = 	snop  }
0x8b: {  	[spmem:s3] =	stream.indirect.scatter.add.f32 [tilespmem:s19], [sflag:$0x5], $0x80, s28, s13, $0xb8;
	[tilespmem:$0x1EC00] =	vst v63  }
0x8c: {  	_ =	swait.ge [sflag:s12], $0x2000  }
0x8d: {  	[sflag:s12] =	ssyncset.done $0x0  }
0x8e: {  	[sflag:s12] =	ssyncadd.s32 $0xFFFFE000  }
0x8f: {  	_ =	swait.ge [sflag:s29], $0x2000  }
0x90: {  	[sflag:s29] =	ssyncset.done $0x0  }
0x91: {  	[sflag:s29] =	ssyncadd.s32 $0xFFFFE000  }
0x92: {  	v0 =	vld [tilespmem:s1+$0x300];
	_ =	sdelay $0x4  }
0x93: {  	v1 =	vshra.s32 v0, $0x10  }
0x94: {  	v0 =	vand.u32 $0xFFFF, v0;
	[tilespmem:$0x2900] =	vst v1  }
0x95: {  	[tilespmem:$0x2B00] =	vst v0  }
0x96: {  	v0 =	vld [tilespmem:s1+$0x310];
	_ =	sdelay $0x4  }
0x97: {  	v1 =	vshra.s32 v0, $0x10  }
0x98: {  	v0 =	vand.u32 $0xFFFF, v0;
	[tilespmem:$0x2910] =	vst v1  }
0x99: {  	[tilespmem:$0x2B10] =	vst v0  }
0x9a: {  	s0 =	simm.s32 $0x800;
	v0 =	vld [tilespmem:s1+$0x320]  }
.LBB2_2:
0x9b: {  	_ =	sdelay $0x3  }
0x9c: {  	p0 =	sne.s32 s0, $0x9000;
	s4 =	smov.u32 s0;
	s0 =	sadd.s32 $0x800, s0;
	v1 =	vshra.s32 v0, $0x10;
	v0 =	vand.u32 $0xFFFF, v0  }
0x9d: {  	[tilespmem:$0x2920] =	vst v1  }
0x9e: {  	[tilespmem:$0x2B20] =	vst v0  }
0x9f: {  	v0 =	vld [tilespmem:s1+$0x330];
	_ =	sdelay $0x4  }
0xa0: {  	v1 =	vshra.s32 v0, $0x10;
	v0 =	vand.u32 $0xFFFF, v0  }
0xa1: {  	[tilespmem:$0x2930] =	vst v1  }
0xa2: {  	[tilespmem:$0x2B30] =	vst v0  }
0xa3: {  	[tilespmem:s19], [sflag:$0x3] =	stream.indirect.gather [hbm4b:s2+s13], $0x80, s18, s13, $0xb8;
	[tilespmem:$0x1EC00] =	vst v63  }
0xa4: {  	_ = 	snop  }
0xa5: {  	[spmem:s3] =	stream.indirect.scatter.add.f32 [tilespmem:s22], [sflag:$0x5], $0x80, s30, s13, $0xb8;
	[tilespmem:$0x1EC00] =	vst v63  }
0xa6: {  	_ =	swait.ge [sflag:s12], $0x2000  }
0xa7: {  	[sflag:s12] =	ssyncset.done $0x0  }
0xa8: {  	[sflag:s12] =	ssyncadd.s32 $0xFFFFE000  }
0xa9: {  	_ =	swait.ge [sflag:s20], $0x2000  }
0xaa: {  	[sflag:s20] =	ssyncset.done $0x0  }
0xab: {  	s1 =	sshra.s32 s4, $0x2;
	[sflag:s20] =	ssyncadd.s32 $0xFFFFE000  }
0xac: {  	v0 =	vld [tilespmem:s1+$0x180];
	_ =	sdelay $0x4  }
0xad: {  	v1 =	vshra.s32 v0, $0x10;
	v0 =	vand.u32 $0xFFFF, v0  }
0xae: {  	[tilespmem:$0x2980] =	vst v1  }
0xaf: {  	[tilespmem:$0x2B80] =	vst v0  }
0xb0: {  	v0 =	vld [tilespmem:s1+$0x190];
	_ =	sdelay $0x4  }
0xb1: {  	v1 =	vshra.s32 v0, $0x10;
	v0 =	vand.u32 $0xFFFF, v0  }
0xb2: {  	[tilespmem:$0x2990] =	vst v1  }
0xb3: {  	[tilespmem:$0x2B90] =	vst v0  }
0xb4: {  	v0 =	vld [tilespmem:s1+$0x1A0];
	_ =	sdelay $0x4  }
0xb5: {  	v1 =	vshra.s32 v0, $0x10;
	v0 =	vand.u32 $0xFFFF, v0  }
0xb6: {  	[tilespmem:$0x29A0] =	vst v1  }
0xb7: {  	[tilespmem:$0x2BA0] =	vst v0  }
0xb8: {  	v0 =	vld [tilespmem:s1+$0x1B0];
	_ =	sdelay $0x4  }
0xb9: {  	v1 =	vshra.s32 v0, $0x10;
	v0 =	vand.u32 $0xFFFF, v0  }
0xba: {  	[tilespmem:$0x29B0] =	vst v1  }
0xbb: {  	[tilespmem:$0x2BB0] =	vst v0  }
0xbc: {  	[tilespmem:s22], [sflag:$0x4] =	stream.indirect.gather [hbm4b:s2+s13], $0x80, s21, s13, $0xb8;
	[tilespmem:$0x1EC00] =	vst v63  }
0xbd: {  	_ = 	snop  }
0xbe: {  	[spmem:s3] =	stream.indirect.scatter.add.f32 [tilespmem:s15], [sflag:$0x5], $0x80, s23, s13, $0xb8;
	[tilespmem:$0x1EC00] =	vst v63  }
0xbf: {  	_ =	swait.ge [sflag:s12], $0x2000  }
0xc0: {  	[sflag:s12] =	ssyncset.done $0x0  }
0xc1: {  	[sflag:s12] =	ssyncadd.s32 $0xFFFFE000  }
0xc2: {  	_ =	swait.ge [sflag:s24], $0x2000  }
0xc3: {  	[sflag:s24] =	ssyncset.done $0x0  }
0xc4: {  	[sflag:s24] =	ssyncadd.s32 $0xFFFFE000  }
0xc5: {  	v0 =	vld [tilespmem:s1+$0x200];
	_ =	sdelay $0x4  }
0xc6: {  	v1 =	vshra.s32 v0, $0x10;
	v0 =	vand.u32 $0xFFFF, v0  }
0xc7: {  	[tilespmem:$0x2800] =	vst v1  }
0xc8: {  	[tilespmem:$0x2A00] =	vst v0  }
0xc9: {  	v0 =	vld [tilespmem:s1+$0x210];
	_ =	sdelay $0x4  }
0xca: {  	v1 =	vshra.s32 v0, $0x10;
	v0 =	vand.u32 $0xFFFF, v0  }
0xcb: {  	[tilespmem:$0x2810] =	vst v1  }
0xcc: {  	[tilespmem:$0x2A10] =	vst v0  }
0xcd: {  	v0 =	vld [tilespmem:s1+$0x220];
	_ =	sdelay $0x4  }
0xce: {  	v1 =	vshra.s32 v0, $0x10;
	v0 =	vand.u32 $0xFFFF, v0  }
0xcf: {  	[tilespmem:$0x2820] =	vst v1  }
0xd0: {  	[tilespmem:$0x2A20] =	vst v0  }
0xd1: {  	v0 =	vld [tilespmem:s1+$0x230];
	_ =	sdelay $0x4  }
0xd2: {  	v1 =	vshra.s32 v0, $0x10;
	v0 =	vand.u32 $0xFFFF, v0  }
0xd3: {  	[tilespmem:$0x2830] =	vst v1  }
0xd4: {  	[tilespmem:$0x2A30] =	vst v0  }
0xd5: {  	[tilespmem:s15], [sflag:$0x1] =	stream.indirect.gather [hbm4b:s2+s13], $0x80, s14, s13, $0xb8;
	[tilespmem:$0x1EC00] =	vst v63  }
0xd6: {  	_ = 	snop  }
0xd7: {  	[spmem:s3] =	stream.indirect.scatter.add.f32 [tilespmem:s17], [sflag:$0x5], $0x80, s25, s13, $0xb8;
	[tilespmem:$0x1EC00] =	vst v63  }
0xd8: {  	_ =	swait.ge [sflag:s12], $0x2000  }
0xd9: {  	[sflag:s12] =	ssyncset.done $0x0  }
0xda: {  	[sflag:s12] =	ssyncadd.s32 $0xFFFFE000  }
0xdb: {  	_ =	swait.ge [sflag:s26], $0x2000  }
0xdc: {  	[sflag:s26] =	ssyncset.done $0x0  }
0xdd: {  	[sflag:s26] =	ssyncadd.s32 $0xFFFFE000  }
0xde: {  	v0 =	vld [tilespmem:s1+$0x280];
	_ =	sdelay $0x4  }
0xdf: {  	v1 =	vshra.s32 v0, $0x10;
	v0 =	vand.u32 $0xFFFF, v0  }
0xe0: {  	[tilespmem:$0x2880] =	vst v1  }
0xe1: {  	[tilespmem:$0x2A80] =	vst v0  }
0xe2: {  	v0 =	vld [tilespmem:s1+$0x290];
	_ =	sdelay $0x4  }
0xe3: {  	v1 =	vshra.s32 v0, $0x10;
	v0 =	vand.u32 $0xFFFF, v0  }
0xe4: {  	[tilespmem:$0x2890] =	vst v1  }
0xe5: {  	[tilespmem:$0x2A90] =	vst v0  }
0xe6: {  	v0 =	vld [tilespmem:s1+$0x2A0];
	_ =	sdelay $0x4  }
0xe7: {  	v1 =	vshra.s32 v0, $0x10;
	v0 =	vand.u32 $0xFFFF, v0  }
0xe8: {  	[tilespmem:$0x28A0] =	vst v1  }
0xe9: {  	[tilespmem:$0x2AA0] =	vst v0  }
0xea: {  	v0 =	vld [tilespmem:s1+$0x2B0];
	_ =	sdelay $0x4  }
0xeb: {  	v1 =	vshra.s32 v0, $0x10;
	v0 =	vand.u32 $0xFFFF, v0  }
0xec: {  	[tilespmem:$0x28B0] =	vst v1  }
0xed: {  	[tilespmem:$0x2AB0] =	vst v0  }
0xee: {  	[tilespmem:s17], [sflag:$0x2] =	stream.indirect.gather [hbm4b:s2+s13], $0x80, s16, s13, $0xb8;
	[tilespmem:$0x1EC00] =	vst v63  }
0xef: {  	_ = 	snop  }
0xf0: {  	[spmem:s3] =	stream.indirect.scatter.add.f32 [tilespmem:s19], [sflag:$0x5], $0x80, s28, s13, $0xb8;
	[tilespmem:$0x1EC00] =	vst v63  }
0xf1: {  	_ =	swait.ge [sflag:s12], $0x2000  }
0xf2: {  	[sflag:s12] =	ssyncset.done $0x0  }
0xf3: {  	[sflag:s12] =	ssyncadd.s32 $0xFFFFE000  }
0xf4: {  	_ =	swait.ge [sflag:s29], $0x2000  }
0xf5: {  	[sflag:s29] =	ssyncset.done $0x0  }
0xf6: {  	[sflag:s29] =	ssyncadd.s32 $0xFFFFE000  }
0xf7: {  	v0 =	vld [tilespmem:s1+$0x300];
	_ =	sdelay $0x4  }
0xf8: {  	v1 =	vshra.s32 v0, $0x10;
	v0 =	vand.u32 $0xFFFF, v0  }
0xf9: {  	[tilespmem:$0x2900] =	vst v1  }
0xfa: {  	[tilespmem:$0x2B00] =	vst v0  }
0xfb: {  	v0 =	vld [tilespmem:s1+$0x310];
	_ =	sdelay $0x3  }
.Ltmp0:
0xfc: {  	(pc) =	sbr.rel @p0 .LBB2_2-.Ltmp0, $4  }
0xfd: {  	v1 =	vshra.s32 v0, $0x10;
	v0 =	vand.u32 $0xFFFF, v0  }
0xfe: {  	[tilespmem:$0x2910] =	vst v1  }
0xff: {  	[tilespmem:$0x2B10] =	vst v0  }
0x100: {  	v0 =	vld [tilespmem:s1+$0x320]  }
0x101: {  	_ =	sdelay $0x3  }
0x102: {  	v1 =	vshra.s32 v0, $0x10  }
0x103: {  	v0 =	vand.u32 $0xFFFF, v0;
	[tilespmem:$0x2920] =	vst v1  }
0x104: {  	[tilespmem:$0x2B20] =	vst v0  }
0x105: {  	v0 =	vld [tilespmem:s1+$0x330];
	_ =	sdelay $0x4  }
0x106: {  	v1 =	vshra.s32 v0, $0x10  }
0x107: {  	v0 =	vand.u32 $0xFFFF, v0;
	[tilespmem:$0x2930] =	vst v1  }
0x108: {  	[tilespmem:$0x2B30] =	vst v0  }
0x109: {  	[tilespmem:s19], [sflag:$0x3] =	stream.indirect.gather [hbm4b:s2+s13], $0x80, s18, s13, $0xb8;
	[tilespmem:$0x1EC00] =	vst v63  }
0x10a: {  	_ = 	snop  }
0x10b: {  	[spmem:s3] =	stream.indirect.scatter.add.f32 [tilespmem:s22], [sflag:$0x5], $0x80, s30, s13, $0xb8;
	[tilespmem:$0x1EC00] =	vst v63  }
0x10c: {  	_ =	swait.ge [sflag:s12], $0x2000  }
0x10d: {  	[sflag:s12] =	ssyncset.done $0x0  }
0x10e: {  	[sflag:s12] =	ssyncadd.s32 $0xFFFFE000  }
0x10f: {  	_ =	swait.ge [sflag:s20], $0x2000  }
0x110: {  	[sflag:s20] =	ssyncset.done $0x0  }
0x111: {  	[sflag:s20] =	ssyncadd.s32 $0xFFFFE000  }
0x112: {  	v0 =	vld [tilespmem:$0x2780];
	_ =	sdelay $0x1  }
0x113: {  	v1 =	vld [tilespmem:$0x2790];
	_ =	sdelay $0x1  }
0x114: {  	v2 =	vld [tilespmem:$0x27A0]  }
0x115: {  	v3 =	vshra.s32 v0, $0x10  }
0x116: {  	v0 =	vand.u32 $0xFFFF, v0;
	[tilespmem:$0x2980] =	vst v3;
	v3 =	vld [tilespmem:$0x27B0]  }
0x117: {  	[tilespmem:$0x2B80] =	vst v0;
	v0 =	vshra.s32 v1, $0x10  }
0x118: {  	[tilespmem:$0x2990] =	vst v0;
	v0 =	vand.u32 $0xFFFF, v1  }
0x119: {  	[tilespmem:$0x2B90] =	vst v0;
	v0 =	vshra.s32 v2, $0x10  }
0x11a: {  	[tilespmem:$0x29A0] =	vst v0;
	v0 =	vand.u32 $0xFFFF, v2  }
0x11b: {  	[tilespmem:$0x2BA0] =	vst v0;
	v0 =	vshra.s32 v3, $0x10  }
0x11c: {  	[tilespmem:$0x29B0] =	vst v0;
	v0 =	vand.u32 $0xFFFF, v3  }
0x11d: {  	[tilespmem:$0x2BB0] =	vst v0  }
0x11e: {  	[tilespmem:s22], [sflag:$0x4] =	stream.indirect.gather [hbm4b:s2+s13], $0x80, s21, s13, $0xb8;
	[tilespmem:$0x1EC00] =	vst v63  }
0x11f: {  	_ = 	snop  }
0x120: {  	[spmem:s3] =	stream.indirect.scatter.add.f32 [tilespmem:s15], [sflag:$0x5], $0x80, s23, s13, $0xb8;
	[tilespmem:$0x1EC00] =	vst v63  }
0x121: {  	_ =	swait.ge [sflag:s12], $0x2000  }
0x122: {  	[sflag:s12] =	ssyncset.done $0x0  }
0x123: {  	[sflag:s12] =	ssyncadd.s32 $0xFFFFE000  }
0x124: {  	_ =	swait.ge [sflag:s24], $0x2000  }
0x125: {  	[sflag:s24] =	ssyncset.done $0x0  }
0x126: {  	[sflag:s24] =	ssyncadd.s32 $0xFFFFE000  }
0x127: {  	[spmem:s3] =	stream.indirect.scatter.add.f32 [tilespmem:s17], [sflag:$0x5], $0x80, s25, s13, $0xb8;
	[tilespmem:$0x1EC00] =	vst v63  }
0x128: {  	_ =	swait.ge [sflag:s12], $0x2000  }
0x129: {  	[sflag:s12] =	ssyncset.done $0x0  }
0x12a: {  	[sflag:s12] =	ssyncadd.s32 $0xFFFFE000  }
0x12b: {  	_ =	swait.ge [sflag:s26], $0x2000  }
0x12c: {  	[sflag:s26] =	ssyncset.done $0x0  }
0x12d: {  	[sflag:s26] =	ssyncadd.s32 $0xFFFFE000  }
0x12e: {  	[spmem:s3] =	stream.indirect.scatter.add.f32 [tilespmem:s19], [sflag:$0x5], $0x80, s28, s13, $0xb8;
	[tilespmem:$0x1EC00] =	vst v63  }
0x12f: {  	_ =	swait.ge [sflag:s12], $0x2000  }
0x130: {  	[sflag:s12] =	ssyncset.done $0x0  }
0x131: {  	[sflag:s12] =	ssyncadd.s32 $0xFFFFE000  }
0x132: {  	_ =	swait.ge [sflag:s29], $0x2000  }
0x133: {  	[sflag:s29] =	ssyncset.done $0x0  }
0x134: {  	[sflag:s29] =	ssyncadd.s32 $0xFFFFE000  }
0x135: {  	[spmem:s3] =	stream.indirect.scatter.add.f32 [tilespmem:s22], [sflag:$0x5], $0x80, s30, s13, $0xb8;
	[tilespmem:$0x1EC00] =	vst v63  }
0x136: {  	_ =	swait.ge [sflag:s12], $0x2000  }
0x137: {  	[sflag:s12] =	ssyncset.done $0x0  }
0x138: {  	s0 =	simm.s32 $0x0;
	[sflag:s12] =	ssyncadd.s32 $0xFFFFE000  }
0x139: {  	[tilespmem:s0], [sflag:$0x5] =	stream.linear.gather [hbm4b:s8+s0], $0x2800, $0x38;
	[tilespmem:$0x1EC00] =	vst v63  }
0x13a: {  	_ =	swait.ge [sflag:s12], $0x2800  }
0x13b: {  	[sflag:s12] =	ssyncset.done $0x0  }
0x13c: {  	[sflag:s12] =	ssyncadd.s32 $0xFFFFD800  }
0x13d: {  	v0 =	vld [tilespmem:$0x0];
	_ =	sdelay $0x1  }
0x13e: {  	v1 =	vld [tilespmem:$0x10];
	_ =	sdelay $0x1  }
0x13f: {  	v2 =	vld [tilespmem:$0x20]  }
0x140: {  	v3 =	vshra.s32 v0, $0x10  }
0x141: {  	v0 =	vand.u32 $0xFFFF, v0;
	[tilespmem:$0x2800] =	vst v3;
	v3 =	vld [tilespmem:$0x30]  }
0x142: {  	[tilespmem:$0x2A00] =	vst v0;
	v0 =	vshra.s32 v1, $0x10  }
0x143: {  	[tilespmem:$0x2810] =	vst v0;
	v0 =	vand.u32 $0xFFFF, v1  }
0x144: {  	[tilespmem:$0x2A10] =	vst v0;
	v0 =	vshra.s32 v2, $0x10  }
0x145: {  	[tilespmem:$0x2820] =	vst v0;
	v0 =	vand.u32 $0xFFFF, v2  }
0x146: {  	[tilespmem:$0x2A20] =	vst v0;
	v0 =	vshra.s32 v3, $0x10  }
0x147: {  	[tilespmem:$0x2830] =	vst v0;
	v0 =	vand.u32 $0xFFFF, v3  }
0x148: {  	[tilespmem:$0x2A30] =	vst v0  }
0x149: {  	[tilespmem:s15], [sflag:$0x1] =	stream.indirect.gather [hbm4b:s2+s13], $0x80, s14, s13, $0xb8;
	[tilespmem:$0x1EC00] =	vst v63  }
0x14a: {  	v0 =	vld [tilespmem:$0x80];
	_ =	sdelay $0x1  }
0x14b: {  	v1 =	vld [tilespmem:$0x90];
	_ =	sdelay $0x1  }
0x14c: {  	v2 =	vld [tilespmem:$0xA0]  }
0x14d: {  	v3 =	vshra.s32 v0, $0x10  }
0x14e: {  	v0 =	vand.u32 $0xFFFF, v0;
	[tilespmem:$0x2880] =	vst v3;
	v3 =	vld [tilespmem:$0xB0]  }
0x14f: {  	[tilespmem:$0x2A80] =	vst v0;
	v0 =	vshra.s32 v1, $0x10  }
0x150: {  	[tilespmem:$0x2890] =	vst v0;
	v0 =	vand.u32 $0xFFFF, v1  }
0x151: {  	[tilespmem:$0x2A90] =	vst v0;
	v0 =	vshra.s32 v2, $0x10  }
0x152: {  	[tilespmem:$0x28A0] =	vst v0;
	v0 =	vand.u32 $0xFFFF, v2  }
0x153: {  	[tilespmem:$0x2AA0] =	vst v0;
	v0 =	vshra.s32 v3, $0x10  }
0x154: {  	[tilespmem:$0x28B0] =	vst v0;
	v0 =	vand.u32 $0xFFFF, v3  }
0x155: {  	[tilespmem:$0x2AB0] =	vst v0  }
0x156: {  	[tilespmem:s17], [sflag:$0x2] =	stream.indirect.gather [hbm4b:s2+s13], $0x80, s16, s13, $0xb8;
	[tilespmem:$0x1EC00] =	vst v63  }
0x157: {  	v0 =	vld [tilespmem:$0x100];
	_ =	sdelay $0x1  }
0x158: {  	v1 =	vld [tilespmem:$0x110];
	_ =	sdelay $0x1  }
0x159: {  	v2 =	vld [tilespmem:$0x120]  }
0x15a: {  	v3 =	vshra.s32 v0, $0x10  }
0x15b: {  	v0 =	vand.u32 $0xFFFF, v0;
	[tilespmem:$0x2900] =	vst v3;
	v3 =	vld [tilespmem:$0x130]  }
0x15c: {  	[tilespmem:$0x2B00] =	vst v0;
	v0 =	vshra.s32 v1, $0x10  }
0x15d: {  	[tilespmem:$0x2910] =	vst v0;
	v0 =	vand.u32 $0xFFFF, v1  }
0x15e: {  	[tilespmem:$0x2B10] =	vst v0;
	v0 =	vshra.s32 v2, $0x10  }
0x15f: {  	[tilespmem:$0x2920] =	vst v0;
	v0 =	vand.u32 $0xFFFF, v2  }
0x160: {  	[tilespmem:$0x2B20] =	vst v0;
	v0 =	vshra.s32 v3, $0x10  }
0x161: {  	[tilespmem:$0x2930] =	vst v0;
	v0 =	vand.u32 $0xFFFF, v3  }
0x162: {  	[tilespmem:$0x2B30] =	vst v0  }
0x163: {  	[tilespmem:s19], [sflag:$0x3] =	stream.indirect.gather [hbm4b:s2+s13], $0x80, s18, s13, $0xb8;
	[tilespmem:$0x1EC00] =	vst v63  }
0x164: {  	_ =	swait.ge [sflag:s20], $0x2000  }
0x165: {  	[sflag:s20] =	ssyncset.done $0x0  }
0x166: {  	s1 =	simm.s32 $0x0;
	[sflag:s20] =	ssyncadd.s32 $0xFFFFE000  }
0x167: {  	v0 =	vld [tilespmem:s1+$0x180];
	_ =	sdelay $0x4  }
0x168: {  	v1 =	vshra.s32 v0, $0x10  }
0x169: {  	v0 =	vand.u32 $0xFFFF, v0;
	[tilespmem:$0x2980] =	vst v1  }
0x16a: {  	[tilespmem:$0x2B80] =	vst v0  }
0x16b: {  	v0 =	vld [tilespmem:s1+$0x190];
	_ =	sdelay $0x4  }
0x16c: {  	v1 =	vshra.s32 v0, $0x10  }
0x16d: {  	v0 =	vand.u32 $0xFFFF, v0;
	[tilespmem:$0x2990] =	vst v1  }
0x16e: {  	[tilespmem:$0x2B90] =	vst v0  }
0x16f: {  	v0 =	vld [tilespmem:s1+$0x1A0];
	_ =	sdelay $0x4  }
0x170: {  	v1 =	vshra.s32 v0, $0x10  }
0x171: {  	v0 =	vand.u32 $0xFFFF, v0;
	[tilespmem:$0x29A0] =	vst v1  }
0x172: {  	[tilespmem:$0x2BA0] =	vst v0  }
0x173: {  	v0 =	vld [tilespmem:s1+$0x1B0];
	_ =	sdelay $0x4  }
0x174: {  	v1 =	vshra.s32 v0, $0x10  }
0x175: {  	v0 =	vand.u32 $0xFFFF, v0;
	[tilespmem:$0x29B0] =	vst v1  }
0x176: {  	[tilespmem:$0x2BB0] =	vst v0  }
0x177: {  	[tilespmem:s22], [sflag:$0x4] =	stream.indirect.gather [hbm4b:s2+s13], $0x80, s21, s13, $0xb8;
	[tilespmem:$0x1EC00] =	vst v63  }
0x178: {  	_ = 	snop  }
0x179: {  	[spmem:s3] =	stream.indirect.scatter.add.f32 [tilespmem:s15], [sflag:$0x5], $0x80, s23, s13, $0xb8;
	[tilespmem:$0x1EC00] =	vst v63  }
0x17a: {  	_ =	swait.ge [sflag:s12], $0x2000  }
0x17b: {  	[sflag:s12] =	ssyncset.done $0x0  }
0x17c: {  	[sflag:s12] =	ssyncadd.s32 $0xFFFFE000  }
0x17d: {  	_ =	swait.ge [sflag:s24], $0x2000  }
0x17e: {  	[sflag:s24] =	ssyncset.done $0x0  }
0x17f: {  	[sflag:s24] =	ssyncadd.s32 $0xFFFFE000  }
0x180: {  	v0 =	vld [tilespmem:s1+$0x200];
	_ =	sdelay $0x4  }
0x181: {  	v1 =	vshra.s32 v0, $0x10  }
0x182: {  	v0 =	vand.u32 $0xFFFF, v0;
	[tilespmem:$0x2800] =	vst v1  }
0x183: {  	[tilespmem:$0x2A00] =	vst v0  }
0x184: {  	v0 =	vld [tilespmem:s1+$0x210];
	_ =	sdelay $0x4  }
0x185: {  	v1 =	vshra.s32 v0, $0x10  }
0x186: {  	v0 =	vand.u32 $0xFFFF, v0;
	[tilespmem:$0x2810] =	vst v1  }
0x187: {  	[tilespmem:$0x2A10] =	vst v0  }
0x188: {  	v0 =	vld [tilespmem:s1+$0x220];
	_ =	sdelay $0x4  }
0x189: {  	v1 =	vshra.s32 v0, $0x10  }
0x18a: {  	v0 =	vand.u32 $0xFFFF, v0;
	[tilespmem:$0x2820] =	vst v1  }
0x18b: {  	[tilespmem:$0x2A20] =	vst v0  }
0x18c: {  	v0 =	vld [tilespmem:s1+$0x230];
	_ =	sdelay $0x4  }
0x18d: {  	v1 =	vshra.s32 v0, $0x10  }
0x18e: {  	v0 =	vand.u32 $0xFFFF, v0;
	[tilespmem:$0x2830] =	vst v1  }
0x18f: {  	[tilespmem:$0x2A30] =	vst v0  }
0x190: {  	[tilespmem:s15], [sflag:$0x1] =	stream.indirect.gather [hbm4b:s2+s13], $0x80, s14, s13, $0xb8;
	[tilespmem:$0x1EC00] =	vst v63  }
0x191: {  	_ = 	snop  }
0x192: {  	[spmem:s3] =	stream.indirect.scatter.add.f32 [tilespmem:s17], [sflag:$0x5], $0x80, s25, s13, $0xb8;
	[tilespmem:$0x1EC00] =	vst v63  }
0x193: {  	_ =	swait.ge [sflag:s12], $0x2000  }
0x194: {  	[sflag:s12] =	ssyncset.done $0x0  }
0x195: {  	[sflag:s12] =	ssyncadd.s32 $0xFFFFE000  }
0x196: {  	_ =	swait.ge [sflag:s26], $0x2000  }
0x197: {  	[sflag:s26] =	ssyncset.done $0x0  }
0x198: {  	[sflag:s26] =	ssyncadd.s32 $0xFFFFE000  }
0x199: {  	v0 =	vld [tilespmem:s1+$0x280];
	_ =	sdelay $0x4  }
0x19a: {  	v1 =	vshra.s32 v0, $0x10  }
0x19b: {  	v0 =	vand.u32 $0xFFFF, v0;
	[tilespmem:$0x2880] =	vst v1  }
0x19c: {  	[tilespmem:$0x2A80] =	vst v0  }
0x19d: {  	v0 =	vld [tilespmem:s1+$0x290];
	_ =	sdelay $0x4  }
0x19e: {  	v1 =	vshra.s32 v0, $0x10  }
0x19f: {  	v0 =	vand.u32 $0xFFFF, v0;
	[tilespmem:$0x2890] =	vst v1  }
0x1a0: {  	[tilespmem:$0x2A90] =	vst v0  }
0x1a1: {  	v0 =	vld [tilespmem:s1+$0x2A0];
	_ =	sdelay $0x4  }
0x1a2: {  	v1 =	vshra.s32 v0, $0x10  }
0x1a3: {  	v0 =	vand.u32 $0xFFFF, v0;
	[tilespmem:$0x28A0] =	vst v1  }
0x1a4: {  	[tilespmem:$0x2AA0] =	vst v0  }
0x1a5: {  	v0 =	vld [tilespmem:s1+$0x2B0];
	_ =	sdelay $0x4  }
0x1a6: {  	v1 =	vshra.s32 v0, $0x10  }
0x1a7: {  	v0 =	vand.u32 $0xFFFF, v0;
	[tilespmem:$0x28B0] =	vst v1  }
0x1a8: {  	[tilespmem:$0x2AB0] =	vst v0  }
0x1a9: {  	[tilespmem:s17], [sflag:$0x2] =	stream.indirect.gather [hbm4b:s2+s13], $0x80, s16, s13, $0xb8;
	[tilespmem:$0x1EC00] =	vst v63  }
0x1aa: {  	_ = 	snop  }
0x1ab: {  	[spmem:s3] =	stream.indirect.scatter.add.f32 [tilespmem:s19], [sflag:$0x5], $0x80, s28, s13, $0xb8;
	[tilespmem:$0x1EC00] =	vst v63  }
0x1ac: {  	_ =	swait.ge [sflag:s12], $0x2000  }
0x1ad: {  	[sflag:s12] =	ssyncset.done $0x0  }
0x1ae: {  	[sflag:s12] =	ssyncadd.s32 $0xFFFFE000  }
0x1af: {  	_ =	swait.ge [sflag:s29], $0x2000  }
0x1b0: {  	[sflag:s29] =	ssyncset.done $0x0  }
0x1b1: {  	[sflag:s29] =	ssyncadd.s32 $0xFFFFE000  }
0x1b2: {  	v0 =	vld [tilespmem:s1+$0x300];
	_ =	sdelay $0x4  }
0x1b3: {  	v1 =	vshra.s32 v0, $0x10  }
0x1b4: {  	v0 =	vand.u32 $0xFFFF, v0;
	[tilespmem:$0x2900] =	vst v1  }
0x1b5: {  	[tilespmem:$0x2B00] =	vst v0  }
0x1b6: {  	v0 =	vld [tilespmem:s1+$0x310];
	_ =	sdelay $0x4  }
0x1b7: {  	v1 =	vshra.s32 v0, $0x10  }
0x1b8: {  	v0 =	vand.u32 $0xFFFF, v0;
	[tilespmem:$0x2910] =	vst v1  }
0x1b9: {  	[tilespmem:$0x2B10] =	vst v0  }
0x1ba: {  	s0 =	simm.s32 $0x800;
	v0 =	vld [tilespmem:s1+$0x320]  }
.LBB2_4:
0x1bb: {  	_ =	sdelay $0x3  }
0x1bc: {  	p0 =	sne.s32 s0, $0x9000;
	s4 =	smov.u32 s0;
	s0 =	sadd.s32 $0x800, s0;
	v1 =	vshra.s32 v0, $0x10;
	v0 =	vand.u32 $0xFFFF, v0  }
0x1bd: {  	[tilespmem:$0x2920] =	vst v1  }
0x1be: {  	[tilespmem:$0x2B20] =	vst v0  }
0x1bf: {  	v0 =	vld [tilespmem:s1+$0x330];
	_ =	sdelay $0x4  }
0x1c0: {  	v1 =	vshra.s32 v0, $0x10;
	v0 =	vand.u32 $0xFFFF, v0  }
0x1c1: {  	[tilespmem:$0x2930] =	vst v1  }
0x1c2: {  	[tilespmem:$0x2B30] =	vst v0  }
0x1c3: {  	[tilespmem:s19], [sflag:$0x3] =	stream.indirect.gather [hbm4b:s2+s13], $0x80, s18, s13, $0xb8;
	[tilespmem:$0x1EC00] =	vst v63  }
0x1c4: {  	_ = 	snop  }
0x1c5: {  	[spmem:s3] =	stream.indirect.scatter.add.f32 [tilespmem:s22], [sflag:$0x5], $0x80, s30, s13, $0xb8;
	[tilespmem:$0x1EC00] =	vst v63  }
0x1c6: {  	_ =	swait.ge [sflag:s12], $0x2000  }
0x1c7: {  	[sflag:s12] =	ssyncset.done $0x0  }
0x1c8: {  	[sflag:s12] =	ssyncadd.s32 $0xFFFFE000  }
0x1c9: {  	_ =	swait.ge [sflag:s20], $0x2000  }
0x1ca: {  	[sflag:s20] =	ssyncset.done $0x0  }
0x1cb: {  	s1 =	sshra.s32 s4, $0x2;
	[sflag:s20] =	ssyncadd.s32 $0xFFFFE000  }
0x1cc: {  	v0 =	vld [tilespmem:s1+$0x180];
	_ =	sdelay $0x4  }
0x1cd: {  	v1 =	vshra.s32 v0, $0x10;
	v0 =	vand.u32 $0xFFFF, v0  }
0x1ce: {  	[tilespmem:$0x2980] =	vst v1  }
0x1cf: {  	[tilespmem:$0x2B80] =	vst v0  }
0x1d0: {  	v0 =	vld [tilespmem:s1+$0x190];
	_ =	sdelay $0x4  }
0x1d1: {  	v1 =	vshra.s32 v0, $0x10;
	v0 =	vand.u32 $0xFFFF, v0  }
0x1d2: {  	[tilespmem:$0x2990] =	vst v1  }
0x1d3: {  	[tilespmem:$0x2B90] =	vst v0  }
0x1d4: {  	v0 =	vld [tilespmem:s1+$0x1A0];
	_ =	sdelay $0x4  }
0x1d5: {  	v1 =	vshra.s32 v0, $0x10;
	v0 =	vand.u32 $0xFFFF, v0  }
0x1d6: {  	[tilespmem:$0x29A0] =	vst v1  }
0x1d7: {  	[tilespmem:$0x2BA0] =	vst v0  }
0x1d8: {  	v0 =	vld [tilespmem:s1+$0x1B0];
	_ =	sdelay $0x4  }
0x1d9: {  	v1 =	vshra.s32 v0, $0x10;
	v0 =	vand.u32 $0xFFFF, v0  }
0x1da: {  	[tilespmem:$0x29B0] =	vst v1  }
0x1db: {  	[tilespmem:$0x2BB0] =	vst v0  }
0x1dc: {  	[tilespmem:s22], [sflag:$0x4] =	stream.indirect.gather [hbm4b:s2+s13], $0x80, s21, s13, $0xb8;
	[tilespmem:$0x1EC00] =	vst v63  }
0x1dd: {  	_ = 	snop  }
0x1de: {  	[spmem:s3] =	stream.indirect.scatter.add.f32 [tilespmem:s15], [sflag:$0x5], $0x80, s23, s13, $0xb8;
	[tilespmem:$0x1EC00] =	vst v63  }
0x1df: {  	_ =	swait.ge [sflag:s12], $0x2000  }
0x1e0: {  	[sflag:s12] =	ssyncset.done $0x0  }
0x1e1: {  	[sflag:s12] =	ssyncadd.s32 $0xFFFFE000  }
0x1e2: {  	_ =	swait.ge [sflag:s24], $0x2000  }
0x1e3: {  	[sflag:s24] =	ssyncset.done $0x0  }
0x1e4: {  	[sflag:s24] =	ssyncadd.s32 $0xFFFFE000  }
0x1e5: {  	v0 =	vld [tilespmem:s1+$0x200];
	_ =	sdelay $0x4  }
0x1e6: {  	v1 =	vshra.s32 v0, $0x10;
	v0 =	vand.u32 $0xFFFF, v0  }
0x1e7: {  	[tilespmem:$0x2800] =	vst v1  }
0x1e8: {  	[tilespmem:$0x2A00] =	vst v0  }
0x1e9: {  	v0 =	vld [tilespmem:s1+$0x210];
	_ =	sdelay $0x4  }
0x1ea: {  	v1 =	vshra.s32 v0, $0x10;
	v0 =	vand.u32 $0xFFFF, v0  }
0x1eb: {  	[tilespmem:$0x2810] =	vst v1  }
0x1ec: {  	[tilespmem:$0x2A10] =	vst v0  }
0x1ed: {  	v0 =	vld [tilespmem:s1+$0x220];
	_ =	sdelay $0x4  }
0x1ee: {  	v1 =	vshra.s32 v0, $0x10;
	v0 =	vand.u32 $0xFFFF, v0  }
0x1ef: {  	[tilespmem:$0x2820] =	vst v1  }
0x1f0: {  	[tilespmem:$0x2A20] =	vst v0  }
0x1f1: {  	v0 =	vld [tilespmem:s1+$0x230];
	_ =	sdelay $0x4  }
0x1f2: {  	v1 =	vshra.s32 v0, $0x10;
	v0 =	vand.u32 $0xFFFF, v0  }
0x1f3: {  	[tilespmem:$0x2830] =	vst v1  }
0x1f4: {  	[tilespmem:$0x2A30] =	vst v0  }
0x1f5: {  	[tilespmem:s15], [sflag:$0x1] =	stream.indirect.gather [hbm4b:s2+s13], $0x80, s14, s13, $0xb8;
	[tilespmem:$0x1EC00] =	vst v63  }
0x1f6: {  	_ = 	snop  }
0x1f7: {  	[spmem:s3] =	stream.indirect.scatter.add.f32 [tilespmem:s17], [sflag:$0x5], $0x80, s25, s13, $0xb8;
	[tilespmem:$0x1EC00] =	vst v63  }
0x1f8: {  	_ =	swait.ge [sflag:s12], $0x2000  }
0x1f9: {  	[sflag:s12] =	ssyncset.done $0x0  }
0x1fa: {  	[sflag:s12] =	ssyncadd.s32 $0xFFFFE000  }
0x1fb: {  	_ =	swait.ge [sflag:s26], $0x2000  }
0x1fc: {  	[sflag:s26] =	ssyncset.done $0x0  }
0x1fd: {  	[sflag:s26] =	ssyncadd.s32 $0xFFFFE000  }
0x1fe: {  	v0 =	vld [tilespmem:s1+$0x280];
	_ =	sdelay $0x4  }
0x1ff: {  	v1 =	vshra.s32 v0, $0x10;
	v0 =	vand.u32 $0xFFFF, v0  }
0x200: {  	[tilespmem:$0x2880] =	vst v1  }
0x201: {  	[tilespmem:$0x2A80] =	vst v0  }
0x202: {  	v0 =	vld [tilespmem:s1+$0x290];
	_ =	sdelay $0x4  }
0x203: {  	v1 =	vshra.s32 v0, $0x10;
	v0 =	vand.u32 $0xFFFF, v0  }
0x204: {  	[tilespmem:$0x2890] =	vst v1  }
0x205: {  	[tilespmem:$0x2A90] =	vst v0  }
0x206: {  	v0 =	vld [tilespmem:s1+$0x2A0];
	_ =	sdelay $0x4  }
0x207: {  	v1 =	vshra.s32 v0, $0x10;
	v0 =	vand.u32 $0xFFFF, v0  }
0x208: {  	[tilespmem:$0x28A0] =	vst v1  }
0x209: {  	[tilespmem:$0x2AA0] =	vst v0  }
0x20a: {  	v0 =	vld [tilespmem:s1+$0x2B0];
	_ =	sdelay $0x4  }
0x20b: {  	v1 =	vshra.s32 v0, $0x10;
	v0 =	vand.u32 $0xFFFF, v0  }
0x20c: {  	[tilespmem:$0x28B0] =	vst v1  }
0x20d: {  	[tilespmem:$0x2AB0] =	vst v0  }
0x20e: {  	[tilespmem:s17], [sflag:$0x2] =	stream.indirect.gather [hbm4b:s2+s13], $0x80, s16, s13, $0xb8;
	[tilespmem:$0x1EC00] =	vst v63  }
0x20f: {  	_ = 	snop  }
0x210: {  	[spmem:s3] =	stream.indirect.scatter.add.f32 [tilespmem:s19], [sflag:$0x5], $0x80, s28, s13, $0xb8;
	[tilespmem:$0x1EC00] =	vst v63  }
0x211: {  	_ =	swait.ge [sflag:s12], $0x2000  }
0x212: {  	[sflag:s12] =	ssyncset.done $0x0  }
0x213: {  	[sflag:s12] =	ssyncadd.s32 $0xFFFFE000  }
0x214: {  	_ =	swait.ge [sflag:s29], $0x2000  }
0x215: {  	[sflag:s29] =	ssyncset.done $0x0  }
0x216: {  	[sflag:s29] =	ssyncadd.s32 $0xFFFFE000  }
0x217: {  	v0 =	vld [tilespmem:s1+$0x300];
	_ =	sdelay $0x4  }
0x218: {  	v1 =	vshra.s32 v0, $0x10;
	v0 =	vand.u32 $0xFFFF, v0  }
0x219: {  	[tilespmem:$0x2900] =	vst v1  }
0x21a: {  	[tilespmem:$0x2B00] =	vst v0  }
0x21b: {  	v0 =	vld [tilespmem:s1+$0x310];
	_ =	sdelay $0x3  }
.Ltmp1:
0x21c: {  	(pc) =	sbr.rel @p0 .LBB2_4-.Ltmp1, $4  }
0x21d: {  	v1 =	vshra.s32 v0, $0x10;
	v0 =	vand.u32 $0xFFFF, v0  }
0x21e: {  	[tilespmem:$0x2910] =	vst v1  }
0x21f: {  	[tilespmem:$0x2B10] =	vst v0  }
0x220: {  	v0 =	vld [tilespmem:s1+$0x320]  }
0x221: {  	_ =	sdelay $0x3  }
0x222: {  	v1 =	vshra.s32 v0, $0x10  }
0x223: {  	v53 =	vand.u32 $0xFFFF, v0;
	[tilespmem:$0x2920] =	vst v1  }
0x224: {  	[tilespmem:$0x2B20] =	vst v53  }
0x225: {  	v0 =	vld [tilespmem:s1+$0x330];
	_ =	sdelay $0x4  }
0x226: {  	v54 =	vshra.s32 v0, $0x10  }
0x227: {  	v0 =	vand.u32 $0xFFFF, v0;
	[tilespmem:$0x2930] =	vst v54  }
0x228: {  	[tilespmem:$0x2B30] =	vst v0  }
0x229: {  	[tilespmem:s19], [sflag:$0x3] =	stream.indirect.gather [hbm4b:s2+s13], $0x80, s18, s13, $0xb8;
	[tilespmem:$0x1EC00] =	vst v63  }
0x22a: {  	_ = 	snop  }
0x22b: {  	[spmem:s3] =	stream.indirect.scatter.add.f32 [tilespmem:s22], [sflag:$0x5], $0x80, s30, s13, $0xb8;
	[tilespmem:$0x1EC00] =	vst v63  }
0x22c: {  	_ =	swait.ge [sflag:s12], $0x2000  }
0x22d: {  	[sflag:s12] =	ssyncset.done $0x0  }
0x22e: {  	[sflag:s12] =	ssyncadd.s32 $0xFFFFE000  }
0x22f: {  	_ =	swait.ge [sflag:s20], $0x2000  }
0x230: {  	[sflag:s20] =	ssyncset.done $0x0  }
0x231: {  	[sflag:s20] =	ssyncadd.s32 $0xFFFFE000  }
0x232: {  	v55 =	vld [tilespmem:$0x2780];
	_ =	sdelay $0x1  }
0x233: {  	v56 =	vld [tilespmem:$0x2790];
	_ =	sdelay $0x1  }
0x234: {  	v2 =	vld [tilespmem:$0x27A0]  }
0x235: {  	v3 =	vshra.s32 v55, $0x10  }
0x236: {  	v57 =	vld [tilespmem:$0x27B0];
	v0 =	vand.u32 $0xFFFF, v55;
	[tilespmem:$0x2980] =	vst v3  }
0x237: {  	v58 =	vshra.s32 v56, $0x10;
	[tilespmem:$0x2B80] =	vst v0  }
0x238: {  	v59 =	vand.u32 $0xFFFF, v56;
	[tilespmem:$0x2990] =	vst v58  }
0x239: {  	v60 =	vshra.s32 v2, $0x10;
	[tilespmem:$0x2B90] =	vst v59  }
0x23a: {  	v61 =	vand.u32 $0xFFFF, v2;
	[tilespmem:$0x29A0] =	vst v60  }
0x23b: {  	v62 =	vshra.s32 v57, $0x10;
	[tilespmem:$0x2BA0] =	vst v61  }
0x23c: {  	v63 =	vand.u32 $0xFFFF, v57;
	[tilespmem:$0x29B0] =	vst v62  }
0x23d: {  	[tilespmem:$0x2BB0] =	vst v63  }
0x23e: {  	[tilespmem:s22], [sflag:$0x4] =	stream.indirect.gather [hbm4b:s2+s13], $0x80, s21, s13, $0xb8;
	[tilespmem:$0x1EC00] =	vst v63  }
0x23f: {  	_ = 	snop  }
0x240: {  	[spmem:s3] =	stream.indirect.scatter.add.f32 [tilespmem:s15], [sflag:$0x5], $0x80, s23, s13, $0xb8;
	[tilespmem:$0x1EC00] =	vst v63  }
0x241: {  	_ =	swait.ge [sflag:s12], $0x2000  }
0x242: {  	[sflag:s12] =	ssyncset.done $0x0  }
0x243: {  	[sflag:s12] =	ssyncadd.s32 $0xFFFFE000  }
0x244: {  	_ =	swait.ge [sflag:s24], $0x2000  }
0x245: {  	[sflag:s24] =	ssyncset.done $0x0  }
0x246: {  	[sflag:s24] =	ssyncadd.s32 $0xFFFFE000  }
0x247: {  	[spmem:s3] =	stream.indirect.scatter.add.f32 [tilespmem:s17], [sflag:$0x5], $0x80, s25, s13, $0xb8;
	[tilespmem:$0x1EC00] =	vst v63  }
0x248: {  	_ =	swait.ge [sflag:s12], $0x2000  }
0x249: {  	[sflag:s12] =	ssyncset.done $0x0  }
0x24a: {  	[sflag:s12] =	ssyncadd.s32 $0xFFFFE000  }
0x24b: {  	_ =	swait.ge [sflag:s26], $0x2000  }
0x24c: {  	[sflag:s26] =	ssyncset.done $0x0  }
0x24d: {  	[sflag:s26] =	ssyncadd.s32 $0xFFFFE000  }
0x24e: {  	[spmem:s3] =	stream.indirect.scatter.add.f32 [tilespmem:s19], [sflag:$0x5], $0x80, s28, s13, $0xb8;
	[tilespmem:$0x1EC00] =	vst v63  }
0x24f: {  	_ =	swait.ge [sflag:s12], $0x2000  }
0x250: {  	[sflag:s12] =	ssyncset.done $0x0  }
0x251: {  	[sflag:s12] =	ssyncadd.s32 $0xFFFFE000  }
0x252: {  	_ =	swait.ge [sflag:s29], $0x2000  }
0x253: {  	[sflag:s29] =	ssyncset.done $0x0  }
0x254: {  	[sflag:s29] =	ssyncadd.s32 $0xFFFFE000  }
0x255: {  	[spmem:s3] =	stream.indirect.scatter.add.f32 [tilespmem:s22], [sflag:$0x5], $0x80, s30, s13, $0xb8;
	[tilespmem:$0x1EC00] =	vst v63  }
0x256: {  	_ =	swait.ge [sflag:s12], $0x2000  }
0x257: {  	s31 =	sadd.s32 $0x1, s31;
	[sflag:s12] =	ssyncset.done $0x0  }
0x258: {  	p0 =	sne.s32 s31, s10;
	[sflag:s12] =	ssyncadd.s32 $0xFFFFE000  }
.Ltmp2:
0x259: {  	[bflag:$0x0] =	sbarrier.arrive $0xFFFF;
	(pc) =	sbr.rel @p0 .LBB2_1-.Ltmp2, $4  }
0x25a: {  	[hbm:s9], [sflag:s6] =	dma.local [spmem:s11], $0x2800  }
0x25b: {  	_ =	swait.ge [sflag:s12], $0x2800  }
0x25c: {  	[sflag:s12] =	ssyncset.done $0x0  }
0x25d: {  	[sflag:s12] =	ssyncadd.s32 $0xFFFFD800  }
0x25e: {  	_ =	sfence.sel $0x180000  }
0x25f: {  	[bflag:$0x0] =	sbarrier.arrive $0xFFFF  }
0x260: {  	_ =	strace $0x9000004A  }
0x261: {  	s0 =	stileid.u32;
	[bflag:$0x2] =	sbarrier.arrive $0xFFFF  }
0x262: {  	p0 =	sne.s32 s0, $0x0;
	s0 =	rddreg [dreg:$0x3]  }
0x263: {  	s0 =	sadd.s32 @!p0 $0x100000, s0  }
0x264: {  	[sflag:s0] =	ssyncadd.tile.s32 @!p0 $0x1;
	_ =	shalt  }
.Lfunc_end2:
_tile_overlayer_lowered:
.L_overlay_start_2:
0x265: {  	(tag) =	ssettag $0x2  }
0x266: {  	s0 =	rddreg [dreg:$0x0];
	s2 =	stileid.u32  }
0x267: {  	s1 =	rddreg [dreg:$0x1];
	p0 =	sne.s32 s2, $0x0  }
0x268: {  	s3 =	rddreg [dreg:$0x2];
	[bflag:$0x3] =	sbarrier.arrive $0xFFFF;
	s2 =	simm.s32 @!p0 $0x1C05  }
0x269: {  	[timem:s3], [sflag:s2] =	dma.local @!p0 [hbm:s0], s1  }
0x26a: {  	s0 =	simm.s32 @!p0 $0x5  }
0x26b: {  	_ =	swait.ge @!p0 [sflag:s0], s1  }
0x26c: {  	s1 =	ssub.s32 @!p0 $0x0, s1;
	[sflag:s0] =	ssyncset.done @!p0 $0x0  }
0x26d: {  	[sflag:s0] =	ssyncadd.s32 @!p0 s1  }
0x26e: {  	[bflag:$0x3] =	sbarrier.arrive $0xFFFF  }
0x26f: {  	_ =	shalt  }

</sc_bundles>
